<compile_context>
chip_gen: v7x
topology: tpu7x:2x2x1
jax: 0.10.2.dev20260603
libtpu: 0.0.44.dev20260713+nightly
codegen_flags: <defaults>
</compile_context>

<pallas_src>
import functools

import jax
import jax.numpy as jnp
from jax import lax
from jax.experimental import pallas as pl
from jax.experimental.pallas import tpu as pltpu
from jax.experimental.pallas import tpu_sc as plsc


def kernel(head_idx, rel_idx, tail_idx, entity_w, rel_w):
    B = head_idx.shape[0]
    D = entity_w.shape[1]
    NR = rel_w.shape[0]
    PW = 128

    info = plsc.get_sparse_core_info()
    NC, NS, L = info.num_cores, info.num_subcores, info.num_lanes
    NW = NC * NS

    bpw = B // NW
    CH = 128
    nch = bpw // CH
    gpc = CH // L
    assert bpw * NW == B and nch * CH == bpw and gpc * L == CH

    h_i = head_idx.astype(jnp.int32).reshape(NW * nch, CH)
    r_i = rel_idx.astype(jnp.int32).reshape(NW * nch, CH)
    t_i = tail_idx.astype(jnp.int32).reshape(NW * nch, CH)

    ent_p = jnp.pad(entity_w, ((0, 0), (0, PW - D)))

    mesh = plsc.VectorSubcoreMesh(core_axis_name="c", subcore_axis_name="s")

    @functools.partial(
        pl.kernel,
        out_type=jax.ShapeDtypeStruct((B,), jnp.float32),
        mesh=mesh,
        compiler_params=pltpu.CompilerParams(
            needs_layout_passes=False, use_tc_tiling_on_sc=False
        ),
        scratch_types=[
            pltpu.VMEM((nch, CH), jnp.int32),
            pltpu.VMEM((nch, CH), jnp.int32),
            pltpu.VMEM((nch, CH), jnp.int32),
            pltpu.VMEM((2, CH, PW), jnp.float32),
            pltpu.VMEM((2, CH, PW), jnp.float32),
            pltpu.VMEM((NR, D), jnp.float32),
            pltpu.VMEM((bpw,), jnp.float32),
            pltpu.SemaphoreType.DMA,
        ],
    )
    def distmult(ent_hbm, relw_hbm, hih, rih, tih, out_hbm,
                 hiv, riv, tiv, hv, tv, rv, ov, sem):
        wid = lax.axis_index("s") * NC + lax.axis_index("c")
        cb = wid * nch
        pltpu.sync_copy(hih.at[pl.ds(cb, nch)], hiv)
        pltpu.sync_copy(rih.at[pl.ds(cb, nch)], riv)
        pltpu.sync_copy(tih.at[pl.ds(cb, nch)], tiv)
        pltpu.sync_copy(relw_hbm, rv)

        def fire(j, buf):
            return (
                pltpu.async_copy(ent_hbm.at[hiv.at[j]], hv.at[buf], sem),
                pltpu.async_copy(ent_hbm.at[tiv.at[j]], tv.at[buf], sem),
            )

        inflight = fire(0, 0)
        for j in range(nch):
            buf = j % 2
            for c in inflight:
                c.wait()
            if j + 1 < nch:
                inflight = fire(j + 1, 1 - buf)

            ridx_chunk = riv.at[j]

            def group(g, carry):
                rowv = g * L + lax.iota(jnp.int32, L)
                ridx = ridx_chunk[pl.ds(g * L, L)]
                acc = jnp.zeros((L,), jnp.float32)
                for d in range(D):
                    col = jnp.full((L,), d, jnp.int32)
                    a = plsc.load_gather(hv.at[buf], [rowv, col])
                    b = plsc.load_gather(rv, [ridx, col])
                    c = plsc.load_gather(tv.at[buf], [rowv, col])
                    acc = acc + a * b * c
                ov[pl.ds(j * CH + g * L, L)] = 1.0 / (1.0 + jnp.exp(-acc))
                return carry

            lax.fori_loop(0, gpc, group, 0)

        pltpu.sync_copy(ov, out_hbm.at[pl.ds(wid * bpw, bpw)])

    return distmult(ent_p, rel_w, h_i, r_i, t_i)

# --- scband reference (transcript-rebuilt; emitter-appended) ---
"""Pipeline reference for scband-dist-mult-47150150975791 (READ-ONLY COPY).

The authoritative reference and input builder live on the scoring server;
editing this copy changes nothing except your own understanding.
"""

import jax, jax.numpy as jnp
import numpy as np

NUM_ENTITIES = 1000000
NUM_RELATIONS = 1000
EMBED_DIM = 32
BATCH = 16384


def setup_inputs(seed: int = 0) -> dict:
    key = jax.random.key(seed)
    k1, k2, k3, k4, k5 = jax.random.split(key, 5)
    head_idx = jax.random.randint(k1, (BATCH,), 0, NUM_ENTITIES, dtype=jnp.int32).astype(jnp.int64) if False else jax.random.randint(k1, (BATCH,), 0, NUM_ENTITIES)
    rel_idx = jax.random.randint(k2, (BATCH,), 0, NUM_RELATIONS)
    tail_idx = jax.random.randint(k3, (BATCH,), 0, NUM_ENTITIES)
    # learned parameters (xavier-normal-like scaling)
    entity_w = jax.random.normal(k4, (NUM_ENTITIES, EMBED_DIM), dtype=jnp.float32) * float(np.sqrt(2.0 / (NUM_ENTITIES + EMBED_DIM)))
    rel_w = jax.random.normal(k5, (NUM_RELATIONS, EMBED_DIM), dtype=jnp.float32) * float(np.sqrt(2.0 / (NUM_RELATIONS + EMBED_DIM)))
    return {"head_idx": head_idx, "rel_idx": rel_idx, "tail_idx": tail_idx,
            "entity_w": entity_w, "rel_w": rel_w}


def reference(head_idx, rel_idx, tail_idx, entity_w, rel_w):
    # Embedding lookups (gather). Dropout=0.0 and batch_norm=False -> identity.
    h_head = jnp.take(entity_w, head_idx, axis=0)
    h_relation = jnp.take(rel_w, rel_idx, axis=0)
    h_tail = jnp.take(entity_w, tail_idx, axis=0)
    out = jax.nn.sigmoid(jnp.sum(h_head * h_relation * h_tail, axis=1))
    out = jnp.ravel(out)
    return out

if __name__ == "__main__":
    import jax
    _d = setup_inputs()
    print(jax.jit(kernel)(*tuple(_d.values())))

</pallas_src>

<mosaic_0001>
#map = affine_map<(d0, d1) -> (0, 0)>
#map1 = affine_map<(d0, d1) -> (0)>
module attributes {stable_mosaic.version = 14 : i64} {
  func.func @distmult(%arg0: i32, %arg1: i32, %arg2: memref<1000000x128xf32, #tpu.memory_space<hbm>>, %arg3: memref<1000x32xf32, #tpu.memory_space<hbm>>, %arg4: memref<128x128xi32, #tpu.memory_space<hbm>>, %arg5: memref<128x128xi32, #tpu.memory_space<hbm>>, %arg6: memref<128x128xi32, #tpu.memory_space<hbm>>, %arg7: memref<16384xf32, #tpu.memory_space<hbm>>, %arg8: memref<4x128xi32, #tpu.memory_space<vmem>>, %arg9: memref<4x128xi32, #tpu.memory_space<vmem>>, %arg10: memref<4x128xi32, #tpu.memory_space<vmem>>, %arg11: memref<2x128x128xf32, #tpu.memory_space<vmem>>, %arg12: memref<2x128x128xf32, #tpu.memory_space<vmem>>, %arg13: memref<1000x32xf32, #tpu.memory_space<vmem>>, %arg14: memref<512xf32, #tpu.memory_space<vmem>>, %arg15: memref<!tpu.dma_semaphore, #tpu.memory_space<semaphore_mem>>) attributes {dimension_semantics = [#tpu.dimension_semantics<core_parallel>, #tpu.dimension_semantics<subcore_parallel>], iteration_bounds = array<i64: 2, 16>, scalar_prefetch = 0 : i64, scratch_operands = 8 : i64, tpu.core_type = #tpu.core_type<sc_vector_subcore>, window_params = [{transform_indices = #map}, {transform_indices = #map}, {transform_indices = #map}, {transform_indices = #map}, {transform_indices = #map}, {transform_indices = #map1}]} {
    %mul3A = arith.constant 2 : i32
    %mul3A_0 = arith.muli %arg1, %mul3A : i32
    %add3A = arith.addi %mul3A_0, %arg0 : i32
    %mul3A_1 = arith.constant 4 : i32
    %mul3A_2 = arith.muli %add3A, %mul3A_1 : i32
    "tpu.region"() ({
      %run_scoped3A = tpu.sem_alloc : memref<!tpu.dma_semaphore, #tpu.memory_space<semaphore_mem>>
      %dma_start3A_222 = arith.constant 0 : i32
      %dma_start3A_223 = tpu.memref_slice %arg4[%mul3A_2, %dma_start3A_222] : memref<128x128xi32, #tpu.memory_space<hbm>> -> memref<4x128xi32, #tpu.memory_space<hbm>>
      %dma_start3A_224 = arith.constant 0 : i32
      %dma_start3A_225 = tpu.memref_slice %arg4[%mul3A_2, %dma_start3A_224] : memref<128x128xi32, #tpu.memory_space<hbm>> -> memref<4x128xi32, #tpu.memory_space<hbm>>
      tpu.enqueue_dma source(%dma_start3A_225 : memref<4x128xi32, #tpu.memory_space<hbm>>) target(%arg8 : memref<4x128xi32, #tpu.memory_space<vmem>>) target_semaphore(%run_scoped3A : memref<!tpu.dma_semaphore, #tpu.memory_space<semaphore_mem>>)
      %dma_wait3A_226 = arith.constant 0 : i32
      %dma_wait3A_227 = tpu.memref_slice %arg4[%mul3A_2, %dma_wait3A_226] : memref<128x128xi32, #tpu.memory_space<hbm>> -> memref<4x128xi32, #tpu.memory_space<hbm>>
      %dma_wait3A_228 = arith.constant 0 : i32
      %dma_wait3A_229 = tpu.memref_slice %arg4[%mul3A_2, %dma_wait3A_228] : memref<128x128xi32, #tpu.memory_space<hbm>> -> memref<4x128xi32, #tpu.memory_space<hbm>>
      tpu.wait_dma2 semaphore(%run_scoped3A : memref<!tpu.dma_semaphore, #tpu.memory_space<semaphore_mem>>) src(%dma_wait3A_229 : memref<4x128xi32, #tpu.memory_space<hbm>>) dst(%arg8 : memref<4x128xi32, #tpu.memory_space<vmem>>)
      tpu.yield
    }) : () -> ()
    "tpu.region"() ({
      %run_scoped3A = tpu.sem_alloc : memref<!tpu.dma_semaphore, #tpu.memory_space<semaphore_mem>>
      %dma_start3A_222 = arith.constant 0 : i32
      %dma_start3A_223 = tpu.memref_slice %arg5[%mul3A_2, %dma_start3A_222] : memref<128x128xi32, #tpu.memory_space<hbm>> -> memref<4x128xi32, #tpu.memory_space<hbm>>
      %dma_start3A_224 = arith.constant 0 : i32
      %dma_start3A_225 = tpu.memref_slice %arg5[%mul3A_2, %dma_start3A_224] : memref<128x128xi32, #tpu.memory_space<hbm>> -> memref<4x128xi32, #tpu.memory_space<hbm>>
      tpu.enqueue_dma source(%dma_start3A_225 : memref<4x128xi32, #tpu.memory_space<hbm>>) target(%arg9 : memref<4x128xi32, #tpu.memory_space<vmem>>) target_semaphore(%run_scoped3A : memref<!tpu.dma_semaphore, #tpu.memory_space<semaphore_mem>>)
      %dma_wait3A_226 = arith.constant 0 : i32
      %dma_wait3A_227 = tpu.memref_slice %arg5[%mul3A_2, %dma_wait3A_226] : memref<128x128xi32, #tpu.memory_space<hbm>> -> memref<4x128xi32, #tpu.memory_space<hbm>>
      %dma_wait3A_228 = arith.constant 0 : i32
      %dma_wait3A_229 = tpu.memref_slice %arg5[%mul3A_2, %dma_wait3A_228] : memref<128x128xi32, #tpu.memory_space<hbm>> -> memref<4x128xi32, #tpu.memory_space<hbm>>
      tpu.wait_dma2 semaphore(%run_scoped3A : memref<!tpu.dma_semaphore, #tpu.memory_space<semaphore_mem>>) src(%dma_wait3A_229 : memref<4x128xi32, #tpu.memory_space<hbm>>) dst(%arg9 : memref<4x128xi32, #tpu.memory_space<vmem>>)
      tpu.yield
    }) : () -> ()
    "tpu.region"() ({
      %run_scoped3A = tpu.sem_alloc : memref<!tpu.dma_semaphore, #tpu.memory_space<semaphore_mem>>
      %dma_start3A_222 = arith.constant 0 : i32
      %dma_start3A_223 = tpu.memref_slice %arg6[%mul3A_2, %dma_start3A_222] : memref<128x128xi32, #tpu.memory_space<hbm>> -> memref<4x128xi32, #tpu.memory_space<hbm>>
      %dma_start3A_224 = arith.constant 0 : i32
      %dma_start3A_225 = tpu.memref_slice %arg6[%mul3A_2, %dma_start3A_224] : memref<128x128xi32, #tpu.memory_space<hbm>> -> memref<4x128xi32, #tpu.memory_space<hbm>>
      tpu.enqueue_dma source(%dma_start3A_225 : memref<4x128xi32, #tpu.memory_space<hbm>>) target(%arg10 : memref<4x128xi32, #tpu.memory_space<vmem>>) target_semaphore(%run_scoped3A : memref<!tpu.dma_semaphore, #tpu.memory_space<semaphore_mem>>)
      %dma_wait3A_226 = arith.constant 0 : i32
      %dma_wait3A_227 = tpu.memref_slice %arg6[%mul3A_2, %dma_wait3A_226] : memref<128x128xi32, #tpu.memory_space<hbm>> -> memref<4x128xi32, #tpu.memory_space<hbm>>
      %dma_wait3A_228 = arith.constant 0 : i32
      %dma_wait3A_229 = tpu.memref_slice %arg6[%mul3A_2, %dma_wait3A_228] : memref<128x128xi32, #tpu.memory_space<hbm>> -> memref<4x128xi32, #tpu.memory_space<hbm>>
      tpu.wait_dma2 semaphore(%run_scoped3A : memref<!tpu.dma_semaphore, #tpu.memory_space<semaphore_mem>>) src(%dma_wait3A_229 : memref<4x128xi32, #tpu.memory_space<hbm>>) dst(%arg10 : memref<4x128xi32, #tpu.memory_space<vmem>>)
      tpu.yield
    }) : () -> ()
    "tpu.region"() ({
      %run_scoped3A = tpu.sem_alloc : memref<!tpu.dma_semaphore, #tpu.memory_space<semaphore_mem>>
      tpu.enqueue_dma source(%arg3 : memref<1000x32xf32, #tpu.memory_space<hbm>>) target(%arg13 : memref<1000x32xf32, #tpu.memory_space<vmem>>) target_semaphore(%run_scoped3A : memref<!tpu.dma_semaphore, #tpu.memory_space<semaphore_mem>>)
      tpu.wait_dma2 semaphore(%run_scoped3A : memref<!tpu.dma_semaphore, #tpu.memory_space<semaphore_mem>>) src(%arg3 : memref<1000x32xf32, #tpu.memory_space<hbm>>) dst(%arg13 : memref<1000x32xf32, #tpu.memory_space<vmem>>)
      tpu.yield
    }) : () -> ()
    %dma_start3A = arith.constant 0 : i32
    %dma_start3A_3 = arith.constant 0 : i32
    %dma_start3A_4 = arith.constant 0 : i32
    %dma_start3A_5 = arith.constant 0 : i32
    %dma_start3A_6 = tpu.memref_slice %arg11[%dma_start3A_3, %dma_start3A_4, %dma_start3A_5] : memref<2x128x128xf32, #tpu.memory_space<vmem>> -> memref<1x128x128xf32, #tpu.memory_space<vmem>>
    %dma_start3A_7 = tpu.memref_squeeze %dma_start3A_6 : memref<1x128x128xf32, #tpu.memory_space<vmem>> -> memref<128x128xf32, #tpu.memory_space<vmem>>
    %dma_start3A_8 = arith.constant 0 : i32
    %dma_start3A_9 = tpu.memref_slice %arg8[%dma_start3A, %dma_start3A_8] : memref<4x128xi32, #tpu.memory_space<vmem>> -> memref<1x128xi32, #tpu.memory_space<vmem>>
    %dma_start3A_10 = tpu.memref_squeeze %dma_start3A_9 : memref<1x128xi32, #tpu.memory_space<vmem>> -> memref<128xi32, #tpu.memory_space<vmem>>
    %dma_start3A_11 = arith.constant 0 : i32
    %dma_start3A_12 = arith.constant 0 : i32
    %dma_start3A_13 = tpu.memref_slice %arg2[%dma_start3A_11, %dma_start3A_12] : memref<1000000x128xf32, #tpu.memory_space<hbm>> -> memref<1000000x128xf32, #tpu.memory_space<hbm>>
    tpu.enqueue_indirect_dma source(%dma_start3A_13 : memref<1000000x128xf32, #tpu.memory_space<hbm>>) target(%dma_start3A_7 : memref<128x128xf32, #tpu.memory_space<vmem>>) offsets(%dma_start3A_10 : memref<128xi32, #tpu.memory_space<vmem>>) semaphore(%arg15 : memref<!tpu.dma_semaphore, #tpu.memory_space<semaphore_mem>>)
    %dma_start3A_14 = arith.constant 0 : i32
    %dma_start3A_15 = arith.constant 0 : i32
    %dma_start3A_16 = arith.constant 0 : i32
    %dma_start3A_17 = arith.constant 0 : i32
    %dma_start3A_18 = tpu.memref_slice %arg12[%dma_start3A_15, %dma_start3A_16, %dma_start3A_17] : memref<2x128x128xf32, #tpu.memory_space<vmem>> -> memref<1x128x128xf32, #tpu.memory_space<vmem>>
    %dma_start3A_19 = tpu.memref_squeeze %dma_start3A_18 : memref<1x128x128xf32, #tpu.memory_space<vmem>> -> memref<128x128xf32, #tpu.memory_space<vmem>>
    %dma_start3A_20 = arith.constant 0 : i32
    %dma_start3A_21 = tpu.memref_slice %arg10[%dma_start3A_14, %dma_start3A_20] : memref<4x128xi32, #tpu.memory_space<vmem>> -> memref<1x128xi32, #tpu.memory_space<vmem>>
    %dma_start3A_22 = tpu.memref_squeeze %dma_start3A_21 : memref<1x128xi32, #tpu.memory_space<vmem>> -> memref<128xi32, #tpu.memory_space<vmem>>
    %dma_start3A_23 = arith.constant 0 : i32
    %dma_start3A_24 = arith.constant 0 : i32
    %dma_start3A_25 = tpu.memref_slice %arg2[%dma_start3A_23, %dma_start3A_24] : memref<1000000x128xf32, #tpu.memory_space<hbm>> -> memref<1000000x128xf32, #tpu.memory_space<hbm>>
    tpu.enqueue_indirect_dma source(%dma_start3A_25 : memref<1000000x128xf32, #tpu.memory_space<hbm>>) target(%dma_start3A_19 : memref<128x128xf32, #tpu.memory_space<vmem>>) offsets(%dma_start3A_22 : memref<128xi32, #tpu.memory_space<vmem>>) semaphore(%arg15 : memref<!tpu.dma_semaphore, #tpu.memory_space<semaphore_mem>>)
    %dma_wait3A = arith.constant 0 : i32
    %dma_wait3A_26 = arith.constant 0 : i32
    %dma_wait3A_27 = arith.constant 0 : i32
    %dma_wait3A_28 = arith.constant 0 : i32
    %dma_wait3A_29 = tpu.memref_slice %arg11[%dma_wait3A_26, %dma_wait3A_27, %dma_wait3A_28] : memref<2x128x128xf32, #tpu.memory_space<vmem>> -> memref<1x128x128xf32, #tpu.memory_space<vmem>>
    %dma_wait3A_30 = tpu.memref_squeeze %dma_wait3A_29 : memref<1x128x128xf32, #tpu.memory_space<vmem>> -> memref<128x128xf32, #tpu.memory_space<vmem>>
    %dma_wait3A_31 = arith.constant 0 : i32
    %dma_wait3A_32 = tpu.memref_slice %arg8[%dma_wait3A, %dma_wait3A_31] : memref<4x128xi32, #tpu.memory_space<vmem>> -> memref<1x128xi32, #tpu.memory_space<vmem>>
    %dma_wait3A_33 = tpu.memref_squeeze %dma_wait3A_32 : memref<1x128xi32, #tpu.memory_space<vmem>> -> memref<128xi32, #tpu.memory_space<vmem>>
    %dma_wait3A_34 = arith.constant 0 : i32
    %dma_wait3A_35 = arith.constant 0 : i32
    %dma_wait3A_36 = tpu.memref_slice %arg2[%dma_wait3A_34, %dma_wait3A_35] : memref<1000000x128xf32, #tpu.memory_space<hbm>> -> memref<1000000x128xf32, #tpu.memory_space<hbm>>
    tpu.wait_indirect_dma semaphore(%arg15 : memref<!tpu.dma_semaphore, #tpu.memory_space<semaphore_mem>>) src(%dma_wait3A_36 : memref<1000000x128xf32, #tpu.memory_space<hbm>>) dst(%dma_wait3A_30 : memref<128x128xf32, #tpu.memory_space<vmem>>)
    %dma_wait3A_37 = arith.constant 0 : i32
    %dma_wait3A_38 = arith.constant 0 : i32
    %dma_wait3A_39 = arith.constant 0 : i32
    %dma_wait3A_40 = arith.constant 0 : i32
    %dma_wait3A_41 = tpu.memref_slice %arg12[%dma_wait3A_38, %dma_wait3A_39, %dma_wait3A_40] : memref<2x128x128xf32, #tpu.memory_space<vmem>> -> memref<1x128x128xf32, #tpu.memory_space<vmem>>
    %dma_wait3A_42 = tpu.memref_squeeze %dma_wait3A_41 : memref<1x128x128xf32, #tpu.memory_space<vmem>> -> memref<128x128xf32, #tpu.memory_space<vmem>>
    %dma_wait3A_43 = arith.constant 0 : i32
    %dma_wait3A_44 = tpu.memref_slice %arg10[%dma_wait3A_37, %dma_wait3A_43] : memref<4x128xi32, #tpu.memory_space<vmem>> -> memref<1x128xi32, #tpu.memory_space<vmem>>
    %dma_wait3A_45 = tpu.memref_squeeze %dma_wait3A_44 : memref<1x128xi32, #tpu.memory_space<vmem>> -> memref<128xi32, #tpu.memory_space<vmem>>
    %dma_wait3A_46 = arith.constant 0 : i32
    %dma_wait3A_47 = arith.constant 0 : i32
    %dma_wait3A_48 = tpu.memref_slice %arg2[%dma_wait3A_46, %dma_wait3A_47] : memref<1000000x128xf32, #tpu.memory_space<hbm>> -> memref<1000000x128xf32, #tpu.memory_space<hbm>>
    tpu.wait_indirect_dma semaphore(%arg15 : memref<!tpu.dma_semaphore, #tpu.memory_space<semaphore_mem>>) src(%dma_wait3A_48 : memref<1000000x128xf32, #tpu.memory_space<hbm>>) dst(%dma_wait3A_42 : memref<128x128xf32, #tpu.memory_space<vmem>>)
    %dma_start3A_49 = arith.constant 1 : i32
    %dma_start3A_50 = arith.constant 1 : i32
    %dma_start3A_51 = arith.constant 0 : i32
    %dma_start3A_52 = arith.constant 0 : i32
    %dma_start3A_53 = tpu.memref_slice %arg11[%dma_start3A_50, %dma_start3A_51, %dma_start3A_52] : memref<2x128x128xf32, #tpu.memory_space<vmem>> -> memref<1x128x128xf32, #tpu.memory_space<vmem>>
    %dma_start3A_54 = tpu.memref_squeeze %dma_start3A_53 : memref<1x128x128xf32, #tpu.memory_space<vmem>> -> memref<128x128xf32, #tpu.memory_space<vmem>>
    %dma_start3A_55 = arith.constant 0 : i32
    %dma_start3A_56 = tpu.memref_slice %arg8[%dma_start3A_49, %dma_start3A_55] : memref<4x128xi32, #tpu.memory_space<vmem>> -> memref<1x128xi32, #tpu.memory_space<vmem>>
    %dma_start3A_57 = tpu.memref_squeeze %dma_start3A_56 : memref<1x128xi32, #tpu.memory_space<vmem>> -> memref<128xi32, #tpu.memory_space<vmem>>
    %dma_start3A_58 = arith.constant 0 : i32
    %dma_start3A_59 = arith.constant 0 : i32
    %dma_start3A_60 = tpu.memref_slice %arg2[%dma_start3A_58, %dma_start3A_59] : memref<1000000x128xf32, #tpu.memory_space<hbm>> -> memref<1000000x128xf32, #tpu.memory_space<hbm>>
    tpu.enqueue_indirect_dma source(%dma_start3A_60 : memref<1000000x128xf32, #tpu.memory_space<hbm>>) target(%dma_start3A_54 : memref<128x128xf32, #tpu.memory_space<vmem>>) offsets(%dma_start3A_57 : memref<128xi32, #tpu.memory_space<vmem>>) semaphore(%arg15 : memref<!tpu.dma_semaphore, #tpu.memory_space<semaphore_mem>>)
    %dma_start3A_61 = arith.constant 1 : i32
    %dma_start3A_62 = arith.constant 1 : i32
    %dma_start3A_63 = arith.constant 0 : i32
    %dma_start3A_64 = arith.constant 0 : i32
    %dma_start3A_65 = tpu.memref_slice %arg12[%dma_start3A_62, %dma_start3A_63, %dma_start3A_64] : memref<2x128x128xf32, #tpu.memory_space<vmem>> -> memref<1x128x128xf32, #tpu.memory_space<vmem>>
    %dma_start3A_66 = tpu.memref_squeeze %dma_start3A_65 : memref<1x128x128xf32, #tpu.memory_space<vmem>> -> memref<128x128xf32, #tpu.memory_space<vmem>>
    %dma_start3A_67 = arith.constant 0 : i32
    %dma_start3A_68 = tpu.memref_slice %arg10[%dma_start3A_61, %dma_start3A_67] : memref<4x128xi32, #tpu.memory_space<vmem>> -> memref<1x128xi32, #tpu.memory_space<vmem>>
    %dma_start3A_69 = tpu.memref_squeeze %dma_start3A_68 : memref<1x128xi32, #tpu.memory_space<vmem>> -> memref<128xi32, #tpu.memory_space<vmem>>
    %dma_start3A_70 = arith.constant 0 : i32
    %dma_start3A_71 = arith.constant 0 : i32
    %dma_start3A_72 = tpu.memref_slice %arg2[%dma_start3A_70, %dma_start3A_71] : memref<1000000x128xf32, #tpu.memory_space<hbm>> -> memref<1000000x128xf32, #tpu.memory_space<hbm>>
    tpu.enqueue_indirect_dma source(%dma_start3A_72 : memref<1000000x128xf32, #tpu.memory_space<hbm>>) target(%dma_start3A_66 : memref<128x128xf32, #tpu.memory_space<vmem>>) offsets(%dma_start3A_69 : memref<128xi32, #tpu.memory_space<vmem>>) semaphore(%arg15 : memref<!tpu.dma_semaphore, #tpu.memory_space<semaphore_mem>>)
    %scan3A = arith.constant 0 : i32
    %scan3A_73 = arith.constant 0 : i32
    %scan3A_74 = arith.constant 0 : i32
    %scan3A_75 = arith.constant 8 : i32
    %scan3A_76 = arith.addi %scan3A_74, %scan3A_75 : i32
    %scan3A_77 = arith.constant 1 : i32
    scf.for %scan3A_222 = %scan3A_74 to %scan3A_76 step %scan3A_77  : i32 {
      %mul3A_223 = arith.constant 16 : i32
      %mul3A_224 = arith.muli %scan3A_222, %mul3A_223 : i32
      %iota3A = tpu.iota {dimensions = array<i32: 0>} : vector<16xi32>
      %add3A_225 = vector.broadcast %mul3A_224 : i32 to vector<16xi32>
      %add3A_226 = arith.addi %add3A_225, %iota3A : vector<16xi32>
      %mul3A_227 = arith.constant 16 : i32
      %mul3A_228 = arith.muli %scan3A_222, %mul3A_227 : i32
      %get3A = arith.constant 0 : i32
      %get3A_229 = tpu.memref_slice %arg9[%scan3A_73, %get3A] : memref<4x128xi32, #tpu.memory_space<vmem>> -> memref<1x128xi32, #tpu.memory_space<vmem>>
      %get3A_230 = tpu.memref_squeeze %get3A_229 : memref<1x128xi32, #tpu.memory_space<vmem>> -> memref<128xi32, #tpu.memory_space<vmem>>
      %get3A_231 = arith.index_cast %mul3A_228 : i32 to index
      %get3A_232 = tpu.vector_load %get3A_230[%get3A_231] {strides = array<i32>} : memref<128xi32, #tpu.memory_space<vmem>>, vector<16xi32>,
      %broadcast_in_dim3A = arith.constant 0.000000e+00 : f32
      %broadcast_in_dim3A_233 = vector.broadcast %broadcast_in_dim3A : f32 to vector<16xf32>
      %broadcast_in_dim3A_234 = arith.constant 0 : i32
      %broadcast_in_dim3A_235 = vector.broadcast %broadcast_in_dim3A_234 : i32 to vector<16xi32>
      %gather3A = arith.constant 0 : i32
      %gather3A_236 = arith.constant 0 : i32
      %gather3A_237 = arith.constant 0 : i32
      %gather3A_238 = tpu.memref_slice %arg11[%gather3A, %gather3A_236, %gather3A_237] : memref<2x128x128xf32, #tpu.memory_space<vmem>> -> memref<1x128x128xf32, #tpu.memory_space<vmem>>
      %gather3A_239 = tpu.memref_squeeze %gather3A_238 : memref<1x128x128xf32, #tpu.memory_space<vmem>> -> memref<128x128xf32, #tpu.memory_space<vmem>>
      %gather3A_240 = tpu.vector_load_idx %gather3A_239[%add3A_226, %broadcast_in_dim3A_235] : memref<128x128xf32, #tpu.memory_space<vmem>>[vector<16xi32>, vector<16xi32>], vector<16xf32>,
      %gather3A_241 = tpu.vector_load_idx %arg13[%get3A_232, %broadcast_in_dim3A_235] : memref<1000x32xf32, #tpu.memory_space<vmem>>[vector<16xi32>, vector<16xi32>], vector<16xf32>,
      %gather3A_242 = arith.constant 0 : i32
      %gather3A_243 = arith.constant 0 : i32
      %gather3A_244 = arith.constant 0 : i32
      %gather3A_245 = tpu.memref_slice %arg12[%gather3A_242, %gather3A_243, %gather3A_244] : memref<2x128x128xf32, #tpu.memory_space<vmem>> -> memref<1x128x128xf32, #tpu.memory_space<vmem>>
      %gather3A_246 = tpu.memref_squeeze %gather3A_245 : memref<1x128x128xf32, #tpu.memory_space<vmem>> -> memref<128x128xf32, #tpu.memory_space<vmem>>
      %gather3A_247 = tpu.vector_load_idx %gather3A_246[%add3A_226, %broadcast_in_dim3A_235] : memref<128x128xf32, #tpu.memory_space<vmem>>[vector<16xi32>, vector<16xi32>], vector<16xf32>,
      %mul3A_248 = arith.mulf %gather3A_240, %gather3A_241 : vector<16xf32>
      %mul3A_249 = arith.mulf %mul3A_248, %gather3A_247 : vector<16xf32>
      %add3A_250 = arith.addf %broadcast_in_dim3A_233, %mul3A_249 : vector<16xf32>
      %broadcast_in_dim3A_251 = arith.constant 1 : i32
      %broadcast_in_dim3A_252 = vector.broadcast %broadcast_in_dim3A_251 : i32 to vector<16xi32>
      %gather3A_253 = arith.constant 0 : i32
      %gather3A_254 = arith.constant 0 : i32
      %gather3A_255 = arith.constant 0 : i32
      %gather3A_256 = tpu.memref_slice %arg11[%gather3A_253, %gather3A_254, %gather3A_255] : memref<2x128x128xf32, #tpu.memory_space<vmem>> -> memref<1x128x128xf32, #tpu.memory_space<vmem>>
      %gather3A_257 = tpu.memref_squeeze %gather3A_256 : memref<1x128x128xf32, #tpu.memory_space<vmem>> -> memref<128x128xf32, #tpu.memory_space<vmem>>
      %gather3A_258 = tpu.vector_load_idx %gather3A_257[%add3A_226, %broadcast_in_dim3A_252] : memref<128x128xf32, #tpu.memory_space<vmem>>[vector<16xi32>, vector<16xi32>], vector<16xf32>,
      %gather3A_259 = tpu.vector_load_idx %arg13[%get3A_232, %broadcast_in_dim3A_252] : memref<1000x32xf32, #tpu.memory_space<vmem>>[vector<16xi32>, vector<16xi32>], vector<16xf32>,
      %gather3A_260 = arith.constant 0 : i32
      %gather3A_261 = arith.constant 0 : i32
      %gather3A_262 = arith.constant 0 : i32
      %gather3A_263 = tpu.memref_slice %arg12[%gather3A_260, %gather3A_261, %gather3A_262] : memref<2x128x128xf32, #tpu.memory_space<vmem>> -> memref<1x128x128xf32, #tpu.memory_space<vmem>>
      %gather3A_264 = tpu.memref_squeeze %gather3A_263 : memref<1x128x128xf32, #tpu.memory_space<vmem>> -> memref<128x128xf32, #tpu.memory_space<vmem>>
      %gather3A_265 = tpu.vector_load_idx %gather3A_264[%add3A_226, %broadcast_in_dim3A_252] : memref<128x128xf32, #tpu.memory_space<vmem>>[vector<16xi32>, vector<16xi32>], vector<16xf32>,
      %mul3A_266 = arith.mulf %gather3A_258, %gather3A_259 : vector<16xf32>
      %mul3A_267 = arith.mulf %mul3A_266, %gather3A_265 : vector<16xf32>
      %add3A_268 = arith.addf %add3A_250, %mul3A_267 : vector<16xf32>
      %broadcast_in_dim3A_269 = arith.constant 2 : i32
      %broadcast_in_dim3A_270 = vector.broadcast %broadcast_in_dim3A_269 : i32 to vector<16xi32>
      %gather3A_271 = arith.constant 0 : i32
      %gather3A_272 = arith.constant 0 : i32
      %gather3A_273 = arith.constant 0 : i32
      %gather3A_274 = tpu.memref_slice %arg11[%gather3A_271, %gather3A_272, %gather3A_273] : memref<2x128x128xf32, #tpu.memory_space<vmem>> -> memref<1x128x128xf32, #tpu.memory_space<vmem>>
      %gather3A_275 = tpu.memref_squeeze %gather3A_274 : memref<1x128x128xf32, #tpu.memory_space<vmem>> -> memref<128x128xf32, #tpu.memory_space<vmem>>
      %gather3A_276 = tpu.vector_load_idx %gather3A_275[%add3A_226, %broadcast_in_dim3A_270] : memref<128x128xf32, #tpu.memory_space<vmem>>[vector<16xi32>, vector<16xi32>], vector<16xf32>,
      %gather3A_277 = tpu.vector_load_idx %arg13[%get3A_232, %broadcast_in_dim3A_270] : memref<1000x32xf32, #tpu.memory_space<vmem>>[vector<16xi32>, vector<16xi32>], vector<16xf32>,
      %gather3A_278 = arith.constant 0 : i32
      %gather3A_279 = arith.constant 0 : i32
      %gather3A_280 = arith.constant 0 : i32
      %gather3A_281 = tpu.memref_slice %arg12[%gather3A_278, %gather3A_279, %gather3A_280] : memref<2x128x128xf32, #tpu.memory_space<vmem>> -> memref<1x128x128xf32, #tpu.memory_space<vmem>>
      %gather3A_282 = tpu.memref_squeeze %gather3A_281 : memref<1x128x128xf32, #tpu.memory_space<vmem>> -> memref<128x128xf32, #tpu.memory_space<vmem>>
      %gather3A_283 = tpu.vector_load_idx %gather3A_282[%add3A_226, %broadcast_in_dim3A_270] : memref<128x128xf32, #tpu.memory_space<vmem>>[vector<16xi32>, vector<16xi32>], vector<16xf32>,
      %mul3A_284 = arith.mulf %gather3A_276, %gather3A_277 : vector<16xf32>
      %mul3A_285 = arith.mulf %mul3A_284, %gather3A_283 : vector<16xf32>
      %add3A_286 = arith.addf %add3A_268, %mul3A_285 : vector<16xf32>
      %broadcast_in_dim3A_287 = arith.constant 3 : i32
      %broadcast_in_dim3A_288 = vector.broadcast %broadcast_in_dim3A_287 : i32 to vector<16xi32>
      %gather3A_289 = arith.constant 0 : i32
      %gather3A_290 = arith.constant 0 : i32
      %gather3A_291 = arith.constant 0 : i32
      %gather3A_292 = tpu.memref_slice %arg11[%gather3A_289, %gather3A_290, %gather3A_291] : memref<2x128x128xf32, #tpu.memory_space<vmem>> -> memref<1x128x128xf32, #tpu.memory_space<vmem>>
      %gather3A_293 = tpu.memref_squeeze %gather3A_292 : memref<1x128x128xf32, #tpu.memory_space<vmem>> -> memref<128x128xf32, #tpu.memory_space<vmem>>
      %gather3A_294 = tpu.vector_load_idx %gather3A_293[%add3A_226, %broadcast_in_dim3A_288] : memref<128x128xf32, #tpu.memory_space<vmem>>[vector<16xi32>, vector<16xi32>], vector<16xf32>,
      %gather3A_295 = tpu.vector_load_idx %arg13[%get3A_232, %broadcast_in_dim3A_288] : memref<1000x32xf32, #tpu.memory_space<vmem>>[vector<16xi32>, vector<16xi32>], vector<16xf32>,
      %gather3A_296 = arith.constant 0 : i32
      %gather3A_297 = arith.constant 0 : i32
      %gather3A_298 = arith.constant 0 : i32
      %gather3A_299 = tpu.memref_slice %arg12[%gather3A_296, %gather3A_297, %gather3A_298] : memref<2x128x128xf32, #tpu.memory_space<vmem>> -> memref<1x128x128xf32, #tpu.memory_space<vmem>>
      %gather3A_300 = tpu.memref_squeeze %gather3A_299 : memref<1x128x128xf32, #tpu.memory_space<vmem>> -> memref<128x128xf32, #tpu.memory_space<vmem>>
      %gather3A_301 = tpu.vector_load_idx %gather3A_300[%add3A_226, %broadcast_in_dim3A_288] : memref<128x128xf32, #tpu.memory_space<vmem>>[vector<16xi32>, vector<16xi32>], vector<16xf32>,
      %mul3A_302 = arith.mulf %gather3A_294, %gather3A_295 : vector<16xf32>
      %mul3A_303 = arith.mulf %mul3A_302, %gather3A_301 : vector<16xf32>
      %add3A_304 = arith.addf %add3A_286, %mul3A_303 : vector<16xf32>
      %broadcast_in_dim3A_305 = arith.constant 4 : i32
      %broadcast_in_dim3A_306 = vector.broadcast %broadcast_in_dim3A_305 : i32 to vector<16xi32>
      %gather3A_307 = arith.constant 0 : i32
      %gather3A_308 = arith.constant 0 : i32
      %gather3A_309 = arith.constant 0 : i32
      %gather3A_310 = tpu.memref_slice %arg11[%gather3A_307, %gather3A_308, %gather3A_309] : memref<2x128x128xf32, #tpu.memory_space<vmem>> -> memref<1x128x128xf32, #tpu.memory_space<vmem>>
      %gather3A_311 = tpu.memref_squeeze %gather3A_310 : memref<1x128x128xf32, #tpu.memory_space<vmem>> -> memref<128x128xf32, #tpu.memory_space<vmem>>
      %gather3A_312 = tpu.vector_load_idx %gather3A_311[%add3A_226, %broadcast_in_dim3A_306] : memref<128x128xf32, #tpu.memory_space<vmem>>[vector<16xi32>, vector<16xi32>], vector<16xf32>,
      %gather3A_313 = tpu.vector_load_idx %arg13[%get3A_232, %broadcast_in_dim3A_306] : memref<1000x32xf32, #tpu.memory_space<vmem>>[vector<16xi32>, vector<16xi32>], vector<16xf32>,
      %gather3A_314 = arith.constant 0 : i32
      %gather3A_315 = arith.constant 0 : i32
      %gather3A_316 = arith.constant 0 : i32
      %gather3A_317 = tpu.memref_slice %arg12[%gather3A_314, %gather3A_315, %gather3A_316] : memref<2x128x128xf32, #tpu.memory_space<vmem>> -> memref<1x128x128xf32, #tpu.memory_space<vmem>>
      %gather3A_318 = tpu.memref_squeeze %gather3A_317 : memref<1x128x128xf32, #tpu.memory_space<vmem>> -> memref<128x128xf32, #tpu.memory_space<vmem>>
      %gather3A_319 = tpu.vector_load_idx %gather3A_318[%add3A_226, %broadcast_in_dim3A_306] : memref<128x128xf32, #tpu.memory_space<vmem>>[vector<16xi32>, vector<16xi32>], vector<16xf32>,
      %mul3A_320 = arith.mulf %gather3A_312, %gather3A_313 : vector<16xf32>
      %mul3A_321 = arith.mulf %mul3A_320, %gather3A_319 : vector<16xf32>
      %add3A_322 = arith.addf %add3A_304, %mul3A_321 : vector<16xf32>
      %broadcast_in_dim3A_323 = arith.constant 5 : i32
      %broadcast_in_dim3A_324 = vector.broadcast %broadcast_in_dim3A_323 : i32 to vector<16xi32>
      %gather3A_325 = arith.constant 0 : i32
      %gather3A_326 = arith.constant 0 : i32
      %gather3A_327 = arith.constant 0 : i32
      %gather3A_328 = tpu.memref_slice %arg11[%gather3A_325, %gather3A_326, %gather3A_327] : memref<2x128x128xf32, #tpu.memory_space<vmem>> -> memref<1x128x128xf32, #tpu.memory_space<vmem>>
      %gather3A_329 = tpu.memref_squeeze %gather3A_328 : memref<1x128x128xf32, #tpu.memory_space<vmem>> -> memref<128x128xf32, #tpu.memory_space<vmem>>
      %gather3A_330 = tpu.vector_load_idx %gather3A_329[%add3A_226, %broadcast_in_dim3A_324] : memref<128x128xf32, #tpu.memory_space<vmem>>[vector<16xi32>, vector<16xi32>], vector<16xf32>,
      %gather3A_331 = tpu.vector_load_idx %arg13[%get3A_232, %broadcast_in_dim3A_324] : memref<1000x32xf32, #tpu.memory_space<vmem>>[vector<16xi32>, vector<16xi32>], vector<16xf32>,
      %gather3A_332 = arith.constant 0 : i32
      %gather3A_333 = arith.constant 0 : i32
      %gather3A_334 = arith.constant 0 : i32
      %gather3A_335 = tpu.memref_slice %arg12[%gather3A_332, %gather3A_333, %gather3A_334] : memref<2x128x128xf32, #tpu.memory_space<vmem>> -> memref<1x128x128xf32, #tpu.memory_space<vmem>>
      %gather3A_336 = tpu.memref_squeeze %gather3A_335 : memref<1x128x128xf32, #tpu.memory_space<vmem>> -> memref<128x128xf32, #tpu.memory_space<vmem>>
      %gather3A_337 = tpu.vector_load_idx %gather3A_336[%add3A_226, %broadcast_in_dim3A_324] : memref<128x128xf32, #tpu.memory_space<vmem>>[vector<16xi32>, vector<16xi32>], vector<16xf32>,
      %mul3A_338 = arith.mulf %gather3A_330, %gather3A_331 : vector<16xf32>
      %mul3A_339 = arith.mulf %mul3A_338, %gather3A_337 : vector<16xf32>
      %add3A_340 = arith.addf %add3A_322, %mul3A_339 : vector<16xf32>
      %broadcast_in_dim3A_341 = arith.constant 6 : i32
      %broadcast_in_dim3A_342 = vector.broadcast %broadcast_in_dim3A_341 : i32 to vector<16xi32>
      %gather3A_343 = arith.constant 0 : i32
      %gather3A_344 = arith.constant 0 : i32
      %gather3A_345 = arith.constant 0 : i32
      %gather3A_346 = tpu.memref_slice %arg11[%gather3A_343, %gather3A_344, %gather3A_345] : memref<2x128x128xf32, #tpu.memory_space<vmem>> -> memref<1x128x128xf32, #tpu.memory_space<vmem>>
      %gather3A_347 = tpu.memref_squeeze %gather3A_346 : memref<1x128x128xf32, #tpu.memory_space<vmem>> -> memref<128x128xf32, #tpu.memory_space<vmem>>
      %gather3A_348 = tpu.vector_load_idx %gather3A_347[%add3A_226, %broadcast_in_dim3A_342] : memref<128x128xf32, #tpu.memory_space<vmem>>[vector<16xi32>, vector<16xi32>], vector<16xf32>,
      %gather3A_349 = tpu.vector_load_idx %arg13[%get3A_232, %broadcast_in_dim3A_342] : memref<1000x32xf32, #tpu.memory_space<vmem>>[vector<16xi32>, vector<16xi32>], vector<16xf32>,
      %gather3A_350 = arith.constant 0 : i32
      %gather3A_351 = arith.constant 0 : i32
      %gather3A_352 = arith.constant 0 : i32
      %gather3A_353 = tpu.memref_slice %arg12[%gather3A_350, %gather3A_351, %gather3A_352] : memref<2x128x128xf32, #tpu.memory_space<vmem>> -> memref<1x128x128xf32, #tpu.memory_space<vmem>>
      %gather3A_354 = tpu.memref_squeeze %gather3A_353 : memref<1x128x128xf32, #tpu.memory_space<vmem>> -> memref<128x128xf32, #tpu.memory_space<vmem>>
      %gather3A_355 = tpu.vector_load_idx %gather3A_354[%add3A_226, %broadcast_in_dim3A_342] : memref<128x128xf32, #tpu.memory_space<vmem>>[vector<16xi32>, vector<16xi32>], vector<16xf32>,
      %mul3A_356 = arith.mulf %gather3A_348, %gather3A_349 : vector<16xf32>
      %mul3A_357 = arith.mulf %mul3A_356, %gather3A_355 : vector<16xf32>
      %add3A_358 = arith.addf %add3A_340, %mul3A_357 : vector<16xf32>
      %broadcast_in_dim3A_359 = arith.constant 7 : i32
      %broadcast_in_dim3A_360 = vector.broadcast %broadcast_in_dim3A_359 : i32 to vector<16xi32>
      %gather3A_361 = arith.constant 0 : i32
      %gather3A_362 = arith.constant 0 : i32
      %gather3A_363 = arith.constant 0 : i32
      %gather3A_364 = tpu.memref_slice %arg11[%gather3A_361, %gather3A_362, %gather3A_363] : memref<2x128x128xf32, #tpu.memory_space<vmem>> -> memref<1x128x128xf32, #tpu.memory_space<vmem>>
      %gather3A_365 = tpu.memref_squeeze %gather3A_364 : memref<1x128x128xf32, #tpu.memory_space<vmem>> -> memref<128x128xf32, #tpu.memory_space<vmem>>
      %gather3A_366 = tpu.vector_load_idx %gather3A_365[%add3A_226, %broadcast_in_dim3A_360] : memref<128x128xf32, #tpu.memory_space<vmem>>[vector<16xi32>, vector<16xi32>], vector<16xf32>,
      %gather3A_367 = tpu.vector_load_idx %arg13[%get3A_232, %broadcast_in_dim3A_360] : memref<1000x32xf32, #tpu.memory_space<vmem>>[vector<16xi32>, vector<16xi32>], vector<16xf32>,
      %gather3A_368 = arith.constant 0 : i32
      %gather3A_369 = arith.constant 0 : i32
      %gather3A_370 = arith.constant 0 : i32
      %gather3A_371 = tpu.memref_slice %arg12[%gather3A_368, %gather3A_369, %gather3A_370] : memref<2x128x128xf32, #tpu.memory_space<vmem>> -> memref<1x128x128xf32, #tpu.memory_space<vmem>>
      %gather3A_372 = tpu.memref_squeeze %gather3A_371 : memref<1x128x128xf32, #tpu.memory_space<vmem>> -> memref<128x128xf32, #tpu.memory_space<vmem>>
      %gather3A_373 = tpu.vector_load_idx %gather3A_372[%add3A_226, %broadcast_in_dim3A_360] : memref<128x128xf32, #tpu.memory_space<vmem>>[vector<16xi32>, vector<16xi32>], vector<16xf32>,
      %mul3A_374 = arith.mulf %gather3A_366, %gather3A_367 : vector<16xf32>
      %mul3A_375 = arith.mulf %mul3A_374, %gather3A_373 : vector<16xf32>
      %add3A_376 = arith.addf %add3A_358, %mul3A_375 : vector<16xf32>
      %broadcast_in_dim3A_377 = arith.constant 8 : i32
      %broadcast_in_dim3A_378 = vector.broadcast %broadcast_in_dim3A_377 : i32 to vector<16xi32>
      %gather3A_379 = arith.constant 0 : i32
      %gather3A_380 = arith.constant 0 : i32
      %gather3A_381 = arith.constant 0 : i32
      %gather3A_382 = tpu.memref_slice %arg11[%gather3A_379, %gather3A_380, %gather3A_381] : memref<2x128x128xf32, #tpu.memory_space<vmem>> -> memref<1x128x128xf32, #tpu.memory_space<vmem>>
      %gather3A_383 = tpu.memref_squeeze %gather3A_382 : memref<1x128x128xf32, #tpu.memory_space<vmem>> -> memref<128x128xf32, #tpu.memory_space<vmem>>
      %gather3A_384 = tpu.vector_load_idx %gather3A_383[%add3A_226, %broadcast_in_dim3A_378] : memref<128x128xf32, #tpu.memory_space<vmem>>[vector<16xi32>, vector<16xi32>], vector<16xf32>,
      %gather3A_385 = tpu.vector_load_idx %arg13[%get3A_232, %broadcast_in_dim3A_378] : memref<1000x32xf32, #tpu.memory_space<vmem>>[vector<16xi32>, vector<16xi32>], vector<16xf32>,
      %gather3A_386 = arith.constant 0 : i32
      %gather3A_387 = arith.constant 0 : i32
      %gather3A_388 = arith.constant 0 : i32
      %gather3A_389 = tpu.memref_slice %arg12[%gather3A_386, %gather3A_387, %gather3A_388] : memref<2x128x128xf32, #tpu.memory_space<vmem>> -> memref<1x128x128xf32, #tpu.memory_space<vmem>>
      %gather3A_390 = tpu.memref_squeeze %gather3A_389 : memref<1x128x128xf32, #tpu.memory_space<vmem>> -> memref<128x128xf32, #tpu.memory_space<vmem>>
      %gather3A_391 = tpu.vector_load_idx %gather3A_390[%add3A_226, %broadcast_in_dim3A_378] : memref<128x128xf32, #tpu.memory_space<vmem>>[vector<16xi32>, vector<16xi32>], vector<16xf32>,
      %mul3A_392 = arith.mulf %gather3A_384, %gather3A_385 : vector<16xf32>
      %mul3A_393 = arith.mulf %mul3A_392, %gather3A_391 : vector<16xf32>
      %add3A_394 = arith.addf %add3A_376, %mul3A_393 : vector<16xf32>
      %broadcast_in_dim3A_395 = arith.constant 9 : i32
      %broadcast_in_dim3A_396 = vector.broadcast %broadcast_in_dim3A_395 : i32 to vector<16xi32>
      %gather3A_397 = arith.constant 0 : i32
      %gather3A_398 = arith.constant 0 : i32
      %gather3A_399 = arith.constant 0 : i32
      %gather3A_400 = tpu.memref_slice %arg11[%gather3A_397, %gather3A_398, %gather3A_399] : memref<2x128x128xf32, #tpu.memory_space<vmem>> -> memref<1x128x128xf32, #tpu.memory_space<vmem>>
      %gather3A_401 = tpu.memref_squeeze %gather3A_400 : memref<1x128x128xf32, #tpu.memory_space<vmem>> -> memref<128x128xf32, #tpu.memory_space<vmem>>
      %gather3A_402 = tpu.vector_load_idx %gather3A_401[%add3A_226, %broadcast_in_dim3A_396] : memref<128x128xf32, #tpu.memory_space<vmem>>[vector<16xi32>, vector<16xi32>], vector<16xf32>,
      %gather3A_403 = tpu.vector_load_idx %arg13[%get3A_232, %broadcast_in_dim3A_396] : memref<1000x32xf32, #tpu.memory_space<vmem>>[vector<16xi32>, vector<16xi32>], vector<16xf32>,
      %gather3A_404 = arith.constant 0 : i32
      %gather3A_405 = arith.constant 0 : i32
      %gather3A_406 = arith.constant 0 : i32
      %gather3A_407 = tpu.memref_slice %arg12[%gather3A_404, %gather3A_405, %gather3A_406] : memref<2x128x128xf32, #tpu.memory_space<vmem>> -> memref<1x128x128xf32, #tpu.memory_space<vmem>>
      %gather3A_408 = tpu.memref_squeeze %gather3A_407 : memref<1x128x128xf32, #tpu.memory_space<vmem>> -> memref<128x128xf32, #tpu.memory_space<vmem>>
      %gather3A_409 = tpu.vector_load_idx %gather3A_408[%add3A_226, %broadcast_in_dim3A_396] : memref<128x128xf32, #tpu.memory_space<vmem>>[vector<16xi32>, vector<16xi32>], vector<16xf32>,
      %mul3A_410 = arith.mulf %gather3A_402, %gather3A_403 : vector<16xf32>
      %mul3A_411 = arith.mulf %mul3A_410, %gather3A_409 : vector<16xf32>
      %add3A_412 = arith.addf %add3A_394, %mul3A_411 : vector<16xf32>
      %broadcast_in_dim3A_413 = arith.constant 10 : i32
      %broadcast_in_dim3A_414 = vector.broadcast %broadcast_in_dim3A_413 : i32 to vector<16xi32>
      %gather3A_415 = arith.constant 0 : i32
      %gather3A_416 = arith.constant 0 : i32
      %gather3A_417 = arith.constant 0 : i32
      %gather3A_418 = tpu.memref_slice %arg11[%gather3A_415, %gather3A_416, %gather3A_417] : memref<2x128x128xf32, #tpu.memory_space<vmem>> -> memref<1x128x128xf32, #tpu.memory_space<vmem>>
      %gather3A_419 = tpu.memref_squeeze %gather3A_418 : memref<1x128x128xf32, #tpu.memory_space<vmem>> -> memref<128x128xf32, #tpu.memory_space<vmem>>
      %gather3A_420 = tpu.vector_load_idx %gather3A_419[%add3A_226, %broadcast_in_dim3A_414] : memref<128x128xf32, #tpu.memory_space<vmem>>[vector<16xi32>, vector<16xi32>], vector<16xf32>,
      %gather3A_421 = tpu.vector_load_idx %arg13[%get3A_232, %broadcast_in_dim3A_414] : memref<1000x32xf32, #tpu.memory_space<vmem>>[vector<16xi32>, vector<16xi32>], vector<16xf32>,
      %gather3A_422 = arith.constant 0 : i32
      %gather3A_423 = arith.constant 0 : i32
      %gather3A_424 = arith.constant 0 : i32
      %gather3A_425 = tpu.memref_slice %arg12[%gather3A_422, %gather3A_423, %gather3A_424] : memref<2x128x128xf32, #tpu.memory_space<vmem>> -> memref<1x128x128xf32, #tpu.memory_space<vmem>>
      %gather3A_426 = tpu.memref_squeeze %gather3A_425 : memref<1x128x128xf32, #tpu.memory_space<vmem>> -> memref<128x128xf32, #tpu.memory_space<vmem>>
      %gather3A_427 = tpu.vector_load_idx %gather3A_426[%add3A_226, %broadcast_in_dim3A_414] : memref<128x128xf32, #tpu.memory_space<vmem>>[vector<16xi32>, vector<16xi32>], vector<16xf32>,
      %mul3A_428 = arith.mulf %gather3A_420, %gather3A_421 : vector<16xf32>
      %mul3A_429 = arith.mulf %mul3A_428, %gather3A_427 : vector<16xf32>
      %add3A_430 = arith.addf %add3A_412, %mul3A_429 : vector<16xf32>
      %broadcast_in_dim3A_431 = arith.constant 11 : i32
      %broadcast_in_dim3A_432 = vector.broadcast %broadcast_in_dim3A_431 : i32 to vector<16xi32>
      %gather3A_433 = arith.constant 0 : i32
      %gather3A_434 = arith.constant 0 : i32
      %gather3A_435 = arith.constant 0 : i32
      %gather3A_436 = tpu.memref_slice %arg11[%gather3A_433, %gather3A_434, %gather3A_435] : memref<2x128x128xf32, #tpu.memory_space<vmem>> -> memref<1x128x128xf32, #tpu.memory_space<vmem>>
      %gather3A_437 = tpu.memref_squeeze %gather3A_436 : memref<1x128x128xf32, #tpu.memory_space<vmem>> -> memref<128x128xf32, #tpu.memory_space<vmem>>
      %gather3A_438 = tpu.vector_load_idx %gather3A_437[%add3A_226, %broadcast_in_dim3A_432] : memref<128x128xf32, #tpu.memory_space<vmem>>[vector<16xi32>, vector<16xi32>], vector<16xf32>,
      %gather3A_439 = tpu.vector_load_idx %arg13[%get3A_232, %broadcast_in_dim3A_432] : memref<1000x32xf32, #tpu.memory_space<vmem>>[vector<16xi32>, vector<16xi32>], vector<16xf32>,
      %gather3A_440 = arith.constant 0 : i32
      %gather3A_441 = arith.constant 0 : i32
      %gather3A_442 = arith.constant 0 : i32
      %gather3A_443 = tpu.memref_slice %arg12[%gather3A_440, %gather3A_441, %gather3A_442] : memref<2x128x128xf32, #tpu.memory_space<vmem>> -> memref<1x128x128xf32, #tpu.memory_space<vmem>>
      %gather3A_444 = tpu.memref_squeeze %gather3A_443 : memref<1x128x128xf32, #tpu.memory_space<vmem>> -> memref<128x128xf32, #tpu.memory_space<vmem>>
      %gather3A_445 = tpu.vector_load_idx %gather3A_444[%add3A_226, %broadcast_in_dim3A_432] : memref<128x128xf32, #tpu.memory_space<vmem>>[vector<16xi32>, vector<16xi32>], vector<16xf32>,
      %mul3A_446 = arith.mulf %gather3A_438, %gather3A_439 : vector<16xf32>
      %mul3A_447 = arith.mulf %mul3A_446, %gather3A_445 : vector<16xf32>
      %add3A_448 = arith.addf %add3A_430, %mul3A_447 : vector<16xf32>
      %broadcast_in_dim3A_449 = arith.constant 12 : i32
      %broadcast_in_dim3A_450 = vector.broadcast %broadcast_in_dim3A_449 : i32 to vector<16xi32>
      %gather3A_451 = arith.constant 0 : i32
      %gather3A_452 = arith.constant 0 : i32
      %gather3A_453 = arith.constant 0 : i32
      %gather3A_454 = tpu.memref_slice %arg11[%gather3A_451, %gather3A_452, %gather3A_453] : memref<2x128x128xf32, #tpu.memory_space<vmem>> -> memref<1x128x128xf32, #tpu.memory_space<vmem>>
      %gather3A_455 = tpu.memref_squeeze %gather3A_454 : memref<1x128x128xf32, #tpu.memory_space<vmem>> -> memref<128x128xf32, #tpu.memory_space<vmem>>
      %gather3A_456 = tpu.vector_load_idx %gather3A_455[%add3A_226, %broadcast_in_dim3A_450] : memref<128x128xf32, #tpu.memory_space<vmem>>[vector<16xi32>, vector<16xi32>], vector<16xf32>,
      %gather3A_457 = tpu.vector_load_idx %arg13[%get3A_232, %broadcast_in_dim3A_450] : memref<1000x32xf32, #tpu.memory_space<vmem>>[vector<16xi32>, vector<16xi32>], vector<16xf32>,
      %gather3A_458 = arith.constant 0 : i32
      %gather3A_459 = arith.constant 0 : i32
      %gather3A_460 = arith.constant 0 : i32
      %gather3A_461 = tpu.memref_slice %arg12[%gather3A_458, %gather3A_459, %gather3A_460] : memref<2x128x128xf32, #tpu.memory_space<vmem>> -> memref<1x128x128xf32, #tpu.memory_space<vmem>>
      %gather3A_462 = tpu.memref_squeeze %gather3A_461 : memref<1x128x128xf32, #tpu.memory_space<vmem>> -> memref<128x128xf32, #tpu.memory_space<vmem>>
      %gather3A_463 = tpu.vector_load_idx %gather3A_462[%add3A_226, %broadcast_in_dim3A_450] : memref<128x128xf32, #tpu.memory_space<vmem>>[vector<16xi32>, vector<16xi32>], vector<16xf32>,
      %mul3A_464 = arith.mulf %gather3A_456, %gather3A_457 : vector<16xf32>
      %mul3A_465 = arith.mulf %mul3A_464, %gather3A_463 : vector<16xf32>
      %add3A_466 = arith.addf %add3A_448, %mul3A_465 : vector<16xf32>
      %broadcast_in_dim3A_467 = arith.constant 13 : i32
      %broadcast_in_dim3A_468 = vector.broadcast %broadcast_in_dim3A_467 : i32 to vector<16xi32>
      %gather3A_469 = arith.constant 0 : i32
      %gather3A_470 = arith.constant 0 : i32
      %gather3A_471 = arith.constant 0 : i32
      %gather3A_472 = tpu.memref_slice %arg11[%gather3A_469, %gather3A_470, %gather3A_471] : memref<2x128x128xf32, #tpu.memory_space<vmem>> -> memref<1x128x128xf32, #tpu.memory_space<vmem>>
      %gather3A_473 = tpu.memref_squeeze %gather3A_472 : memref<1x128x128xf32, #tpu.memory_space<vmem>> -> memref<128x128xf32, #tpu.memory_space<vmem>>
      %gather3A_474 = tpu.vector_load_idx %gather3A_473[%add3A_226, %broadcast_in_dim3A_468] : memref<128x128xf32, #tpu.memory_space<vmem>>[vector<16xi32>, vector<16xi32>], vector<16xf32>,
      %gather3A_475 = tpu.vector_load_idx %arg13[%get3A_232, %broadcast_in_dim3A_468] : memref<1000x32xf32, #tpu.memory_space<vmem>>[vector<16xi32>, vector<16xi32>], vector<16xf32>,
      %gather3A_476 = arith.constant 0 : i32
      %gather3A_477 = arith.constant 0 : i32
      %gather3A_478 = arith.constant 0 : i32
      %gather3A_479 = tpu.memref_slice %arg12[%gather3A_476, %gather3A_477, %gather3A_478] : memref<2x128x128xf32, #tpu.memory_space<vmem>> -> memref<1x128x128xf32, #tpu.memory_space<vmem>>
      %gather3A_480 = tpu.memref_squeeze %gather3A_479 : memref<1x128x128xf32, #tpu.memory_space<vmem>> -> memref<128x128xf32, #tpu.memory_space<vmem>>
      %gather3A_481 = tpu.vector_load_idx %gather3A_480[%add3A_226, %broadcast_in_dim3A_468] : memref<128x128xf32, #tpu.memory_space<vmem>>[vector<16xi32>, vector<16xi32>], vector<16xf32>,
      %mul3A_482 = arith.mulf %gather3A_474, %gather3A_475 : vector<16xf32>
      %mul3A_483 = arith.mulf %mul3A_482, %gather3A_481 : vector<16xf32>
      %add3A_484 = arith.addf %add3A_466, %mul3A_483 : vector<16xf32>
      %broadcast_in_dim3A_485 = arith.constant 14 : i32
      %broadcast_in_dim3A_486 = vector.broadcast %broadcast_in_dim3A_485 : i32 to vector<16xi32>
      %gather3A_487 = arith.constant 0 : i32
      %gather3A_488 = arith.constant 0 : i32
      %gather3A_489 = arith.constant 0 : i32
      %gather3A_490 = tpu.memref_slice %arg11[%gather3A_487, %gather3A_488, %gather3A_489] : memref<2x128x128xf32, #tpu.memory_space<vmem>> -> memref<1x128x128xf32, #tpu.memory_space<vmem>>
      %gather3A_491 = tpu.memref_squeeze %gather3A_490 : memref<1x128x128xf32, #tpu.memory_space<vmem>> -> memref<128x128xf32, #tpu.memory_space<vmem>>
      %gather3A_492 = tpu.vector_load_idx %gather3A_491[%add3A_226, %broadcast_in_dim3A_486] : memref<128x128xf32, #tpu.memory_space<vmem>>[vector<16xi32>, vector<16xi32>], vector<16xf32>,
      %gather3A_493 = tpu.vector_load_idx %arg13[%get3A_232, %broadcast_in_dim3A_486] : memref<1000x32xf32, #tpu.memory_space<vmem>>[vector<16xi32>, vector<16xi32>], vector<16xf32>,
      %gather3A_494 = arith.constant 0 : i32
      %gather3A_495 = arith.constant 0 : i32
      %gather3A_496 = arith.constant 0 : i32
      %gather3A_497 = tpu.memref_slice %arg12[%gather3A_494, %gather3A_495, %gather3A_496] : memref<2x128x128xf32, #tpu.memory_space<vmem>> -> memref<1x128x128xf32, #tpu.memory_space<vmem>>
      %gather3A_498 = tpu.memref_squeeze %gather3A_497 : memref<1x128x128xf32, #tpu.memory_space<vmem>> -> memref<128x128xf32, #tpu.memory_space<vmem>>
      %gather3A_499 = tpu.vector_load_idx %gather3A_498[%add3A_226, %broadcast_in_dim3A_486] : memref<128x128xf32, #tpu.memory_space<vmem>>[vector<16xi32>, vector<16xi32>], vector<16xf32>,
      %mul3A_500 = arith.mulf %gather3A_492, %gather3A_493 : vector<16xf32>
      %mul3A_501 = arith.mulf %mul3A_500, %gather3A_499 : vector<16xf32>
      %add3A_502 = arith.addf %add3A_484, %mul3A_501 : vector<16xf32>
      %broadcast_in_dim3A_503 = arith.constant 15 : i32
      %broadcast_in_dim3A_504 = vector.broadcast %broadcast_in_dim3A_503 : i32 to vector<16xi32>
      %gather3A_505 = arith.constant 0 : i32
      %gather3A_506 = arith.constant 0 : i32
      %gather3A_507 = arith.constant 0 : i32
      %gather3A_508 = tpu.memref_slice %arg11[%gather3A_505, %gather3A_506, %gather3A_507] : memref<2x128x128xf32, #tpu.memory_space<vmem>> -> memref<1x128x128xf32, #tpu.memory_space<vmem>>
      %gather3A_509 = tpu.memref_squeeze %gather3A_508 : memref<1x128x128xf32, #tpu.memory_space<vmem>> -> memref<128x128xf32, #tpu.memory_space<vmem>>
      %gather3A_510 = tpu.vector_load_idx %gather3A_509[%add3A_226, %broadcast_in_dim3A_504] : memref<128x128xf32, #tpu.memory_space<vmem>>[vector<16xi32>, vector<16xi32>], vector<16xf32>,
      %gather3A_511 = tpu.vector_load_idx %arg13[%get3A_232, %broadcast_in_dim3A_504] : memref<1000x32xf32, #tpu.memory_space<vmem>>[vector<16xi32>, vector<16xi32>], vector<16xf32>,
      %gather3A_512 = arith.constant 0 : i32
      %gather3A_513 = arith.constant 0 : i32
      %gather3A_514 = arith.constant 0 : i32
      %gather3A_515 = tpu.memref_slice %arg12[%gather3A_512, %gather3A_513, %gather3A_514] : memref<2x128x128xf32, #tpu.memory_space<vmem>> -> memref<1x128x128xf32, #tpu.memory_space<vmem>>
      %gather3A_516 = tpu.memref_squeeze %gather3A_515 : memref<1x128x128xf32, #tpu.memory_space<vmem>> -> memref<128x128xf32, #tpu.memory_space<vmem>>
      %gather3A_517 = tpu.vector_load_idx %gather3A_516[%add3A_226, %broadcast_in_dim3A_504] : memref<128x128xf32, #tpu.memory_space<vmem>>[vector<16xi32>, vector<16xi32>], vector<16xf32>,
      %mul3A_518 = arith.mulf %gather3A_510, %gather3A_511 : vector<16xf32>
      %mul3A_519 = arith.mulf %mul3A_518, %gather3A_517 : vector<16xf32>
      %add3A_520 = arith.addf %add3A_502, %mul3A_519 : vector<16xf32>
      %broadcast_in_dim3A_521 = arith.constant 16 : i32
      %broadcast_in_dim3A_522 = vector.broadcast %broadcast_in_dim3A_521 : i32 to vector<16xi32>
      %gather3A_523 = arith.constant 0 : i32
      %gather3A_524 = arith.constant 0 : i32
      %gather3A_525 = arith.constant 0 : i32
      %gather3A_526 = tpu.memref_slice %arg11[%gather3A_523, %gather3A_524, %gather3A_525] : memref<2x128x128xf32, #tpu.memory_space<vmem>> -> memref<1x128x128xf32, #tpu.memory_space<vmem>>
      %gather3A_527 = tpu.memref_squeeze %gather3A_526 : memref<1x128x128xf32, #tpu.memory_space<vmem>> -> memref<128x128xf32, #tpu.memory_space<vmem>>
      %gather3A_528 = tpu.vector_load_idx %gather3A_527[%add3A_226, %broadcast_in_dim3A_522] : memref<128x128xf32, #tpu.memory_space<vmem>>[vector<16xi32>, vector<16xi32>], vector<16xf32>,
      %gather3A_529 = tpu.vector_load_idx %arg13[%get3A_232, %broadcast_in_dim3A_522] : memref<1000x32xf32, #tpu.memory_space<vmem>>[vector<16xi32>, vector<16xi32>], vector<16xf32>,
      %gather3A_530 = arith.constant 0 : i32
      %gather3A_531 = arith.constant 0 : i32
      %gather3A_532 = arith.constant 0 : i32
      %gather3A_533 = tpu.memref_slice %arg12[%gather3A_530, %gather3A_531, %gather3A_532] : memref<2x128x128xf32, #tpu.memory_space<vmem>> -> memref<1x128x128xf32, #tpu.memory_space<vmem>>
      %gather3A_534 = tpu.memref_squeeze %gather3A_533 : memref<1x128x128xf32, #tpu.memory_space<vmem>> -> memref<128x128xf32, #tpu.memory_space<vmem>>
      %gather3A_535 = tpu.vector_load_idx %gather3A_534[%add3A_226, %broadcast_in_dim3A_522] : memref<128x128xf32, #tpu.memory_space<vmem>>[vector<16xi32>, vector<16xi32>], vector<16xf32>,
      %mul3A_536 = arith.mulf %gather3A_528, %gather3A_529 : vector<16xf32>
      %mul3A_537 = arith.mulf %mul3A_536, %gather3A_535 : vector<16xf32>
      %add3A_538 = arith.addf %add3A_520, %mul3A_537 : vector<16xf32>
      %broadcast_in_dim3A_539 = arith.constant 17 : i32
      %broadcast_in_dim3A_540 = vector.broadcast %broadcast_in_dim3A_539 : i32 to vector<16xi32>
      %gather3A_541 = arith.constant 0 : i32
      %gather3A_542 = arith.constant 0 : i32
      %gather3A_543 = arith.constant 0 : i32
      %gather3A_544 = tpu.memref_slice %arg11[%gather3A_541, %gather3A_542, %gather3A_543] : memref<2x128x128xf32, #tpu.memory_space<vmem>> -> memref<1x128x128xf32, #tpu.memory_space<vmem>>
      %gather3A_545 = tpu.memref_squeeze %gather3A_544 : memref<1x128x128xf32, #tpu.memory_space<vmem>> -> memref<128x128xf32, #tpu.memory_space<vmem>>
      %gather3A_546 = tpu.vector_load_idx %gather3A_545[%add3A_226, %broadcast_in_dim3A_540] : memref<128x128xf32, #tpu.memory_space<vmem>>[vector<16xi32>, vector<16xi32>], vector<16xf32>,
      %gather3A_547 = tpu.vector_load_idx %arg13[%get3A_232, %broadcast_in_dim3A_540] : memref<1000x32xf32, #tpu.memory_space<vmem>>[vector<16xi32>, vector<16xi32>], vector<16xf32>,
      %gather3A_548 = arith.constant 0 : i32
      %gather3A_549 = arith.constant 0 : i32
      %gather3A_550 = arith.constant 0 : i32
      %gather3A_551 = tpu.memref_slice %arg12[%gather3A_548, %gather3A_549, %gather3A_550] : memref<2x128x128xf32, #tpu.memory_space<vmem>> -> memref<1x128x128xf32, #tpu.memory_space<vmem>>
      %gather3A_552 = tpu.memref_squeeze %gather3A_551 : memref<1x128x128xf32, #tpu.memory_space<vmem>> -> memref<128x128xf32, #tpu.memory_space<vmem>>
      %gather3A_553 = tpu.vector_load_idx %gather3A_552[%add3A_226, %broadcast_in_dim3A_540] : memref<128x128xf32, #tpu.memory_space<vmem>>[vector<16xi32>, vector<16xi32>], vector<16xf32>,
      %mul3A_554 = arith.mulf %gather3A_546, %gather3A_547 : vector<16xf32>
      %mul3A_555 = arith.mulf %mul3A_554, %gather3A_553 : vector<16xf32>
      %add3A_556 = arith.addf %add3A_538, %mul3A_555 : vector<16xf32>
      %broadcast_in_dim3A_557 = arith.constant 18 : i32
      %broadcast_in_dim3A_558 = vector.broadcast %broadcast_in_dim3A_557 : i32 to vector<16xi32>
      %gather3A_559 = arith.constant 0 : i32
      %gather3A_560 = arith.constant 0 : i32
      %gather3A_561 = arith.constant 0 : i32
      %gather3A_562 = tpu.memref_slice %arg11[%gather3A_559, %gather3A_560, %gather3A_561] : memref<2x128x128xf32, #tpu.memory_space<vmem>> -> memref<1x128x128xf32, #tpu.memory_space<vmem>>
      %gather3A_563 = tpu.memref_squeeze %gather3A_562 : memref<1x128x128xf32, #tpu.memory_space<vmem>> -> memref<128x128xf32, #tpu.memory_space<vmem>>
      %gather3A_564 = tpu.vector_load_idx %gather3A_563[%add3A_226, %broadcast_in_dim3A_558] : memref<128x128xf32, #tpu.memory_space<vmem>>[vector<16xi32>, vector<16xi32>], vector<16xf32>,
      %gather3A_565 = tpu.vector_load_idx %arg13[%get3A_232, %broadcast_in_dim3A_558] : memref<1000x32xf32, #tpu.memory_space<vmem>>[vector<16xi32>, vector<16xi32>], vector<16xf32>,
      %gather3A_566 = arith.constant 0 : i32
      %gather3A_567 = arith.constant 0 : i32
      %gather3A_568 = arith.constant 0 : i32
      %gather3A_569 = tpu.memref_slice %arg12[%gather3A_566, %gather3A_567, %gather3A_568] : memref<2x128x128xf32, #tpu.memory_space<vmem>> -> memref<1x128x128xf32, #tpu.memory_space<vmem>>
      %gather3A_570 = tpu.memref_squeeze %gather3A_569 : memref<1x128x128xf32, #tpu.memory_space<vmem>> -> memref<128x128xf32, #tpu.memory_space<vmem>>
      %gather3A_571 = tpu.vector_load_idx %gather3A_570[%add3A_226, %broadcast_in_dim3A_558] : memref<128x128xf32, #tpu.memory_space<vmem>>[vector<16xi32>, vector<16xi32>], vector<16xf32>,
      %mul3A_572 = arith.mulf %gather3A_564, %gather3A_565 : vector<16xf32>
      %mul3A_573 = arith.mulf %mul3A_572, %gather3A_571 : vector<16xf32>
      %add3A_574 = arith.addf %add3A_556, %mul3A_573 : vector<16xf32>
      %broadcast_in_dim3A_575 = arith.constant 19 : i32
      %broadcast_in_dim3A_576 = vector.broadcast %broadcast_in_dim3A_575 : i32 to vector<16xi32>
      %gather3A_577 = arith.constant 0 : i32
      %gather3A_578 = arith.constant 0 : i32
      %gather3A_579 = arith.constant 0 : i32
      %gather3A_580 = tpu.memref_slice %arg11[%gather3A_577, %gather3A_578, %gather3A_579] : memref<2x128x128xf32, #tpu.memory_space<vmem>> -> memref<1x128x128xf32, #tpu.memory_space<vmem>>
      %gather3A_581 = tpu.memref_squeeze %gather3A_580 : memref<1x128x128xf32, #tpu.memory_space<vmem>> -> memref<128x128xf32, #tpu.memory_space<vmem>>
      %gather3A_582 = tpu.vector_load_idx %gather3A_581[%add3A_226, %broadcast_in_dim3A_576] : memref<128x128xf32, #tpu.memory_space<vmem>>[vector<16xi32>, vector<16xi32>], vector<16xf32>,
      %gather3A_583 = tpu.vector_load_idx %arg13[%get3A_232, %broadcast_in_dim3A_576] : memref<1000x32xf32, #tpu.memory_space<vmem>>[vector<16xi32>, vector<16xi32>], vector<16xf32>,
      %gather3A_584 = arith.constant 0 : i32
      %gather3A_585 = arith.constant 0 : i32
      %gather3A_586 = arith.constant 0 : i32
      %gather3A_587 = tpu.memref_slice %arg12[%gather3A_584, %gather3A_585, %gather3A_586] : memref<2x128x128xf32, #tpu.memory_space<vmem>> -> memref<1x128x128xf32, #tpu.memory_space<vmem>>
      %gather3A_588 = tpu.memref_squeeze %gather3A_587 : memref<1x128x128xf32, #tpu.memory_space<vmem>> -> memref<128x128xf32, #tpu.memory_space<vmem>>
      %gather3A_589 = tpu.vector_load_idx %gather3A_588[%add3A_226, %broadcast_in_dim3A_576] : memref<128x128xf32, #tpu.memory_space<vmem>>[vector<16xi32>, vector<16xi32>], vector<16xf32>,
      %mul3A_590 = arith.mulf %gather3A_582, %gather3A_583 : vector<16xf32>
      %mul3A_591 = arith.mulf %mul3A_590, %gather3A_589 : vector<16xf32>
      %add3A_592 = arith.addf %add3A_574, %mul3A_591 : vector<16xf32>
      %broadcast_in_dim3A_593 = arith.constant 20 : i32
      %broadcast_in_dim3A_594 = vector.broadcast %broadcast_in_dim3A_593 : i32 to vector<16xi32>
      %gather3A_595 = arith.constant 0 : i32
      %gather3A_596 = arith.constant 0 : i32
      %gather3A_597 = arith.constant 0 : i32
      %gather3A_598 = tpu.memref_slice %arg11[%gather3A_595, %gather3A_596, %gather3A_597] : memref<2x128x128xf32, #tpu.memory_space<vmem>> -> memref<1x128x128xf32, #tpu.memory_space<vmem>>
      %gather3A_599 = tpu.memref_squeeze %gather3A_598 : memref<1x128x128xf32, #tpu.memory_space<vmem>> -> memref<128x128xf32, #tpu.memory_space<vmem>>
      %gather3A_600 = tpu.vector_load_idx %gather3A_599[%add3A_226, %broadcast_in_dim3A_594] : memref<128x128xf32, #tpu.memory_space<vmem>>[vector<16xi32>, vector<16xi32>], vector<16xf32>,
      %gather3A_601 = tpu.vector_load_idx %arg13[%get3A_232, %broadcast_in_dim3A_594] : memref<1000x32xf32, #tpu.memory_space<vmem>>[vector<16xi32>, vector<16xi32>], vector<16xf32>,
      %gather3A_602 = arith.constant 0 : i32
      %gather3A_603 = arith.constant 0 : i32
      %gather3A_604 = arith.constant 0 : i32
      %gather3A_605 = tpu.memref_slice %arg12[%gather3A_602, %gather3A_603, %gather3A_604] : memref<2x128x128xf32, #tpu.memory_space<vmem>> -> memref<1x128x128xf32, #tpu.memory_space<vmem>>
      %gather3A_606 = tpu.memref_squeeze %gather3A_605 : memref<1x128x128xf32, #tpu.memory_space<vmem>> -> memref<128x128xf32, #tpu.memory_space<vmem>>
      %gather3A_607 = tpu.vector_load_idx %gather3A_606[%add3A_226, %broadcast_in_dim3A_594] : memref<128x128xf32, #tpu.memory_space<vmem>>[vector<16xi32>, vector<16xi32>], vector<16xf32>,
      %mul3A_608 = arith.mulf %gather3A_600, %gather3A_601 : vector<16xf32>
      %mul3A_609 = arith.mulf %mul3A_608, %gather3A_607 : vector<16xf32>
      %add3A_610 = arith.addf %add3A_592, %mul3A_609 : vector<16xf32>
      %broadcast_in_dim3A_611 = arith.constant 21 : i32
      %broadcast_in_dim3A_612 = vector.broadcast %broadcast_in_dim3A_611 : i32 to vector<16xi32>
      %gather3A_613 = arith.constant 0 : i32
      %gather3A_614 = arith.constant 0 : i32
      %gather3A_615 = arith.constant 0 : i32
      %gather3A_616 = tpu.memref_slice %arg11[%gather3A_613, %gather3A_614, %gather3A_615] : memref<2x128x128xf32, #tpu.memory_space<vmem>> -> memref<1x128x128xf32, #tpu.memory_space<vmem>>
      %gather3A_617 = tpu.memref_squeeze %gather3A_616 : memref<1x128x128xf32, #tpu.memory_space<vmem>> -> memref<128x128xf32, #tpu.memory_space<vmem>>
      %gather3A_618 = tpu.vector_load_idx %gather3A_617[%add3A_226, %broadcast_in_dim3A_612] : memref<128x128xf32, #tpu.memory_space<vmem>>[vector<16xi32>, vector<16xi32>], vector<16xf32>,
      %gather3A_619 = tpu.vector_load_idx %arg13[%get3A_232, %broadcast_in_dim3A_612] : memref<1000x32xf32, #tpu.memory_space<vmem>>[vector<16xi32>, vector<16xi32>], vector<16xf32>,
      %gather3A_620 = arith.constant 0 : i32
      %gather3A_621 = arith.constant 0 : i32
      %gather3A_622 = arith.constant 0 : i32
      %gather3A_623 = tpu.memref_slice %arg12[%gather3A_620, %gather3A_621, %gather3A_622] : memref<2x128x128xf32, #tpu.memory_space<vmem>> -> memref<1x128x128xf32, #tpu.memory_space<vmem>>
      %gather3A_624 = tpu.memref_squeeze %gather3A_623 : memref<1x128x128xf32, #tpu.memory_space<vmem>> -> memref<128x128xf32, #tpu.memory_space<vmem>>
      %gather3A_625 = tpu.vector_load_idx %gather3A_624[%add3A_226, %broadcast_in_dim3A_612] : memref<128x128xf32, #tpu.memory_space<vmem>>[vector<16xi32>, vector<16xi32>], vector<16xf32>,
      %mul3A_626 = arith.mulf %gather3A_618, %gather3A_619 : vector<16xf32>
      %mul3A_627 = arith.mulf %mul3A_626, %gather3A_625 : vector<16xf32>
      %add3A_628 = arith.addf %add3A_610, %mul3A_627 : vector<16xf32>
      %broadcast_in_dim3A_629 = arith.constant 22 : i32
      %broadcast_in_dim3A_630 = vector.broadcast %broadcast_in_dim3A_629 : i32 to vector<16xi32>
      %gather3A_631 = arith.constant 0 : i32
      %gather3A_632 = arith.constant 0 : i32
      %gather3A_633 = arith.constant 0 : i32
      %gather3A_634 = tpu.memref_slice %arg11[%gather3A_631, %gather3A_632, %gather3A_633] : memref<2x128x128xf32, #tpu.memory_space<vmem>> -> memref<1x128x128xf32, #tpu.memory_space<vmem>>
      %gather3A_635 = tpu.memref_squeeze %gather3A_634 : memref<1x128x128xf32, #tpu.memory_space<vmem>> -> memref<128x128xf32, #tpu.memory_space<vmem>>
      %gather3A_636 = tpu.vector_load_idx %gather3A_635[%add3A_226, %broadcast_in_dim3A_630] : memref<128x128xf32, #tpu.memory_space<vmem>>[vector<16xi32>, vector<16xi32>], vector<16xf32>,
      %gather3A_637 = tpu.vector_load_idx %arg13[%get3A_232, %broadcast_in_dim3A_630] : memref<1000x32xf32, #tpu.memory_space<vmem>>[vector<16xi32>, vector<16xi32>], vector<16xf32>,
      %gather3A_638 = arith.constant 0 : i32
      %gather3A_639 = arith.constant 0 : i32
      %gather3A_640 = arith.constant 0 : i32
      %gather3A_641 = tpu.memref_slice %arg12[%gather3A_638, %gather3A_639, %gather3A_640] : memref<2x128x128xf32, #tpu.memory_space<vmem>> -> memref<1x128x128xf32, #tpu.memory_space<vmem>>
      %gather3A_642 = tpu.memref_squeeze %gather3A_641 : memref<1x128x128xf32, #tpu.memory_space<vmem>> -> memref<128x128xf32, #tpu.memory_space<vmem>>
      %gather3A_643 = tpu.vector_load_idx %gather3A_642[%add3A_226, %broadcast_in_dim3A_630] : memref<128x128xf32, #tpu.memory_space<vmem>>[vector<16xi32>, vector<16xi32>], vector<16xf32>,
      %mul3A_644 = arith.mulf %gather3A_636, %gather3A_637 : vector<16xf32>
      %mul3A_645 = arith.mulf %mul3A_644, %gather3A_643 : vector<16xf32>
      %add3A_646 = arith.addf %add3A_628, %mul3A_645 : vector<16xf32>
      %broadcast_in_dim3A_647 = arith.constant 23 : i32
      %broadcast_in_dim3A_648 = vector.broadcast %broadcast_in_dim3A_647 : i32 to vector<16xi32>
      %gather3A_649 = arith.constant 0 : i32
      %gather3A_650 = arith.constant 0 : i32
      %gather3A_651 = arith.constant 0 : i32
      %gather3A_652 = tpu.memref_slice %arg11[%gather3A_649, %gather3A_650, %gather3A_651] : memref<2x128x128xf32, #tpu.memory_space<vmem>> -> memref<1x128x128xf32, #tpu.memory_space<vmem>>
      %gather3A_653 = tpu.memref_squeeze %gather3A_652 : memref<1x128x128xf32, #tpu.memory_space<vmem>> -> memref<128x128xf32, #tpu.memory_space<vmem>>
      %gather3A_654 = tpu.vector_load_idx %gather3A_653[%add3A_226, %broadcast_in_dim3A_648] : memref<128x128xf32, #tpu.memory_space<vmem>>[vector<16xi32>, vector<16xi32>], vector<16xf32>,
      %gather3A_655 = tpu.vector_load_idx %arg13[%get3A_232, %broadcast_in_dim3A_648] : memref<1000x32xf32, #tpu.memory_space<vmem>>[vector<16xi32>, vector<16xi32>], vector<16xf32>,
      %gather3A_656 = arith.constant 0 : i32
      %gather3A_657 = arith.constant 0 : i32
      %gather3A_658 = arith.constant 0 : i32
      %gather3A_659 = tpu.memref_slice %arg12[%gather3A_656, %gather3A_657, %gather3A_658] : memref<2x128x128xf32, #tpu.memory_space<vmem>> -> memref<1x128x128xf32, #tpu.memory_space<vmem>>
      %gather3A_660 = tpu.memref_squeeze %gather3A_659 : memref<1x128x128xf32, #tpu.memory_space<vmem>> -> memref<128x128xf32, #tpu.memory_space<vmem>>
      %gather3A_661 = tpu.vector_load_idx %gather3A_660[%add3A_226, %broadcast_in_dim3A_648] : memref<128x128xf32, #tpu.memory_space<vmem>>[vector<16xi32>, vector<16xi32>], vector<16xf32>,
      %mul3A_662 = arith.mulf %gather3A_654, %gather3A_655 : vector<16xf32>
      %mul3A_663 = arith.mulf %mul3A_662, %gather3A_661 : vector<16xf32>
      %add3A_664 = arith.addf %add3A_646, %mul3A_663 : vector<16xf32>
      %broadcast_in_dim3A_665 = arith.constant 24 : i32
      %broadcast_in_dim3A_666 = vector.broadcast %broadcast_in_dim3A_665 : i32 to vector<16xi32>
      %gather3A_667 = arith.constant 0 : i32
      %gather3A_668 = arith.constant 0 : i32
      %gather3A_669 = arith.constant 0 : i32
      %gather3A_670 = tpu.memref_slice %arg11[%gather3A_667, %gather3A_668, %gather3A_669] : memref<2x128x128xf32, #tpu.memory_space<vmem>> -> memref<1x128x128xf32, #tpu.memory_space<vmem>>
      %gather3A_671 = tpu.memref_squeeze %gather3A_670 : memref<1x128x128xf32, #tpu.memory_space<vmem>> -> memref<128x128xf32, #tpu.memory_space<vmem>>
      %gather3A_672 = tpu.vector_load_idx %gather3A_671[%add3A_226, %broadcast_in_dim3A_666] : memref<128x128xf32, #tpu.memory_space<vmem>>[vector<16xi32>, vector<16xi32>], vector<16xf32>,
      %gather3A_673 = tpu.vector_load_idx %arg13[%get3A_232, %broadcast_in_dim3A_666] : memref<1000x32xf32, #tpu.memory_space<vmem>>[vector<16xi32>, vector<16xi32>], vector<16xf32>,
      %gather3A_674 = arith.constant 0 : i32
      %gather3A_675 = arith.constant 0 : i32
      %gather3A_676 = arith.constant 0 : i32
      %gather3A_677 = tpu.memref_slice %arg12[%gather3A_674, %gather3A_675, %gather3A_676] : memref<2x128x128xf32, #tpu.memory_space<vmem>> -> memref<1x128x128xf32, #tpu.memory_space<vmem>>
      %gather3A_678 = tpu.memref_squeeze %gather3A_677 : memref<1x128x128xf32, #tpu.memory_space<vmem>> -> memref<128x128xf32, #tpu.memory_space<vmem>>
      %gather3A_679 = tpu.vector_load_idx %gather3A_678[%add3A_226, %broadcast_in_dim3A_666] : memref<128x128xf32, #tpu.memory_space<vmem>>[vector<16xi32>, vector<16xi32>], vector<16xf32>,
      %mul3A_680 = arith.mulf %gather3A_672, %gather3A_673 : vector<16xf32>
      %mul3A_681 = arith.mulf %mul3A_680, %gather3A_679 : vector<16xf32>
      %add3A_682 = arith.addf %add3A_664, %mul3A_681 : vector<16xf32>
      %broadcast_in_dim3A_683 = arith.constant 25 : i32
      %broadcast_in_dim3A_684 = vector.broadcast %broadcast_in_dim3A_683 : i32 to vector<16xi32>
      %gather3A_685 = arith.constant 0 : i32
      %gather3A_686 = arith.constant 0 : i32
      %gather3A_687 = arith.constant 0 : i32
      %gather3A_688 = tpu.memref_slice %arg11[%gather3A_685, %gather3A_686, %gather3A_687] : memref<2x128x128xf32, #tpu.memory_space<vmem>> -> memref<1x128x128xf32, #tpu.memory_space<vmem>>
      %gather3A_689 = tpu.memref_squeeze %gather3A_688 : memref<1x128x128xf32, #tpu.memory_space<vmem>> -> memref<128x128xf32, #tpu.memory_space<vmem>>
      %gather3A_690 = tpu.vector_load_idx %gather3A_689[%add3A_226, %broadcast_in_dim3A_684] : memref<128x128xf32, #tpu.memory_space<vmem>>[vector<16xi32>, vector<16xi32>], vector<16xf32>,
      %gather3A_691 = tpu.vector_load_idx %arg13[%get3A_232, %broadcast_in_dim3A_684] : memref<1000x32xf32, #tpu.memory_space<vmem>>[vector<16xi32>, vector<16xi32>], vector<16xf32>,
      %gather3A_692 = arith.constant 0 : i32
      %gather3A_693 = arith.constant 0 : i32
      %gather3A_694 = arith.constant 0 : i32
      %gather3A_695 = tpu.memref_slice %arg12[%gather3A_692, %gather3A_693, %gather3A_694] : memref<2x128x128xf32, #tpu.memory_space<vmem>> -> memref<1x128x128xf32, #tpu.memory_space<vmem>>
      %gather3A_696 = tpu.memref_squeeze %gather3A_695 : memref<1x128x128xf32, #tpu.memory_space<vmem>> -> memref<128x128xf32, #tpu.memory_space<vmem>>
      %gather3A_697 = tpu.vector_load_idx %gather3A_696[%add3A_226, %broadcast_in_dim3A_684] : memref<128x128xf32, #tpu.memory_space<vmem>>[vector<16xi32>, vector<16xi32>], vector<16xf32>,
      %mul3A_698 = arith.mulf %gather3A_690, %gather3A_691 : vector<16xf32>
      %mul3A_699 = arith.mulf %mul3A_698, %gather3A_697 : vector<16xf32>
      %add3A_700 = arith.addf %add3A_682, %mul3A_699 : vector<16xf32>
      %broadcast_in_dim3A_701 = arith.constant 26 : i32
      %broadcast_in_dim3A_702 = vector.broadcast %broadcast_in_dim3A_701 : i32 to vector<16xi32>
      %gather3A_703 = arith.constant 0 : i32
      %gather3A_704 = arith.constant 0 : i32
      %gather3A_705 = arith.constant 0 : i32
      %gather3A_706 = tpu.memref_slice %arg11[%gather3A_703, %gather3A_704, %gather3A_705] : memref<2x128x128xf32, #tpu.memory_space<vmem>> -> memref<1x128x128xf32, #tpu.memory_space<vmem>>
      %gather3A_707 = tpu.memref_squeeze %gather3A_706 : memref<1x128x128xf32, #tpu.memory_space<vmem>> -> memref<128x128xf32, #tpu.memory_space<vmem>>
      %gather3A_708 = tpu.vector_load_idx %gather3A_707[%add3A_226, %broadcast_in_dim3A_702] : memref<128x128xf32, #tpu.memory_space<vmem>>[vector<16xi32>, vector<16xi32>], vector<16xf32>,
      %gather3A_709 = tpu.vector_load_idx %arg13[%get3A_232, %broadcast_in_dim3A_702] : memref<1000x32xf32, #tpu.memory_space<vmem>>[vector<16xi32>, vector<16xi32>], vector<16xf32>,
      %gather3A_710 = arith.constant 0 : i32
      %gather3A_711 = arith.constant 0 : i32
      %gather3A_712 = arith.constant 0 : i32
      %gather3A_713 = tpu.memref_slice %arg12[%gather3A_710, %gather3A_711, %gather3A_712] : memref<2x128x128xf32, #tpu.memory_space<vmem>> -> memref<1x128x128xf32, #tpu.memory_space<vmem>>
      %gather3A_714 = tpu.memref_squeeze %gather3A_713 : memref<1x128x128xf32, #tpu.memory_space<vmem>> -> memref<128x128xf32, #tpu.memory_space<vmem>>
      %gather3A_715 = tpu.vector_load_idx %gather3A_714[%add3A_226, %broadcast_in_dim3A_702] : memref<128x128xf32, #tpu.memory_space<vmem>>[vector<16xi32>, vector<16xi32>], vector<16xf32>,
      %mul3A_716 = arith.mulf %gather3A_708, %gather3A_709 : vector<16xf32>
      %mul3A_717 = arith.mulf %mul3A_716, %gather3A_715 : vector<16xf32>
      %add3A_718 = arith.addf %add3A_700, %mul3A_717 : vector<16xf32>
      %broadcast_in_dim3A_719 = arith.constant 27 : i32
      %broadcast_in_dim3A_720 = vector.broadcast %broadcast_in_dim3A_719 : i32 to vector<16xi32>
      %gather3A_721 = arith.constant 0 : i32
      %gather3A_722 = arith.constant 0 : i32
      %gather3A_723 = arith.constant 0 : i32
      %gather3A_724 = tpu.memref_slice %arg11[%gather3A_721, %gather3A_722, %gather3A_723] : memref<2x128x128xf32, #tpu.memory_space<vmem>> -> memref<1x128x128xf32, #tpu.memory_space<vmem>>
      %gather3A_725 = tpu.memref_squeeze %gather3A_724 : memref<1x128x128xf32, #tpu.memory_space<vmem>> -> memref<128x128xf32, #tpu.memory_space<vmem>>
      %gather3A_726 = tpu.vector_load_idx %gather3A_725[%add3A_226, %broadcast_in_dim3A_720] : memref<128x128xf32, #tpu.memory_space<vmem>>[vector<16xi32>, vector<16xi32>], vector<16xf32>,
      %gather3A_727 = tpu.vector_load_idx %arg13[%get3A_232, %broadcast_in_dim3A_720] : memref<1000x32xf32, #tpu.memory_space<vmem>>[vector<16xi32>, vector<16xi32>], vector<16xf32>,
      %gather3A_728 = arith.constant 0 : i32
      %gather3A_729 = arith.constant 0 : i32
      %gather3A_730 = arith.constant 0 : i32
      %gather3A_731 = tpu.memref_slice %arg12[%gather3A_728, %gather3A_729, %gather3A_730] : memref<2x128x128xf32, #tpu.memory_space<vmem>> -> memref<1x128x128xf32, #tpu.memory_space<vmem>>
      %gather3A_732 = tpu.memref_squeeze %gather3A_731 : memref<1x128x128xf32, #tpu.memory_space<vmem>> -> memref<128x128xf32, #tpu.memory_space<vmem>>
      %gather3A_733 = tpu.vector_load_idx %gather3A_732[%add3A_226, %broadcast_in_dim3A_720] : memref<128x128xf32, #tpu.memory_space<vmem>>[vector<16xi32>, vector<16xi32>], vector<16xf32>,
      %mul3A_734 = arith.mulf %gather3A_726, %gather3A_727 : vector<16xf32>
      %mul3A_735 = arith.mulf %mul3A_734, %gather3A_733 : vector<16xf32>
      %add3A_736 = arith.addf %add3A_718, %mul3A_735 : vector<16xf32>
      %broadcast_in_dim3A_737 = arith.constant 28 : i32
      %broadcast_in_dim3A_738 = vector.broadcast %broadcast_in_dim3A_737 : i32 to vector<16xi32>
      %gather3A_739 = arith.constant 0 : i32
      %gather3A_740 = arith.constant 0 : i32
      %gather3A_741 = arith.constant 0 : i32
      %gather3A_742 = tpu.memref_slice %arg11[%gather3A_739, %gather3A_740, %gather3A_741] : memref<2x128x128xf32, #tpu.memory_space<vmem>> -> memref<1x128x128xf32, #tpu.memory_space<vmem>>
      %gather3A_743 = tpu.memref_squeeze %gather3A_742 : memref<1x128x128xf32, #tpu.memory_space<vmem>> -> memref<128x128xf32, #tpu.memory_space<vmem>>
      %gather3A_744 = tpu.vector_load_idx %gather3A_743[%add3A_226, %broadcast_in_dim3A_738] : memref<128x128xf32, #tpu.memory_space<vmem>>[vector<16xi32>, vector<16xi32>], vector<16xf32>,
      %gather3A_745 = tpu.vector_load_idx %arg13[%get3A_232, %broadcast_in_dim3A_738] : memref<1000x32xf32, #tpu.memory_space<vmem>>[vector<16xi32>, vector<16xi32>], vector<16xf32>,
      %gather3A_746 = arith.constant 0 : i32
      %gather3A_747 = arith.constant 0 : i32
      %gather3A_748 = arith.constant 0 : i32
      %gather3A_749 = tpu.memref_slice %arg12[%gather3A_746, %gather3A_747, %gather3A_748] : memref<2x128x128xf32, #tpu.memory_space<vmem>> -> memref<1x128x128xf32, #tpu.memory_space<vmem>>
      %gather3A_750 = tpu.memref_squeeze %gather3A_749 : memref<1x128x128xf32, #tpu.memory_space<vmem>> -> memref<128x128xf32, #tpu.memory_space<vmem>>
      %gather3A_751 = tpu.vector_load_idx %gather3A_750[%add3A_226, %broadcast_in_dim3A_738] : memref<128x128xf32, #tpu.memory_space<vmem>>[vector<16xi32>, vector<16xi32>], vector<16xf32>,
      %mul3A_752 = arith.mulf %gather3A_744, %gather3A_745 : vector<16xf32>
      %mul3A_753 = arith.mulf %mul3A_752, %gather3A_751 : vector<16xf32>
      %add3A_754 = arith.addf %add3A_736, %mul3A_753 : vector<16xf32>
      %broadcast_in_dim3A_755 = arith.constant 29 : i32
      %broadcast_in_dim3A_756 = vector.broadcast %broadcast_in_dim3A_755 : i32 to vector<16xi32>
      %gather3A_757 = arith.constant 0 : i32
      %gather3A_758 = arith.constant 0 : i32
      %gather3A_759 = arith.constant 0 : i32
      %gather3A_760 = tpu.memref_slice %arg11[%gather3A_757, %gather3A_758, %gather3A_759] : memref<2x128x128xf32, #tpu.memory_space<vmem>> -> memref<1x128x128xf32, #tpu.memory_space<vmem>>
      %gather3A_761 = tpu.memref_squeeze %gather3A_760 : memref<1x128x128xf32, #tpu.memory_space<vmem>> -> memref<128x128xf32, #tpu.memory_space<vmem>>
      %gather3A_762 = tpu.vector_load_idx %gather3A_761[%add3A_226, %broadcast_in_dim3A_756] : memref<128x128xf32, #tpu.memory_space<vmem>>[vector<16xi32>, vector<16xi32>], vector<16xf32>,
      %gather3A_763 = tpu.vector_load_idx %arg13[%get3A_232, %broadcast_in_dim3A_756] : memref<1000x32xf32, #tpu.memory_space<vmem>>[vector<16xi32>, vector<16xi32>], vector<16xf32>,
      %gather3A_764 = arith.constant 0 : i32
      %gather3A_765 = arith.constant 0 : i32
      %gather3A_766 = arith.constant 0 : i32
      %gather3A_767 = tpu.memref_slice %arg12[%gather3A_764, %gather3A_765, %gather3A_766] : memref<2x128x128xf32, #tpu.memory_space<vmem>> -> memref<1x128x128xf32, #tpu.memory_space<vmem>>
      %gather3A_768 = tpu.memref_squeeze %gather3A_767 : memref<1x128x128xf32, #tpu.memory_space<vmem>> -> memref<128x128xf32, #tpu.memory_space<vmem>>
      %gather3A_769 = tpu.vector_load_idx %gather3A_768[%add3A_226, %broadcast_in_dim3A_756] : memref<128x128xf32, #tpu.memory_space<vmem>>[vector<16xi32>, vector<16xi32>], vector<16xf32>,
      %mul3A_770 = arith.mulf %gather3A_762, %gather3A_763 : vector<16xf32>
      %mul3A_771 = arith.mulf %mul3A_770, %gather3A_769 : vector<16xf32>
      %add3A_772 = arith.addf %add3A_754, %mul3A_771 : vector<16xf32>
      %broadcast_in_dim3A_773 = arith.constant 30 : i32
      %broadcast_in_dim3A_774 = vector.broadcast %broadcast_in_dim3A_773 : i32 to vector<16xi32>
      %gather3A_775 = arith.constant 0 : i32
      %gather3A_776 = arith.constant 0 : i32
      %gather3A_777 = arith.constant 0 : i32
      %gather3A_778 = tpu.memref_slice %arg11[%gather3A_775, %gather3A_776, %gather3A_777] : memref<2x128x128xf32, #tpu.memory_space<vmem>> -> memref<1x128x128xf32, #tpu.memory_space<vmem>>
      %gather3A_779 = tpu.memref_squeeze %gather3A_778 : memref<1x128x128xf32, #tpu.memory_space<vmem>> -> memref<128x128xf32, #tpu.memory_space<vmem>>
      %gather3A_780 = tpu.vector_load_idx %gather3A_779[%add3A_226, %broadcast_in_dim3A_774] : memref<128x128xf32, #tpu.memory_space<vmem>>[vector<16xi32>, vector<16xi32>], vector<16xf32>,
      %gather3A_781 = tpu.vector_load_idx %arg13[%get3A_232, %broadcast_in_dim3A_774] : memref<1000x32xf32, #tpu.memory_space<vmem>>[vector<16xi32>, vector<16xi32>], vector<16xf32>,
      %gather3A_782 = arith.constant 0 : i32
      %gather3A_783 = arith.constant 0 : i32
      %gather3A_784 = arith.constant 0 : i32
      %gather3A_785 = tpu.memref_slice %arg12[%gather3A_782, %gather3A_783, %gather3A_784] : memref<2x128x128xf32, #tpu.memory_space<vmem>> -> memref<1x128x128xf32, #tpu.memory_space<vmem>>
      %gather3A_786 = tpu.memref_squeeze %gather3A_785 : memref<1x128x128xf32, #tpu.memory_space<vmem>> -> memref<128x128xf32, #tpu.memory_space<vmem>>
      %gather3A_787 = tpu.vector_load_idx %gather3A_786[%add3A_226, %broadcast_in_dim3A_774] : memref<128x128xf32, #tpu.memory_space<vmem>>[vector<16xi32>, vector<16xi32>], vector<16xf32>,
      %mul3A_788 = arith.mulf %gather3A_780, %gather3A_781 : vector<16xf32>
      %mul3A_789 = arith.mulf %mul3A_788, %gather3A_787 : vector<16xf32>
      %add3A_790 = arith.addf %add3A_772, %mul3A_789 : vector<16xf32>
      %broadcast_in_dim3A_791 = arith.constant 31 : i32
      %broadcast_in_dim3A_792 = vector.broadcast %broadcast_in_dim3A_791 : i32 to vector<16xi32>
      %gather3A_793 = arith.constant 0 : i32
      %gather3A_794 = arith.constant 0 : i32
      %gather3A_795 = arith.constant 0 : i32
      %gather3A_796 = tpu.memref_slice %arg11[%gather3A_793, %gather3A_794, %gather3A_795] : memref<2x128x128xf32, #tpu.memory_space<vmem>> -> memref<1x128x128xf32, #tpu.memory_space<vmem>>
      %gather3A_797 = tpu.memref_squeeze %gather3A_796 : memref<1x128x128xf32, #tpu.memory_space<vmem>> -> memref<128x128xf32, #tpu.memory_space<vmem>>
      %gather3A_798 = tpu.vector_load_idx %gather3A_797[%add3A_226, %broadcast_in_dim3A_792] : memref<128x128xf32, #tpu.memory_space<vmem>>[vector<16xi32>, vector<16xi32>], vector<16xf32>,
      %gather3A_799 = tpu.vector_load_idx %arg13[%get3A_232, %broadcast_in_dim3A_792] : memref<1000x32xf32, #tpu.memory_space<vmem>>[vector<16xi32>, vector<16xi32>], vector<16xf32>,
      %gather3A_800 = arith.constant 0 : i32
      %gather3A_801 = arith.constant 0 : i32
      %gather3A_802 = arith.constant 0 : i32
      %gather3A_803 = tpu.memref_slice %arg12[%gather3A_800, %gather3A_801, %gather3A_802] : memref<2x128x128xf32, #tpu.memory_space<vmem>> -> memref<1x128x128xf32, #tpu.memory_space<vmem>>
      %gather3A_804 = tpu.memref_squeeze %gather3A_803 : memref<1x128x128xf32, #tpu.memory_space<vmem>> -> memref<128x128xf32, #tpu.memory_space<vmem>>
      %gather3A_805 = tpu.vector_load_idx %gather3A_804[%add3A_226, %broadcast_in_dim3A_792] : memref<128x128xf32, #tpu.memory_space<vmem>>[vector<16xi32>, vector<16xi32>], vector<16xf32>,
      %mul3A_806 = arith.mulf %gather3A_798, %gather3A_799 : vector<16xf32>
      %mul3A_807 = arith.mulf %mul3A_806, %gather3A_805 : vector<16xf32>
      %add3A_808 = arith.addf %add3A_790, %mul3A_807 : vector<16xf32>
      %neg3A = arith.constant 0.000000e+00 : f32
      %neg3A_809 = vector.broadcast %neg3A : f32 to vector<16xf32>
      %neg3A_810 = arith.subf %neg3A_809, %add3A_808 : vector<16xf32>
      %exp3A = math.exp %neg3A_810 : vector<16xf32>
      %add3A_811 = arith.constant 1.000000e+00 : f32
      %add3A_812 = vector.broadcast %add3A_811 : f32 to vector<16xf32>
      %add3A_813 = arith.addf %add3A_812, %exp3A : vector<16xf32>
      %div3A = arith.constant 1.000000e+00 : f32
      %div3A_814 = vector.broadcast %div3A : f32 to vector<16xf32>
      %div3A_815 = arith.divf %div3A_814, %add3A_813 : vector<16xf32>
      %mul3A_816 = arith.constant 16 : i32
      %mul3A_817 = arith.muli %scan3A_222, %mul3A_816 : i32
      %add3A_818 = arith.constant 0 : i32
      %add3A_819 = arith.addi %add3A_818, %mul3A_817 : i32
      %swap3A = arith.index_cast %add3A_819 : i32 to index
      %swap3A_820 = tpu.vector_load %arg14[%swap3A] {strides = array<i32>} : memref<512xf32, #tpu.memory_space<vmem>>, vector<16xf32>,
      tpu.vector_store %arg14[%swap3A], %div3A_815 {strides = array<i32>} : memref<512xf32, #tpu.memory_space<vmem>>, vector<16xf32>,
    }
    %scan3A_78 = arith.constant 8 : i32
    %dma_wait3A_79 = arith.constant 1 : i32
    %dma_wait3A_80 = arith.constant 1 : i32
    %dma_wait3A_81 = arith.constant 0 : i32
    %dma_wait3A_82 = arith.constant 0 : i32
    %dma_wait3A_83 = tpu.memref_slice %arg11[%dma_wait3A_80, %dma_wait3A_81, %dma_wait3A_82] : memref<2x128x128xf32, #tpu.memory_space<vmem>> -> memref<1x128x128xf32, #tpu.memory_space<vmem>>
    %dma_wait3A_84 = tpu.memref_squeeze %dma_wait3A_83 : memref<1x128x128xf32, #tpu.memory_space<vmem>> -> memref<128x128xf32, #tpu.memory_space<vmem>>
    %dma_wait3A_85 = arith.constant 0 : i32
    %dma_wait3A_86 = tpu.memref_slice %arg8[%dma_wait3A_79, %dma_wait3A_85] : memref<4x128xi32, #tpu.memory_space<vmem>> -> memref<1x128xi32, #tpu.memory_space<vmem>>
    %dma_wait3A_87 = tpu.memref_squeeze %dma_wait3A_86 : memref<1x128xi32, #tpu.memory_space<vmem>> -> memref<128xi32, #tpu.memory_space<vmem>>
    %dma_wait3A_88 = arith.constant 0 : i32
    %dma_wait3A_89 = arith.constant 0 : i32
    %dma_wait3A_90 = tpu.memref_slice %arg2[%dma_wait3A_88, %dma_wait3A_89] : memref<1000000x128xf32, #tpu.memory_space<hbm>> -> memref<1000000x128xf32, #tpu.memory_space<hbm>>
    tpu.wait_indirect_dma semaphore(%arg15 : memref<!tpu.dma_semaphore, #tpu.memory_space<semaphore_mem>>) src(%dma_wait3A_90 : memref<1000000x128xf32, #tpu.memory_space<hbm>>) dst(%dma_wait3A_84 : memref<128x128xf32, #tpu.memory_space<vmem>>)
    %dma_wait3A_91 = arith.constant 1 : i32
    %dma_wait3A_92 = arith.constant 1 : i32
    %dma_wait3A_93 = arith.constant 0 : i32
    %dma_wait3A_94 = arith.constant 0 : i32
    %dma_wait3A_95 = tpu.memref_slice %arg12[%dma_wait3A_92, %dma_wait3A_93, %dma_wait3A_94] : memref<2x128x128xf32, #tpu.memory_space<vmem>> -> memref<1x128x128xf32, #tpu.memory_space<vmem>>
    %dma_wait3A_96 = tpu.memref_squeeze %dma_wait3A_95 : memref<1x128x128xf32, #tpu.memory_space<vmem>> -> memref<128x128xf32, #tpu.memory_space<vmem>>
    %dma_wait3A_97 = arith.constant 0 : i32
    %dma_wait3A_98 = tpu.memref_slice %arg10[%dma_wait3A_91, %dma_wait3A_97] : memref<4x128xi32, #tpu.memory_space<vmem>> -> memref<1x128xi32, #tpu.memory_space<vmem>>
    %dma_wait3A_99 = tpu.memref_squeeze %dma_wait3A_98 : memref<1x128xi32, #tpu.memory_space<vmem>> -> memref<128xi32, #tpu.memory_space<vmem>>
    %dma_wait3A_100 = arith.constant 0 : i32
    %dma_wait3A_101 = arith.constant 0 : i32
    %dma_wait3A_102 = tpu.memref_slice %arg2[%dma_wait3A_100, %dma_wait3A_101] : memref<1000000x128xf32, #tpu.memory_space<hbm>> -> memref<1000000x128xf32, #tpu.memory_space<hbm>>
    tpu.wait_indirect_dma semaphore(%arg15 : memref<!tpu.dma_semaphore, #tpu.memory_space<semaphore_mem>>) src(%dma_wait3A_102 : memref<1000000x128xf32, #tpu.memory_space<hbm>>) dst(%dma_wait3A_96 : memref<128x128xf32, #tpu.memory_space<vmem>>)
    %dma_start3A_103 = arith.constant 2 : i32
    %dma_start3A_104 = arith.constant 0 : i32
    %dma_start3A_105 = arith.constant 0 : i32
    %dma_start3A_106 = arith.constant 0 : i32
    %dma_start3A_107 = tpu.memref_slice %arg11[%dma_start3A_104, %dma_start3A_105, %dma_start3A_106] : memref<2x128x128xf32, #tpu.memory_space<vmem>> -> memref<1x128x128xf32, #tpu.memory_space<vmem>>
    %dma_start3A_108 = tpu.memref_squeeze %dma_start3A_107 : memref<1x128x128xf32, #tpu.memory_space<vmem>> -> memref<128x128xf32, #tpu.memory_space<vmem>>
    %dma_start3A_109 = arith.constant 0 : i32
    %dma_start3A_110 = tpu.memref_slice %arg8[%dma_start3A_103, %dma_start3A_109] : memref<4x128xi32, #tpu.memory_space<vmem>> -> memref<1x128xi32, #tpu.memory_space<vmem>>
    %dma_start3A_111 = tpu.memref_squeeze %dma_start3A_110 : memref<1x128xi32, #tpu.memory_space<vmem>> -> memref<128xi32, #tpu.memory_space<vmem>>
    %dma_start3A_112 = arith.constant 0 : i32
    %dma_start3A_113 = arith.constant 0 : i32
    %dma_start3A_114 = tpu.memref_slice %arg2[%dma_start3A_112, %dma_start3A_113] : memref<1000000x128xf32, #tpu.memory_space<hbm>> -> memref<1000000x128xf32, #tpu.memory_space<hbm>>
    tpu.enqueue_indirect_dma source(%dma_start3A_114 : memref<1000000x128xf32, #tpu.memory_space<hbm>>) target(%dma_start3A_108 : memref<128x128xf32, #tpu.memory_space<vmem>>) offsets(%dma_start3A_111 : memref<128xi32, #tpu.memory_space<vmem>>) semaphore(%arg15 : memref<!tpu.dma_semaphore, #tpu.memory_space<semaphore_mem>>)
    %dma_start3A_115 = arith.constant 2 : i32
    %dma_start3A_116 = arith.constant 0 : i32
    %dma_start3A_117 = arith.constant 0 : i32
    %dma_start3A_118 = arith.constant 0 : i32
    %dma_start3A_119 = tpu.memref_slice %arg12[%dma_start3A_116, %dma_start3A_117, %dma_start3A_118] : memref<2x128x128xf32, #tpu.memory_space<vmem>> -> memref<1x128x128xf32, #tpu.memory_space<vmem>>
    %dma_start3A_120 = tpu.memref_squeeze %dma_start3A_119 : memref<1x128x128xf32, #tpu.memory_space<vmem>> -> memref<128x128xf32, #tpu.memory_space<vmem>>
    %dma_start3A_121 = arith.constant 0 : i32
    %dma_start3A_122 = tpu.memref_slice %arg10[%dma_start3A_115, %dma_start3A_121] : memref<4x128xi32, #tpu.memory_space<vmem>> -> memref<1x128xi32, #tpu.memory_space<vmem>>
    %dma_start3A_123 = tpu.memref_squeeze %dma_start3A_122 : memref<1x128xi32, #tpu.memory_space<vmem>> -> memref<128xi32, #tpu.memory_space<vmem>>
    %dma_start3A_124 = arith.constant 0 : i32
    %dma_start3A_125 = arith.constant 0 : i32
    %dma_start3A_126 = tpu.memref_slice %arg2[%dma_start3A_124, %dma_start3A_125] : memref<1000000x128xf32, #tpu.memory_space<hbm>> -> memref<1000000x128xf32, #tpu.memory_space<hbm>>
    tpu.enqueue_indirect_dma source(%dma_start3A_126 : memref<1000000x128xf32, #tpu.memory_space<hbm>>) target(%dma_start3A_120 : memref<128x128xf32, #tpu.memory_space<vmem>>) offsets(%dma_start3A_123 : memref<128xi32, #tpu.memory_space<vmem>>) semaphore(%arg15 : memref<!tpu.dma_semaphore, #tpu.memory_space<semaphore_mem>>)
    %scan3A_127 = arith.constant 0 : i32
    %scan3A_128 = arith.constant 1 : i32
    %scan3A_129 = arith.constant 0 : i32
    %scan3A_130 = arith.constant 8 : i32
    %scan3A_131 = arith.addi %scan3A_129, %scan3A_130 : i32
    %scan3A_132 = arith.constant 1 : i32
    scf.for %scan3A_222 = %scan3A_129 to %scan3A_131 step %scan3A_132  : i32 {
      %mul3A_223 = arith.constant 16 : i32
      %mul3A_224 = arith.muli %scan3A_222, %mul3A_223 : i32
      %iota3A = tpu.iota {dimensions = array<i32: 0>} : vector<16xi32>
      %add3A_225 = vector.broadcast %mul3A_224 : i32 to vector<16xi32>
      %add3A_226 = arith.addi %add3A_225, %iota3A : vector<16xi32>
      %mul3A_227 = arith.constant 16 : i32
      %mul3A_228 = arith.muli %scan3A_222, %mul3A_227 : i32
      %get3A = arith.constant 0 : i32
      %get3A_229 = tpu.memref_slice %arg9[%scan3A_128, %get3A] : memref<4x128xi32, #tpu.memory_space<vmem>> -> memref<1x128xi32, #tpu.memory_space<vmem>>
      %get3A_230 = tpu.memref_squeeze %get3A_229 : memref<1x128xi32, #tpu.memory_space<vmem>> -> memref<128xi32, #tpu.memory_space<vmem>>
      %get3A_231 = arith.index_cast %mul3A_228 : i32 to index
      %get3A_232 = tpu.vector_load %get3A_230[%get3A_231] {strides = array<i32>} : memref<128xi32, #tpu.memory_space<vmem>>, vector<16xi32>,
      %broadcast_in_dim3A = arith.constant 0.000000e+00 : f32
      %broadcast_in_dim3A_233 = vector.broadcast %broadcast_in_dim3A : f32 to vector<16xf32>
      %broadcast_in_dim3A_234 = arith.constant 0 : i32
      %broadcast_in_dim3A_235 = vector.broadcast %broadcast_in_dim3A_234 : i32 to vector<16xi32>
      %gather3A = arith.constant 1 : i32
      %gather3A_236 = arith.constant 0 : i32
      %gather3A_237 = arith.constant 0 : i32
      %gather3A_238 = tpu.memref_slice %arg11[%gather3A, %gather3A_236, %gather3A_237] : memref<2x128x128xf32, #tpu.memory_space<vmem>> -> memref<1x128x128xf32, #tpu.memory_space<vmem>>
      %gather3A_239 = tpu.memref_squeeze %gather3A_238 : memref<1x128x128xf32, #tpu.memory_space<vmem>> -> memref<128x128xf32, #tpu.memory_space<vmem>>
      %gather3A_240 = tpu.vector_load_idx %gather3A_239[%add3A_226, %broadcast_in_dim3A_235] : memref<128x128xf32, #tpu.memory_space<vmem>>[vector<16xi32>, vector<16xi32>], vector<16xf32>,
      %gather3A_241 = tpu.vector_load_idx %arg13[%get3A_232, %broadcast_in_dim3A_235] : memref<1000x32xf32, #tpu.memory_space<vmem>>[vector<16xi32>, vector<16xi32>], vector<16xf32>,
      %gather3A_242 = arith.constant 1 : i32
      %gather3A_243 = arith.constant 0 : i32
      %gather3A_244 = arith.constant 0 : i32
      %gather3A_245 = tpu.memref_slice %arg12[%gather3A_242, %gather3A_243, %gather3A_244] : memref<2x128x128xf32, #tpu.memory_space<vmem>> -> memref<1x128x128xf32, #tpu.memory_space<vmem>>
      %gather3A_246 = tpu.memref_squeeze %gather3A_245 : memref<1x128x128xf32, #tpu.memory_space<vmem>> -> memref<128x128xf32, #tpu.memory_space<vmem>>
      %gather3A_247 = tpu.vector_load_idx %gather3A_246[%add3A_226, %broadcast_in_dim3A_235] : memref<128x128xf32, #tpu.memory_space<vmem>>[vector<16xi32>, vector<16xi32>], vector<16xf32>,
      %mul3A_248 = arith.mulf %gather3A_240, %gather3A_241 : vector<16xf32>
      %mul3A_249 = arith.mulf %mul3A_248, %gather3A_247 : vector<16xf32>
      %add3A_250 = arith.addf %broadcast_in_dim3A_233, %mul3A_249 : vector<16xf32>
      %broadcast_in_dim3A_251 = arith.constant 1 : i32
      %broadcast_in_dim3A_252 = vector.broadcast %broadcast_in_dim3A_251 : i32 to vector<16xi32>
      %gather3A_253 = arith.constant 1 : i32
      %gather3A_254 = arith.constant 0 : i32
      %gather3A_255 = arith.constant 0 : i32
      %gather3A_256 = tpu.memref_slice %arg11[%gather3A_253, %gather3A_254, %gather3A_255] : memref<2x128x128xf32, #tpu.memory_space<vmem>> -> memref<1x128x128xf32, #tpu.memory_space<vmem>>
      %gather3A_257 = tpu.memref_squeeze %gather3A_256 : memref<1x128x128xf32, #tpu.memory_space<vmem>> -> memref<128x128xf32, #tpu.memory_space<vmem>>
      %gather3A_258 = tpu.vector_load_idx %gather3A_257[%add3A_226, %broadcast_in_dim3A_252] : memref<128x128xf32, #tpu.memory_space<vmem>>[vector<16xi32>, vector<16xi32>], vector<16xf32>,
      %gather3A_259 = tpu.vector_load_idx %arg13[%get3A_232, %broadcast_in_dim3A_252] : memref<1000x32xf32, #tpu.memory_space<vmem>>[vector<16xi32>, vector<16xi32>], vector<16xf32>,
      %gather3A_260 = arith.constant 1 : i32
      %gather3A_261 = arith.constant 0 : i32
      %gather3A_262 = arith.constant 0 : i32
      %gather3A_263 = tpu.memref_slice %arg12[%gather3A_260, %gather3A_261, %gather3A_262] : memref<2x128x128xf32, #tpu.memory_space<vmem>> -> memref<1x128x128xf32, #tpu.memory_space<vmem>>
      %gather3A_264 = tpu.memref_squeeze %gather3A_263 : memref<1x128x128xf32, #tpu.memory_space<vmem>> -> memref<128x128xf32, #tpu.memory_space<vmem>>
      %gather3A_265 = tpu.vector_load_idx %gather3A_264[%add3A_226, %broadcast_in_dim3A_252] : memref<128x128xf32, #tpu.memory_space<vmem>>[vector<16xi32>, vector<16xi32>], vector<16xf32>,
      %mul3A_266 = arith.mulf %gather3A_258, %gather3A_259 : vector<16xf32>
      %mul3A_267 = arith.mulf %mul3A_266, %gather3A_265 : vector<16xf32>
      %add3A_268 = arith.addf %add3A_250, %mul3A_267 : vector<16xf32>
      %broadcast_in_dim3A_269 = arith.constant 2 : i32
      %broadcast_in_dim3A_270 = vector.broadcast %broadcast_in_dim3A_269 : i32 to vector<16xi32>
      %gather3A_271 = arith.constant 1 : i32
      %gather3A_272 = arith.constant 0 : i32
      %gather3A_273 = arith.constant 0 : i32
      %gather3A_274 = tpu.memref_slice %arg11[%gather3A_271, %gather3A_272, %gather3A_273] : memref<2x128x128xf32, #tpu.memory_space<vmem>> -> memref<1x128x128xf32, #tpu.memory_space<vmem>>
      %gather3A_275 = tpu.memref_squeeze %gather3A_274 : memref<1x128x128xf32, #tpu.memory_space<vmem>> -> memref<128x128xf32, #tpu.memory_space<vmem>>
      %gather3A_276 = tpu.vector_load_idx %gather3A_275[%add3A_226, %broadcast_in_dim3A_270] : memref<128x128xf32, #tpu.memory_space<vmem>>[vector<16xi32>, vector<16xi32>], vector<16xf32>,
      %gather3A_277 = tpu.vector_load_idx %arg13[%get3A_232, %broadcast_in_dim3A_270] : memref<1000x32xf32, #tpu.memory_space<vmem>>[vector<16xi32>, vector<16xi32>], vector<16xf32>,
      %gather3A_278 = arith.constant 1 : i32
      %gather3A_279 = arith.constant 0 : i32
      %gather3A_280 = arith.constant 0 : i32
      %gather3A_281 = tpu.memref_slice %arg12[%gather3A_278, %gather3A_279, %gather3A_280] : memref<2x128x128xf32, #tpu.memory_space<vmem>> -> memref<1x128x128xf32, #tpu.memory_space<vmem>>
      %gather3A_282 = tpu.memref_squeeze %gather3A_281 : memref<1x128x128xf32, #tpu.memory_space<vmem>> -> memref<128x128xf32, #tpu.memory_space<vmem>>
      %gather3A_283 = tpu.vector_load_idx %gather3A_282[%add3A_226, %broadcast_in_dim3A_270] : memref<128x128xf32, #tpu.memory_space<vmem>>[vector<16xi32>, vector<16xi32>], vector<16xf32>,
      %mul3A_284 = arith.mulf %gather3A_276, %gather3A_277 : vector<16xf32>
      %mul3A_285 = arith.mulf %mul3A_284, %gather3A_283 : vector<16xf32>
      %add3A_286 = arith.addf %add3A_268, %mul3A_285 : vector<16xf32>
      %broadcast_in_dim3A_287 = arith.constant 3 : i32
      %broadcast_in_dim3A_288 = vector.broadcast %broadcast_in_dim3A_287 : i32 to vector<16xi32>
      %gather3A_289 = arith.constant 1 : i32
      %gather3A_290 = arith.constant 0 : i32
      %gather3A_291 = arith.constant 0 : i32
      %gather3A_292 = tpu.memref_slice %arg11[%gather3A_289, %gather3A_290, %gather3A_291] : memref<2x128x128xf32, #tpu.memory_space<vmem>> -> memref<1x128x128xf32, #tpu.memory_space<vmem>>
      %gather3A_293 = tpu.memref_squeeze %gather3A_292 : memref<1x128x128xf32, #tpu.memory_space<vmem>> -> memref<128x128xf32, #tpu.memory_space<vmem>>
      %gather3A_294 = tpu.vector_load_idx %gather3A_293[%add3A_226, %broadcast_in_dim3A_288] : memref<128x128xf32, #tpu.memory_space<vmem>>[vector<16xi32>, vector<16xi32>], vector<16xf32>,
      %gather3A_295 = tpu.vector_load_idx %arg13[%get3A_232, %broadcast_in_dim3A_288] : memref<1000x32xf32, #tpu.memory_space<vmem>>[vector<16xi32>, vector<16xi32>], vector<16xf32>,
      %gather3A_296 = arith.constant 1 : i32
      %gather3A_297 = arith.constant 0 : i32
      %gather3A_298 = arith.constant 0 : i32
      %gather3A_299 = tpu.memref_slice %arg12[%gather3A_296, %gather3A_297, %gather3A_298] : memref<2x128x128xf32, #tpu.memory_space<vmem>> -> memref<1x128x128xf32, #tpu.memory_space<vmem>>
      %gather3A_300 = tpu.memref_squeeze %gather3A_299 : memref<1x128x128xf32, #tpu.memory_space<vmem>> -> memref<128x128xf32, #tpu.memory_space<vmem>>
      %gather3A_301 = tpu.vector_load_idx %gather3A_300[%add3A_226, %broadcast_in_dim3A_288] : memref<128x128xf32, #tpu.memory_space<vmem>>[vector<16xi32>, vector<16xi32>], vector<16xf32>,
      %mul3A_302 = arith.mulf %gather3A_294, %gather3A_295 : vector<16xf32>
      %mul3A_303 = arith.mulf %mul3A_302, %gather3A_301 : vector<16xf32>
      %add3A_304 = arith.addf %add3A_286, %mul3A_303 : vector<16xf32>
      %broadcast_in_dim3A_305 = arith.constant 4 : i32
      %broadcast_in_dim3A_306 = vector.broadcast %broadcast_in_dim3A_305 : i32 to vector<16xi32>
      %gather3A_307 = arith.constant 1 : i32
      %gather3A_308 = arith.constant 0 : i32
      %gather3A_309 = arith.constant 0 : i32
      %gather3A_310 = tpu.memref_slice %arg11[%gather3A_307, %gather3A_308, %gather3A_309] : memref<2x128x128xf32, #tpu.memory_space<vmem>> -> memref<1x128x128xf32, #tpu.memory_space<vmem>>
      %gather3A_311 = tpu.memref_squeeze %gather3A_310 : memref<1x128x128xf32, #tpu.memory_space<vmem>> -> memref<128x128xf32, #tpu.memory_space<vmem>>
      %gather3A_312 = tpu.vector_load_idx %gather3A_311[%add3A_226, %broadcast_in_dim3A_306] : memref<128x128xf32, #tpu.memory_space<vmem>>[vector<16xi32>, vector<16xi32>], vector<16xf32>,
      %gather3A_313 = tpu.vector_load_idx %arg13[%get3A_232, %broadcast_in_dim3A_306] : memref<1000x32xf32, #tpu.memory_space<vmem>>[vector<16xi32>, vector<16xi32>], vector<16xf32>,
      %gather3A_314 = arith.constant 1 : i32
      %gather3A_315 = arith.constant 0 : i32
      %gather3A_316 = arith.constant 0 : i32
      %gather3A_317 = tpu.memref_slice %arg12[%gather3A_314, %gather3A_315, %gather3A_316] : memref<2x128x128xf32, #tpu.memory_space<vmem>> -> memref<1x128x128xf32, #tpu.memory_space<vmem>>
      %gather3A_318 = tpu.memref_squeeze %gather3A_317 : memref<1x128x128xf32, #tpu.memory_space<vmem>> -> memref<128x128xf32, #tpu.memory_space<vmem>>
      %gather3A_319 = tpu.vector_load_idx %gather3A_318[%add3A_226, %broadcast_in_dim3A_306] : memref<128x128xf32, #tpu.memory_space<vmem>>[vector<16xi32>, vector<16xi32>], vector<16xf32>,
      %mul3A_320 = arith.mulf %gather3A_312, %gather3A_313 : vector<16xf32>
      %mul3A_321 = arith.mulf %mul3A_320, %gather3A_319 : vector<16xf32>
      %add3A_322 = arith.addf %add3A_304, %mul3A_321 : vector<16xf32>
      %broadcast_in_dim3A_323 = arith.constant 5 : i32
      %broadcast_in_dim3A_324 = vector.broadcast %broadcast_in_dim3A_323 : i32 to vector<16xi32>
      %gather3A_325 = arith.constant 1 : i32
      %gather3A_326 = arith.constant 0 : i32
      %gather3A_327 = arith.constant 0 : i32
      %gather3A_328 = tpu.memref_slice %arg11[%gather3A_325, %gather3A_326, %gather3A_327] : memref<2x128x128xf32, #tpu.memory_space<vmem>> -> memref<1x128x128xf32, #tpu.memory_space<vmem>>
      %gather3A_329 = tpu.memref_squeeze %gather3A_328 : memref<1x128x128xf32, #tpu.memory_space<vmem>> -> memref<128x128xf32, #tpu.memory_space<vmem>>
      %gather3A_330 = tpu.vector_load_idx %gather3A_329[%add3A_226, %broadcast_in_dim3A_324] : memref<128x128xf32, #tpu.memory_space<vmem>>[vector<16xi32>, vector<16xi32>], vector<16xf32>,
      %gather3A_331 = tpu.vector_load_idx %arg13[%get3A_232, %broadcast_in_dim3A_324] : memref<1000x32xf32, #tpu.memory_space<vmem>>[vector<16xi32>, vector<16xi32>], vector<16xf32>,
      %gather3A_332 = arith.constant 1 : i32
      %gather3A_333 = arith.constant 0 : i32
      %gather3A_334 = arith.constant 0 : i32
      %gather3A_335 = tpu.memref_slice %arg12[%gather3A_332, %gather3A_333, %gather3A_334] : memref<2x128x128xf32, #tpu.memory_space<vmem>> -> memref<1x128x128xf32, #tpu.memory_space<vmem>>
      %gather3A_336 = tpu.memref_squeeze %gather3A_335 : memref<1x128x128xf32, #tpu.memory_space<vmem>> -> memref<128x128xf32, #tpu.memory_space<vmem>>
      %gather3A_337 = tpu.vector_load_idx %gather3A_336[%add3A_226, %broadcast_in_dim3A_324] : memref<128x128xf32, #tpu.memory_space<vmem>>[vector<16xi32>, vector<16xi32>], vector<16xf32>,
      %mul3A_338 = arith.mulf %gather3A_330, %gather3A_331 : vector<16xf32>
      %mul3A_339 = arith.mulf %mul3A_338, %gather3A_337 : vector<16xf32>
      %add3A_340 = arith.addf %add3A_322, %mul3A_339 : vector<16xf32>
      %broadcast_in_dim3A_341 = arith.constant 6 : i32
      %broadcast_in_dim3A_342 = vector.broadcast %broadcast_in_dim3A_341 : i32 to vector<16xi32>
      %gather3A_343 = arith.constant 1 : i32
      %gather3A_344 = arith.constant 0 : i32
      %gather3A_345 = arith.constant 0 : i32
      %gather3A_346 = tpu.memref_slice %arg11[%gather3A_343, %gather3A_344, %gather3A_345] : memref<2x128x128xf32, #tpu.memory_space<vmem>> -> memref<1x128x128xf32, #tpu.memory_space<vmem>>
      %gather3A_347 = tpu.memref_squeeze %gather3A_346 : memref<1x128x128xf32, #tpu.memory_space<vmem>> -> memref<128x128xf32, #tpu.memory_space<vmem>>
      %gather3A_348 = tpu.vector_load_idx %gather3A_347[%add3A_226, %broadcast_in_dim3A_342] : memref<128x128xf32, #tpu.memory_space<vmem>>[vector<16xi32>, vector<16xi32>], vector<16xf32>,
      %gather3A_349 = tpu.vector_load_idx %arg13[%get3A_232, %broadcast_in_dim3A_342] : memref<1000x32xf32, #tpu.memory_space<vmem>>[vector<16xi32>, vector<16xi32>], vector<16xf32>,
      %gather3A_350 = arith.constant 1 : i32
      %gather3A_351 = arith.constant 0 : i32
      %gather3A_352 = arith.constant 0 : i32
      %gather3A_353 = tpu.memref_slice %arg12[%gather3A_350, %gather3A_351, %gather3A_352] : memref<2x128x128xf32, #tpu.memory_space<vmem>> -> memref<1x128x128xf32, #tpu.memory_space<vmem>>
      %gather3A_354 = tpu.memref_squeeze %gather3A_353 : memref<1x128x128xf32, #tpu.memory_space<vmem>> -> memref<128x128xf32, #tpu.memory_space<vmem>>
      %gather3A_355 = tpu.vector_load_idx %gather3A_354[%add3A_226, %broadcast_in_dim3A_342] : memref<128x128xf32, #tpu.memory_space<vmem>>[vector<16xi32>, vector<16xi32>], vector<16xf32>,
      %mul3A_356 = arith.mulf %gather3A_348, %gather3A_349 : vector<16xf32>
      %mul3A_357 = arith.mulf %mul3A_356, %gather3A_355 : vector<16xf32>
      %add3A_358 = arith.addf %add3A_340, %mul3A_357 : vector<16xf32>
      %broadcast_in_dim3A_359 = arith.constant 7 : i32
      %broadcast_in_dim3A_360 = vector.broadcast %broadcast_in_dim3A_359 : i32 to vector<16xi32>
      %gather3A_361 = arith.constant 1 : i32
      %gather3A_362 = arith.constant 0 : i32
      %gather3A_363 = arith.constant 0 : i32
      %gather3A_364 = tpu.memref_slice %arg11[%gather3A_361, %gather3A_362, %gather3A_363] : memref<2x128x128xf32, #tpu.memory_space<vmem>> -> memref<1x128x128xf32, #tpu.memory_space<vmem>>
      %gather3A_365 = tpu.memref_squeeze %gather3A_364 : memref<1x128x128xf32, #tpu.memory_space<vmem>> -> memref<128x128xf32, #tpu.memory_space<vmem>>
      %gather3A_366 = tpu.vector_load_idx %gather3A_365[%add3A_226, %broadcast_in_dim3A_360] : memref<128x128xf32, #tpu.memory_space<vmem>>[vector<16xi32>, vector<16xi32>], vector<16xf32>,
      %gather3A_367 = tpu.vector_load_idx %arg13[%get3A_232, %broadcast_in_dim3A_360] : memref<1000x32xf32, #tpu.memory_space<vmem>>[vector<16xi32>, vector<16xi32>], vector<16xf32>,
      %gather3A_368 = arith.constant 1 : i32
      %gather3A_369 = arith.constant 0 : i32
      %gather3A_370 = arith.constant 0 : i32
      %gather3A_371 = tpu.memref_slice %arg12[%gather3A_368, %gather3A_369, %gather3A_370] : memref<2x128x128xf32, #tpu.memory_space<vmem>> -> memref<1x128x128xf32, #tpu.memory_space<vmem>>
      %gather3A_372 = tpu.memref_squeeze %gather3A_371 : memref<1x128x128xf32, #tpu.memory_space<vmem>> -> memref<128x128xf32, #tpu.memory_space<vmem>>
      %gather3A_373 = tpu.vector_load_idx %gather3A_372[%add3A_226, %broadcast_in_dim3A_360] : memref<128x128xf32, #tpu.memory_space<vmem>>[vector<16xi32>, vector<16xi32>], vector<16xf32>,
      %mul3A_374 = arith.mulf %gather3A_366, %gather3A_367 : vector<16xf32>
      %mul3A_375 = arith.mulf %mul3A_374, %gather3A_373 : vector<16xf32>
      %add3A_376 = arith.addf %add3A_358, %mul3A_375 : vector<16xf32>
      %broadcast_in_dim3A_377 = arith.constant 8 : i32
      %broadcast_in_dim3A_378 = vector.broadcast %broadcast_in_dim3A_377 : i32 to vector<16xi32>
      %gather3A_379 = arith.constant 1 : i32
      %gather3A_380 = arith.constant 0 : i32
      %gather3A_381 = arith.constant 0 : i32
      %gather3A_382 = tpu.memref_slice %arg11[%gather3A_379, %gather3A_380, %gather3A_381] : memref<2x128x128xf32, #tpu.memory_space<vmem>> -> memref<1x128x128xf32, #tpu.memory_space<vmem>>
      %gather3A_383 = tpu.memref_squeeze %gather3A_382 : memref<1x128x128xf32, #tpu.memory_space<vmem>> -> memref<128x128xf32, #tpu.memory_space<vmem>>
      %gather3A_384 = tpu.vector_load_idx %gather3A_383[%add3A_226, %broadcast_in_dim3A_378] : memref<128x128xf32, #tpu.memory_space<vmem>>[vector<16xi32>, vector<16xi32>], vector<16xf32>,
      %gather3A_385 = tpu.vector_load_idx %arg13[%get3A_232, %broadcast_in_dim3A_378] : memref<1000x32xf32, #tpu.memory_space<vmem>>[vector<16xi32>, vector<16xi32>], vector<16xf32>,
      %gather3A_386 = arith.constant 1 : i32
      %gather3A_387 = arith.constant 0 : i32
      %gather3A_388 = arith.constant 0 : i32
      %gather3A_389 = tpu.memref_slice %arg12[%gather3A_386, %gather3A_387, %gather3A_388] : memref<2x128x128xf32, #tpu.memory_space<vmem>> -> memref<1x128x128xf32, #tpu.memory_space<vmem>>
      %gather3A_390 = tpu.memref_squeeze %gather3A_389 : memref<1x128x128xf32, #tpu.memory_space<vmem>> -> memref<128x128xf32, #tpu.memory_space<vmem>>
      %gather3A_391 = tpu.vector_load_idx %gather3A_390[%add3A_226, %broadcast_in_dim3A_378] : memref<128x128xf32, #tpu.memory_space<vmem>>[vector<16xi32>, vector<16xi32>], vector<16xf32>,
      %mul3A_392 = arith.mulf %gather3A_384, %gather3A_385 : vector<16xf32>
      %mul3A_393 = arith.mulf %mul3A_392, %gather3A_391 : vector<16xf32>
      %add3A_394 = arith.addf %add3A_376, %mul3A_393 : vector<16xf32>
      %broadcast_in_dim3A_395 = arith.constant 9 : i32
      %broadcast_in_dim3A_396 = vector.broadcast %broadcast_in_dim3A_395 : i32 to vector<16xi32>
      %gather3A_397 = arith.constant 1 : i32
      %gather3A_398 = arith.constant 0 : i32
      %gather3A_399 = arith.constant 0 : i32
      %gather3A_400 = tpu.memref_slice %arg11[%gather3A_397, %gather3A_398, %gather3A_399] : memref<2x128x128xf32, #tpu.memory_space<vmem>> -> memref<1x128x128xf32, #tpu.memory_space<vmem>>
      %gather3A_401 = tpu.memref_squeeze %gather3A_400 : memref<1x128x128xf32, #tpu.memory_space<vmem>> -> memref<128x128xf32, #tpu.memory_space<vmem>>
      %gather3A_402 = tpu.vector_load_idx %gather3A_401[%add3A_226, %broadcast_in_dim3A_396] : memref<128x128xf32, #tpu.memory_space<vmem>>[vector<16xi32>, vector<16xi32>], vector<16xf32>,
      %gather3A_403 = tpu.vector_load_idx %arg13[%get3A_232, %broadcast_in_dim3A_396] : memref<1000x32xf32, #tpu.memory_space<vmem>>[vector<16xi32>, vector<16xi32>], vector<16xf32>,
      %gather3A_404 = arith.constant 1 : i32
      %gather3A_405 = arith.constant 0 : i32
      %gather3A_406 = arith.constant 0 : i32
      %gather3A_407 = tpu.memref_slice %arg12[%gather3A_404, %gather3A_405, %gather3A_406] : memref<2x128x128xf32, #tpu.memory_space<vmem>> -> memref<1x128x128xf32, #tpu.memory_space<vmem>>
      %gather3A_408 = tpu.memref_squeeze %gather3A_407 : memref<1x128x128xf32, #tpu.memory_space<vmem>> -> memref<128x128xf32, #tpu.memory_space<vmem>>
      %gather3A_409 = tpu.vector_load_idx %gather3A_408[%add3A_226, %broadcast_in_dim3A_396] : memref<128x128xf32, #tpu.memory_space<vmem>>[vector<16xi32>, vector<16xi32>], vector<16xf32>,
      %mul3A_410 = arith.mulf %gather3A_402, %gather3A_403 : vector<16xf32>
      %mul3A_411 = arith.mulf %mul3A_410, %gather3A_409 : vector<16xf32>
      %add3A_412 = arith.addf %add3A_394, %mul3A_411 : vector<16xf32>
      %broadcast_in_dim3A_413 = arith.constant 10 : i32
      %broadcast_in_dim3A_414 = vector.broadcast %broadcast_in_dim3A_413 : i32 to vector<16xi32>
      %gather3A_415 = arith.constant 1 : i32
      %gather3A_416 = arith.constant 0 : i32
      %gather3A_417 = arith.constant 0 : i32
      %gather3A_418 = tpu.memref_slice %arg11[%gather3A_415, %gather3A_416, %gather3A_417] : memref<2x128x128xf32, #tpu.memory_space<vmem>> -> memref<1x128x128xf32, #tpu.memory_space<vmem>>
      %gather3A_419 = tpu.memref_squeeze %gather3A_418 : memref<1x128x128xf32, #tpu.memory_space<vmem>> -> memref<128x128xf32, #tpu.memory_space<vmem>>
      %gather3A_420 = tpu.vector_load_idx %gather3A_419[%add3A_226, %broadcast_in_dim3A_414] : memref<128x128xf32, #tpu.memory_space<vmem>>[vector<16xi32>, vector<16xi32>], vector<16xf32>,
      %gather3A_421 = tpu.vector_load_idx %arg13[%get3A_232, %broadcast_in_dim3A_414] : memref<1000x32xf32, #tpu.memory_space<vmem>>[vector<16xi32>, vector<16xi32>], vector<16xf32>,
      %gather3A_422 = arith.constant 1 : i32
      %gather3A_423 = arith.constant 0 : i32
      %gather3A_424 = arith.constant 0 : i32
      %gather3A_425 = tpu.memref_slice %arg12[%gather3A_422, %gather3A_423, %gather3A_424] : memref<2x128x128xf32, #tpu.memory_space<vmem>> -> memref<1x128x128xf32, #tpu.memory_space<vmem>>
      %gather3A_426 = tpu.memref_squeeze %gather3A_425 : memref<1x128x128xf32, #tpu.memory_space<vmem>> -> memref<128x128xf32, #tpu.memory_space<vmem>>
      %gather3A_427 = tpu.vector_load_idx %gather3A_426[%add3A_226, %broadcast_in_dim3A_414] : memref<128x128xf32, #tpu.memory_space<vmem>>[vector<16xi32>, vector<16xi32>], vector<16xf32>,
      %mul3A_428 = arith.mulf %gather3A_420, %gather3A_421 : vector<16xf32>
      %mul3A_429 = arith.mulf %mul3A_428, %gather3A_427 : vector<16xf32>
      %add3A_430 = arith.addf %add3A_412, %mul3A_429 : vector<16xf32>
      %broadcast_in_dim3A_431 = arith.constant 11 : i32
      %broadcast_in_dim3A_432 = vector.broadcast %broadcast_in_dim3A_431 : i32 to vector<16xi32>
      %gather3A_433 = arith.constant 1 : i32
      %gather3A_434 = arith.constant 0 : i32
      %gather3A_435 = arith.constant 0 : i32
      %gather3A_436 = tpu.memref_slice %arg11[%gather3A_433, %gather3A_434, %gather3A_435] : memref<2x128x128xf32, #tpu.memory_space<vmem>> -> memref<1x128x128xf32, #tpu.memory_space<vmem>>
      %gather3A_437 = tpu.memref_squeeze %gather3A_436 : memref<1x128x128xf32, #tpu.memory_space<vmem>> -> memref<128x128xf32, #tpu.memory_space<vmem>>
      %gather3A_438 = tpu.vector_load_idx %gather3A_437[%add3A_226, %broadcast_in_dim3A_432] : memref<128x128xf32, #tpu.memory_space<vmem>>[vector<16xi32>, vector<16xi32>], vector<16xf32>,
      %gather3A_439 = tpu.vector_load_idx %arg13[%get3A_232, %broadcast_in_dim3A_432] : memref<1000x32xf32, #tpu.memory_space<vmem>>[vector<16xi32>, vector<16xi32>], vector<16xf32>,
      %gather3A_440 = arith.constant 1 : i32
      %gather3A_441 = arith.constant 0 : i32
      %gather3A_442 = arith.constant 0 : i32
      %gather3A_443 = tpu.memref_slice %arg12[%gather3A_440, %gather3A_441, %gather3A_442] : memref<2x128x128xf32, #tpu.memory_space<vmem>> -> memref<1x128x128xf32, #tpu.memory_space<vmem>>
      %gather3A_444 = tpu.memref_squeeze %gather3A_443 : memref<1x128x128xf32, #tpu.memory_space<vmem>> -> memref<128x128xf32, #tpu.memory_space<vmem>>
      %gather3A_445 = tpu.vector_load_idx %gather3A_444[%add3A_226, %broadcast_in_dim3A_432] : memref<128x128xf32, #tpu.memory_space<vmem>>[vector<16xi32>, vector<16xi32>], vector<16xf32>,
      %mul3A_446 = arith.mulf %gather3A_438, %gather3A_439 : vector<16xf32>
      %mul3A_447 = arith.mulf %mul3A_446, %gather3A_445 : vector<16xf32>
      %add3A_448 = arith.addf %add3A_430, %mul3A_447 : vector<16xf32>
      %broadcast_in_dim3A_449 = arith.constant 12 : i32
      %broadcast_in_dim3A_450 = vector.broadcast %broadcast_in_dim3A_449 : i32 to vector<16xi32>
      %gather3A_451 = arith.constant 1 : i32
      %gather3A_452 = arith.constant 0 : i32
      %gather3A_453 = arith.constant 0 : i32
      %gather3A_454 = tpu.memref_slice %arg11[%gather3A_451, %gather3A_452, %gather3A_453] : memref<2x128x128xf32, #tpu.memory_space<vmem>> -> memref<1x128x128xf32, #tpu.memory_space<vmem>>
      %gather3A_455 = tpu.memref_squeeze %gather3A_454 : memref<1x128x128xf32, #tpu.memory_space<vmem>> -> memref<128x128xf32, #tpu.memory_space<vmem>>
      %gather3A_456 = tpu.vector_load_idx %gather3A_455[%add3A_226, %broadcast_in_dim3A_450] : memref<128x128xf32, #tpu.memory_space<vmem>>[vector<16xi32>, vector<16xi32>], vector<16xf32>,
      %gather3A_457 = tpu.vector_load_idx %arg13[%get3A_232, %broadcast_in_dim3A_450] : memref<1000x32xf32, #tpu.memory_space<vmem>>[vector<16xi32>, vector<16xi32>], vector<16xf32>,
      %gather3A_458 = arith.constant 1 : i32
      %gather3A_459 = arith.constant 0 : i32
      %gather3A_460 = arith.constant 0 : i32
      %gather3A_461 = tpu.memref_slice %arg12[%gather3A_458, %gather3A_459, %gather3A_460] : memref<2x128x128xf32, #tpu.memory_space<vmem>> -> memref<1x128x128xf32, #tpu.memory_space<vmem>>
      %gather3A_462 = tpu.memref_squeeze %gather3A_461 : memref<1x128x128xf32, #tpu.memory_space<vmem>> -> memref<128x128xf32, #tpu.memory_space<vmem>>
      %gather3A_463 = tpu.vector_load_idx %gather3A_462[%add3A_226, %broadcast_in_dim3A_450] : memref<128x128xf32, #tpu.memory_space<vmem>>[vector<16xi32>, vector<16xi32>], vector<16xf32>,
      %mul3A_464 = arith.mulf %gather3A_456, %gather3A_457 : vector<16xf32>
      %mul3A_465 = arith.mulf %mul3A_464, %gather3A_463 : vector<16xf32>
      %add3A_466 = arith.addf %add3A_448, %mul3A_465 : vector<16xf32>
      %broadcast_in_dim3A_467 = arith.constant 13 : i32
      %broadcast_in_dim3A_468 = vector.broadcast %broadcast_in_dim3A_467 : i32 to vector<16xi32>
      %gather3A_469 = arith.constant 1 : i32
      %gather3A_470 = arith.constant 0 : i32
      %gather3A_471 = arith.constant 0 : i32
      %gather3A_472 = tpu.memref_slice %arg11[%gather3A_469, %gather3A_470, %gather3A_471] : memref<2x128x128xf32, #tpu.memory_space<vmem>> -> memref<1x128x128xf32, #tpu.memory_space<vmem>>
      %gather3A_473 = tpu.memref_squeeze %gather3A_472 : memref<1x128x128xf32, #tpu.memory_space<vmem>> -> memref<128x128xf32, #tpu.memory_space<vmem>>
      %gather3A_474 = tpu.vector_load_idx %gather3A_473[%add3A_226, %broadcast_in_dim3A_468] : memref<128x128xf32, #tpu.memory_space<vmem>>[vector<16xi32>, vector<16xi32>], vector<16xf32>,
      %gather3A_475 = tpu.vector_load_idx %arg13[%get3A_232, %broadcast_in_dim3A_468] : memref<1000x32xf32, #tpu.memory_space<vmem>>[vector<16xi32>, vector<16xi32>], vector<16xf32>,
      %gather3A_476 = arith.constant 1 : i32
      %gather3A_477 = arith.constant 0 : i32
      %gather3A_478 = arith.constant 0 : i32
      %gather3A_479 = tpu.memref_slice %arg12[%gather3A_476, %gather3A_477, %gather3A_478] : memref<2x128x128xf32, #tpu.memory_space<vmem>> -> memref<1x128x128xf32, #tpu.memory_space<vmem>>
      %gather3A_480 = tpu.memref_squeeze %gather3A_479 : memref<1x128x128xf32, #tpu.memory_space<vmem>> -> memref<128x128xf32, #tpu.memory_space<vmem>>
      %gather3A_481 = tpu.vector_load_idx %gather3A_480[%add3A_226, %broadcast_in_dim3A_468] : memref<128x128xf32, #tpu.memory_space<vmem>>[vector<16xi32>, vector<16xi32>], vector<16xf32>,
      %mul3A_482 = arith.mulf %gather3A_474, %gather3A_475 : vector<16xf32>
      %mul3A_483 = arith.mulf %mul3A_482, %gather3A_481 : vector<16xf32>
      %add3A_484 = arith.addf %add3A_466, %mul3A_483 : vector<16xf32>
      %broadcast_in_dim3A_485 = arith.constant 14 : i32
      %broadcast_in_dim3A_486 = vector.broadcast %broadcast_in_dim3A_485 : i32 to vector<16xi32>
      %gather3A_487 = arith.constant 1 : i32
      %gather3A_488 = arith.constant 0 : i32
      %gather3A_489 = arith.constant 0 : i32
      %gather3A_490 = tpu.memref_slice %arg11[%gather3A_487, %gather3A_488, %gather3A_489] : memref<2x128x128xf32, #tpu.memory_space<vmem>> -> memref<1x128x128xf32, #tpu.memory_space<vmem>>
      %gather3A_491 = tpu.memref_squeeze %gather3A_490 : memref<1x128x128xf32, #tpu.memory_space<vmem>> -> memref<128x128xf32, #tpu.memory_space<vmem>>
      %gather3A_492 = tpu.vector_load_idx %gather3A_491[%add3A_226, %broadcast_in_dim3A_486] : memref<128x128xf32, #tpu.memory_space<vmem>>[vector<16xi32>, vector<16xi32>], vector<16xf32>,
      %gather3A_493 = tpu.vector_load_idx %arg13[%get3A_232, %broadcast_in_dim3A_486] : memref<1000x32xf32, #tpu.memory_space<vmem>>[vector<16xi32>, vector<16xi32>], vector<16xf32>,
      %gather3A_494 = arith.constant 1 : i32
      %gather3A_495 = arith.constant 0 : i32
      %gather3A_496 = arith.constant 0 : i32
      %gather3A_497 = tpu.memref_slice %arg12[%gather3A_494, %gather3A_495, %gather3A_496] : memref<2x128x128xf32, #tpu.memory_space<vmem>> -> memref<1x128x128xf32, #tpu.memory_space<vmem>>
      %gather3A_498 = tpu.memref_squeeze %gather3A_497 : memref<1x128x128xf32, #tpu.memory_space<vmem>> -> memref<128x128xf32, #tpu.memory_space<vmem>>
      %gather3A_499 = tpu.vector_load_idx %gather3A_498[%add3A_226, %broadcast_in_dim3A_486] : memref<128x128xf32, #tpu.memory_space<vmem>>[vector<16xi32>, vector<16xi32>], vector<16xf32>,
      %mul3A_500 = arith.mulf %gather3A_492, %gather3A_493 : vector<16xf32>
      %mul3A_501 = arith.mulf %mul3A_500, %gather3A_499 : vector<16xf32>
      %add3A_502 = arith.addf %add3A_484, %mul3A_501 : vector<16xf32>
      %broadcast_in_dim3A_503 = arith.constant 15 : i32
      %broadcast_in_dim3A_504 = vector.broadcast %broadcast_in_dim3A_503 : i32 to vector<16xi32>
      %gather3A_505 = arith.constant 1 : i32
      %gather3A_506 = arith.constant 0 : i32
      %gather3A_507 = arith.constant 0 : i32
      %gather3A_508 = tpu.memref_slice %arg11[%gather3A_505, %gather3A_506, %gather3A_507] : memref<2x128x128xf32, #tpu.memory_space<vmem>> -> memref<1x128x128xf32, #tpu.memory_space<vmem>>
      %gather3A_509 = tpu.memref_squeeze %gather3A_508 : memref<1x128x128xf32, #tpu.memory_space<vmem>> -> memref<128x128xf32, #tpu.memory_space<vmem>>
      %gather3A_510 = tpu.vector_load_idx %gather3A_509[%add3A_226, %broadcast_in_dim3A_504] : memref<128x128xf32, #tpu.memory_space<vmem>>[vector<16xi32>, vector<16xi32>], vector<16xf32>,
      %gather3A_511 = tpu.vector_load_idx %arg13[%get3A_232, %broadcast_in_dim3A_504] : memref<1000x32xf32, #tpu.memory_space<vmem>>[vector<16xi32>, vector<16xi32>], vector<16xf32>,
      %gather3A_512 = arith.constant 1 : i32
      %gather3A_513 = arith.constant 0 : i32
      %gather3A_514 = arith.constant 0 : i32
      %gather3A_515 = tpu.memref_slice %arg12[%gather3A_512, %gather3A_513, %gather3A_514] : memref<2x128x128xf32, #tpu.memory_space<vmem>> -> memref<1x128x128xf32, #tpu.memory_space<vmem>>
      %gather3A_516 = tpu.memref_squeeze %gather3A_515 : memref<1x128x128xf32, #tpu.memory_space<vmem>> -> memref<128x128xf32, #tpu.memory_space<vmem>>
      %gather3A_517 = tpu.vector_load_idx %gather3A_516[%add3A_226, %broadcast_in_dim3A_504] : memref<128x128xf32, #tpu.memory_space<vmem>>[vector<16xi32>, vector<16xi32>], vector<16xf32>,
      %mul3A_518 = arith.mulf %gather3A_510, %gather3A_511 : vector<16xf32>
      %mul3A_519 = arith.mulf %mul3A_518, %gather3A_517 : vector<16xf32>
      %add3A_520 = arith.addf %add3A_502, %mul3A_519 : vector<16xf32>
      %broadcast_in_dim3A_521 = arith.constant 16 : i32
      %broadcast_in_dim3A_522 = vector.broadcast %broadcast_in_dim3A_521 : i32 to vector<16xi32>
      %gather3A_523 = arith.constant 1 : i32
      %gather3A_524 = arith.constant 0 : i32
      %gather3A_525 = arith.constant 0 : i32
      %gather3A_526 = tpu.memref_slice %arg11[%gather3A_523, %gather3A_524, %gather3A_525] : memref<2x128x128xf32, #tpu.memory_space<vmem>> -> memref<1x128x128xf32, #tpu.memory_space<vmem>>
      %gather3A_527 = tpu.memref_squeeze %gather3A_526 : memref<1x128x128xf32, #tpu.memory_space<vmem>> -> memref<128x128xf32, #tpu.memory_space<vmem>>
      %gather3A_528 = tpu.vector_load_idx %gather3A_527[%add3A_226, %broadcast_in_dim3A_522] : memref<128x128xf32, #tpu.memory_space<vmem>>[vector<16xi32>, vector<16xi32>], vector<16xf32>,
      %gather3A_529 = tpu.vector_load_idx %arg13[%get3A_232, %broadcast_in_dim3A_522] : memref<1000x32xf32, #tpu.memory_space<vmem>>[vector<16xi32>, vector<16xi32>], vector<16xf32>,
      %gather3A_530 = arith.constant 1 : i32
      %gather3A_531 = arith.constant 0 : i32
      %gather3A_532 = arith.constant 0 : i32
      %gather3A_533 = tpu.memref_slice %arg12[%gather3A_530, %gather3A_531, %gather3A_532] : memref<2x128x128xf32, #tpu.memory_space<vmem>> -> memref<1x128x128xf32, #tpu.memory_space<vmem>>
      %gather3A_534 = tpu.memref_squeeze %gather3A_533 : memref<1x128x128xf32, #tpu.memory_space<vmem>> -> memref<128x128xf32, #tpu.memory_space<vmem>>
      %gather3A_535 = tpu.vector_load_idx %gather3A_534[%add3A_226, %broadcast_in_dim3A_522] : memref<128x128xf32, #tpu.memory_space<vmem>>[vector<16xi32>, vector<16xi32>], vector<16xf32>,
      %mul3A_536 = arith.mulf %gather3A_528, %gather3A_529 : vector<16xf32>
      %mul3A_537 = arith.mulf %mul3A_536, %gather3A_535 : vector<16xf32>
      %add3A_538 = arith.addf %add3A_520, %mul3A_537 : vector<16xf32>
      %broadcast_in_dim3A_539 = arith.constant 17 : i32
      %broadcast_in_dim3A_540 = vector.broadcast %broadcast_in_dim3A_539 : i32 to vector<16xi32>
      %gather3A_541 = arith.constant 1 : i32
      %gather3A_542 = arith.constant 0 : i32
      %gather3A_543 = arith.constant 0 : i32
      %gather3A_544 = tpu.memref_slice %arg11[%gather3A_541, %gather3A_542, %gather3A_543] : memref<2x128x128xf32, #tpu.memory_space<vmem>> -> memref<1x128x128xf32, #tpu.memory_space<vmem>>
      %gather3A_545 = tpu.memref_squeeze %gather3A_544 : memref<1x128x128xf32, #tpu.memory_space<vmem>> -> memref<128x128xf32, #tpu.memory_space<vmem>>
      %gather3A_546 = tpu.vector_load_idx %gather3A_545[%add3A_226, %broadcast_in_dim3A_540] : memref<128x128xf32, #tpu.memory_space<vmem>>[vector<16xi32>, vector<16xi32>], vector<16xf32>,
      %gather3A_547 = tpu.vector_load_idx %arg13[%get3A_232, %broadcast_in_dim3A_540] : memref<1000x32xf32, #tpu.memory_space<vmem>>[vector<16xi32>, vector<16xi32>], vector<16xf32>,
      %gather3A_548 = arith.constant 1 : i32
      %gather3A_549 = arith.constant 0 : i32
      %gather3A_550 = arith.constant 0 : i32
      %gather3A_551 = tpu.memref_slice %arg12[%gather3A_548, %gather3A_549, %gather3A_550] : memref<2x128x128xf32, #tpu.memory_space<vmem>> -> memref<1x128x128xf32, #tpu.memory_space<vmem>>
      %gather3A_552 = tpu.memref_squeeze %gather3A_551 : memref<1x128x128xf32, #tpu.memory_space<vmem>> -> memref<128x128xf32, #tpu.memory_space<vmem>>
      %gather3A_553 = tpu.vector_load_idx %gather3A_552[%add3A_226, %broadcast_in_dim3A_540] : memref<128x128xf32, #tpu.memory_space<vmem>>[vector<16xi32>, vector<16xi32>], vector<16xf32>,
      %mul3A_554 = arith.mulf %gather3A_546, %gather3A_547 : vector<16xf32>
      %mul3A_555 = arith.mulf %mul3A_554, %gather3A_553 : vector<16xf32>
      %add3A_556 = arith.addf %add3A_538, %mul3A_555 : vector<16xf32>
      %broadcast_in_dim3A_557 = arith.constant 18 : i32
      %broadcast_in_dim3A_558 = vector.broadcast %broadcast_in_dim3A_557 : i32 to vector<16xi32>
      %gather3A_559 = arith.constant 1 : i32
      %gather3A_560 = arith.constant 0 : i32
      %gather3A_561 = arith.constant 0 : i32
      %gather3A_562 = tpu.memref_slice %arg11[%gather3A_559, %gather3A_560, %gather3A_561] : memref<2x128x128xf32, #tpu.memory_space<vmem>> -> memref<1x128x128xf32, #tpu.memory_space<vmem>>
      %gather3A_563 = tpu.memref_squeeze %gather3A_562 : memref<1x128x128xf32, #tpu.memory_space<vmem>> -> memref<128x128xf32, #tpu.memory_space<vmem>>
      %gather3A_564 = tpu.vector_load_idx %gather3A_563[%add3A_226, %broadcast_in_dim3A_558] : memref<128x128xf32, #tpu.memory_space<vmem>>[vector<16xi32>, vector<16xi32>], vector<16xf32>,
      %gather3A_565 = tpu.vector_load_idx %arg13[%get3A_232, %broadcast_in_dim3A_558] : memref<1000x32xf32, #tpu.memory_space<vmem>>[vector<16xi32>, vector<16xi32>], vector<16xf32>,
      %gather3A_566 = arith.constant 1 : i32
      %gather3A_567 = arith.constant 0 : i32
      %gather3A_568 = arith.constant 0 : i32
      %gather3A_569 = tpu.memref_slice %arg12[%gather3A_566, %gather3A_567, %gather3A_568] : memref<2x128x128xf32, #tpu.memory_space<vmem>> -> memref<1x128x128xf32, #tpu.memory_space<vmem>>
      %gather3A_570 = tpu.memref_squeeze %gather3A_569 : memref<1x128x128xf32, #tpu.memory_space<vmem>> -> memref<128x128xf32, #tpu.memory_space<vmem>>
      %gather3A_571 = tpu.vector_load_idx %gather3A_570[%add3A_226, %broadcast_in_dim3A_558] : memref<128x128xf32, #tpu.memory_space<vmem>>[vector<16xi32>, vector<16xi32>], vector<16xf32>,
      %mul3A_572 = arith.mulf %gather3A_564, %gather3A_565 : vector<16xf32>
      %mul3A_573 = arith.mulf %mul3A_572, %gather3A_571 : vector<16xf32>
      %add3A_574 = arith.addf %add3A_556, %mul3A_573 : vector<16xf32>
      %broadcast_in_dim3A_575 = arith.constant 19 : i32
      %broadcast_in_dim3A_576 = vector.broadcast %broadcast_in_dim3A_575 : i32 to vector<16xi32>
      %gather3A_577 = arith.constant 1 : i32
      %gather3A_578 = arith.constant 0 : i32
      %gather3A_579 = arith.constant 0 : i32
      %gather3A_580 = tpu.memref_slice %arg11[%gather3A_577, %gather3A_578, %gather3A_579] : memref<2x128x128xf32, #tpu.memory_space<vmem>> -> memref<1x128x128xf32, #tpu.memory_space<vmem>>
      %gather3A_581 = tpu.memref_squeeze %gather3A_580 : memref<1x128x128xf32, #tpu.memory_space<vmem>> -> memref<128x128xf32, #tpu.memory_space<vmem>>
      %gather3A_582 = tpu.vector_load_idx %gather3A_581[%add3A_226, %broadcast_in_dim3A_576] : memref<128x128xf32, #tpu.memory_space<vmem>>[vector<16xi32>, vector<16xi32>], vector<16xf32>,
      %gather3A_583 = tpu.vector_load_idx %arg13[%get3A_232, %broadcast_in_dim3A_576] : memref<1000x32xf32, #tpu.memory_space<vmem>>[vector<16xi32>, vector<16xi32>], vector<16xf32>,
      %gather3A_584 = arith.constant 1 : i32
      %gather3A_585 = arith.constant 0 : i32
      %gather3A_586 = arith.constant 0 : i32
      %gather3A_587 = tpu.memref_slice %arg12[%gather3A_584, %gather3A_585, %gather3A_586] : memref<2x128x128xf32, #tpu.memory_space<vmem>> -> memref<1x128x128xf32, #tpu.memory_space<vmem>>
      %gather3A_588 = tpu.memref_squeeze %gather3A_587 : memref<1x128x128xf32, #tpu.memory_space<vmem>> -> memref<128x128xf32, #tpu.memory_space<vmem>>
      %gather3A_589 = tpu.vector_load_idx %gather3A_588[%add3A_226, %broadcast_in_dim3A_576] : memref<128x128xf32, #tpu.memory_space<vmem>>[vector<16xi32>, vector<16xi32>], vector<16xf32>,
      %mul3A_590 = arith.mulf %gather3A_582, %gather3A_583 : vector<16xf32>
      %mul3A_591 = arith.mulf %mul3A_590, %gather3A_589 : vector<16xf32>
      %add3A_592 = arith.addf %add3A_574, %mul3A_591 : vector<16xf32>
      %broadcast_in_dim3A_593 = arith.constant 20 : i32
      %broadcast_in_dim3A_594 = vector.broadcast %broadcast_in_dim3A_593 : i32 to vector<16xi32>
      %gather3A_595 = arith.constant 1 : i32
      %gather3A_596 = arith.constant 0 : i32
      %gather3A_597 = arith.constant 0 : i32
      %gather3A_598 = tpu.memref_slice %arg11[%gather3A_595, %gather3A_596, %gather3A_597] : memref<2x128x128xf32, #tpu.memory_space<vmem>> -> memref<1x128x128xf32, #tpu.memory_space<vmem>>
      %gather3A_599 = tpu.memref_squeeze %gather3A_598 : memref<1x128x128xf32, #tpu.memory_space<vmem>> -> memref<128x128xf32, #tpu.memory_space<vmem>>
      %gather3A_600 = tpu.vector_load_idx %gather3A_599[%add3A_226, %broadcast_in_dim3A_594] : memref<128x128xf32, #tpu.memory_space<vmem>>[vector<16xi32>, vector<16xi32>], vector<16xf32>,
      %gather3A_601 = tpu.vector_load_idx %arg13[%get3A_232, %broadcast_in_dim3A_594] : memref<1000x32xf32, #tpu.memory_space<vmem>>[vector<16xi32>, vector<16xi32>], vector<16xf32>,
      %gather3A_602 = arith.constant 1 : i32
      %gather3A_603 = arith.constant 0 : i32
      %gather3A_604 = arith.constant 0 : i32
      %gather3A_605 = tpu.memref_slice %arg12[%gather3A_602, %gather3A_603, %gather3A_604] : memref<2x128x128xf32, #tpu.memory_space<vmem>> -> memref<1x128x128xf32, #tpu.memory_space<vmem>>
      %gather3A_606 = tpu.memref_squeeze %gather3A_605 : memref<1x128x128xf32, #tpu.memory_space<vmem>> -> memref<128x128xf32, #tpu.memory_space<vmem>>
      %gather3A_607 = tpu.vector_load_idx %gather3A_606[%add3A_226, %broadcast_in_dim3A_594] : memref<128x128xf32, #tpu.memory_space<vmem>>[vector<16xi32>, vector<16xi32>], vector<16xf32>,
      %mul3A_608 = arith.mulf %gather3A_600, %gather3A_601 : vector<16xf32>
      %mul3A_609 = arith.mulf %mul3A_608, %gather3A_607 : vector<16xf32>
      %add3A_610 = arith.addf %add3A_592, %mul3A_609 : vector<16xf32>
      %broadcast_in_dim3A_611 = arith.constant 21 : i32
      %broadcast_in_dim3A_612 = vector.broadcast %broadcast_in_dim3A_611 : i32 to vector<16xi32>
      %gather3A_613 = arith.constant 1 : i32
      %gather3A_614 = arith.constant 0 : i32
      %gather3A_615 = arith.constant 0 : i32
      %gather3A_616 = tpu.memref_slice %arg11[%gather3A_613, %gather3A_614, %gather3A_615] : memref<2x128x128xf32, #tpu.memory_space<vmem>> -> memref<1x128x128xf32, #tpu.memory_space<vmem>>
      %gather3A_617 = tpu.memref_squeeze %gather3A_616 : memref<1x128x128xf32, #tpu.memory_space<vmem>> -> memref<128x128xf32, #tpu.memory_space<vmem>>
      %gather3A_618 = tpu.vector_load_idx %gather3A_617[%add3A_226, %broadcast_in_dim3A_612] : memref<128x128xf32, #tpu.memory_space<vmem>>[vector<16xi32>, vector<16xi32>], vector<16xf32>,
      %gather3A_619 = tpu.vector_load_idx %arg13[%get3A_232, %broadcast_in_dim3A_612] : memref<1000x32xf32, #tpu.memory_space<vmem>>[vector<16xi32>, vector<16xi32>], vector<16xf32>,
      %gather3A_620 = arith.constant 1 : i32
      %gather3A_621 = arith.constant 0 : i32
      %gather3A_622 = arith.constant 0 : i32
      %gather3A_623 = tpu.memref_slice %arg12[%gather3A_620, %gather3A_621, %gather3A_622] : memref<2x128x128xf32, #tpu.memory_space<vmem>> -> memref<1x128x128xf32, #tpu.memory_space<vmem>>
      %gather3A_624 = tpu.memref_squeeze %gather3A_623 : memref<1x128x128xf32, #tpu.memory_space<vmem>> -> memref<128x128xf32, #tpu.memory_space<vmem>>
      %gather3A_625 = tpu.vector_load_idx %gather3A_624[%add3A_226, %broadcast_in_dim3A_612] : memref<128x128xf32, #tpu.memory_space<vmem>>[vector<16xi32>, vector<16xi32>], vector<16xf32>,
      %mul3A_626 = arith.mulf %gather3A_618, %gather3A_619 : vector<16xf32>
      %mul3A_627 = arith.mulf %mul3A_626, %gather3A_625 : vector<16xf32>
      %add3A_628 = arith.addf %add3A_610, %mul3A_627 : vector<16xf32>
      %broadcast_in_dim3A_629 = arith.constant 22 : i32
      %broadcast_in_dim3A_630 = vector.broadcast %broadcast_in_dim3A_629 : i32 to vector<16xi32>
      %gather3A_631 = arith.constant 1 : i32
      %gather3A_632 = arith.constant 0 : i32
      %gather3A_633 = arith.constant 0 : i32
      %gather3A_634 = tpu.memref_slice %arg11[%gather3A_631, %gather3A_632, %gather3A_633] : memref<2x128x128xf32, #tpu.memory_space<vmem>> -> memref<1x128x128xf32, #tpu.memory_space<vmem>>
      %gather3A_635 = tpu.memref_squeeze %gather3A_634 : memref<1x128x128xf32, #tpu.memory_space<vmem>> -> memref<128x128xf32, #tpu.memory_space<vmem>>
      %gather3A_636 = tpu.vector_load_idx %gather3A_635[%add3A_226, %broadcast_in_dim3A_630] : memref<128x128xf32, #tpu.memory_space<vmem>>[vector<16xi32>, vector<16xi32>], vector<16xf32>,
      %gather3A_637 = tpu.vector_load_idx %arg13[%get3A_232, %broadcast_in_dim3A_630] : memref<1000x32xf32, #tpu.memory_space<vmem>>[vector<16xi32>, vector<16xi32>], vector<16xf32>,
      %gather3A_638 = arith.constant 1 : i32
      %gather3A_639 = arith.constant 0 : i32
      %gather3A_640 = arith.constant 0 : i32
      %gather3A_641 = tpu.memref_slice %arg12[%gather3A_638, %gather3A_639, %gather3A_640] : memref<2x128x128xf32, #tpu.memory_space<vmem>> -> memref<1x128x128xf32, #tpu.memory_space<vmem>>
      %gather3A_642 = tpu.memref_squeeze %gather3A_641 : memref<1x128x128xf32, #tpu.memory_space<vmem>> -> memref<128x128xf32, #tpu.memory_space<vmem>>
      %gather3A_643 = tpu.vector_load_idx %gather3A_642[%add3A_226, %broadcast_in_dim3A_630] : memref<128x128xf32, #tpu.memory_space<vmem>>[vector<16xi32>, vector<16xi32>], vector<16xf32>,
      %mul3A_644 = arith.mulf %gather3A_636, %gather3A_637 : vector<16xf32>
      %mul3A_645 = arith.mulf %mul3A_644, %gather3A_643 : vector<16xf32>
      %add3A_646 = arith.addf %add3A_628, %mul3A_645 : vector<16xf32>
      %broadcast_in_dim3A_647 = arith.constant 23 : i32
      %broadcast_in_dim3A_648 = vector.broadcast %broadcast_in_dim3A_647 : i32 to vector<16xi32>
      %gather3A_649 = arith.constant 1 : i32
      %gather3A_650 = arith.constant 0 : i32
      %gather3A_651 = arith.constant 0 : i32
      %gather3A_652 = tpu.memref_slice %arg11[%gather3A_649, %gather3A_650, %gather3A_651] : memref<2x128x128xf32, #tpu.memory_space<vmem>> -> memref<1x128x128xf32, #tpu.memory_space<vmem>>
      %gather3A_653 = tpu.memref_squeeze %gather3A_652 : memref<1x128x128xf32, #tpu.memory_space<vmem>> -> memref<128x128xf32, #tpu.memory_space<vmem>>
      %gather3A_654 = tpu.vector_load_idx %gather3A_653[%add3A_226, %broadcast_in_dim3A_648] : memref<128x128xf32, #tpu.memory_space<vmem>>[vector<16xi32>, vector<16xi32>], vector<16xf32>,
      %gather3A_655 = tpu.vector_load_idx %arg13[%get3A_232, %broadcast_in_dim3A_648] : memref<1000x32xf32, #tpu.memory_space<vmem>>[vector<16xi32>, vector<16xi32>], vector<16xf32>,
      %gather3A_656 = arith.constant 1 : i32
      %gather3A_657 = arith.constant 0 : i32
      %gather3A_658 = arith.constant 0 : i32
      %gather3A_659 = tpu.memref_slice %arg12[%gather3A_656, %gather3A_657, %gather3A_658] : memref<2x128x128xf32, #tpu.memory_space<vmem>> -> memref<1x128x128xf32, #tpu.memory_space<vmem>>
      %gather3A_660 = tpu.memref_squeeze %gather3A_659 : memref<1x128x128xf32, #tpu.memory_space<vmem>> -> memref<128x128xf32, #tpu.memory_space<vmem>>
      %gather3A_661 = tpu.vector_load_idx %gather3A_660[%add3A_226, %broadcast_in_dim3A_648] : memref<128x128xf32, #tpu.memory_space<vmem>>[vector<16xi32>, vector<16xi32>], vector<16xf32>,
      %mul3A_662 = arith.mulf %gather3A_654, %gather3A_655 : vector<16xf32>
      %mul3A_663 = arith.mulf %mul3A_662, %gather3A_661 : vector<16xf32>
      %add3A_664 = arith.addf %add3A_646, %mul3A_663 : vector<16xf32>
      %broadcast_in_dim3A_665 = arith.constant 24 : i32
      %broadcast_in_dim3A_666 = vector.broadcast %broadcast_in_dim3A_665 : i32 to vector<16xi32>
      %gather3A_667 = arith.constant 1 : i32
      %gather3A_668 = arith.constant 0 : i32
      %gather3A_669 = arith.constant 0 : i32
      %gather3A_670 = tpu.memref_slice %arg11[%gather3A_667, %gather3A_668, %gather3A_669] : memref<2x128x128xf32, #tpu.memory_space<vmem>> -> memref<1x128x128xf32, #tpu.memory_space<vmem>>
      %gather3A_671 = tpu.memref_squeeze %gather3A_670 : memref<1x128x128xf32, #tpu.memory_space<vmem>> -> memref<128x128xf32, #tpu.memory_space<vmem>>
      %gather3A_672 = tpu.vector_load_idx %gather3A_671[%add3A_226, %broadcast_in_dim3A_666] : memref<128x128xf32, #tpu.memory_space<vmem>>[vector<16xi32>, vector<16xi32>], vector<16xf32>,
      %gather3A_673 = tpu.vector_load_idx %arg13[%get3A_232, %broadcast_in_dim3A_666] : memref<1000x32xf32, #tpu.memory_space<vmem>>[vector<16xi32>, vector<16xi32>], vector<16xf32>,
      %gather3A_674 = arith.constant 1 : i32
      %gather3A_675 = arith.constant 0 : i32
      %gather3A_676 = arith.constant 0 : i32
      %gather3A_677 = tpu.memref_slice %arg12[%gather3A_674, %gather3A_675, %gather3A_676] : memref<2x128x128xf32, #tpu.memory_space<vmem>> -> memref<1x128x128xf32, #tpu.memory_space<vmem>>
      %gather3A_678 = tpu.memref_squeeze %gather3A_677 : memref<1x128x128xf32, #tpu.memory_space<vmem>> -> memref<128x128xf32, #tpu.memory_space<vmem>>
      %gather3A_679 = tpu.vector_load_idx %gather3A_678[%add3A_226, %broadcast_in_dim3A_666] : memref<128x128xf32, #tpu.memory_space<vmem>>[vector<16xi32>, vector<16xi32>], vector<16xf32>,
      %mul3A_680 = arith.mulf %gather3A_672, %gather3A_673 : vector<16xf32>
      %mul3A_681 = arith.mulf %mul3A_680, %gather3A_679 : vector<16xf32>
      %add3A_682 = arith.addf %add3A_664, %mul3A_681 : vector<16xf32>
      %broadcast_in_dim3A_683 = arith.constant 25 : i32
      %broadcast_in_dim3A_684 = vector.broadcast %broadcast_in_dim3A_683 : i32 to vector<16xi32>
      %gather3A_685 = arith.constant 1 : i32
      %gather3A_686 = arith.constant 0 : i32
      %gather3A_687 = arith.constant 0 : i32
      %gather3A_688 = tpu.memref_slice %arg11[%gather3A_685, %gather3A_686, %gather3A_687] : memref<2x128x128xf32, #tpu.memory_space<vmem>> -> memref<1x128x128xf32, #tpu.memory_space<vmem>>
      %gather3A_689 = tpu.memref_squeeze %gather3A_688 : memref<1x128x128xf32, #tpu.memory_space<vmem>> -> memref<128x128xf32, #tpu.memory_space<vmem>>
      %gather3A_690 = tpu.vector_load_idx %gather3A_689[%add3A_226, %broadcast_in_dim3A_684] : memref<128x128xf32, #tpu.memory_space<vmem>>[vector<16xi32>, vector<16xi32>], vector<16xf32>,
      %gather3A_691 = tpu.vector_load_idx %arg13[%get3A_232, %broadcast_in_dim3A_684] : memref<1000x32xf32, #tpu.memory_space<vmem>>[vector<16xi32>, vector<16xi32>], vector<16xf32>,
      %gather3A_692 = arith.constant 1 : i32
      %gather3A_693 = arith.constant 0 : i32
      %gather3A_694 = arith.constant 0 : i32
      %gather3A_695 = tpu.memref_slice %arg12[%gather3A_692, %gather3A_693, %gather3A_694] : memref<2x128x128xf32, #tpu.memory_space<vmem>> -> memref<1x128x128xf32, #tpu.memory_space<vmem>>
      %gather3A_696 = tpu.memref_squeeze %gather3A_695 : memref<1x128x128xf32, #tpu.memory_space<vmem>> -> memref<128x128xf32, #tpu.memory_space<vmem>>
      %gather3A_697 = tpu.vector_load_idx %gather3A_696[%add3A_226, %broadcast_in_dim3A_684] : memref<128x128xf32, #tpu.memory_space<vmem>>[vector<16xi32>, vector<16xi32>], vector<16xf32>,
      %mul3A_698 = arith.mulf %gather3A_690, %gather3A_691 : vector<16xf32>
      %mul3A_699 = arith.mulf %mul3A_698, %gather3A_697 : vector<16xf32>
      %add3A_700 = arith.addf %add3A_682, %mul3A_699 : vector<16xf32>
      %broadcast_in_dim3A_701 = arith.constant 26 : i32
      %broadcast_in_dim3A_702 = vector.broadcast %broadcast_in_dim3A_701 : i32 to vector<16xi32>
      %gather3A_703 = arith.constant 1 : i32
      %gather3A_704 = arith.constant 0 : i32
      %gather3A_705 = arith.constant 0 : i32
      %gather3A_706 = tpu.memref_slice %arg11[%gather3A_703, %gather3A_704, %gather3A_705] : memref<2x128x128xf32, #tpu.memory_space<vmem>> -> memref<1x128x128xf32, #tpu.memory_space<vmem>>
      %gather3A_707 = tpu.memref_squeeze %gather3A_706 : memref<1x128x128xf32, #tpu.memory_space<vmem>> -> memref<128x128xf32, #tpu.memory_space<vmem>>
      %gather3A_708 = tpu.vector_load_idx %gather3A_707[%add3A_226, %broadcast_in_dim3A_702] : memref<128x128xf32, #tpu.memory_space<vmem>>[vector<16xi32>, vector<16xi32>], vector<16xf32>,
      %gather3A_709 = tpu.vector_load_idx %arg13[%get3A_232, %broadcast_in_dim3A_702] : memref<1000x32xf32, #tpu.memory_space<vmem>>[vector<16xi32>, vector<16xi32>], vector<16xf32>,
      %gather3A_710 = arith.constant 1 : i32
      %gather3A_711 = arith.constant 0 : i32
      %gather3A_712 = arith.constant 0 : i32
      %gather3A_713 = tpu.memref_slice %arg12[%gather3A_710, %gather3A_711, %gather3A_712] : memref<2x128x128xf32, #tpu.memory_space<vmem>> -> memref<1x128x128xf32, #tpu.memory_space<vmem>>
      %gather3A_714 = tpu.memref_squeeze %gather3A_713 : memref<1x128x128xf32, #tpu.memory_space<vmem>> -> memref<128x128xf32, #tpu.memory_space<vmem>>
      %gather3A_715 = tpu.vector_load_idx %gather3A_714[%add3A_226, %broadcast_in_dim3A_702] : memref<128x128xf32, #tpu.memory_space<vmem>>[vector<16xi32>, vector<16xi32>], vector<16xf32>,
      %mul3A_716 = arith.mulf %gather3A_708, %gather3A_709 : vector<16xf32>
      %mul3A_717 = arith.mulf %mul3A_716, %gather3A_715 : vector<16xf32>
      %add3A_718 = arith.addf %add3A_700, %mul3A_717 : vector<16xf32>
      %broadcast_in_dim3A_719 = arith.constant 27 : i32
      %broadcast_in_dim3A_720 = vector.broadcast %broadcast_in_dim3A_719 : i32 to vector<16xi32>
      %gather3A_721 = arith.constant 1 : i32
      %gather3A_722 = arith.constant 0 : i32
      %gather3A_723 = arith.constant 0 : i32
      %gather3A_724 = tpu.memref_slice %arg11[%gather3A_721, %gather3A_722, %gather3A_723] : memref<2x128x128xf32, #tpu.memory_space<vmem>> -> memref<1x128x128xf32, #tpu.memory_space<vmem>>
      %gather3A_725 = tpu.memref_squeeze %gather3A_724 : memref<1x128x128xf32, #tpu.memory_space<vmem>> -> memref<128x128xf32, #tpu.memory_space<vmem>>
      %gather3A_726 = tpu.vector_load_idx %gather3A_725[%add3A_226, %broadcast_in_dim3A_720] : memref<128x128xf32, #tpu.memory_space<vmem>>[vector<16xi32>, vector<16xi32>], vector<16xf32>,
      %gather3A_727 = tpu.vector_load_idx %arg13[%get3A_232, %broadcast_in_dim3A_720] : memref<1000x32xf32, #tpu.memory_space<vmem>>[vector<16xi32>, vector<16xi32>], vector<16xf32>,
      %gather3A_728 = arith.constant 1 : i32
      %gather3A_729 = arith.constant 0 : i32
      %gather3A_730 = arith.constant 0 : i32
      %gather3A_731 = tpu.memref_slice %arg12[%gather3A_728, %gather3A_729, %gather3A_730] : memref<2x128x128xf32, #tpu.memory_space<vmem>> -> memref<1x128x128xf32, #tpu.memory_space<vmem>>
      %gather3A_732 = tpu.memref_squeeze %gather3A_731 : memref<1x128x128xf32, #tpu.memory_space<vmem>> -> memref<128x128xf32, #tpu.memory_space<vmem>>
      %gather3A_733 = tpu.vector_load_idx %gather3A_732[%add3A_226, %broadcast_in_dim3A_720] : memref<128x128xf32, #tpu.memory_space<vmem>>[vector<16xi32>, vector<16xi32>], vector<16xf32>,
      %mul3A_734 = arith.mulf %gather3A_726, %gather3A_727 : vector<16xf32>
      %mul3A_735 = arith.mulf %mul3A_734, %gather3A_733 : vector<16xf32>
      %add3A_736 = arith.addf %add3A_718, %mul3A_735 : vector<16xf32>
      %broadcast_in_dim3A_737 = arith.constant 28 : i32
      %broadcast_in_dim3A_738 = vector.broadcast %broadcast_in_dim3A_737 : i32 to vector<16xi32>
      %gather3A_739 = arith.constant 1 : i32
      %gather3A_740 = arith.constant 0 : i32
      %gather3A_741 = arith.constant 0 : i32
      %gather3A_742 = tpu.memref_slice %arg11[%gather3A_739, %gather3A_740, %gather3A_741] : memref<2x128x128xf32, #tpu.memory_space<vmem>> -> memref<1x128x128xf32, #tpu.memory_space<vmem>>
      %gather3A_743 = tpu.memref_squeeze %gather3A_742 : memref<1x128x128xf32, #tpu.memory_space<vmem>> -> memref<128x128xf32, #tpu.memory_space<vmem>>
      %gather3A_744 = tpu.vector_load_idx %gather3A_743[%add3A_226, %broadcast_in_dim3A_738] : memref<128x128xf32, #tpu.memory_space<vmem>>[vector<16xi32>, vector<16xi32>], vector<16xf32>,
      %gather3A_745 = tpu.vector_load_idx %arg13[%get3A_232, %broadcast_in_dim3A_738] : memref<1000x32xf32, #tpu.memory_space<vmem>>[vector<16xi32>, vector<16xi32>], vector<16xf32>,
      %gather3A_746 = arith.constant 1 : i32
      %gather3A_747 = arith.constant 0 : i32
      %gather3A_748 = arith.constant 0 : i32
      %gather3A_749 = tpu.memref_slice %arg12[%gather3A_746, %gather3A_747, %gather3A_748] : memref<2x128x128xf32, #tpu.memory_space<vmem>> -> memref<1x128x128xf32, #tpu.memory_space<vmem>>
      %gather3A_750 = tpu.memref_squeeze %gather3A_749 : memref<1x128x128xf32, #tpu.memory_space<vmem>> -> memref<128x128xf32, #tpu.memory_space<vmem>>
      %gather3A_751 = tpu.vector_load_idx %gather3A_750[%add3A_226, %broadcast_in_dim3A_738] : memref<128x128xf32, #tpu.memory_space<vmem>>[vector<16xi32>, vector<16xi32>], vector<16xf32>,
      %mul3A_752 = arith.mulf %gather3A_744, %gather3A_745 : vector<16xf32>
      %mul3A_753 = arith.mulf %mul3A_752, %gather3A_751 : vector<16xf32>
      %add3A_754 = arith.addf %add3A_736, %mul3A_753 : vector<16xf32>
      %broadcast_in_dim3A_755 = arith.constant 29 : i32
      %broadcast_in_dim3A_756 = vector.broadcast %broadcast_in_dim3A_755 : i32 to vector<16xi32>
      %gather3A_757 = arith.constant 1 : i32
      %gather3A_758 = arith.constant 0 : i32
      %gather3A_759 = arith.constant 0 : i32
      %gather3A_760 = tpu.memref_slice %arg11[%gather3A_757, %gather3A_758, %gather3A_759] : memref<2x128x128xf32, #tpu.memory_space<vmem>> -> memref<1x128x128xf32, #tpu.memory_space<vmem>>
      %gather3A_761 = tpu.memref_squeeze %gather3A_760 : memref<1x128x128xf32, #tpu.memory_space<vmem>> -> memref<128x128xf32, #tpu.memory_space<vmem>>
      %gather3A_762 = tpu.vector_load_idx %gather3A_761[%add3A_226, %broadcast_in_dim3A_756] : memref<128x128xf32, #tpu.memory_space<vmem>>[vector<16xi32>, vector<16xi32>], vector<16xf32>,
      %gather3A_763 = tpu.vector_load_idx %arg13[%get3A_232, %broadcast_in_dim3A_756] : memref<1000x32xf32, #tpu.memory_space<vmem>>[vector<16xi32>, vector<16xi32>], vector<16xf32>,
      %gather3A_764 = arith.constant 1 : i32
      %gather3A_765 = arith.constant 0 : i32
      %gather3A_766 = arith.constant 0 : i32
      %gather3A_767 = tpu.memref_slice %arg12[%gather3A_764, %gather3A_765, %gather3A_766] : memref<2x128x128xf32, #tpu.memory_space<vmem>> -> memref<1x128x128xf32, #tpu.memory_space<vmem>>
      %gather3A_768 = tpu.memref_squeeze %gather3A_767 : memref<1x128x128xf32, #tpu.memory_space<vmem>> -> memref<128x128xf32, #tpu.memory_space<vmem>>
      %gather3A_769 = tpu.vector_load_idx %gather3A_768[%add3A_226, %broadcast_in_dim3A_756] : memref<128x128xf32, #tpu.memory_space<vmem>>[vector<16xi32>, vector<16xi32>], vector<16xf32>,
      %mul3A_770 = arith.mulf %gather3A_762, %gather3A_763 : vector<16xf32>
      %mul3A_771 = arith.mulf %mul3A_770, %gather3A_769 : vector<16xf32>
      %add3A_772 = arith.addf %add3A_754, %mul3A_771 : vector<16xf32>
      %broadcast_in_dim3A_773 = arith.constant 30 : i32
      %broadcast_in_dim3A_774 = vector.broadcast %broadcast_in_dim3A_773 : i32 to vector<16xi32>
      %gather3A_775 = arith.constant 1 : i32
      %gather3A_776 = arith.constant 0 : i32
      %gather3A_777 = arith.constant 0 : i32
      %gather3A_778 = tpu.memref_slice %arg11[%gather3A_775, %gather3A_776, %gather3A_777] : memref<2x128x128xf32, #tpu.memory_space<vmem>> -> memref<1x128x128xf32, #tpu.memory_space<vmem>>
      %gather3A_779 = tpu.memref_squeeze %gather3A_778 : memref<1x128x128xf32, #tpu.memory_space<vmem>> -> memref<128x128xf32, #tpu.memory_space<vmem>>
      %gather3A_780 = tpu.vector_load_idx %gather3A_779[%add3A_226, %broadcast_in_dim3A_774] : memref<128x128xf32, #tpu.memory_space<vmem>>[vector<16xi32>, vector<16xi32>], vector<16xf32>,
      %gather3A_781 = tpu.vector_load_idx %arg13[%get3A_232, %broadcast_in_dim3A_774] : memref<1000x32xf32, #tpu.memory_space<vmem>>[vector<16xi32>, vector<16xi32>], vector<16xf32>,
      %gather3A_782 = arith.constant 1 : i32
      %gather3A_783 = arith.constant 0 : i32
      %gather3A_784 = arith.constant 0 : i32
      %gather3A_785 = tpu.memref_slice %arg12[%gather3A_782, %gather3A_783, %gather3A_784] : memref<2x128x128xf32, #tpu.memory_space<vmem>> -> memref<1x128x128xf32, #tpu.memory_space<vmem>>
      %gather3A_786 = tpu.memref_squeeze %gather3A_785 : memref<1x128x128xf32, #tpu.memory_space<vmem>> -> memref<128x128xf32, #tpu.memory_space<vmem>>
      %gather3A_787 = tpu.vector_load_idx %gather3A_786[%add3A_226, %broadcast_in_dim3A_774] : memref<128x128xf32, #tpu.memory_space<vmem>>[vector<16xi32>, vector<16xi32>], vector<16xf32>,
      %mul3A_788 = arith.mulf %gather3A_780, %gather3A_781 : vector<16xf32>
      %mul3A_789 = arith.mulf %mul3A_788, %gather3A_787 : vector<16xf32>
      %add3A_790 = arith.addf %add3A_772, %mul3A_789 : vector<16xf32>
      %broadcast_in_dim3A_791 = arith.constant 31 : i32
      %broadcast_in_dim3A_792 = vector.broadcast %broadcast_in_dim3A_791 : i32 to vector<16xi32>
      %gather3A_793 = arith.constant 1 : i32
      %gather3A_794 = arith.constant 0 : i32
      %gather3A_795 = arith.constant 0 : i32
      %gather3A_796 = tpu.memref_slice %arg11[%gather3A_793, %gather3A_794, %gather3A_795] : memref<2x128x128xf32, #tpu.memory_space<vmem>> -> memref<1x128x128xf32, #tpu.memory_space<vmem>>
      %gather3A_797 = tpu.memref_squeeze %gather3A_796 : memref<1x128x128xf32, #tpu.memory_space<vmem>> -> memref<128x128xf32, #tpu.memory_space<vmem>>
      %gather3A_798 = tpu.vector_load_idx %gather3A_797[%add3A_226, %broadcast_in_dim3A_792] : memref<128x128xf32, #tpu.memory_space<vmem>>[vector<16xi32>, vector<16xi32>], vector<16xf32>,
      %gather3A_799 = tpu.vector_load_idx %arg13[%get3A_232, %broadcast_in_dim3A_792] : memref<1000x32xf32, #tpu.memory_space<vmem>>[vector<16xi32>, vector<16xi32>], vector<16xf32>,
      %gather3A_800 = arith.constant 1 : i32
      %gather3A_801 = arith.constant 0 : i32
      %gather3A_802 = arith.constant 0 : i32
      %gather3A_803 = tpu.memref_slice %arg12[%gather3A_800, %gather3A_801, %gather3A_802] : memref<2x128x128xf32, #tpu.memory_space<vmem>> -> memref<1x128x128xf32, #tpu.memory_space<vmem>>
      %gather3A_804 = tpu.memref_squeeze %gather3A_803 : memref<1x128x128xf32, #tpu.memory_space<vmem>> -> memref<128x128xf32, #tpu.memory_space<vmem>>
      %gather3A_805 = tpu.vector_load_idx %gather3A_804[%add3A_226, %broadcast_in_dim3A_792] : memref<128x128xf32, #tpu.memory_space<vmem>>[vector<16xi32>, vector<16xi32>], vector<16xf32>,
      %mul3A_806 = arith.mulf %gather3A_798, %gather3A_799 : vector<16xf32>
      %mul3A_807 = arith.mulf %mul3A_806, %gather3A_805 : vector<16xf32>
      %add3A_808 = arith.addf %add3A_790, %mul3A_807 : vector<16xf32>
      %neg3A = arith.constant 0.000000e+00 : f32
      %neg3A_809 = vector.broadcast %neg3A : f32 to vector<16xf32>
      %neg3A_810 = arith.subf %neg3A_809, %add3A_808 : vector<16xf32>
      %exp3A = math.exp %neg3A_810 : vector<16xf32>
      %add3A_811 = arith.constant 1.000000e+00 : f32
      %add3A_812 = vector.broadcast %add3A_811 : f32 to vector<16xf32>
      %add3A_813 = arith.addf %add3A_812, %exp3A : vector<16xf32>
      %div3A = arith.constant 1.000000e+00 : f32
      %div3A_814 = vector.broadcast %div3A : f32 to vector<16xf32>
      %div3A_815 = arith.divf %div3A_814, %add3A_813 : vector<16xf32>
      %mul3A_816 = arith.constant 16 : i32
      %mul3A_817 = arith.muli %scan3A_222, %mul3A_816 : i32
      %add3A_818 = arith.constant 128 : i32
      %add3A_819 = arith.addi %add3A_818, %mul3A_817 : i32
      %swap3A = arith.index_cast %add3A_819 : i32 to index
      %swap3A_820 = tpu.vector_load %arg14[%swap3A] {strides = array<i32>} : memref<512xf32, #tpu.memory_space<vmem>>, vector<16xf32>,
      tpu.vector_store %arg14[%swap3A], %div3A_815 {strides = array<i32>} : memref<512xf32, #tpu.memory_space<vmem>>, vector<16xf32>,
    }
    %scan3A_133 = arith.constant 8 : i32
    %dma_wait3A_134 = arith.constant 2 : i32
    %dma_wait3A_135 = arith.constant 0 : i32
    %dma_wait3A_136 = arith.constant 0 : i32
    %dma_wait3A_137 = arith.constant 0 : i32
    %dma_wait3A_138 = tpu.memref_slice %arg11[%dma_wait3A_135, %dma_wait3A_136, %dma_wait3A_137] : memref<2x128x128xf32, #tpu.memory_space<vmem>> -> memref<1x128x128xf32, #tpu.memory_space<vmem>>
    %dma_wait3A_139 = tpu.memref_squeeze %dma_wait3A_138 : memref<1x128x128xf32, #tpu.memory_space<vmem>> -> memref<128x128xf32, #tpu.memory_space<vmem>>
    %dma_wait3A_140 = arith.constant 0 : i32
    %dma_wait3A_141 = tpu.memref_slice %arg8[%dma_wait3A_134, %dma_wait3A_140] : memref<4x128xi32, #tpu.memory_space<vmem>> -> memref<1x128xi32, #tpu.memory_space<vmem>>
    %dma_wait3A_142 = tpu.memref_squeeze %dma_wait3A_141 : memref<1x128xi32, #tpu.memory_space<vmem>> -> memref<128xi32, #tpu.memory_space<vmem>>
    %dma_wait3A_143 = arith.constant 0 : i32
    %dma_wait3A_144 = arith.constant 0 : i32
    %dma_wait3A_145 = tpu.memref_slice %arg2[%dma_wait3A_143, %dma_wait3A_144] : memref<1000000x128xf32, #tpu.memory_space<hbm>> -> memref<1000000x128xf32, #tpu.memory_space<hbm>>
    tpu.wait_indirect_dma semaphore(%arg15 : memref<!tpu.dma_semaphore, #tpu.memory_space<semaphore_mem>>) src(%dma_wait3A_145 : memref<1000000x128xf32, #tpu.memory_space<hbm>>) dst(%dma_wait3A_139 : memref<128x128xf32, #tpu.memory_space<vmem>>)
    %dma_wait3A_146 = arith.constant 2 : i32
    %dma_wait3A_147 = arith.constant 0 : i32
    %dma_wait3A_148 = arith.constant 0 : i32
    %dma_wait3A_149 = arith.constant 0 : i32
    %dma_wait3A_150 = tpu.memref_slice %arg12[%dma_wait3A_147, %dma_wait3A_148, %dma_wait3A_149] : memref<2x128x128xf32, #tpu.memory_space<vmem>> -> memref<1x128x128xf32, #tpu.memory_space<vmem>>
    %dma_wait3A_151 = tpu.memref_squeeze %dma_wait3A_150 : memref<1x128x128xf32, #tpu.memory_space<vmem>> -> memref<128x128xf32, #tpu.memory_space<vmem>>
    %dma_wait3A_152 = arith.constant 0 : i32
    %dma_wait3A_153 = tpu.memref_slice %arg10[%dma_wait3A_146, %dma_wait3A_152] : memref<4x128xi32, #tpu.memory_space<vmem>> -> memref<1x128xi32, #tpu.memory_space<vmem>>
    %dma_wait3A_154 = tpu.memref_squeeze %dma_wait3A_153 : memref<1x128xi32, #tpu.memory_space<vmem>> -> memref<128xi32, #tpu.memory_space<vmem>>
    %dma_wait3A_155 = arith.constant 0 : i32
    %dma_wait3A_156 = arith.constant 0 : i32
    %dma_wait3A_157 = tpu.memref_slice %arg2[%dma_wait3A_155, %dma_wait3A_156] : memref<1000000x128xf32, #tpu.memory_space<hbm>> -> memref<1000000x128xf32, #tpu.memory_space<hbm>>
    tpu.wait_indirect_dma semaphore(%arg15 : memref<!tpu.dma_semaphore, #tpu.memory_space<semaphore_mem>>) src(%dma_wait3A_157 : memref<1000000x128xf32, #tpu.memory_space<hbm>>) dst(%dma_wait3A_151 : memref<128x128xf32, #tpu.memory_space<vmem>>)
    %dma_start3A_158 = arith.constant 3 : i32
    %dma_start3A_159 = arith.constant 1 : i32
    %dma_start3A_160 = arith.constant 0 : i32
    %dma_start3A_161 = arith.constant 0 : i32
    %dma_start3A_162 = tpu.memref_slice %arg11[%dma_start3A_159, %dma_start3A_160, %dma_start3A_161] : memref<2x128x128xf32, #tpu.memory_space<vmem>> -> memref<1x128x128xf32, #tpu.memory_space<vmem>>
    %dma_start3A_163 = tpu.memref_squeeze %dma_start3A_162 : memref<1x128x128xf32, #tpu.memory_space<vmem>> -> memref<128x128xf32, #tpu.memory_space<vmem>>
    %dma_start3A_164 = arith.constant 0 : i32
    %dma_start3A_165 = tpu.memref_slice %arg8[%dma_start3A_158, %dma_start3A_164] : memref<4x128xi32, #tpu.memory_space<vmem>> -> memref<1x128xi32, #tpu.memory_space<vmem>>
    %dma_start3A_166 = tpu.memref_squeeze %dma_start3A_165 : memref<1x128xi32, #tpu.memory_space<vmem>> -> memref<128xi32, #tpu.memory_space<vmem>>
    %dma_start3A_167 = arith.constant 0 : i32
    %dma_start3A_168 = arith.constant 0 : i32
    %dma_start3A_169 = tpu.memref_slice %arg2[%dma_start3A_167, %dma_start3A_168] : memref<1000000x128xf32, #tpu.memory_space<hbm>> -> memref<1000000x128xf32, #tpu.memory_space<hbm>>
    tpu.enqueue_indirect_dma source(%dma_start3A_169 : memref<1000000x128xf32, #tpu.memory_space<hbm>>) target(%dma_start3A_163 : memref<128x128xf32, #tpu.memory_space<vmem>>) offsets(%dma_start3A_166 : memref<128xi32, #tpu.memory_space<vmem>>) semaphore(%arg15 : memref<!tpu.dma_semaphore, #tpu.memory_space<semaphore_mem>>)
    %dma_start3A_170 = arith.constant 3 : i32
    %dma_start3A_171 = arith.constant 1 : i32
    %dma_start3A_172 = arith.constant 0 : i32
    %dma_start3A_173 = arith.constant 0 : i32
    %dma_start3A_174 = tpu.memref_slice %arg12[%dma_start3A_171, %dma_start3A_172, %dma_start3A_173] : memref<2x128x128xf32, #tpu.memory_space<vmem>> -> memref<1x128x128xf32, #tpu.memory_space<vmem>>
    %dma_start3A_175 = tpu.memref_squeeze %dma_start3A_174 : memref<1x128x128xf32, #tpu.memory_space<vmem>> -> memref<128x128xf32, #tpu.memory_space<vmem>>
    %dma_start3A_176 = arith.constant 0 : i32
    %dma_start3A_177 = tpu.memref_slice %arg10[%dma_start3A_170, %dma_start3A_176] : memref<4x128xi32, #tpu.memory_space<vmem>> -> memref<1x128xi32, #tpu.memory_space<vmem>>
    %dma_start3A_178 = tpu.memref_squeeze %dma_start3A_177 : memref<1x128xi32, #tpu.memory_space<vmem>> -> memref<128xi32, #tpu.memory_space<vmem>>
    %dma_start3A_179 = arith.constant 0 : i32
    %dma_start3A_180 = arith.constant 0 : i32
    %dma_start3A_181 = tpu.memref_slice %arg2[%dma_start3A_179, %dma_start3A_180] : memref<1000000x128xf32, #tpu.memory_space<hbm>> -> memref<1000000x128xf32, #tpu.memory_space<hbm>>
    tpu.enqueue_indirect_dma source(%dma_start3A_181 : memref<1000000x128xf32, #tpu.memory_space<hbm>>) target(%dma_start3A_175 : memref<128x128xf32, #tpu.memory_space<vmem>>) offsets(%dma_start3A_178 : memref<128xi32, #tpu.memory_space<vmem>>) semaphore(%arg15 : memref<!tpu.dma_semaphore, #tpu.memory_space<semaphore_mem>>)
    %scan3A_182 = arith.constant 0 : i32
    %scan3A_183 = arith.constant 2 : i32
    %scan3A_184 = arith.constant 0 : i32
    %scan3A_185 = arith.constant 8 : i32
    %scan3A_186 = arith.addi %scan3A_184, %scan3A_185 : i32
    %scan3A_187 = arith.constant 1 : i32
    scf.for %scan3A_222 = %scan3A_184 to %scan3A_186 step %scan3A_187  : i32 {
      %mul3A_223 = arith.constant 16 : i32
      %mul3A_224 = arith.muli %scan3A_222, %mul3A_223 : i32
      %iota3A = tpu.iota {dimensions = array<i32: 0>} : vector<16xi32>
      %add3A_225 = vector.broadcast %mul3A_224 : i32 to vector<16xi32>
      %add3A_226 = arith.addi %add3A_225, %iota3A : vector<16xi32>
      %mul3A_227 = arith.constant 16 : i32
      %mul3A_228 = arith.muli %scan3A_222, %mul3A_227 : i32
      %get3A = arith.constant 0 : i32
      %get3A_229 = tpu.memref_slice %arg9[%scan3A_183, %get3A] : memref<4x128xi32, #tpu.memory_space<vmem>> -> memref<1x128xi32, #tpu.memory_space<vmem>>
      %get3A_230 = tpu.memref_squeeze %get3A_229 : memref<1x128xi32, #tpu.memory_space<vmem>> -> memref<128xi32, #tpu.memory_space<vmem>>
      %get3A_231 = arith.index_cast %mul3A_228 : i32 to index
      %get3A_232 = tpu.vector_load %get3A_230[%get3A_231] {strides = array<i32>} : memref<128xi32, #tpu.memory_space<vmem>>, vector<16xi32>,
      %broadcast_in_dim3A = arith.constant 0.000000e+00 : f32
      %broadcast_in_dim3A_233 = vector.broadcast %broadcast_in_dim3A : f32 to vector<16xf32>
      %broadcast_in_dim3A_234 = arith.constant 0 : i32
      %broadcast_in_dim3A_235 = vector.broadcast %broadcast_in_dim3A_234 : i32 to vector<16xi32>
      %gather3A = arith.constant 0 : i32
      %gather3A_236 = arith.constant 0 : i32
      %gather3A_237 = arith.constant 0 : i32
      %gather3A_238 = tpu.memref_slice %arg11[%gather3A, %gather3A_236, %gather3A_237] : memref<2x128x128xf32, #tpu.memory_space<vmem>> -> memref<1x128x128xf32, #tpu.memory_space<vmem>>
      %gather3A_239 = tpu.memref_squeeze %gather3A_238 : memref<1x128x128xf32, #tpu.memory_space<vmem>> -> memref<128x128xf32, #tpu.memory_space<vmem>>
      %gather3A_240 = tpu.vector_load_idx %gather3A_239[%add3A_226, %broadcast_in_dim3A_235] : memref<128x128xf32, #tpu.memory_space<vmem>>[vector<16xi32>, vector<16xi32>], vector<16xf32>,
      %gather3A_241 = tpu.vector_load_idx %arg13[%get3A_232, %broadcast_in_dim3A_235] : memref<1000x32xf32, #tpu.memory_space<vmem>>[vector<16xi32>, vector<16xi32>], vector<16xf32>,
      %gather3A_242 = arith.constant 0 : i32
      %gather3A_243 = arith.constant 0 : i32
      %gather3A_244 = arith.constant 0 : i32
      %gather3A_245 = tpu.memref_slice %arg12[%gather3A_242, %gather3A_243, %gather3A_244] : memref<2x128x128xf32, #tpu.memory_space<vmem>> -> memref<1x128x128xf32, #tpu.memory_space<vmem>>
      %gather3A_246 = tpu.memref_squeeze %gather3A_245 : memref<1x128x128xf32, #tpu.memory_space<vmem>> -> memref<128x128xf32, #tpu.memory_space<vmem>>
      %gather3A_247 = tpu.vector_load_idx %gather3A_246[%add3A_226, %broadcast_in_dim3A_235] : memref<128x128xf32, #tpu.memory_space<vmem>>[vector<16xi32>, vector<16xi32>], vector<16xf32>,
      %mul3A_248 = arith.mulf %gather3A_240, %gather3A_241 : vector<16xf32>
      %mul3A_249 = arith.mulf %mul3A_248, %gather3A_247 : vector<16xf32>
      %add3A_250 = arith.addf %broadcast_in_dim3A_233, %mul3A_249 : vector<16xf32>
      %broadcast_in_dim3A_251 = arith.constant 1 : i32
      %broadcast_in_dim3A_252 = vector.broadcast %broadcast_in_dim3A_251 : i32 to vector<16xi32>
      %gather3A_253 = arith.constant 0 : i32
      %gather3A_254 = arith.constant 0 : i32
      %gather3A_255 = arith.constant 0 : i32
      %gather3A_256 = tpu.memref_slice %arg11[%gather3A_253, %gather3A_254, %gather3A_255] : memref<2x128x128xf32, #tpu.memory_space<vmem>> -> memref<1x128x128xf32, #tpu.memory_space<vmem>>
      %gather3A_257 = tpu.memref_squeeze %gather3A_256 : memref<1x128x128xf32, #tpu.memory_space<vmem>> -> memref<128x128xf32, #tpu.memory_space<vmem>>
      %gather3A_258 = tpu.vector_load_idx %gather3A_257[%add3A_226, %broadcast_in_dim3A_252] : memref<128x128xf32, #tpu.memory_space<vmem>>[vector<16xi32>, vector<16xi32>], vector<16xf32>,
      %gather3A_259 = tpu.vector_load_idx %arg13[%get3A_232, %broadcast_in_dim3A_252] : memref<1000x32xf32, #tpu.memory_space<vmem>>[vector<16xi32>, vector<16xi32>], vector<16xf32>,
      %gather3A_260 = arith.constant 0 : i32
      %gather3A_261 = arith.constant 0 : i32
      %gather3A_262 = arith.constant 0 : i32
      %gather3A_263 = tpu.memref_slice %arg12[%gather3A_260, %gather3A_261, %gather3A_262] : memref<2x128x128xf32, #tpu.memory_space<vmem>> -> memref<1x128x128xf32, #tpu.memory_space<vmem>>
      %gather3A_264 = tpu.memref_squeeze %gather3A_263 : memref<1x128x128xf32, #tpu.memory_space<vmem>> -> memref<128x128xf32, #tpu.memory_space<vmem>>
      %gather3A_265 = tpu.vector_load_idx %gather3A_264[%add3A_226, %broadcast_in_dim3A_252] : memref<128x128xf32, #tpu.memory_space<vmem>>[vector<16xi32>, vector<16xi32>], vector<16xf32>,
      %mul3A_266 = arith.mulf %gather3A_258, %gather3A_259 : vector<16xf32>
      %mul3A_267 = arith.mulf %mul3A_266, %gather3A_265 : vector<16xf32>
      %add3A_268 = arith.addf %add3A_250, %mul3A_267 : vector<16xf32>
      %broadcast_in_dim3A_269 = arith.constant 2 : i32
      %broadcast_in_dim3A_270 = vector.broadcast %broadcast_in_dim3A_269 : i32 to vector<16xi32>
      %gather3A_271 = arith.constant 0 : i32
      %gather3A_272 = arith.constant 0 : i32
      %gather3A_273 = arith.constant 0 : i32
      %gather3A_274 = tpu.memref_slice %arg11[%gather3A_271, %gather3A_272, %gather3A_273] : memref<2x128x128xf32, #tpu.memory_space<vmem>> -> memref<1x128x128xf32, #tpu.memory_space<vmem>>
      %gather3A_275 = tpu.memref_squeeze %gather3A_274 : memref<1x128x128xf32, #tpu.memory_space<vmem>> -> memref<128x128xf32, #tpu.memory_space<vmem>>
      %gather3A_276 = tpu.vector_load_idx %gather3A_275[%add3A_226, %broadcast_in_dim3A_270] : memref<128x128xf32, #tpu.memory_space<vmem>>[vector<16xi32>, vector<16xi32>], vector<16xf32>,
      %gather3A_277 = tpu.vector_load_idx %arg13[%get3A_232, %broadcast_in_dim3A_270] : memref<1000x32xf32, #tpu.memory_space<vmem>>[vector<16xi32>, vector<16xi32>], vector<16xf32>,
      %gather3A_278 = arith.constant 0 : i32
      %gather3A_279 = arith.constant 0 : i32
      %gather3A_280 = arith.constant 0 : i32
      %gather3A_281 = tpu.memref_slice %arg12[%gather3A_278, %gather3A_279, %gather3A_280] : memref<2x128x128xf32, #tpu.memory_space<vmem>> -> memref<1x128x128xf32, #tpu.memory_space<vmem>>
      %gather3A_282 = tpu.memref_squeeze %gather3A_281 : memref<1x128x128xf32, #tpu.memory_space<vmem>> -> memref<128x128xf32, #tpu.memory_space<vmem>>
      %gather3A_283 = tpu.vector_load_idx %gather3A_282[%add3A_226, %broadcast_in_dim3A_270] : memref<128x128xf32, #tpu.memory_space<vmem>>[vector<16xi32>, vector<16xi32>], vector<16xf32>,
      %mul3A_284 = arith.mulf %gather3A_276, %gather3A_277 : vector<16xf32>
      %mul3A_285 = arith.mulf %mul3A_284, %gather3A_283 : vector<16xf32>
      %add3A_286 = arith.addf %add3A_268, %mul3A_285 : vector<16xf32>
      %broadcast_in_dim3A_287 = arith.constant 3 : i32
      %broadcast_in_dim3A_288 = vector.broadcast %broadcast_in_dim3A_287 : i32 to vector<16xi32>
      %gather3A_289 = arith.constant 0 : i32
      %gather3A_290 = arith.constant 0 : i32
      %gather3A_291 = arith.constant 0 : i32
      %gather3A_292 = tpu.memref_slice %arg11[%gather3A_289, %gather3A_290, %gather3A_291] : memref<2x128x128xf32, #tpu.memory_space<vmem>> -> memref<1x128x128xf32, #tpu.memory_space<vmem>>
      %gather3A_293 = tpu.memref_squeeze %gather3A_292 : memref<1x128x128xf32, #tpu.memory_space<vmem>> -> memref<128x128xf32, #tpu.memory_space<vmem>>
      %gather3A_294 = tpu.vector_load_idx %gather3A_293[%add3A_226, %broadcast_in_dim3A_288] : memref<128x128xf32, #tpu.memory_space<vmem>>[vector<16xi32>, vector<16xi32>], vector<16xf32>,
      %gather3A_295 = tpu.vector_load_idx %arg13[%get3A_232, %broadcast_in_dim3A_288] : memref<1000x32xf32, #tpu.memory_space<vmem>>[vector<16xi32>, vector<16xi32>], vector<16xf32>,
      %gather3A_296 = arith.constant 0 : i32
      %gather3A_297 = arith.constant 0 : i32
      %gather3A_298 = arith.constant 0 : i32
      %gather3A_299 = tpu.memref_slice %arg12[%gather3A_296, %gather3A_297, %gather3A_298] : memref<2x128x128xf32, #tpu.memory_space<vmem>> -> memref<1x128x128xf32, #tpu.memory_space<vmem>>
      %gather3A_300 = tpu.memref_squeeze %gather3A_299 : memref<1x128x128xf32, #tpu.memory_space<vmem>> -> memref<128x128xf32, #tpu.memory_space<vmem>>
      %gather3A_301 = tpu.vector_load_idx %gather3A_300[%add3A_226, %broadcast_in_dim3A_288] : memref<128x128xf32, #tpu.memory_space<vmem>>[vector<16xi32>, vector<16xi32>], vector<16xf32>,
      %mul3A_302 = arith.mulf %gather3A_294, %gather3A_295 : vector<16xf32>
      %mul3A_303 = arith.mulf %mul3A_302, %gather3A_301 : vector<16xf32>
      %add3A_304 = arith.addf %add3A_286, %mul3A_303 : vector<16xf32>
      %broadcast_in_dim3A_305 = arith.constant 4 : i32
      %broadcast_in_dim3A_306 = vector.broadcast %broadcast_in_dim3A_305 : i32 to vector<16xi32>
      %gather3A_307 = arith.constant 0 : i32
      %gather3A_308 = arith.constant 0 : i32
      %gather3A_309 = arith.constant 0 : i32
      %gather3A_310 = tpu.memref_slice %arg11[%gather3A_307, %gather3A_308, %gather3A_309] : memref<2x128x128xf32, #tpu.memory_space<vmem>> -> memref<1x128x128xf32, #tpu.memory_space<vmem>>
      %gather3A_311 = tpu.memref_squeeze %gather3A_310 : memref<1x128x128xf32, #tpu.memory_space<vmem>> -> memref<128x128xf32, #tpu.memory_space<vmem>>
      %gather3A_312 = tpu.vector_load_idx %gather3A_311[%add3A_226, %broadcast_in_dim3A_306] : memref<128x128xf32, #tpu.memory_space<vmem>>[vector<16xi32>, vector<16xi32>], vector<16xf32>,
      %gather3A_313 = tpu.vector_load_idx %arg13[%get3A_232, %broadcast_in_dim3A_306] : memref<1000x32xf32, #tpu.memory_space<vmem>>[vector<16xi32>, vector<16xi32>], vector<16xf32>,
      %gather3A_314 = arith.constant 0 : i32
      %gather3A_315 = arith.constant 0 : i32
      %gather3A_316 = arith.constant 0 : i32
      %gather3A_317 = tpu.memref_slice %arg12[%gather3A_314, %gather3A_315, %gather3A_316] : memref<2x128x128xf32, #tpu.memory_space<vmem>> -> memref<1x128x128xf32, #tpu.memory_space<vmem>>
      %gather3A_318 = tpu.memref_squeeze %gather3A_317 : memref<1x128x128xf32, #tpu.memory_space<vmem>> -> memref<128x128xf32, #tpu.memory_space<vmem>>
      %gather3A_319 = tpu.vector_load_idx %gather3A_318[%add3A_226, %broadcast_in_dim3A_306] : memref<128x128xf32, #tpu.memory_space<vmem>>[vector<16xi32>, vector<16xi32>], vector<16xf32>,
      %mul3A_320 = arith.mulf %gather3A_312, %gather3A_313 : vector<16xf32>
      %mul3A_321 = arith.mulf %mul3A_320, %gather3A_319 : vector<16xf32>
      %add3A_322 = arith.addf %add3A_304, %mul3A_321 : vector<16xf32>
      %broadcast_in_dim3A_323 = arith.constant 5 : i32
      %broadcast_in_dim3A_324 = vector.broadcast %broadcast_in_dim3A_323 : i32 to vector<16xi32>
      %gather3A_325 = arith.constant 0 : i32
      %gather3A_326 = arith.constant 0 : i32
      %gather3A_327 = arith.constant 0 : i32
      %gather3A_328 = tpu.memref_slice %arg11[%gather3A_325, %gather3A_326, %gather3A_327] : memref<2x128x128xf32, #tpu.memory_space<vmem>> -> memref<1x128x128xf32, #tpu.memory_space<vmem>>
      %gather3A_329 = tpu.memref_squeeze %gather3A_328 : memref<1x128x128xf32, #tpu.memory_space<vmem>> -> memref<128x128xf32, #tpu.memory_space<vmem>>
      %gather3A_330 = tpu.vector_load_idx %gather3A_329[%add3A_226, %broadcast_in_dim3A_324] : memref<128x128xf32, #tpu.memory_space<vmem>>[vector<16xi32>, vector<16xi32>], vector<16xf32>,
      %gather3A_331 = tpu.vector_load_idx %arg13[%get3A_232, %broadcast_in_dim3A_324] : memref<1000x32xf32, #tpu.memory_space<vmem>>[vector<16xi32>, vector<16xi32>], vector<16xf32>,
      %gather3A_332 = arith.constant 0 : i32
      %gather3A_333 = arith.constant 0 : i32
      %gather3A_334 = arith.constant 0 : i32
      %gather3A_335 = tpu.memref_slice %arg12[%gather3A_332, %gather3A_333, %gather3A_334] : memref<2x128x128xf32, #tpu.memory_space<vmem>> -> memref<1x128x128xf32, #tpu.memory_space<vmem>>
      %gather3A_336 = tpu.memref_squeeze %gather3A_335 : memref<1x128x128xf32, #tpu.memory_space<vmem>> -> memref<128x128xf32, #tpu.memory_space<vmem>>
      %gather3A_337 = tpu.vector_load_idx %gather3A_336[%add3A_226, %broadcast_in_dim3A_324] : memref<128x128xf32, #tpu.memory_space<vmem>>[vector<16xi32>, vector<16xi32>], vector<16xf32>,
      %mul3A_338 = arith.mulf %gather3A_330, %gather3A_331 : vector<16xf32>
      %mul3A_339 = arith.mulf %mul3A_338, %gather3A_337 : vector<16xf32>
      %add3A_340 = arith.addf %add3A_322, %mul3A_339 : vector<16xf32>
      %broadcast_in_dim3A_341 = arith.constant 6 : i32
      %broadcast_in_dim3A_342 = vector.broadcast %broadcast_in_dim3A_341 : i32 to vector<16xi32>
      %gather3A_343 = arith.constant 0 : i32
      %gather3A_344 = arith.constant 0 : i32
      %gather3A_345 = arith.constant 0 : i32
      %gather3A_346 = tpu.memref_slice %arg11[%gather3A_343, %gather3A_344, %gather3A_345] : memref<2x128x128xf32, #tpu.memory_space<vmem>> -> memref<1x128x128xf32, #tpu.memory_space<vmem>>
      %gather3A_347 = tpu.memref_squeeze %gather3A_346 : memref<1x128x128xf32, #tpu.memory_space<vmem>> -> memref<128x128xf32, #tpu.memory_space<vmem>>
      %gather3A_348 = tpu.vector_load_idx %gather3A_347[%add3A_226, %broadcast_in_dim3A_342] : memref<128x128xf32, #tpu.memory_space<vmem>>[vector<16xi32>, vector<16xi32>], vector<16xf32>,
      %gather3A_349 = tpu.vector_load_idx %arg13[%get3A_232, %broadcast_in_dim3A_342] : memref<1000x32xf32, #tpu.memory_space<vmem>>[vector<16xi32>, vector<16xi32>], vector<16xf32>,
      %gather3A_350 = arith.constant 0 : i32
      %gather3A_351 = arith.constant 0 : i32
      %gather3A_352 = arith.constant 0 : i32
      %gather3A_353 = tpu.memref_slice %arg12[%gather3A_350, %gather3A_351, %gather3A_352] : memref<2x128x128xf32, #tpu.memory_space<vmem>> -> memref<1x128x128xf32, #tpu.memory_space<vmem>>
      %gather3A_354 = tpu.memref_squeeze %gather3A_353 : memref<1x128x128xf32, #tpu.memory_space<vmem>> -> memref<128x128xf32, #tpu.memory_space<vmem>>
      %gather3A_355 = tpu.vector_load_idx %gather3A_354[%add3A_226, %broadcast_in_dim3A_342] : memref<128x128xf32, #tpu.memory_space<vmem>>[vector<16xi32>, vector<16xi32>], vector<16xf32>,
      %mul3A_356 = arith.mulf %gather3A_348, %gather3A_349 : vector<16xf32>
      %mul3A_357 = arith.mulf %mul3A_356, %gather3A_355 : vector<16xf32>
      %add3A_358 = arith.addf %add3A_340, %mul3A_357 : vector<16xf32>
      %broadcast_in_dim3A_359 = arith.constant 7 : i32
      %broadcast_in_dim3A_360 = vector.broadcast %broadcast_in_dim3A_359 : i32 to vector<16xi32>
      %gather3A_361 = arith.constant 0 : i32
      %gather3A_362 = arith.constant 0 : i32
      %gather3A_363 = arith.constant 0 : i32
      %gather3A_364 = tpu.memref_slice %arg11[%gather3A_361, %gather3A_362, %gather3A_363] : memref<2x128x128xf32, #tpu.memory_space<vmem>> -> memref<1x128x128xf32, #tpu.memory_space<vmem>>
      %gather3A_365 = tpu.memref_squeeze %gather3A_364 : memref<1x128x128xf32, #tpu.memory_space<vmem>> -> memref<128x128xf32, #tpu.memory_space<vmem>>
      %gather3A_366 = tpu.vector_load_idx %gather3A_365[%add3A_226, %broadcast_in_dim3A_360] : memref<128x128xf32, #tpu.memory_space<vmem>>[vector<16xi32>, vector<16xi32>], vector<16xf32>,
      %gather3A_367 = tpu.vector_load_idx %arg13[%get3A_232, %broadcast_in_dim3A_360] : memref<1000x32xf32, #tpu.memory_space<vmem>>[vector<16xi32>, vector<16xi32>], vector<16xf32>,
      %gather3A_368 = arith.constant 0 : i32
      %gather3A_369 = arith.constant 0 : i32
      %gather3A_370 = arith.constant 0 : i32
      %gather3A_371 = tpu.memref_slice %arg12[%gather3A_368, %gather3A_369, %gather3A_370] : memref<2x128x128xf32, #tpu.memory_space<vmem>> -> memref<1x128x128xf32, #tpu.memory_space<vmem>>
      %gather3A_372 = tpu.memref_squeeze %gather3A_371 : memref<1x128x128xf32, #tpu.memory_space<vmem>> -> memref<128x128xf32, #tpu.memory_space<vmem>>
      %gather3A_373 = tpu.vector_load_idx %gather3A_372[%add3A_226, %broadcast_in_dim3A_360] : memref<128x128xf32, #tpu.memory_space<vmem>>[vector<16xi32>, vector<16xi32>], vector<16xf32>,
      %mul3A_374 = arith.mulf %gather3A_366, %gather3A_367 : vector<16xf32>
      %mul3A_375 = arith.mulf %mul3A_374, %gather3A_373 : vector<16xf32>
      %add3A_376 = arith.addf %add3A_358, %mul3A_375 : vector<16xf32>
      %broadcast_in_dim3A_377 = arith.constant 8 : i32
      %broadcast_in_dim3A_378 = vector.broadcast %broadcast_in_dim3A_377 : i32 to vector<16xi32>
      %gather3A_379 = arith.constant 0 : i32
      %gather3A_380 = arith.constant 0 : i32
      %gather3A_381 = arith.constant 0 : i32
      %gather3A_382 = tpu.memref_slice %arg11[%gather3A_379, %gather3A_380, %gather3A_381] : memref<2x128x128xf32, #tpu.memory_space<vmem>> -> memref<1x128x128xf32, #tpu.memory_space<vmem>>
      %gather3A_383 = tpu.memref_squeeze %gather3A_382 : memref<1x128x128xf32, #tpu.memory_space<vmem>> -> memref<128x128xf32, #tpu.memory_space<vmem>>
      %gather3A_384 = tpu.vector_load_idx %gather3A_383[%add3A_226, %broadcast_in_dim3A_378] : memref<128x128xf32, #tpu.memory_space<vmem>>[vector<16xi32>, vector<16xi32>], vector<16xf32>,
      %gather3A_385 = tpu.vector_load_idx %arg13[%get3A_232, %broadcast_in_dim3A_378] : memref<1000x32xf32, #tpu.memory_space<vmem>>[vector<16xi32>, vector<16xi32>], vector<16xf32>,
      %gather3A_386 = arith.constant 0 : i32
      %gather3A_387 = arith.constant 0 : i32
      %gather3A_388 = arith.constant 0 : i32
      %gather3A_389 = tpu.memref_slice %arg12[%gather3A_386, %gather3A_387, %gather3A_388] : memref<2x128x128xf32, #tpu.memory_space<vmem>> -> memref<1x128x128xf32, #tpu.memory_space<vmem>>
      %gather3A_390 = tpu.memref_squeeze %gather3A_389 : memref<1x128x128xf32, #tpu.memory_space<vmem>> -> memref<128x128xf32, #tpu.memory_space<vmem>>
      %gather3A_391 = tpu.vector_load_idx %gather3A_390[%add3A_226, %broadcast_in_dim3A_378] : memref<128x128xf32, #tpu.memory_space<vmem>>[vector<16xi32>, vector<16xi32>], vector<16xf32>,
      %mul3A_392 = arith.mulf %gather3A_384, %gather3A_385 : vector<16xf32>
      %mul3A_393 = arith.mulf %mul3A_392, %gather3A_391 : vector<16xf32>
      %add3A_394 = arith.addf %add3A_376, %mul3A_393 : vector<16xf32>
      %broadcast_in_dim3A_395 = arith.constant 9 : i32
      %broadcast_in_dim3A_396 = vector.broadcast %broadcast_in_dim3A_395 : i32 to vector<16xi32>
      %gather3A_397 = arith.constant 0 : i32
      %gather3A_398 = arith.constant 0 : i32
      %gather3A_399 = arith.constant 0 : i32
      %gather3A_400 = tpu.memref_slice %arg11[%gather3A_397, %gather3A_398, %gather3A_399] : memref<2x128x128xf32, #tpu.memory_space<vmem>> -> memref<1x128x128xf32, #tpu.memory_space<vmem>>
      %gather3A_401 = tpu.memref_squeeze %gather3A_400 : memref<1x128x128xf32, #tpu.memory_space<vmem>> -> memref<128x128xf32, #tpu.memory_space<vmem>>
      %gather3A_402 = tpu.vector_load_idx %gather3A_401[%add3A_226, %broadcast_in_dim3A_396] : memref<128x128xf32, #tpu.memory_space<vmem>>[vector<16xi32>, vector<16xi32>], vector<16xf32>,
      %gather3A_403 = tpu.vector_load_idx %arg13[%get3A_232, %broadcast_in_dim3A_396] : memref<1000x32xf32, #tpu.memory_space<vmem>>[vector<16xi32>, vector<16xi32>], vector<16xf32>,
      %gather3A_404 = arith.constant 0 : i32
      %gather3A_405 = arith.constant 0 : i32
      %gather3A_406 = arith.constant 0 : i32
      %gather3A_407 = tpu.memref_slice %arg12[%gather3A_404, %gather3A_405, %gather3A_406] : memref<2x128x128xf32, #tpu.memory_space<vmem>> -> memref<1x128x128xf32, #tpu.memory_space<vmem>>
      %gather3A_408 = tpu.memref_squeeze %gather3A_407 : memref<1x128x128xf32, #tpu.memory_space<vmem>> -> memref<128x128xf32, #tpu.memory_space<vmem>>
      %gather3A_409 = tpu.vector_load_idx %gather3A_408[%add3A_226, %broadcast_in_dim3A_396] : memref<128x128xf32, #tpu.memory_space<vmem>>[vector<16xi32>, vector<16xi32>], vector<16xf32>,
      %mul3A_410 = arith.mulf %gather3A_402, %gather3A_403 : vector<16xf32>
      %mul3A_411 = arith.mulf %mul3A_410, %gather3A_409 : vector<16xf32>
      %add3A_412 = arith.addf %add3A_394, %mul3A_411 : vector<16xf32>
      %broadcast_in_dim3A_413 = arith.constant 10 : i32
      %broadcast_in_dim3A_414 = vector.broadcast %broadcast_in_dim3A_413 : i32 to vector<16xi32>
      %gather3A_415 = arith.constant 0 : i32
      %gather3A_416 = arith.constant 0 : i32
      %gather3A_417 = arith.constant 0 : i32
      %gather3A_418 = tpu.memref_slice %arg11[%gather3A_415, %gather3A_416, %gather3A_417] : memref<2x128x128xf32, #tpu.memory_space<vmem>> -> memref<1x128x128xf32, #tpu.memory_space<vmem>>
      %gather3A_419 = tpu.memref_squeeze %gather3A_418 : memref<1x128x128xf32, #tpu.memory_space<vmem>> -> memref<128x128xf32, #tpu.memory_space<vmem>>
      %gather3A_420 = tpu.vector_load_idx %gather3A_419[%add3A_226, %broadcast_in_dim3A_414] : memref<128x128xf32, #tpu.memory_space<vmem>>[vector<16xi32>, vector<16xi32>], vector<16xf32>,
      %gather3A_421 = tpu.vector_load_idx %arg13[%get3A_232, %broadcast_in_dim3A_414] : memref<1000x32xf32, #tpu.memory_space<vmem>>[vector<16xi32>, vector<16xi32>], vector<16xf32>,
      %gather3A_422 = arith.constant 0 : i32
      %gather3A_423 = arith.constant 0 : i32
      %gather3A_424 = arith.constant 0 : i32
      %gather3A_425 = tpu.memref_slice %arg12[%gather3A_422, %gather3A_423, %gather3A_424] : memref<2x128x128xf32, #tpu.memory_space<vmem>> -> memref<1x128x128xf32, #tpu.memory_space<vmem>>
      %gather3A_426 = tpu.memref_squeeze %gather3A_425 : memref<1x128x128xf32, #tpu.memory_space<vmem>> -> memref<128x128xf32, #tpu.memory_space<vmem>>
      %gather3A_427 = tpu.vector_load_idx %gather3A_426[%add3A_226, %broadcast_in_dim3A_414] : memref<128x128xf32, #tpu.memory_space<vmem>>[vector<16xi32>, vector<16xi32>], vector<16xf32>,
      %mul3A_428 = arith.mulf %gather3A_420, %gather3A_421 : vector<16xf32>
      %mul3A_429 = arith.mulf %mul3A_428, %gather3A_427 : vector<16xf32>
      %add3A_430 = arith.addf %add3A_412, %mul3A_429 : vector<16xf32>
      %broadcast_in_dim3A_431 = arith.constant 11 : i32
      %broadcast_in_dim3A_432 = vector.broadcast %broadcast_in_dim3A_431 : i32 to vector<16xi32>
      %gather3A_433 = arith.constant 0 : i32
      %gather3A_434 = arith.constant 0 : i32
      %gather3A_435 = arith.constant 0 : i32
      %gather3A_436 = tpu.memref_slice %arg11[%gather3A_433, %gather3A_434, %gather3A_435] : memref<2x128x128xf32, #tpu.memory_space<vmem>> -> memref<1x128x128xf32, #tpu.memory_space<vmem>>
      %gather3A_437 = tpu.memref_squeeze %gather3A_436 : memref<1x128x128xf32, #tpu.memory_space<vmem>> -> memref<128x128xf32, #tpu.memory_space<vmem>>
      %gather3A_438 = tpu.vector_load_idx %gather3A_437[%add3A_226, %broadcast_in_dim3A_432] : memref<128x128xf32, #tpu.memory_space<vmem>>[vector<16xi32>, vector<16xi32>], vector<16xf32>,
      %gather3A_439 = tpu.vector_load_idx %arg13[%get3A_232, %broadcast_in_dim3A_432] : memref<1000x32xf32, #tpu.memory_space<vmem>>[vector<16xi32>, vector<16xi32>], vector<16xf32>,
      %gather3A_440 = arith.constant 0 : i32
      %gather3A_441 = arith.constant 0 : i32
      %gather3A_442 = arith.constant 0 : i32
      %gather3A_443 = tpu.memref_slice %arg12[%gather3A_440, %gather3A_441, %gather3A_442] : memref<2x128x128xf32, #tpu.memory_space<vmem>> -> memref<1x128x128xf32, #tpu.memory_space<vmem>>
      %gather3A_444 = tpu.memref_squeeze %gather3A_443 : memref<1x128x128xf32, #tpu.memory_space<vmem>> -> memref<128x128xf32, #tpu.memory_space<vmem>>
      %gather3A_445 = tpu.vector_load_idx %gather3A_444[%add3A_226, %broadcast_in_dim3A_432] : memref<128x128xf32, #tpu.memory_space<vmem>>[vector<16xi32>, vector<16xi32>], vector<16xf32>,
      %mul3A_446 = arith.mulf %gather3A_438, %gather3A_439 : vector<16xf32>
      %mul3A_447 = arith.mulf %mul3A_446, %gather3A_445 : vector<16xf32>
      %add3A_448 = arith.addf %add3A_430, %mul3A_447 : vector<16xf32>
      %broadcast_in_dim3A_449 = arith.constant 12 : i32
      %broadcast_in_dim3A_450 = vector.broadcast %broadcast_in_dim3A_449 : i32 to vector<16xi32>
      %gather3A_451 = arith.constant 0 : i32
      %gather3A_452 = arith.constant 0 : i32
      %gather3A_453 = arith.constant 0 : i32
      %gather3A_454 = tpu.memref_slice %arg11[%gather3A_451, %gather3A_452, %gather3A_453] : memref<2x128x128xf32, #tpu.memory_space<vmem>> -> memref<1x128x128xf32, #tpu.memory_space<vmem>>
      %gather3A_455 = tpu.memref_squeeze %gather3A_454 : memref<1x128x128xf32, #tpu.memory_space<vmem>> -> memref<128x128xf32, #tpu.memory_space<vmem>>
      %gather3A_456 = tpu.vector_load_idx %gather3A_455[%add3A_226, %broadcast_in_dim3A_450] : memref<128x128xf32, #tpu.memory_space<vmem>>[vector<16xi32>, vector<16xi32>], vector<16xf32>,
      %gather3A_457 = tpu.vector_load_idx %arg13[%get3A_232, %broadcast_in_dim3A_450] : memref<1000x32xf32, #tpu.memory_space<vmem>>[vector<16xi32>, vector<16xi32>], vector<16xf32>,
      %gather3A_458 = arith.constant 0 : i32
      %gather3A_459 = arith.constant 0 : i32
      %gather3A_460 = arith.constant 0 : i32
      %gather3A_461 = tpu.memref_slice %arg12[%gather3A_458, %gather3A_459, %gather3A_460] : memref<2x128x128xf32, #tpu.memory_space<vmem>> -> memref<1x128x128xf32, #tpu.memory_space<vmem>>
      %gather3A_462 = tpu.memref_squeeze %gather3A_461 : memref<1x128x128xf32, #tpu.memory_space<vmem>> -> memref<128x128xf32, #tpu.memory_space<vmem>>
      %gather3A_463 = tpu.vector_load_idx %gather3A_462[%add3A_226, %broadcast_in_dim3A_450] : memref<128x128xf32, #tpu.memory_space<vmem>>[vector<16xi32>, vector<16xi32>], vector<16xf32>,
      %mul3A_464 = arith.mulf %gather3A_456, %gather3A_457 : vector<16xf32>
      %mul3A_465 = arith.mulf %mul3A_464, %gather3A_463 : vector<16xf32>
      %add3A_466 = arith.addf %add3A_448, %mul3A_465 : vector<16xf32>
      %broadcast_in_dim3A_467 = arith.constant 13 : i32
      %broadcast_in_dim3A_468 = vector.broadcast %broadcast_in_dim3A_467 : i32 to vector<16xi32>
      %gather3A_469 = arith.constant 0 : i32
      %gather3A_470 = arith.constant 0 : i32
      %gather3A_471 = arith.constant 0 : i32
      %gather3A_472 = tpu.memref_slice %arg11[%gather3A_469, %gather3A_470, %gather3A_471] : memref<2x128x128xf32, #tpu.memory_space<vmem>> -> memref<1x128x128xf32, #tpu.memory_space<vmem>>
      %gather3A_473 = tpu.memref_squeeze %gather3A_472 : memref<1x128x128xf32, #tpu.memory_space<vmem>> -> memref<128x128xf32, #tpu.memory_space<vmem>>
      %gather3A_474 = tpu.vector_load_idx %gather3A_473[%add3A_226, %broadcast_in_dim3A_468] : memref<128x128xf32, #tpu.memory_space<vmem>>[vector<16xi32>, vector<16xi32>], vector<16xf32>,
      %gather3A_475 = tpu.vector_load_idx %arg13[%get3A_232, %broadcast_in_dim3A_468] : memref<1000x32xf32, #tpu.memory_space<vmem>>[vector<16xi32>, vector<16xi32>], vector<16xf32>,
      %gather3A_476 = arith.constant 0 : i32
      %gather3A_477 = arith.constant 0 : i32
      %gather3A_478 = arith.constant 0 : i32
      %gather3A_479 = tpu.memref_slice %arg12[%gather3A_476, %gather3A_477, %gather3A_478] : memref<2x128x128xf32, #tpu.memory_space<vmem>> -> memref<1x128x128xf32, #tpu.memory_space<vmem>>
      %gather3A_480 = tpu.memref_squeeze %gather3A_479 : memref<1x128x128xf32, #tpu.memory_space<vmem>> -> memref<128x128xf32, #tpu.memory_space<vmem>>
      %gather3A_481 = tpu.vector_load_idx %gather3A_480[%add3A_226, %broadcast_in_dim3A_468] : memref<128x128xf32, #tpu.memory_space<vmem>>[vector<16xi32>, vector<16xi32>], vector<16xf32>,
      %mul3A_482 = arith.mulf %gather3A_474, %gather3A_475 : vector<16xf32>
      %mul3A_483 = arith.mulf %mul3A_482, %gather3A_481 : vector<16xf32>
      %add3A_484 = arith.addf %add3A_466, %mul3A_483 : vector<16xf32>
      %broadcast_in_dim3A_485 = arith.constant 14 : i32
      %broadcast_in_dim3A_486 = vector.broadcast %broadcast_in_dim3A_485 : i32 to vector<16xi32>
      %gather3A_487 = arith.constant 0 : i32
      %gather3A_488 = arith.constant 0 : i32
      %gather3A_489 = arith.constant 0 : i32
      %gather3A_490 = tpu.memref_slice %arg11[%gather3A_487, %gather3A_488, %gather3A_489] : memref<2x128x128xf32, #tpu.memory_space<vmem>> -> memref<1x128x128xf32, #tpu.memory_space<vmem>>
      %gather3A_491 = tpu.memref_squeeze %gather3A_490 : memref<1x128x128xf32, #tpu.memory_space<vmem>> -> memref<128x128xf32, #tpu.memory_space<vmem>>
      %gather3A_492 = tpu.vector_load_idx %gather3A_491[%add3A_226, %broadcast_in_dim3A_486] : memref<128x128xf32, #tpu.memory_space<vmem>>[vector<16xi32>, vector<16xi32>], vector<16xf32>,
      %gather3A_493 = tpu.vector_load_idx %arg13[%get3A_232, %broadcast_in_dim3A_486] : memref<1000x32xf32, #tpu.memory_space<vmem>>[vector<16xi32>, vector<16xi32>], vector<16xf32>,
      %gather3A_494 = arith.constant 0 : i32
      %gather3A_495 = arith.constant 0 : i32
      %gather3A_496 = arith.constant 0 : i32
      %gather3A_497 = tpu.memref_slice %arg12[%gather3A_494, %gather3A_495, %gather3A_496] : memref<2x128x128xf32, #tpu.memory_space<vmem>> -> memref<1x128x128xf32, #tpu.memory_space<vmem>>
      %gather3A_498 = tpu.memref_squeeze %gather3A_497 : memref<1x128x128xf32, #tpu.memory_space<vmem>> -> memref<128x128xf32, #tpu.memory_space<vmem>>
      %gather3A_499 = tpu.vector_load_idx %gather3A_498[%add3A_226, %broadcast_in_dim3A_486] : memref<128x128xf32, #tpu.memory_space<vmem>>[vector<16xi32>, vector<16xi32>], vector<16xf32>,
      %mul3A_500 = arith.mulf %gather3A_492, %gather3A_493 : vector<16xf32>
      %mul3A_501 = arith.mulf %mul3A_500, %gather3A_499 : vector<16xf32>
      %add3A_502 = arith.addf %add3A_484, %mul3A_501 : vector<16xf32>
      %broadcast_in_dim3A_503 = arith.constant 15 : i32
      %broadcast_in_dim3A_504 = vector.broadcast %broadcast_in_dim3A_503 : i32 to vector<16xi32>
      %gather3A_505 = arith.constant 0 : i32
      %gather3A_506 = arith.constant 0 : i32
      %gather3A_507 = arith.constant 0 : i32
      %gather3A_508 = tpu.memref_slice %arg11[%gather3A_505, %gather3A_506, %gather3A_507] : memref<2x128x128xf32, #tpu.memory_space<vmem>> -> memref<1x128x128xf32, #tpu.memory_space<vmem>>
      %gather3A_509 = tpu.memref_squeeze %gather3A_508 : memref<1x128x128xf32, #tpu.memory_space<vmem>> -> memref<128x128xf32, #tpu.memory_space<vmem>>
      %gather3A_510 = tpu.vector_load_idx %gather3A_509[%add3A_226, %broadcast_in_dim3A_504] : memref<128x128xf32, #tpu.memory_space<vmem>>[vector<16xi32>, vector<16xi32>], vector<16xf32>,
      %gather3A_511 = tpu.vector_load_idx %arg13[%get3A_232, %broadcast_in_dim3A_504] : memref<1000x32xf32, #tpu.memory_space<vmem>>[vector<16xi32>, vector<16xi32>], vector<16xf32>,
      %gather3A_512 = arith.constant 0 : i32
      %gather3A_513 = arith.constant 0 : i32
      %gather3A_514 = arith.constant 0 : i32
      %gather3A_515 = tpu.memref_slice %arg12[%gather3A_512, %gather3A_513, %gather3A_514] : memref<2x128x128xf32, #tpu.memory_space<vmem>> -> memref<1x128x128xf32, #tpu.memory_space<vmem>>
      %gather3A_516 = tpu.memref_squeeze %gather3A_515 : memref<1x128x128xf32, #tpu.memory_space<vmem>> -> memref<128x128xf32, #tpu.memory_space<vmem>>
      %gather3A_517 = tpu.vector_load_idx %gather3A_516[%add3A_226, %broadcast_in_dim3A_504] : memref<128x128xf32, #tpu.memory_space<vmem>>[vector<16xi32>, vector<16xi32>], vector<16xf32>,
      %mul3A_518 = arith.mulf %gather3A_510, %gather3A_511 : vector<16xf32>
      %mul3A_519 = arith.mulf %mul3A_518, %gather3A_517 : vector<16xf32>
      %add3A_520 = arith.addf %add3A_502, %mul3A_519 : vector<16xf32>
      %broadcast_in_dim3A_521 = arith.constant 16 : i32
      %broadcast_in_dim3A_522 = vector.broadcast %broadcast_in_dim3A_521 : i32 to vector<16xi32>
      %gather3A_523 = arith.constant 0 : i32
      %gather3A_524 = arith.constant 0 : i32
      %gather3A_525 = arith.constant 0 : i32
      %gather3A_526 = tpu.memref_slice %arg11[%gather3A_523, %gather3A_524, %gather3A_525] : memref<2x128x128xf32, #tpu.memory_space<vmem>> -> memref<1x128x128xf32, #tpu.memory_space<vmem>>
      %gather3A_527 = tpu.memref_squeeze %gather3A_526 : memref<1x128x128xf32, #tpu.memory_space<vmem>> -> memref<128x128xf32, #tpu.memory_space<vmem>>
      %gather3A_528 = tpu.vector_load_idx %gather3A_527[%add3A_226, %broadcast_in_dim3A_522] : memref<128x128xf32, #tpu.memory_space<vmem>>[vector<16xi32>, vector<16xi32>], vector<16xf32>,
      %gather3A_529 = tpu.vector_load_idx %arg13[%get3A_232, %broadcast_in_dim3A_522] : memref<1000x32xf32, #tpu.memory_space<vmem>>[vector<16xi32>, vector<16xi32>], vector<16xf32>,
      %gather3A_530 = arith.constant 0 : i32
      %gather3A_531 = arith.constant 0 : i32
      %gather3A_532 = arith.constant 0 : i32
      %gather3A_533 = tpu.memref_slice %arg12[%gather3A_530, %gather3A_531, %gather3A_532] : memref<2x128x128xf32, #tpu.memory_space<vmem>> -> memref<1x128x128xf32, #tpu.memory_space<vmem>>
      %gather3A_534 = tpu.memref_squeeze %gather3A_533 : memref<1x128x128xf32, #tpu.memory_space<vmem>> -> memref<128x128xf32, #tpu.memory_space<vmem>>
      %gather3A_535 = tpu.vector_load_idx %gather3A_534[%add3A_226, %broadcast_in_dim3A_522] : memref<128x128xf32, #tpu.memory_space<vmem>>[vector<16xi32>, vector<16xi32>], vector<16xf32>,
      %mul3A_536 = arith.mulf %gather3A_528, %gather3A_529 : vector<16xf32>
      %mul3A_537 = arith.mulf %mul3A_536, %gather3A_535 : vector<16xf32>
      %add3A_538 = arith.addf %add3A_520, %mul3A_537 : vector<16xf32>
      %broadcast_in_dim3A_539 = arith.constant 17 : i32
      %broadcast_in_dim3A_540 = vector.broadcast %broadcast_in_dim3A_539 : i32 to vector<16xi32>
      %gather3A_541 = arith.constant 0 : i32
      %gather3A_542 = arith.constant 0 : i32
      %gather3A_543 = arith.constant 0 : i32
      %gather3A_544 = tpu.memref_slice %arg11[%gather3A_541, %gather3A_542, %gather3A_543] : memref<2x128x128xf32, #tpu.memory_space<vmem>> -> memref<1x128x128xf32, #tpu.memory_space<vmem>>
      %gather3A_545 = tpu.memref_squeeze %gather3A_544 : memref<1x128x128xf32, #tpu.memory_space<vmem>> -> memref<128x128xf32, #tpu.memory_space<vmem>>
      %gather3A_546 = tpu.vector_load_idx %gather3A_545[%add3A_226, %broadcast_in_dim3A_540] : memref<128x128xf32, #tpu.memory_space<vmem>>[vector<16xi32>, vector<16xi32>], vector<16xf32>,
      %gather3A_547 = tpu.vector_load_idx %arg13[%get3A_232, %broadcast_in_dim3A_540] : memref<1000x32xf32, #tpu.memory_space<vmem>>[vector<16xi32>, vector<16xi32>], vector<16xf32>,
      %gather3A_548 = arith.constant 0 : i32
      %gather3A_549 = arith.constant 0 : i32
      %gather3A_550 = arith.constant 0 : i32
      %gather3A_551 = tpu.memref_slice %arg12[%gather3A_548, %gather3A_549, %gather3A_550] : memref<2x128x128xf32, #tpu.memory_space<vmem>> -> memref<1x128x128xf32, #tpu.memory_space<vmem>>
      %gather3A_552 = tpu.memref_squeeze %gather3A_551 : memref<1x128x128xf32, #tpu.memory_space<vmem>> -> memref<128x128xf32, #tpu.memory_space<vmem>>
      %gather3A_553 = tpu.vector_load_idx %gather3A_552[%add3A_226, %broadcast_in_dim3A_540] : memref<128x128xf32, #tpu.memory_space<vmem>>[vector<16xi32>, vector<16xi32>], vector<16xf32>,
      %mul3A_554 = arith.mulf %gather3A_546, %gather3A_547 : vector<16xf32>
      %mul3A_555 = arith.mulf %mul3A_554, %gather3A_553 : vector<16xf32>
      %add3A_556 = arith.addf %add3A_538, %mul3A_555 : vector<16xf32>
      %broadcast_in_dim3A_557 = arith.constant 18 : i32
      %broadcast_in_dim3A_558 = vector.broadcast %broadcast_in_dim3A_557 : i32 to vector<16xi32>
      %gather3A_559 = arith.constant 0 : i32
      %gather3A_560 = arith.constant 0 : i32
      %gather3A_561 = arith.constant 0 : i32
      %gather3A_562 = tpu.memref_slice %arg11[%gather3A_559, %gather3A_560, %gather3A_561] : memref<2x128x128xf32, #tpu.memory_space<vmem>> -> memref<1x128x128xf32, #tpu.memory_space<vmem>>
      %gather3A_563 = tpu.memref_squeeze %gather3A_562 : memref<1x128x128xf32, #tpu.memory_space<vmem>> -> memref<128x128xf32, #tpu.memory_space<vmem>>
      %gather3A_564 = tpu.vector_load_idx %gather3A_563[%add3A_226, %broadcast_in_dim3A_558] : memref<128x128xf32, #tpu.memory_space<vmem>>[vector<16xi32>, vector<16xi32>], vector<16xf32>,
      %gather3A_565 = tpu.vector_load_idx %arg13[%get3A_232, %broadcast_in_dim3A_558] : memref<1000x32xf32, #tpu.memory_space<vmem>>[vector<16xi32>, vector<16xi32>], vector<16xf32>,
      %gather3A_566 = arith.constant 0 : i32
      %gather3A_567 = arith.constant 0 : i32
      %gather3A_568 = arith.constant 0 : i32
      %gather3A_569 = tpu.memref_slice %arg12[%gather3A_566, %gather3A_567, %gather3A_568] : memref<2x128x128xf32, #tpu.memory_space<vmem>> -> memref<1x128x128xf32, #tpu.memory_space<vmem>>
      %gather3A_570 = tpu.memref_squeeze %gather3A_569 : memref<1x128x128xf32, #tpu.memory_space<vmem>> -> memref<128x128xf32, #tpu.memory_space<vmem>>
      %gather3A_571 = tpu.vector_load_idx %gather3A_570[%add3A_226, %broadcast_in_dim3A_558] : memref<128x128xf32, #tpu.memory_space<vmem>>[vector<16xi32>, vector<16xi32>], vector<16xf32>,
      %mul3A_572 = arith.mulf %gather3A_564, %gather3A_565 : vector<16xf32>
      %mul3A_573 = arith.mulf %mul3A_572, %gather3A_571 : vector<16xf32>
      %add3A_574 = arith.addf %add3A_556, %mul3A_573 : vector<16xf32>
      %broadcast_in_dim3A_575 = arith.constant 19 : i32
      %broadcast_in_dim3A_576 = vector.broadcast %broadcast_in_dim3A_575 : i32 to vector<16xi32>
      %gather3A_577 = arith.constant 0 : i32
      %gather3A_578 = arith.constant 0 : i32
      %gather3A_579 = arith.constant 0 : i32
      %gather3A_580 = tpu.memref_slice %arg11[%gather3A_577, %gather3A_578, %gather3A_579] : memref<2x128x128xf32, #tpu.memory_space<vmem>> -> memref<1x128x128xf32, #tpu.memory_space<vmem>>
      %gather3A_581 = tpu.memref_squeeze %gather3A_580 : memref<1x128x128xf32, #tpu.memory_space<vmem>> -> memref<128x128xf32, #tpu.memory_space<vmem>>
      %gather3A_582 = tpu.vector_load_idx %gather3A_581[%add3A_226, %broadcast_in_dim3A_576] : memref<128x128xf32, #tpu.memory_space<vmem>>[vector<16xi32>, vector<16xi32>], vector<16xf32>,
      %gather3A_583 = tpu.vector_load_idx %arg13[%get3A_232, %broadcast_in_dim3A_576] : memref<1000x32xf32, #tpu.memory_space<vmem>>[vector<16xi32>, vector<16xi32>], vector<16xf32>,
      %gather3A_584 = arith.constant 0 : i32
      %gather3A_585 = arith.constant 0 : i32
      %gather3A_586 = arith.constant 0 : i32
      %gather3A_587 = tpu.memref_slice %arg12[%gather3A_584, %gather3A_585, %gather3A_586] : memref<2x128x128xf32, #tpu.memory_space<vmem>> -> memref<1x128x128xf32, #tpu.memory_space<vmem>>
      %gather3A_588 = tpu.memref_squeeze %gather3A_587 : memref<1x128x128xf32, #tpu.memory_space<vmem>> -> memref<128x128xf32, #tpu.memory_space<vmem>>
      %gather3A_589 = tpu.vector_load_idx %gather3A_588[%add3A_226, %broadcast_in_dim3A_576] : memref<128x128xf32, #tpu.memory_space<vmem>>[vector<16xi32>, vector<16xi32>], vector<16xf32>,
      %mul3A_590 = arith.mulf %gather3A_582, %gather3A_583 : vector<16xf32>
      %mul3A_591 = arith.mulf %mul3A_590, %gather3A_589 : vector<16xf32>
      %add3A_592 = arith.addf %add3A_574, %mul3A_591 : vector<16xf32>
      %broadcast_in_dim3A_593 = arith.constant 20 : i32
      %broadcast_in_dim3A_594 = vector.broadcast %broadcast_in_dim3A_593 : i32 to vector<16xi32>
      %gather3A_595 = arith.constant 0 : i32
      %gather3A_596 = arith.constant 0 : i32
      %gather3A_597 = arith.constant 0 : i32
      %gather3A_598 = tpu.memref_slice %arg11[%gather3A_595, %gather3A_596, %gather3A_597] : memref<2x128x128xf32, #tpu.memory_space<vmem>> -> memref<1x128x128xf32, #tpu.memory_space<vmem>>
      %gather3A_599 = tpu.memref_squeeze %gather3A_598 : memref<1x128x128xf32, #tpu.memory_space<vmem>> -> memref<128x128xf32, #tpu.memory_space<vmem>>
      %gather3A_600 = tpu.vector_load_idx %gather3A_599[%add3A_226, %broadcast_in_dim3A_594] : memref<128x128xf32, #tpu.memory_space<vmem>>[vector<16xi32>, vector<16xi32>], vector<16xf32>,
      %gather3A_601 = tpu.vector_load_idx %arg13[%get3A_232, %broadcast_in_dim3A_594] : memref<1000x32xf32, #tpu.memory_space<vmem>>[vector<16xi32>, vector<16xi32>], vector<16xf32>,
      %gather3A_602 = arith.constant 0 : i32
      %gather3A_603 = arith.constant 0 : i32
      %gather3A_604 = arith.constant 0 : i32
      %gather3A_605 = tpu.memref_slice %arg12[%gather3A_602, %gather3A_603, %gather3A_604] : memref<2x128x128xf32, #tpu.memory_space<vmem>> -> memref<1x128x128xf32, #tpu.memory_space<vmem>>
      %gather3A_606 = tpu.memref_squeeze %gather3A_605 : memref<1x128x128xf32, #tpu.memory_space<vmem>> -> memref<128x128xf32, #tpu.memory_space<vmem>>
      %gather3A_607 = tpu.vector_load_idx %gather3A_606[%add3A_226, %broadcast_in_dim3A_594] : memref<128x128xf32, #tpu.memory_space<vmem>>[vector<16xi32>, vector<16xi32>], vector<16xf32>,
      %mul3A_608 = arith.mulf %gather3A_600, %gather3A_601 : vector<16xf32>
      %mul3A_609 = arith.mulf %mul3A_608, %gather3A_607 : vector<16xf32>
      %add3A_610 = arith.addf %add3A_592, %mul3A_609 : vector<16xf32>
      %broadcast_in_dim3A_611 = arith.constant 21 : i32
      %broadcast_in_dim3A_612 = vector.broadcast %broadcast_in_dim3A_611 : i32 to vector<16xi32>
      %gather3A_613 = arith.constant 0 : i32
      %gather3A_614 = arith.constant 0 : i32
      %gather3A_615 = arith.constant 0 : i32
      %gather3A_616 = tpu.memref_slice %arg11[%gather3A_613, %gather3A_614, %gather3A_615] : memref<2x128x128xf32, #tpu.memory_space<vmem>> -> memref<1x128x128xf32, #tpu.memory_space<vmem>>
      %gather3A_617 = tpu.memref_squeeze %gather3A_616 : memref<1x128x128xf32, #tpu.memory_space<vmem>> -> memref<128x128xf32, #tpu.memory_space<vmem>>
      %gather3A_618 = tpu.vector_load_idx %gather3A_617[%add3A_226, %broadcast_in_dim3A_612] : memref<128x128xf32, #tpu.memory_space<vmem>>[vector<16xi32>, vector<16xi32>], vector<16xf32>,
      %gather3A_619 = tpu.vector_load_idx %arg13[%get3A_232, %broadcast_in_dim3A_612] : memref<1000x32xf32, #tpu.memory_space<vmem>>[vector<16xi32>, vector<16xi32>], vector<16xf32>,
      %gather3A_620 = arith.constant 0 : i32
      %gather3A_621 = arith.constant 0 : i32
      %gather3A_622 = arith.constant 0 : i32
      %gather3A_623 = tpu.memref_slice %arg12[%gather3A_620, %gather3A_621, %gather3A_622] : memref<2x128x128xf32, #tpu.memory_space<vmem>> -> memref<1x128x128xf32, #tpu.memory_space<vmem>>
      %gather3A_624 = tpu.memref_squeeze %gather3A_623 : memref<1x128x128xf32, #tpu.memory_space<vmem>> -> memref<128x128xf32, #tpu.memory_space<vmem>>
      %gather3A_625 = tpu.vector_load_idx %gather3A_624[%add3A_226, %broadcast_in_dim3A_612] : memref<128x128xf32, #tpu.memory_space<vmem>>[vector<16xi32>, vector<16xi32>], vector<16xf32>,
      %mul3A_626 = arith.mulf %gather3A_618, %gather3A_619 : vector<16xf32>
      %mul3A_627 = arith.mulf %mul3A_626, %gather3A_625 : vector<16xf32>
      %add3A_628 = arith.addf %add3A_610, %mul3A_627 : vector<16xf32>
      %broadcast_in_dim3A_629 = arith.constant 22 : i32
      %broadcast_in_dim3A_630 = vector.broadcast %broadcast_in_dim3A_629 : i32 to vector<16xi32>
      %gather3A_631 = arith.constant 0 : i32
      %gather3A_632 = arith.constant 0 : i32
      %gather3A_633 = arith.constant 0 : i32
      %gather3A_634 = tpu.memref_slice %arg11[%gather3A_631, %gather3A_632, %gather3A_633] : memref<2x128x128xf32, #tpu.memory_space<vmem>> -> memref<1x128x128xf32, #tpu.memory_space<vmem>>
      %gather3A_635 = tpu.memref_squeeze %gather3A_634 : memref<1x128x128xf32, #tpu.memory_space<vmem>> -> memref<128x128xf32, #tpu.memory_space<vmem>>
      %gather3A_636 = tpu.vector_load_idx %gather3A_635[%add3A_226, %broadcast_in_dim3A_630] : memref<128x128xf32, #tpu.memory_space<vmem>>[vector<16xi32>, vector<16xi32>], vector<16xf32>,
      %gather3A_637 = tpu.vector_load_idx %arg13[%get3A_232, %broadcast_in_dim3A_630] : memref<1000x32xf32, #tpu.memory_space<vmem>>[vector<16xi32>, vector<16xi32>], vector<16xf32>,
      %gather3A_638 = arith.constant 0 : i32
      %gather3A_639 = arith.constant 0 : i32
      %gather3A_640 = arith.constant 0 : i32
      %gather3A_641 = tpu.memref_slice %arg12[%gather3A_638, %gather3A_639, %gather3A_640] : memref<2x128x128xf32, #tpu.memory_space<vmem>> -> memref<1x128x128xf32, #tpu.memory_space<vmem>>
      %gather3A_642 = tpu.memref_squeeze %gather3A_641 : memref<1x128x128xf32, #tpu.memory_space<vmem>> -> memref<128x128xf32, #tpu.memory_space<vmem>>
      %gather3A_643 = tpu.vector_load_idx %gather3A_642[%add3A_226, %broadcast_in_dim3A_630] : memref<128x128xf32, #tpu.memory_space<vmem>>[vector<16xi32>, vector<16xi32>], vector<16xf32>,
      %mul3A_644 = arith.mulf %gather3A_636, %gather3A_637 : vector<16xf32>
      %mul3A_645 = arith.mulf %mul3A_644, %gather3A_643 : vector<16xf32>
      %add3A_646 = arith.addf %add3A_628, %mul3A_645 : vector<16xf32>
      %broadcast_in_dim3A_647 = arith.constant 23 : i32
      %broadcast_in_dim3A_648 = vector.broadcast %broadcast_in_dim3A_647 : i32 to vector<16xi32>
      %gather3A_649 = arith.constant 0 : i32
      %gather3A_650 = arith.constant 0 : i32
      %gather3A_651 = arith.constant 0 : i32
      %gather3A_652 = tpu.memref_slice %arg11[%gather3A_649, %gather3A_650, %gather3A_651] : memref<2x128x128xf32, #tpu.memory_space<vmem>> -> memref<1x128x128xf32, #tpu.memory_space<vmem>>
      %gather3A_653 = tpu.memref_squeeze %gather3A_652 : memref<1x128x128xf32, #tpu.memory_space<vmem>> -> memref<128x128xf32, #tpu.memory_space<vmem>>
      %gather3A_654 = tpu.vector_load_idx %gather3A_653[%add3A_226, %broadcast_in_dim3A_648] : memref<128x128xf32, #tpu.memory_space<vmem>>[vector<16xi32>, vector<16xi32>], vector<16xf32>,
      %gather3A_655 = tpu.vector_load_idx %arg13[%get3A_232, %broadcast_in_dim3A_648] : memref<1000x32xf32, #tpu.memory_space<vmem>>[vector<16xi32>, vector<16xi32>], vector<16xf32>,
      %gather3A_656 = arith.constant 0 : i32
      %gather3A_657 = arith.constant 0 : i32
      %gather3A_658 = arith.constant 0 : i32
      %gather3A_659 = tpu.memref_slice %arg12[%gather3A_656, %gather3A_657, %gather3A_658] : memref<2x128x128xf32, #tpu.memory_space<vmem>> -> memref<1x128x128xf32, #tpu.memory_space<vmem>>
      %gather3A_660 = tpu.memref_squeeze %gather3A_659 : memref<1x128x128xf32, #tpu.memory_space<vmem>> -> memref<128x128xf32, #tpu.memory_space<vmem>>
      %gather3A_661 = tpu.vector_load_idx %gather3A_660[%add3A_226, %broadcast_in_dim3A_648] : memref<128x128xf32, #tpu.memory_space<vmem>>[vector<16xi32>, vector<16xi32>], vector<16xf32>,
      %mul3A_662 = arith.mulf %gather3A_654, %gather3A_655 : vector<16xf32>
      %mul3A_663 = arith.mulf %mul3A_662, %gather3A_661 : vector<16xf32>
      %add3A_664 = arith.addf %add3A_646, %mul3A_663 : vector<16xf32>
      %broadcast_in_dim3A_665 = arith.constant 24 : i32
      %broadcast_in_dim3A_666 = vector.broadcast %broadcast_in_dim3A_665 : i32 to vector<16xi32>
      %gather3A_667 = arith.constant 0 : i32
      %gather3A_668 = arith.constant 0 : i32
      %gather3A_669 = arith.constant 0 : i32
      %gather3A_670 = tpu.memref_slice %arg11[%gather3A_667, %gather3A_668, %gather3A_669] : memref<2x128x128xf32, #tpu.memory_space<vmem>> -> memref<1x128x128xf32, #tpu.memory_space<vmem>>
      %gather3A_671 = tpu.memref_squeeze %gather3A_670 : memref<1x128x128xf32, #tpu.memory_space<vmem>> -> memref<128x128xf32, #tpu.memory_space<vmem>>
      %gather3A_672 = tpu.vector_load_idx %gather3A_671[%add3A_226, %broadcast_in_dim3A_666] : memref<128x128xf32, #tpu.memory_space<vmem>>[vector<16xi32>, vector<16xi32>], vector<16xf32>,
      %gather3A_673 = tpu.vector_load_idx %arg13[%get3A_232, %broadcast_in_dim3A_666] : memref<1000x32xf32, #tpu.memory_space<vmem>>[vector<16xi32>, vector<16xi32>], vector<16xf32>,
      %gather3A_674 = arith.constant 0 : i32
      %gather3A_675 = arith.constant 0 : i32
      %gather3A_676 = arith.constant 0 : i32
      %gather3A_677 = tpu.memref_slice %arg12[%gather3A_674, %gather3A_675, %gather3A_676] : memref<2x128x128xf32, #tpu.memory_space<vmem>> -> memref<1x128x128xf32, #tpu.memory_space<vmem>>
      %gather3A_678 = tpu.memref_squeeze %gather3A_677 : memref<1x128x128xf32, #tpu.memory_space<vmem>> -> memref<128x128xf32, #tpu.memory_space<vmem>>
      %gather3A_679 = tpu.vector_load_idx %gather3A_678[%add3A_226, %broadcast_in_dim3A_666] : memref<128x128xf32, #tpu.memory_space<vmem>>[vector<16xi32>, vector<16xi32>], vector<16xf32>,
      %mul3A_680 = arith.mulf %gather3A_672, %gather3A_673 : vector<16xf32>
      %mul3A_681 = arith.mulf %mul3A_680, %gather3A_679 : vector<16xf32>
      %add3A_682 = arith.addf %add3A_664, %mul3A_681 : vector<16xf32>
      %broadcast_in_dim3A_683 = arith.constant 25 : i32
      %broadcast_in_dim3A_684 = vector.broadcast %broadcast_in_dim3A_683 : i32 to vector<16xi32>
      %gather3A_685 = arith.constant 0 : i32
      %gather3A_686 = arith.constant 0 : i32
      %gather3A_687 = arith.constant 0 : i32
      %gather3A_688 = tpu.memref_slice %arg11[%gather3A_685, %gather3A_686, %gather3A_687] : memref<2x128x128xf32, #tpu.memory_space<vmem>> -> memref<1x128x128xf32, #tpu.memory_space<vmem>>
      %gather3A_689 = tpu.memref_squeeze %gather3A_688 : memref<1x128x128xf32, #tpu.memory_space<vmem>> -> memref<128x128xf32, #tpu.memory_space<vmem>>
      %gather3A_690 = tpu.vector_load_idx %gather3A_689[%add3A_226, %broadcast_in_dim3A_684] : memref<128x128xf32, #tpu.memory_space<vmem>>[vector<16xi32>, vector<16xi32>], vector<16xf32>,
      %gather3A_691 = tpu.vector_load_idx %arg13[%get3A_232, %broadcast_in_dim3A_684] : memref<1000x32xf32, #tpu.memory_space<vmem>>[vector<16xi32>, vector<16xi32>], vector<16xf32>,
      %gather3A_692 = arith.constant 0 : i32
      %gather3A_693 = arith.constant 0 : i32
      %gather3A_694 = arith.constant 0 : i32
      %gather3A_695 = tpu.memref_slice %arg12[%gather3A_692, %gather3A_693, %gather3A_694] : memref<2x128x128xf32, #tpu.memory_space<vmem>> -> memref<1x128x128xf32, #tpu.memory_space<vmem>>
      %gather3A_696 = tpu.memref_squeeze %gather3A_695 : memref<1x128x128xf32, #tpu.memory_space<vmem>> -> memref<128x128xf32, #tpu.memory_space<vmem>>
      %gather3A_697 = tpu.vector_load_idx %gather3A_696[%add3A_226, %broadcast_in_dim3A_684] : memref<128x128xf32, #tpu.memory_space<vmem>>[vector<16xi32>, vector<16xi32>], vector<16xf32>,
      %mul3A_698 = arith.mulf %gather3A_690, %gather3A_691 : vector<16xf32>
      %mul3A_699 = arith.mulf %mul3A_698, %gather3A_697 : vector<16xf32>
      %add3A_700 = arith.addf %add3A_682, %mul3A_699 : vector<16xf32>
      %broadcast_in_dim3A_701 = arith.constant 26 : i32
      %broadcast_in_dim3A_702 = vector.broadcast %broadcast_in_dim3A_701 : i32 to vector<16xi32>
      %gather3A_703 = arith.constant 0 : i32
      %gather3A_704 = arith.constant 0 : i32
      %gather3A_705 = arith.constant 0 : i32
      %gather3A_706 = tpu.memref_slice %arg11[%gather3A_703, %gather3A_704, %gather3A_705] : memref<2x128x128xf32, #tpu.memory_space<vmem>> -> memref<1x128x128xf32, #tpu.memory_space<vmem>>
      %gather3A_707 = tpu.memref_squeeze %gather3A_706 : memref<1x128x128xf32, #tpu.memory_space<vmem>> -> memref<128x128xf32, #tpu.memory_space<vmem>>
      %gather3A_708 = tpu.vector_load_idx %gather3A_707[%add3A_226, %broadcast_in_dim3A_702] : memref<128x128xf32, #tpu.memory_space<vmem>>[vector<16xi32>, vector<16xi32>], vector<16xf32>,
      %gather3A_709 = tpu.vector_load_idx %arg13[%get3A_232, %broadcast_in_dim3A_702] : memref<1000x32xf32, #tpu.memory_space<vmem>>[vector<16xi32>, vector<16xi32>], vector<16xf32>,
      %gather3A_710 = arith.constant 0 : i32
      %gather3A_711 = arith.constant 0 : i32
      %gather3A_712 = arith.constant 0 : i32
      %gather3A_713 = tpu.memref_slice %arg12[%gather3A_710, %gather3A_711, %gather3A_712] : memref<2x128x128xf32, #tpu.memory_space<vmem>> -> memref<1x128x128xf32, #tpu.memory_space<vmem>>
      %gather3A_714 = tpu.memref_squeeze %gather3A_713 : memref<1x128x128xf32, #tpu.memory_space<vmem>> -> memref<128x128xf32, #tpu.memory_space<vmem>>
      %gather3A_715 = tpu.vector_load_idx %gather3A_714[%add3A_226, %broadcast_in_dim3A_702] : memref<128x128xf32, #tpu.memory_space<vmem>>[vector<16xi32>, vector<16xi32>], vector<16xf32>,
      %mul3A_716 = arith.mulf %gather3A_708, %gather3A_709 : vector<16xf32>
      %mul3A_717 = arith.mulf %mul3A_716, %gather3A_715 : vector<16xf32>
      %add3A_718 = arith.addf %add3A_700, %mul3A_717 : vector<16xf32>
      %broadcast_in_dim3A_719 = arith.constant 27 : i32
      %broadcast_in_dim3A_720 = vector.broadcast %broadcast_in_dim3A_719 : i32 to vector<16xi32>
      %gather3A_721 = arith.constant 0 : i32
      %gather3A_722 = arith.constant 0 : i32
      %gather3A_723 = arith.constant 0 : i32
      %gather3A_724 = tpu.memref_slice %arg11[%gather3A_721, %gather3A_722, %gather3A_723] : memref<2x128x128xf32, #tpu.memory_space<vmem>> -> memref<1x128x128xf32, #tpu.memory_space<vmem>>
      %gather3A_725 = tpu.memref_squeeze %gather3A_724 : memref<1x128x128xf32, #tpu.memory_space<vmem>> -> memref<128x128xf32, #tpu.memory_space<vmem>>
      %gather3A_726 = tpu.vector_load_idx %gather3A_725[%add3A_226, %broadcast_in_dim3A_720] : memref<128x128xf32, #tpu.memory_space<vmem>>[vector<16xi32>, vector<16xi32>], vector<16xf32>,
      %gather3A_727 = tpu.vector_load_idx %arg13[%get3A_232, %broadcast_in_dim3A_720] : memref<1000x32xf32, #tpu.memory_space<vmem>>[vector<16xi32>, vector<16xi32>], vector<16xf32>,
      %gather3A_728 = arith.constant 0 : i32
      %gather3A_729 = arith.constant 0 : i32
      %gather3A_730 = arith.constant 0 : i32
      %gather3A_731 = tpu.memref_slice %arg12[%gather3A_728, %gather3A_729, %gather3A_730] : memref<2x128x128xf32, #tpu.memory_space<vmem>> -> memref<1x128x128xf32, #tpu.memory_space<vmem>>
      %gather3A_732 = tpu.memref_squeeze %gather3A_731 : memref<1x128x128xf32, #tpu.memory_space<vmem>> -> memref<128x128xf32, #tpu.memory_space<vmem>>
      %gather3A_733 = tpu.vector_load_idx %gather3A_732[%add3A_226, %broadcast_in_dim3A_720] : memref<128x128xf32, #tpu.memory_space<vmem>>[vector<16xi32>, vector<16xi32>], vector<16xf32>,
      %mul3A_734 = arith.mulf %gather3A_726, %gather3A_727 : vector<16xf32>
      %mul3A_735 = arith.mulf %mul3A_734, %gather3A_733 : vector<16xf32>
      %add3A_736 = arith.addf %add3A_718, %mul3A_735 : vector<16xf32>
      %broadcast_in_dim3A_737 = arith.constant 28 : i32
      %broadcast_in_dim3A_738 = vector.broadcast %broadcast_in_dim3A_737 : i32 to vector<16xi32>
      %gather3A_739 = arith.constant 0 : i32
      %gather3A_740 = arith.constant 0 : i32
      %gather3A_741 = arith.constant 0 : i32
      %gather3A_742 = tpu.memref_slice %arg11[%gather3A_739, %gather3A_740, %gather3A_741] : memref<2x128x128xf32, #tpu.memory_space<vmem>> -> memref<1x128x128xf32, #tpu.memory_space<vmem>>
      %gather3A_743 = tpu.memref_squeeze %gather3A_742 : memref<1x128x128xf32, #tpu.memory_space<vmem>> -> memref<128x128xf32, #tpu.memory_space<vmem>>
      %gather3A_744 = tpu.vector_load_idx %gather3A_743[%add3A_226, %broadcast_in_dim3A_738] : memref<128x128xf32, #tpu.memory_space<vmem>>[vector<16xi32>, vector<16xi32>], vector<16xf32>,
      %gather3A_745 = tpu.vector_load_idx %arg13[%get3A_232, %broadcast_in_dim3A_738] : memref<1000x32xf32, #tpu.memory_space<vmem>>[vector<16xi32>, vector<16xi32>], vector<16xf32>,
      %gather3A_746 = arith.constant 0 : i32
      %gather3A_747 = arith.constant 0 : i32
      %gather3A_748 = arith.constant 0 : i32
      %gather3A_749 = tpu.memref_slice %arg12[%gather3A_746, %gather3A_747, %gather3A_748] : memref<2x128x128xf32, #tpu.memory_space<vmem>> -> memref<1x128x128xf32, #tpu.memory_space<vmem>>
      %gather3A_750 = tpu.memref_squeeze %gather3A_749 : memref<1x128x128xf32, #tpu.memory_space<vmem>> -> memref<128x128xf32, #tpu.memory_space<vmem>>
      %gather3A_751 = tpu.vector_load_idx %gather3A_750[%add3A_226, %broadcast_in_dim3A_738] : memref<128x128xf32, #tpu.memory_space<vmem>>[vector<16xi32>, vector<16xi32>], vector<16xf32>,
      %mul3A_752 = arith.mulf %gather3A_744, %gather3A_745 : vector<16xf32>
      %mul3A_753 = arith.mulf %mul3A_752, %gather3A_751 : vector<16xf32>
      %add3A_754 = arith.addf %add3A_736, %mul3A_753 : vector<16xf32>
      %broadcast_in_dim3A_755 = arith.constant 29 : i32
      %broadcast_in_dim3A_756 = vector.broadcast %broadcast_in_dim3A_755 : i32 to vector<16xi32>
      %gather3A_757 = arith.constant 0 : i32
      %gather3A_758 = arith.constant 0 : i32
      %gather3A_759 = arith.constant 0 : i32
      %gather3A_760 = tpu.memref_slice %arg11[%gather3A_757, %gather3A_758, %gather3A_759] : memref<2x128x128xf32, #tpu.memory_space<vmem>> -> memref<1x128x128xf32, #tpu.memory_space<vmem>>
      %gather3A_761 = tpu.memref_squeeze %gather3A_760 : memref<1x128x128xf32, #tpu.memory_space<vmem>> -> memref<128x128xf32, #tpu.memory_space<vmem>>
      %gather3A_762 = tpu.vector_load_idx %gather3A_761[%add3A_226, %broadcast_in_dim3A_756] : memref<128x128xf32, #tpu.memory_space<vmem>>[vector<16xi32>, vector<16xi32>], vector<16xf32>,
      %gather3A_763 = tpu.vector_load_idx %arg13[%get3A_232, %broadcast_in_dim3A_756] : memref<1000x32xf32, #tpu.memory_space<vmem>>[vector<16xi32>, vector<16xi32>], vector<16xf32>,
      %gather3A_764 = arith.constant 0 : i32
      %gather3A_765 = arith.constant 0 : i32
      %gather3A_766 = arith.constant 0 : i32
      %gather3A_767 = tpu.memref_slice %arg12[%gather3A_764, %gather3A_765, %gather3A_766] : memref<2x128x128xf32, #tpu.memory_space<vmem>> -> memref<1x128x128xf32, #tpu.memory_space<vmem>>
      %gather3A_768 = tpu.memref_squeeze %gather3A_767 : memref<1x128x128xf32, #tpu.memory_space<vmem>> -> memref<128x128xf32, #tpu.memory_space<vmem>>
      %gather3A_769 = tpu.vector_load_idx %gather3A_768[%add3A_226, %broadcast_in_dim3A_756] : memref<128x128xf32, #tpu.memory_space<vmem>>[vector<16xi32>, vector<16xi32>], vector<16xf32>,
      %mul3A_770 = arith.mulf %gather3A_762, %gather3A_763 : vector<16xf32>
      %mul3A_771 = arith.mulf %mul3A_770, %gather3A_769 : vector<16xf32>
      %add3A_772 = arith.addf %add3A_754, %mul3A_771 : vector<16xf32>
      %broadcast_in_dim3A_773 = arith.constant 30 : i32
      %broadcast_in_dim3A_774 = vector.broadcast %broadcast_in_dim3A_773 : i32 to vector<16xi32>
      %gather3A_775 = arith.constant 0 : i32
      %gather3A_776 = arith.constant 0 : i32
      %gather3A_777 = arith.constant 0 : i32
      %gather3A_778 = tpu.memref_slice %arg11[%gather3A_775, %gather3A_776, %gather3A_777] : memref<2x128x128xf32, #tpu.memory_space<vmem>> -> memref<1x128x128xf32, #tpu.memory_space<vmem>>
      %gather3A_779 = tpu.memref_squeeze %gather3A_778 : memref<1x128x128xf32, #tpu.memory_space<vmem>> -> memref<128x128xf32, #tpu.memory_space<vmem>>
      %gather3A_780 = tpu.vector_load_idx %gather3A_779[%add3A_226, %broadcast_in_dim3A_774] : memref<128x128xf32, #tpu.memory_space<vmem>>[vector<16xi32>, vector<16xi32>], vector<16xf32>,
      %gather3A_781 = tpu.vector_load_idx %arg13[%get3A_232, %broadcast_in_dim3A_774] : memref<1000x32xf32, #tpu.memory_space<vmem>>[vector<16xi32>, vector<16xi32>], vector<16xf32>,
      %gather3A_782 = arith.constant 0 : i32
      %gather3A_783 = arith.constant 0 : i32
      %gather3A_784 = arith.constant 0 : i32
      %gather3A_785 = tpu.memref_slice %arg12[%gather3A_782, %gather3A_783, %gather3A_784] : memref<2x128x128xf32, #tpu.memory_space<vmem>> -> memref<1x128x128xf32, #tpu.memory_space<vmem>>
      %gather3A_786 = tpu.memref_squeeze %gather3A_785 : memref<1x128x128xf32, #tpu.memory_space<vmem>> -> memref<128x128xf32, #tpu.memory_space<vmem>>
      %gather3A_787 = tpu.vector_load_idx %gather3A_786[%add3A_226, %broadcast_in_dim3A_774] : memref<128x128xf32, #tpu.memory_space<vmem>>[vector<16xi32>, vector<16xi32>], vector<16xf32>,
      %mul3A_788 = arith.mulf %gather3A_780, %gather3A_781 : vector<16xf32>
      %mul3A_789 = arith.mulf %mul3A_788, %gather3A_787 : vector<16xf32>
      %add3A_790 = arith.addf %add3A_772, %mul3A_789 : vector<16xf32>
      %broadcast_in_dim3A_791 = arith.constant 31 : i32
      %broadcast_in_dim3A_792 = vector.broadcast %broadcast_in_dim3A_791 : i32 to vector<16xi32>
      %gather3A_793 = arith.constant 0 : i32
      %gather3A_794 = arith.constant 0 : i32
      %gather3A_795 = arith.constant 0 : i32
      %gather3A_796 = tpu.memref_slice %arg11[%gather3A_793, %gather3A_794, %gather3A_795] : memref<2x128x128xf32, #tpu.memory_space<vmem>> -> memref<1x128x128xf32, #tpu.memory_space<vmem>>
      %gather3A_797 = tpu.memref_squeeze %gather3A_796 : memref<1x128x128xf32, #tpu.memory_space<vmem>> -> memref<128x128xf32, #tpu.memory_space<vmem>>
      %gather3A_798 = tpu.vector_load_idx %gather3A_797[%add3A_226, %broadcast_in_dim3A_792] : memref<128x128xf32, #tpu.memory_space<vmem>>[vector<16xi32>, vector<16xi32>], vector<16xf32>,
      %gather3A_799 = tpu.vector_load_idx %arg13[%get3A_232, %broadcast_in_dim3A_792] : memref<1000x32xf32, #tpu.memory_space<vmem>>[vector<16xi32>, vector<16xi32>], vector<16xf32>,
      %gather3A_800 = arith.constant 0 : i32
      %gather3A_801 = arith.constant 0 : i32
      %gather3A_802 = arith.constant 0 : i32
      %gather3A_803 = tpu.memref_slice %arg12[%gather3A_800, %gather3A_801, %gather3A_802] : memref<2x128x128xf32, #tpu.memory_space<vmem>> -> memref<1x128x128xf32, #tpu.memory_space<vmem>>
      %gather3A_804 = tpu.memref_squeeze %gather3A_803 : memref<1x128x128xf32, #tpu.memory_space<vmem>> -> memref<128x128xf32, #tpu.memory_space<vmem>>
      %gather3A_805 = tpu.vector_load_idx %gather3A_804[%add3A_226, %broadcast_in_dim3A_792] : memref<128x128xf32, #tpu.memory_space<vmem>>[vector<16xi32>, vector<16xi32>], vector<16xf32>,
      %mul3A_806 = arith.mulf %gather3A_798, %gather3A_799 : vector<16xf32>
      %mul3A_807 = arith.mulf %mul3A_806, %gather3A_805 : vector<16xf32>
      %add3A_808 = arith.addf %add3A_790, %mul3A_807 : vector<16xf32>
      %neg3A = arith.constant 0.000000e+00 : f32
      %neg3A_809 = vector.broadcast %neg3A : f32 to vector<16xf32>
      %neg3A_810 = arith.subf %neg3A_809, %add3A_808 : vector<16xf32>
      %exp3A = math.exp %neg3A_810 : vector<16xf32>
      %add3A_811 = arith.constant 1.000000e+00 : f32
      %add3A_812 = vector.broadcast %add3A_811 : f32 to vector<16xf32>
      %add3A_813 = arith.addf %add3A_812, %exp3A : vector<16xf32>
      %div3A = arith.constant 1.000000e+00 : f32
      %div3A_814 = vector.broadcast %div3A : f32 to vector<16xf32>
      %div3A_815 = arith.divf %div3A_814, %add3A_813 : vector<16xf32>
      %mul3A_816 = arith.constant 16 : i32
      %mul3A_817 = arith.muli %scan3A_222, %mul3A_816 : i32
      %add3A_818 = arith.constant 256 : i32
      %add3A_819 = arith.addi %add3A_818, %mul3A_817 : i32
      %swap3A = arith.index_cast %add3A_819 : i32 to index
      %swap3A_820 = tpu.vector_load %arg14[%swap3A] {strides = array<i32>} : memref<512xf32, #tpu.memory_space<vmem>>, vector<16xf32>,
      tpu.vector_store %arg14[%swap3A], %div3A_815 {strides = array<i32>} : memref<512xf32, #tpu.memory_space<vmem>>, vector<16xf32>,
    }
    %scan3A_188 = arith.constant 8 : i32
    %dma_wait3A_189 = arith.constant 3 : i32
    %dma_wait3A_190 = arith.constant 1 : i32
    %dma_wait3A_191 = arith.constant 0 : i32
    %dma_wait3A_192 = arith.constant 0 : i32
    %dma_wait3A_193 = tpu.memref_slice %arg11[%dma_wait3A_190, %dma_wait3A_191, %dma_wait3A_192] : memref<2x128x128xf32, #tpu.memory_space<vmem>> -> memref<1x128x128xf32, #tpu.memory_space<vmem>>
    %dma_wait3A_194 = tpu.memref_squeeze %dma_wait3A_193 : memref<1x128x128xf32, #tpu.memory_space<vmem>> -> memref<128x128xf32, #tpu.memory_space<vmem>>
    %dma_wait3A_195 = arith.constant 0 : i32
    %dma_wait3A_196 = tpu.memref_slice %arg8[%dma_wait3A_189, %dma_wait3A_195] : memref<4x128xi32, #tpu.memory_space<vmem>> -> memref<1x128xi32, #tpu.memory_space<vmem>>
    %dma_wait3A_197 = tpu.memref_squeeze %dma_wait3A_196 : memref<1x128xi32, #tpu.memory_space<vmem>> -> memref<128xi32, #tpu.memory_space<vmem>>
    %dma_wait3A_198 = arith.constant 0 : i32
    %dma_wait3A_199 = arith.constant 0 : i32
    %dma_wait3A_200 = tpu.memref_slice %arg2[%dma_wait3A_198, %dma_wait3A_199] : memref<1000000x128xf32, #tpu.memory_space<hbm>> -> memref<1000000x128xf32, #tpu.memory_space<hbm>>
    tpu.wait_indirect_dma semaphore(%arg15 : memref<!tpu.dma_semaphore, #tpu.memory_space<semaphore_mem>>) src(%dma_wait3A_200 : memref<1000000x128xf32, #tpu.memory_space<hbm>>) dst(%dma_wait3A_194 : memref<128x128xf32, #tpu.memory_space<vmem>>)
    %dma_wait3A_201 = arith.constant 3 : i32
    %dma_wait3A_202 = arith.constant 1 : i32
    %dma_wait3A_203 = arith.constant 0 : i32
    %dma_wait3A_204 = arith.constant 0 : i32
    %dma_wait3A_205 = tpu.memref_slice %arg12[%dma_wait3A_202, %dma_wait3A_203, %dma_wait3A_204] : memref<2x128x128xf32, #tpu.memory_space<vmem>> -> memref<1x128x128xf32, #tpu.memory_space<vmem>>
    %dma_wait3A_206 = tpu.memref_squeeze %dma_wait3A_205 : memref<1x128x128xf32, #tpu.memory_space<vmem>> -> memref<128x128xf32, #tpu.memory_space<vmem>>
    %dma_wait3A_207 = arith.constant 0 : i32
    %dma_wait3A_208 = tpu.memref_slice %arg10[%dma_wait3A_201, %dma_wait3A_207] : memref<4x128xi32, #tpu.memory_space<vmem>> -> memref<1x128xi32, #tpu.memory_space<vmem>>
    %dma_wait3A_209 = tpu.memref_squeeze %dma_wait3A_208 : memref<1x128xi32, #tpu.memory_space<vmem>> -> memref<128xi32, #tpu.memory_space<vmem>>
    %dma_wait3A_210 = arith.constant 0 : i32
    %dma_wait3A_211 = arith.constant 0 : i32
    %dma_wait3A_212 = tpu.memref_slice %arg2[%dma_wait3A_210, %dma_wait3A_211] : memref<1000000x128xf32, #tpu.memory_space<hbm>> -> memref<1000000x128xf32, #tpu.memory_space<hbm>>
    tpu.wait_indirect_dma semaphore(%arg15 : memref<!tpu.dma_semaphore, #tpu.memory_space<semaphore_mem>>) src(%dma_wait3A_212 : memref<1000000x128xf32, #tpu.memory_space<hbm>>) dst(%dma_wait3A_206 : memref<128x128xf32, #tpu.memory_space<vmem>>)
    %scan3A_213 = arith.constant 0 : i32
    %scan3A_214 = arith.constant 3 : i32
    %scan3A_215 = arith.constant 0 : i32
    %scan3A_216 = arith.constant 8 : i32
    %scan3A_217 = arith.addi %scan3A_215, %scan3A_216 : i32
    %scan3A_218 = arith.constant 1 : i32
    scf.for %scan3A_222 = %scan3A_215 to %scan3A_217 step %scan3A_218  : i32 {
      %mul3A_223 = arith.constant 16 : i32
      %mul3A_224 = arith.muli %scan3A_222, %mul3A_223 : i32
      %iota3A = tpu.iota {dimensions = array<i32: 0>} : vector<16xi32>
      %add3A_225 = vector.broadcast %mul3A_224 : i32 to vector<16xi32>
      %add3A_226 = arith.addi %add3A_225, %iota3A : vector<16xi32>
      %mul3A_227 = arith.constant 16 : i32
      %mul3A_228 = arith.muli %scan3A_222, %mul3A_227 : i32
      %get3A = arith.constant 0 : i32
      %get3A_229 = tpu.memref_slice %arg9[%scan3A_214, %get3A] : memref<4x128xi32, #tpu.memory_space<vmem>> -> memref<1x128xi32, #tpu.memory_space<vmem>>
      %get3A_230 = tpu.memref_squeeze %get3A_229 : memref<1x128xi32, #tpu.memory_space<vmem>> -> memref<128xi32, #tpu.memory_space<vmem>>
      %get3A_231 = arith.index_cast %mul3A_228 : i32 to index
      %get3A_232 = tpu.vector_load %get3A_230[%get3A_231] {strides = array<i32>} : memref<128xi32, #tpu.memory_space<vmem>>, vector<16xi32>,
      %broadcast_in_dim3A = arith.constant 0.000000e+00 : f32
      %broadcast_in_dim3A_233 = vector.broadcast %broadcast_in_dim3A : f32 to vector<16xf32>
      %broadcast_in_dim3A_234 = arith.constant 0 : i32
      %broadcast_in_dim3A_235 = vector.broadcast %broadcast_in_dim3A_234 : i32 to vector<16xi32>
      %gather3A = arith.constant 1 : i32
      %gather3A_236 = arith.constant 0 : i32
      %gather3A_237 = arith.constant 0 : i32
      %gather3A_238 = tpu.memref_slice %arg11[%gather3A, %gather3A_236, %gather3A_237] : memref<2x128x128xf32, #tpu.memory_space<vmem>> -> memref<1x128x128xf32, #tpu.memory_space<vmem>>
      %gather3A_239 = tpu.memref_squeeze %gather3A_238 : memref<1x128x128xf32, #tpu.memory_space<vmem>> -> memref<128x128xf32, #tpu.memory_space<vmem>>
      %gather3A_240 = tpu.vector_load_idx %gather3A_239[%add3A_226, %broadcast_in_dim3A_235] : memref<128x128xf32, #tpu.memory_space<vmem>>[vector<16xi32>, vector<16xi32>], vector<16xf32>,
      %gather3A_241 = tpu.vector_load_idx %arg13[%get3A_232, %broadcast_in_dim3A_235] : memref<1000x32xf32, #tpu.memory_space<vmem>>[vector<16xi32>, vector<16xi32>], vector<16xf32>,
      %gather3A_242 = arith.constant 1 : i32
      %gather3A_243 = arith.constant 0 : i32
      %gather3A_244 = arith.constant 0 : i32
      %gather3A_245 = tpu.memref_slice %arg12[%gather3A_242, %gather3A_243, %gather3A_244] : memref<2x128x128xf32, #tpu.memory_space<vmem>> -> memref<1x128x128xf32, #tpu.memory_space<vmem>>
      %gather3A_246 = tpu.memref_squeeze %gather3A_245 : memref<1x128x128xf32, #tpu.memory_space<vmem>> -> memref<128x128xf32, #tpu.memory_space<vmem>>
      %gather3A_247 = tpu.vector_load_idx %gather3A_246[%add3A_226, %broadcast_in_dim3A_235] : memref<128x128xf32, #tpu.memory_space<vmem>>[vector<16xi32>, vector<16xi32>], vector<16xf32>,
      %mul3A_248 = arith.mulf %gather3A_240, %gather3A_241 : vector<16xf32>
      %mul3A_249 = arith.mulf %mul3A_248, %gather3A_247 : vector<16xf32>
      %add3A_250 = arith.addf %broadcast_in_dim3A_233, %mul3A_249 : vector<16xf32>
      %broadcast_in_dim3A_251 = arith.constant 1 : i32
      %broadcast_in_dim3A_252 = vector.broadcast %broadcast_in_dim3A_251 : i32 to vector<16xi32>
      %gather3A_253 = arith.constant 1 : i32
      %gather3A_254 = arith.constant 0 : i32
      %gather3A_255 = arith.constant 0 : i32
      %gather3A_256 = tpu.memref_slice %arg11[%gather3A_253, %gather3A_254, %gather3A_255] : memref<2x128x128xf32, #tpu.memory_space<vmem>> -> memref<1x128x128xf32, #tpu.memory_space<vmem>>
      %gather3A_257 = tpu.memref_squeeze %gather3A_256 : memref<1x128x128xf32, #tpu.memory_space<vmem>> -> memref<128x128xf32, #tpu.memory_space<vmem>>
      %gather3A_258 = tpu.vector_load_idx %gather3A_257[%add3A_226, %broadcast_in_dim3A_252] : memref<128x128xf32, #tpu.memory_space<vmem>>[vector<16xi32>, vector<16xi32>], vector<16xf32>,
      %gather3A_259 = tpu.vector_load_idx %arg13[%get3A_232, %broadcast_in_dim3A_252] : memref<1000x32xf32, #tpu.memory_space<vmem>>[vector<16xi32>, vector<16xi32>], vector<16xf32>,
      %gather3A_260 = arith.constant 1 : i32
      %gather3A_261 = arith.constant 0 : i32
      %gather3A_262 = arith.constant 0 : i32
      %gather3A_263 = tpu.memref_slice %arg12[%gather3A_260, %gather3A_261, %gather3A_262] : memref<2x128x128xf32, #tpu.memory_space<vmem>> -> memref<1x128x128xf32, #tpu.memory_space<vmem>>
      %gather3A_264 = tpu.memref_squeeze %gather3A_263 : memref<1x128x128xf32, #tpu.memory_space<vmem>> -> memref<128x128xf32, #tpu.memory_space<vmem>>
      %gather3A_265 = tpu.vector_load_idx %gather3A_264[%add3A_226, %broadcast_in_dim3A_252] : memref<128x128xf32, #tpu.memory_space<vmem>>[vector<16xi32>, vector<16xi32>], vector<16xf32>,
      %mul3A_266 = arith.mulf %gather3A_258, %gather3A_259 : vector<16xf32>
      %mul3A_267 = arith.mulf %mul3A_266, %gather3A_265 : vector<16xf32>
      %add3A_268 = arith.addf %add3A_250, %mul3A_267 : vector<16xf32>
      %broadcast_in_dim3A_269 = arith.constant 2 : i32
      %broadcast_in_dim3A_270 = vector.broadcast %broadcast_in_dim3A_269 : i32 to vector<16xi32>
      %gather3A_271 = arith.constant 1 : i32
      %gather3A_272 = arith.constant 0 : i32
      %gather3A_273 = arith.constant 0 : i32
      %gather3A_274 = tpu.memref_slice %arg11[%gather3A_271, %gather3A_272, %gather3A_273] : memref<2x128x128xf32, #tpu.memory_space<vmem>> -> memref<1x128x128xf32, #tpu.memory_space<vmem>>
      %gather3A_275 = tpu.memref_squeeze %gather3A_274 : memref<1x128x128xf32, #tpu.memory_space<vmem>> -> memref<128x128xf32, #tpu.memory_space<vmem>>
      %gather3A_276 = tpu.vector_load_idx %gather3A_275[%add3A_226, %broadcast_in_dim3A_270] : memref<128x128xf32, #tpu.memory_space<vmem>>[vector<16xi32>, vector<16xi32>], vector<16xf32>,
      %gather3A_277 = tpu.vector_load_idx %arg13[%get3A_232, %broadcast_in_dim3A_270] : memref<1000x32xf32, #tpu.memory_space<vmem>>[vector<16xi32>, vector<16xi32>], vector<16xf32>,
      %gather3A_278 = arith.constant 1 : i32
      %gather3A_279 = arith.constant 0 : i32
      %gather3A_280 = arith.constant 0 : i32
      %gather3A_281 = tpu.memref_slice %arg12[%gather3A_278, %gather3A_279, %gather3A_280] : memref<2x128x128xf32, #tpu.memory_space<vmem>> -> memref<1x128x128xf32, #tpu.memory_space<vmem>>
      %gather3A_282 = tpu.memref_squeeze %gather3A_281 : memref<1x128x128xf32, #tpu.memory_space<vmem>> -> memref<128x128xf32, #tpu.memory_space<vmem>>
      %gather3A_283 = tpu.vector_load_idx %gather3A_282[%add3A_226, %broadcast_in_dim3A_270] : memref<128x128xf32, #tpu.memory_space<vmem>>[vector<16xi32>, vector<16xi32>], vector<16xf32>,
      %mul3A_284 = arith.mulf %gather3A_276, %gather3A_277 : vector<16xf32>
      %mul3A_285 = arith.mulf %mul3A_284, %gather3A_283 : vector<16xf32>
      %add3A_286 = arith.addf %add3A_268, %mul3A_285 : vector<16xf32>
      %broadcast_in_dim3A_287 = arith.constant 3 : i32
      %broadcast_in_dim3A_288 = vector.broadcast %broadcast_in_dim3A_287 : i32 to vector<16xi32>
      %gather3A_289 = arith.constant 1 : i32
      %gather3A_290 = arith.constant 0 : i32
      %gather3A_291 = arith.constant 0 : i32
      %gather3A_292 = tpu.memref_slice %arg11[%gather3A_289, %gather3A_290, %gather3A_291] : memref<2x128x128xf32, #tpu.memory_space<vmem>> -> memref<1x128x128xf32, #tpu.memory_space<vmem>>
      %gather3A_293 = tpu.memref_squeeze %gather3A_292 : memref<1x128x128xf32, #tpu.memory_space<vmem>> -> memref<128x128xf32, #tpu.memory_space<vmem>>
      %gather3A_294 = tpu.vector_load_idx %gather3A_293[%add3A_226, %broadcast_in_dim3A_288] : memref<128x128xf32, #tpu.memory_space<vmem>>[vector<16xi32>, vector<16xi32>], vector<16xf32>,
      %gather3A_295 = tpu.vector_load_idx %arg13[%get3A_232, %broadcast_in_dim3A_288] : memref<1000x32xf32, #tpu.memory_space<vmem>>[vector<16xi32>, vector<16xi32>], vector<16xf32>,
      %gather3A_296 = arith.constant 1 : i32
      %gather3A_297 = arith.constant 0 : i32
      %gather3A_298 = arith.constant 0 : i32
      %gather3A_299 = tpu.memref_slice %arg12[%gather3A_296, %gather3A_297, %gather3A_298] : memref<2x128x128xf32, #tpu.memory_space<vmem>> -> memref<1x128x128xf32, #tpu.memory_space<vmem>>
      %gather3A_300 = tpu.memref_squeeze %gather3A_299 : memref<1x128x128xf32, #tpu.memory_space<vmem>> -> memref<128x128xf32, #tpu.memory_space<vmem>>
      %gather3A_301 = tpu.vector_load_idx %gather3A_300[%add3A_226, %broadcast_in_dim3A_288] : memref<128x128xf32, #tpu.memory_space<vmem>>[vector<16xi32>, vector<16xi32>], vector<16xf32>,
      %mul3A_302 = arith.mulf %gather3A_294, %gather3A_295 : vector<16xf32>
      %mul3A_303 = arith.mulf %mul3A_302, %gather3A_301 : vector<16xf32>
      %add3A_304 = arith.addf %add3A_286, %mul3A_303 : vector<16xf32>
      %broadcast_in_dim3A_305 = arith.constant 4 : i32
      %broadcast_in_dim3A_306 = vector.broadcast %broadcast_in_dim3A_305 : i32 to vector<16xi32>
      %gather3A_307 = arith.constant 1 : i32
      %gather3A_308 = arith.constant 0 : i32
      %gather3A_309 = arith.constant 0 : i32
      %gather3A_310 = tpu.memref_slice %arg11[%gather3A_307, %gather3A_308, %gather3A_309] : memref<2x128x128xf32, #tpu.memory_space<vmem>> -> memref<1x128x128xf32, #tpu.memory_space<vmem>>
      %gather3A_311 = tpu.memref_squeeze %gather3A_310 : memref<1x128x128xf32, #tpu.memory_space<vmem>> -> memref<128x128xf32, #tpu.memory_space<vmem>>
      %gather3A_312 = tpu.vector_load_idx %gather3A_311[%add3A_226, %broadcast_in_dim3A_306] : memref<128x128xf32, #tpu.memory_space<vmem>>[vector<16xi32>, vector<16xi32>], vector<16xf32>,
      %gather3A_313 = tpu.vector_load_idx %arg13[%get3A_232, %broadcast_in_dim3A_306] : memref<1000x32xf32, #tpu.memory_space<vmem>>[vector<16xi32>, vector<16xi32>], vector<16xf32>,
      %gather3A_314 = arith.constant 1 : i32
      %gather3A_315 = arith.constant 0 : i32
      %gather3A_316 = arith.constant 0 : i32
      %gather3A_317 = tpu.memref_slice %arg12[%gather3A_314, %gather3A_315, %gather3A_316] : memref<2x128x128xf32, #tpu.memory_space<vmem>> -> memref<1x128x128xf32, #tpu.memory_space<vmem>>
      %gather3A_318 = tpu.memref_squeeze %gather3A_317 : memref<1x128x128xf32, #tpu.memory_space<vmem>> -> memref<128x128xf32, #tpu.memory_space<vmem>>
      %gather3A_319 = tpu.vector_load_idx %gather3A_318[%add3A_226, %broadcast_in_dim3A_306] : memref<128x128xf32, #tpu.memory_space<vmem>>[vector<16xi32>, vector<16xi32>], vector<16xf32>,
      %mul3A_320 = arith.mulf %gather3A_312, %gather3A_313 : vector<16xf32>
      %mul3A_321 = arith.mulf %mul3A_320, %gather3A_319 : vector<16xf32>
      %add3A_322 = arith.addf %add3A_304, %mul3A_321 : vector<16xf32>
      %broadcast_in_dim3A_323 = arith.constant 5 : i32
      %broadcast_in_dim3A_324 = vector.broadcast %broadcast_in_dim3A_323 : i32 to vector<16xi32>
      %gather3A_325 = arith.constant 1 : i32
      %gather3A_326 = arith.constant 0 : i32
      %gather3A_327 = arith.constant 0 : i32
      %gather3A_328 = tpu.memref_slice %arg11[%gather3A_325, %gather3A_326, %gather3A_327] : memref<2x128x128xf32, #tpu.memory_space<vmem>> -> memref<1x128x128xf32, #tpu.memory_space<vmem>>
      %gather3A_329 = tpu.memref_squeeze %gather3A_328 : memref<1x128x128xf32, #tpu.memory_space<vmem>> -> memref<128x128xf32, #tpu.memory_space<vmem>>
      %gather3A_330 = tpu.vector_load_idx %gather3A_329[%add3A_226, %broadcast_in_dim3A_324] : memref<128x128xf32, #tpu.memory_space<vmem>>[vector<16xi32>, vector<16xi32>], vector<16xf32>,
      %gather3A_331 = tpu.vector_load_idx %arg13[%get3A_232, %broadcast_in_dim3A_324] : memref<1000x32xf32, #tpu.memory_space<vmem>>[vector<16xi32>, vector<16xi32>], vector<16xf32>,
      %gather3A_332 = arith.constant 1 : i32
      %gather3A_333 = arith.constant 0 : i32
      %gather3A_334 = arith.constant 0 : i32
      %gather3A_335 = tpu.memref_slice %arg12[%gather3A_332, %gather3A_333, %gather3A_334] : memref<2x128x128xf32, #tpu.memory_space<vmem>> -> memref<1x128x128xf32, #tpu.memory_space<vmem>>
      %gather3A_336 = tpu.memref_squeeze %gather3A_335 : memref<1x128x128xf32, #tpu.memory_space<vmem>> -> memref<128x128xf32, #tpu.memory_space<vmem>>
      %gather3A_337 = tpu.vector_load_idx %gather3A_336[%add3A_226, %broadcast_in_dim3A_324] : memref<128x128xf32, #tpu.memory_space<vmem>>[vector<16xi32>, vector<16xi32>], vector<16xf32>,
      %mul3A_338 = arith.mulf %gather3A_330, %gather3A_331 : vector<16xf32>
      %mul3A_339 = arith.mulf %mul3A_338, %gather3A_337 : vector<16xf32>
      %add3A_340 = arith.addf %add3A_322, %mul3A_339 : vector<16xf32>
      %broadcast_in_dim3A_341 = arith.constant 6 : i32
      %broadcast_in_dim3A_342 = vector.broadcast %broadcast_in_dim3A_341 : i32 to vector<16xi32>
      %gather3A_343 = arith.constant 1 : i32
      %gather3A_344 = arith.constant 0 : i32
      %gather3A_345 = arith.constant 0 : i32
      %gather3A_346 = tpu.memref_slice %arg11[%gather3A_343, %gather3A_344, %gather3A_345] : memref<2x128x128xf32, #tpu.memory_space<vmem>> -> memref<1x128x128xf32, #tpu.memory_space<vmem>>
      %gather3A_347 = tpu.memref_squeeze %gather3A_346 : memref<1x128x128xf32, #tpu.memory_space<vmem>> -> memref<128x128xf32, #tpu.memory_space<vmem>>
      %gather3A_348 = tpu.vector_load_idx %gather3A_347[%add3A_226, %broadcast_in_dim3A_342] : memref<128x128xf32, #tpu.memory_space<vmem>>[vector<16xi32>, vector<16xi32>], vector<16xf32>,
      %gather3A_349 = tpu.vector_load_idx %arg13[%get3A_232, %broadcast_in_dim3A_342] : memref<1000x32xf32, #tpu.memory_space<vmem>>[vector<16xi32>, vector<16xi32>], vector<16xf32>,
      %gather3A_350 = arith.constant 1 : i32
      %gather3A_351 = arith.constant 0 : i32
      %gather3A_352 = arith.constant 0 : i32
      %gather3A_353 = tpu.memref_slice %arg12[%gather3A_350, %gather3A_351, %gather3A_352] : memref<2x128x128xf32, #tpu.memory_space<vmem>> -> memref<1x128x128xf32, #tpu.memory_space<vmem>>
      %gather3A_354 = tpu.memref_squeeze %gather3A_353 : memref<1x128x128xf32, #tpu.memory_space<vmem>> -> memref<128x128xf32, #tpu.memory_space<vmem>>
      %gather3A_355 = tpu.vector_load_idx %gather3A_354[%add3A_226, %broadcast_in_dim3A_342] : memref<128x128xf32, #tpu.memory_space<vmem>>[vector<16xi32>, vector<16xi32>], vector<16xf32>,
      %mul3A_356 = arith.mulf %gather3A_348, %gather3A_349 : vector<16xf32>
      %mul3A_357 = arith.mulf %mul3A_356, %gather3A_355 : vector<16xf32>
      %add3A_358 = arith.addf %add3A_340, %mul3A_357 : vector<16xf32>
      %broadcast_in_dim3A_359 = arith.constant 7 : i32
      %broadcast_in_dim3A_360 = vector.broadcast %broadcast_in_dim3A_359 : i32 to vector<16xi32>
      %gather3A_361 = arith.constant 1 : i32
      %gather3A_362 = arith.constant 0 : i32
      %gather3A_363 = arith.constant 0 : i32
      %gather3A_364 = tpu.memref_slice %arg11[%gather3A_361, %gather3A_362, %gather3A_363] : memref<2x128x128xf32, #tpu.memory_space<vmem>> -> memref<1x128x128xf32, #tpu.memory_space<vmem>>
      %gather3A_365 = tpu.memref_squeeze %gather3A_364 : memref<1x128x128xf32, #tpu.memory_space<vmem>> -> memref<128x128xf32, #tpu.memory_space<vmem>>
      %gather3A_366 = tpu.vector_load_idx %gather3A_365[%add3A_226, %broadcast_in_dim3A_360] : memref<128x128xf32, #tpu.memory_space<vmem>>[vector<16xi32>, vector<16xi32>], vector<16xf32>,
      %gather3A_367 = tpu.vector_load_idx %arg13[%get3A_232, %broadcast_in_dim3A_360] : memref<1000x32xf32, #tpu.memory_space<vmem>>[vector<16xi32>, vector<16xi32>], vector<16xf32>,
      %gather3A_368 = arith.constant 1 : i32
      %gather3A_369 = arith.constant 0 : i32
      %gather3A_370 = arith.constant 0 : i32
      %gather3A_371 = tpu.memref_slice %arg12[%gather3A_368, %gather3A_369, %gather3A_370] : memref<2x128x128xf32, #tpu.memory_space<vmem>> -> memref<1x128x128xf32, #tpu.memory_space<vmem>>
      %gather3A_372 = tpu.memref_squeeze %gather3A_371 : memref<1x128x128xf32, #tpu.memory_space<vmem>> -> memref<128x128xf32, #tpu.memory_space<vmem>>
      %gather3A_373 = tpu.vector_load_idx %gather3A_372[%add3A_226, %broadcast_in_dim3A_360] : memref<128x128xf32, #tpu.memory_space<vmem>>[vector<16xi32>, vector<16xi32>], vector<16xf32>,
      %mul3A_374 = arith.mulf %gather3A_366, %gather3A_367 : vector<16xf32>
      %mul3A_375 = arith.mulf %mul3A_374, %gather3A_373 : vector<16xf32>
      %add3A_376 = arith.addf %add3A_358, %mul3A_375 : vector<16xf32>
      %broadcast_in_dim3A_377 = arith.constant 8 : i32
      %broadcast_in_dim3A_378 = vector.broadcast %broadcast_in_dim3A_377 : i32 to vector<16xi32>
      %gather3A_379 = arith.constant 1 : i32
      %gather3A_380 = arith.constant 0 : i32
      %gather3A_381 = arith.constant 0 : i32
      %gather3A_382 = tpu.memref_slice %arg11[%gather3A_379, %gather3A_380, %gather3A_381] : memref<2x128x128xf32, #tpu.memory_space<vmem>> -> memref<1x128x128xf32, #tpu.memory_space<vmem>>
      %gather3A_383 = tpu.memref_squeeze %gather3A_382 : memref<1x128x128xf32, #tpu.memory_space<vmem>> -> memref<128x128xf32, #tpu.memory_space<vmem>>
      %gather3A_384 = tpu.vector_load_idx %gather3A_383[%add3A_226, %broadcast_in_dim3A_378] : memref<128x128xf32, #tpu.memory_space<vmem>>[vector<16xi32>, vector<16xi32>], vector<16xf32>,
      %gather3A_385 = tpu.vector_load_idx %arg13[%get3A_232, %broadcast_in_dim3A_378] : memref<1000x32xf32, #tpu.memory_space<vmem>>[vector<16xi32>, vector<16xi32>], vector<16xf32>,
      %gather3A_386 = arith.constant 1 : i32
      %gather3A_387 = arith.constant 0 : i32
      %gather3A_388 = arith.constant 0 : i32
      %gather3A_389 = tpu.memref_slice %arg12[%gather3A_386, %gather3A_387, %gather3A_388] : memref<2x128x128xf32, #tpu.memory_space<vmem>> -> memref<1x128x128xf32, #tpu.memory_space<vmem>>
      %gather3A_390 = tpu.memref_squeeze %gather3A_389 : memref<1x128x128xf32, #tpu.memory_space<vmem>> -> memref<128x128xf32, #tpu.memory_space<vmem>>
      %gather3A_391 = tpu.vector_load_idx %gather3A_390[%add3A_226, %broadcast_in_dim3A_378] : memref<128x128xf32, #tpu.memory_space<vmem>>[vector<16xi32>, vector<16xi32>], vector<16xf32>,
      %mul3A_392 = arith.mulf %gather3A_384, %gather3A_385 : vector<16xf32>
      %mul3A_393 = arith.mulf %mul3A_392, %gather3A_391 : vector<16xf32>
      %add3A_394 = arith.addf %add3A_376, %mul3A_393 : vector<16xf32>
      %broadcast_in_dim3A_395 = arith.constant 9 : i32
      %broadcast_in_dim3A_396 = vector.broadcast %broadcast_in_dim3A_395 : i32 to vector<16xi32>
      %gather3A_397 = arith.constant 1 : i32
      %gather3A_398 = arith.constant 0 : i32
      %gather3A_399 = arith.constant 0 : i32
      %gather3A_400 = tpu.memref_slice %arg11[%gather3A_397, %gather3A_398, %gather3A_399] : memref<2x128x128xf32, #tpu.memory_space<vmem>> -> memref<1x128x128xf32, #tpu.memory_space<vmem>>
      %gather3A_401 = tpu.memref_squeeze %gather3A_400 : memref<1x128x128xf32, #tpu.memory_space<vmem>> -> memref<128x128xf32, #tpu.memory_space<vmem>>
      %gather3A_402 = tpu.vector_load_idx %gather3A_401[%add3A_226, %broadcast_in_dim3A_396] : memref<128x128xf32, #tpu.memory_space<vmem>>[vector<16xi32>, vector<16xi32>], vector<16xf32>,
      %gather3A_403 = tpu.vector_load_idx %arg13[%get3A_232, %broadcast_in_dim3A_396] : memref<1000x32xf32, #tpu.memory_space<vmem>>[vector<16xi32>, vector<16xi32>], vector<16xf32>,
      %gather3A_404 = arith.constant 1 : i32
      %gather3A_405 = arith.constant 0 : i32
      %gather3A_406 = arith.constant 0 : i32
      %gather3A_407 = tpu.memref_slice %arg12[%gather3A_404, %gather3A_405, %gather3A_406] : memref<2x128x128xf32, #tpu.memory_space<vmem>> -> memref<1x128x128xf32, #tpu.memory_space<vmem>>
      %gather3A_408 = tpu.memref_squeeze %gather3A_407 : memref<1x128x128xf32, #tpu.memory_space<vmem>> -> memref<128x128xf32, #tpu.memory_space<vmem>>
      %gather3A_409 = tpu.vector_load_idx %gather3A_408[%add3A_226, %broadcast_in_dim3A_396] : memref<128x128xf32, #tpu.memory_space<vmem>>[vector<16xi32>, vector<16xi32>], vector<16xf32>,
      %mul3A_410 = arith.mulf %gather3A_402, %gather3A_403 : vector<16xf32>
      %mul3A_411 = arith.mulf %mul3A_410, %gather3A_409 : vector<16xf32>
      %add3A_412 = arith.addf %add3A_394, %mul3A_411 : vector<16xf32>
      %broadcast_in_dim3A_413 = arith.constant 10 : i32
      %broadcast_in_dim3A_414 = vector.broadcast %broadcast_in_dim3A_413 : i32 to vector<16xi32>
      %gather3A_415 = arith.constant 1 : i32
      %gather3A_416 = arith.constant 0 : i32
      %gather3A_417 = arith.constant 0 : i32
      %gather3A_418 = tpu.memref_slice %arg11[%gather3A_415, %gather3A_416, %gather3A_417] : memref<2x128x128xf32, #tpu.memory_space<vmem>> -> memref<1x128x128xf32, #tpu.memory_space<vmem>>
      %gather3A_419 = tpu.memref_squeeze %gather3A_418 : memref<1x128x128xf32, #tpu.memory_space<vmem>> -> memref<128x128xf32, #tpu.memory_space<vmem>>
      %gather3A_420 = tpu.vector_load_idx %gather3A_419[%add3A_226, %broadcast_in_dim3A_414] : memref<128x128xf32, #tpu.memory_space<vmem>>[vector<16xi32>, vector<16xi32>], vector<16xf32>,
      %gather3A_421 = tpu.vector_load_idx %arg13[%get3A_232, %broadcast_in_dim3A_414] : memref<1000x32xf32, #tpu.memory_space<vmem>>[vector<16xi32>, vector<16xi32>], vector<16xf32>,
      %gather3A_422 = arith.constant 1 : i32
      %gather3A_423 = arith.constant 0 : i32
      %gather3A_424 = arith.constant 0 : i32
      %gather3A_425 = tpu.memref_slice %arg12[%gather3A_422, %gather3A_423, %gather3A_424] : memref<2x128x128xf32, #tpu.memory_space<vmem>> -> memref<1x128x128xf32, #tpu.memory_space<vmem>>
      %gather3A_426 = tpu.memref_squeeze %gather3A_425 : memref<1x128x128xf32, #tpu.memory_space<vmem>> -> memref<128x128xf32, #tpu.memory_space<vmem>>
      %gather3A_427 = tpu.vector_load_idx %gather3A_426[%add3A_226, %broadcast_in_dim3A_414] : memref<128x128xf32, #tpu.memory_space<vmem>>[vector<16xi32>, vector<16xi32>], vector<16xf32>,
      %mul3A_428 = arith.mulf %gather3A_420, %gather3A_421 : vector<16xf32>
      %mul3A_429 = arith.mulf %mul3A_428, %gather3A_427 : vector<16xf32>
      %add3A_430 = arith.addf %add3A_412, %mul3A_429 : vector<16xf32>
      %broadcast_in_dim3A_431 = arith.constant 11 : i32
      %broadcast_in_dim3A_432 = vector.broadcast %broadcast_in_dim3A_431 : i32 to vector<16xi32>
      %gather3A_433 = arith.constant 1 : i32
      %gather3A_434 = arith.constant 0 : i32
      %gather3A_435 = arith.constant 0 : i32
      %gather3A_436 = tpu.memref_slice %arg11[%gather3A_433, %gather3A_434, %gather3A_435] : memref<2x128x128xf32, #tpu.memory_space<vmem>> -> memref<1x128x128xf32, #tpu.memory_space<vmem>>
      %gather3A_437 = tpu.memref_squeeze %gather3A_436 : memref<1x128x128xf32, #tpu.memory_space<vmem>> -> memref<128x128xf32, #tpu.memory_space<vmem>>
      %gather3A_438 = tpu.vector_load_idx %gather3A_437[%add3A_226, %broadcast_in_dim3A_432] : memref<128x128xf32, #tpu.memory_space<vmem>>[vector<16xi32>, vector<16xi32>], vector<16xf32>,
      %gather3A_439 = tpu.vector_load_idx %arg13[%get3A_232, %broadcast_in_dim3A_432] : memref<1000x32xf32, #tpu.memory_space<vmem>>[vector<16xi32>, vector<16xi32>], vector<16xf32>,
      %gather3A_440 = arith.constant 1 : i32
      %gather3A_441 = arith.constant 0 : i32
      %gather3A_442 = arith.constant 0 : i32
      %gather3A_443 = tpu.memref_slice %arg12[%gather3A_440, %gather3A_441, %gather3A_442] : memref<2x128x128xf32, #tpu.memory_space<vmem>> -> memref<1x128x128xf32, #tpu.memory_space<vmem>>
      %gather3A_444 = tpu.memref_squeeze %gather3A_443 : memref<1x128x128xf32, #tpu.memory_space<vmem>> -> memref<128x128xf32, #tpu.memory_space<vmem>>
      %gather3A_445 = tpu.vector_load_idx %gather3A_444[%add3A_226, %broadcast_in_dim3A_432] : memref<128x128xf32, #tpu.memory_space<vmem>>[vector<16xi32>, vector<16xi32>], vector<16xf32>,
      %mul3A_446 = arith.mulf %gather3A_438, %gather3A_439 : vector<16xf32>
      %mul3A_447 = arith.mulf %mul3A_446, %gather3A_445 : vector<16xf32>
      %add3A_448 = arith.addf %add3A_430, %mul3A_447 : vector<16xf32>
      %broadcast_in_dim3A_449 = arith.constant 12 : i32
      %broadcast_in_dim3A_450 = vector.broadcast %broadcast_in_dim3A_449 : i32 to vector<16xi32>
      %gather3A_451 = arith.constant 1 : i32
      %gather3A_452 = arith.constant 0 : i32
      %gather3A_453 = arith.constant 0 : i32
      %gather3A_454 = tpu.memref_slice %arg11[%gather3A_451, %gather3A_452, %gather3A_453] : memref<2x128x128xf32, #tpu.memory_space<vmem>> -> memref<1x128x128xf32, #tpu.memory_space<vmem>>
      %gather3A_455 = tpu.memref_squeeze %gather3A_454 : memref<1x128x128xf32, #tpu.memory_space<vmem>> -> memref<128x128xf32, #tpu.memory_space<vmem>>
      %gather3A_456 = tpu.vector_load_idx %gather3A_455[%add3A_226, %broadcast_in_dim3A_450] : memref<128x128xf32, #tpu.memory_space<vmem>>[vector<16xi32>, vector<16xi32>], vector<16xf32>,
      %gather3A_457 = tpu.vector_load_idx %arg13[%get3A_232, %broadcast_in_dim3A_450] : memref<1000x32xf32, #tpu.memory_space<vmem>>[vector<16xi32>, vector<16xi32>], vector<16xf32>,
      %gather3A_458 = arith.constant 1 : i32
      %gather3A_459 = arith.constant 0 : i32
      %gather3A_460 = arith.constant 0 : i32
      %gather3A_461 = tpu.memref_slice %arg12[%gather3A_458, %gather3A_459, %gather3A_460] : memref<2x128x128xf32, #tpu.memory_space<vmem>> -> memref<1x128x128xf32, #tpu.memory_space<vmem>>
      %gather3A_462 = tpu.memref_squeeze %gather3A_461 : memref<1x128x128xf32, #tpu.memory_space<vmem>> -> memref<128x128xf32, #tpu.memory_space<vmem>>
      %gather3A_463 = tpu.vector_load_idx %gather3A_462[%add3A_226, %broadcast_in_dim3A_450] : memref<128x128xf32, #tpu.memory_space<vmem>>[vector<16xi32>, vector<16xi32>], vector<16xf32>,
      %mul3A_464 = arith.mulf %gather3A_456, %gather3A_457 : vector<16xf32>
      %mul3A_465 = arith.mulf %mul3A_464, %gather3A_463 : vector<16xf32>
      %add3A_466 = arith.addf %add3A_448, %mul3A_465 : vector<16xf32>
      %broadcast_in_dim3A_467 = arith.constant 13 : i32
      %broadcast_in_dim3A_468 = vector.broadcast %broadcast_in_dim3A_467 : i32 to vector<16xi32>
      %gather3A_469 = arith.constant 1 : i32
      %gather3A_470 = arith.constant 0 : i32
      %gather3A_471 = arith.constant 0 : i32
      %gather3A_472 = tpu.memref_slice %arg11[%gather3A_469, %gather3A_470, %gather3A_471] : memref<2x128x128xf32, #tpu.memory_space<vmem>> -> memref<1x128x128xf32, #tpu.memory_space<vmem>>
      %gather3A_473 = tpu.memref_squeeze %gather3A_472 : memref<1x128x128xf32, #tpu.memory_space<vmem>> -> memref<128x128xf32, #tpu.memory_space<vmem>>
      %gather3A_474 = tpu.vector_load_idx %gather3A_473[%add3A_226, %broadcast_in_dim3A_468] : memref<128x128xf32, #tpu.memory_space<vmem>>[vector<16xi32>, vector<16xi32>], vector<16xf32>,
      %gather3A_475 = tpu.vector_load_idx %arg13[%get3A_232, %broadcast_in_dim3A_468] : memref<1000x32xf32, #tpu.memory_space<vmem>>[vector<16xi32>, vector<16xi32>], vector<16xf32>,
      %gather3A_476 = arith.constant 1 : i32
      %gather3A_477 = arith.constant 0 : i32
      %gather3A_478 = arith.constant 0 : i32
      %gather3A_479 = tpu.memref_slice %arg12[%gather3A_476, %gather3A_477, %gather3A_478] : memref<2x128x128xf32, #tpu.memory_space<vmem>> -> memref<1x128x128xf32, #tpu.memory_space<vmem>>
      %gather3A_480 = tpu.memref_squeeze %gather3A_479 : memref<1x128x128xf32, #tpu.memory_space<vmem>> -> memref<128x128xf32, #tpu.memory_space<vmem>>
      %gather3A_481 = tpu.vector_load_idx %gather3A_480[%add3A_226, %broadcast_in_dim3A_468] : memref<128x128xf32, #tpu.memory_space<vmem>>[vector<16xi32>, vector<16xi32>], vector<16xf32>,
      %mul3A_482 = arith.mulf %gather3A_474, %gather3A_475 : vector<16xf32>
      %mul3A_483 = arith.mulf %mul3A_482, %gather3A_481 : vector<16xf32>
      %add3A_484 = arith.addf %add3A_466, %mul3A_483 : vector<16xf32>
      %broadcast_in_dim3A_485 = arith.constant 14 : i32
      %broadcast_in_dim3A_486 = vector.broadcast %broadcast_in_dim3A_485 : i32 to vector<16xi32>
      %gather3A_487 = arith.constant 1 : i32
      %gather3A_488 = arith.constant 0 : i32
      %gather3A_489 = arith.constant 0 : i32
      %gather3A_490 = tpu.memref_slice %arg11[%gather3A_487, %gather3A_488, %gather3A_489] : memref<2x128x128xf32, #tpu.memory_space<vmem>> -> memref<1x128x128xf32, #tpu.memory_space<vmem>>
      %gather3A_491 = tpu.memref_squeeze %gather3A_490 : memref<1x128x128xf32, #tpu.memory_space<vmem>> -> memref<128x128xf32, #tpu.memory_space<vmem>>
      %gather3A_492 = tpu.vector_load_idx %gather3A_491[%add3A_226, %broadcast_in_dim3A_486] : memref<128x128xf32, #tpu.memory_space<vmem>>[vector<16xi32>, vector<16xi32>], vector<16xf32>,
      %gather3A_493 = tpu.vector_load_idx %arg13[%get3A_232, %broadcast_in_dim3A_486] : memref<1000x32xf32, #tpu.memory_space<vmem>>[vector<16xi32>, vector<16xi32>], vector<16xf32>,
      %gather3A_494 = arith.constant 1 : i32
      %gather3A_495 = arith.constant 0 : i32
      %gather3A_496 = arith.constant 0 : i32
      %gather3A_497 = tpu.memref_slice %arg12[%gather3A_494, %gather3A_495, %gather3A_496] : memref<2x128x128xf32, #tpu.memory_space<vmem>> -> memref<1x128x128xf32, #tpu.memory_space<vmem>>
      %gather3A_498 = tpu.memref_squeeze %gather3A_497 : memref<1x128x128xf32, #tpu.memory_space<vmem>> -> memref<128x128xf32, #tpu.memory_space<vmem>>
      %gather3A_499 = tpu.vector_load_idx %gather3A_498[%add3A_226, %broadcast_in_dim3A_486] : memref<128x128xf32, #tpu.memory_space<vmem>>[vector<16xi32>, vector<16xi32>], vector<16xf32>,
      %mul3A_500 = arith.mulf %gather3A_492, %gather3A_493 : vector<16xf32>
      %mul3A_501 = arith.mulf %mul3A_500, %gather3A_499 : vector<16xf32>
      %add3A_502 = arith.addf %add3A_484, %mul3A_501 : vector<16xf32>
      %broadcast_in_dim3A_503 = arith.constant 15 : i32
      %broadcast_in_dim3A_504 = vector.broadcast %broadcast_in_dim3A_503 : i32 to vector<16xi32>
      %gather3A_505 = arith.constant 1 : i32
      %gather3A_506 = arith.constant 0 : i32
      %gather3A_507 = arith.constant 0 : i32
      %gather3A_508 = tpu.memref_slice %arg11[%gather3A_505, %gather3A_506, %gather3A_507] : memref<2x128x128xf32, #tpu.memory_space<vmem>> -> memref<1x128x128xf32, #tpu.memory_space<vmem>>
      %gather3A_509 = tpu.memref_squeeze %gather3A_508 : memref<1x128x128xf32, #tpu.memory_space<vmem>> -> memref<128x128xf32, #tpu.memory_space<vmem>>
      %gather3A_510 = tpu.vector_load_idx %gather3A_509[%add3A_226, %broadcast_in_dim3A_504] : memref<128x128xf32, #tpu.memory_space<vmem>>[vector<16xi32>, vector<16xi32>], vector<16xf32>,
      %gather3A_511 = tpu.vector_load_idx %arg13[%get3A_232, %broadcast_in_dim3A_504] : memref<1000x32xf32, #tpu.memory_space<vmem>>[vector<16xi32>, vector<16xi32>], vector<16xf32>,
      %gather3A_512 = arith.constant 1 : i32
      %gather3A_513 = arith.constant 0 : i32
      %gather3A_514 = arith.constant 0 : i32
      %gather3A_515 = tpu.memref_slice %arg12[%gather3A_512, %gather3A_513, %gather3A_514] : memref<2x128x128xf32, #tpu.memory_space<vmem>> -> memref<1x128x128xf32, #tpu.memory_space<vmem>>
      %gather3A_516 = tpu.memref_squeeze %gather3A_515 : memref<1x128x128xf32, #tpu.memory_space<vmem>> -> memref<128x128xf32, #tpu.memory_space<vmem>>
      %gather3A_517 = tpu.vector_load_idx %gather3A_516[%add3A_226, %broadcast_in_dim3A_504] : memref<128x128xf32, #tpu.memory_space<vmem>>[vector<16xi32>, vector<16xi32>], vector<16xf32>,
      %mul3A_518 = arith.mulf %gather3A_510, %gather3A_511 : vector<16xf32>
      %mul3A_519 = arith.mulf %mul3A_518, %gather3A_517 : vector<16xf32>
      %add3A_520 = arith.addf %add3A_502, %mul3A_519 : vector<16xf32>
      %broadcast_in_dim3A_521 = arith.constant 16 : i32
      %broadcast_in_dim3A_522 = vector.broadcast %broadcast_in_dim3A_521 : i32 to vector<16xi32>
      %gather3A_523 = arith.constant 1 : i32
      %gather3A_524 = arith.constant 0 : i32
      %gather3A_525 = arith.constant 0 : i32
      %gather3A_526 = tpu.memref_slice %arg11[%gather3A_523, %gather3A_524, %gather3A_525] : memref<2x128x128xf32, #tpu.memory_space<vmem>> -> memref<1x128x128xf32, #tpu.memory_space<vmem>>
      %gather3A_527 = tpu.memref_squeeze %gather3A_526 : memref<1x128x128xf32, #tpu.memory_space<vmem>> -> memref<128x128xf32, #tpu.memory_space<vmem>>
      %gather3A_528 = tpu.vector_load_idx %gather3A_527[%add3A_226, %broadcast_in_dim3A_522] : memref<128x128xf32, #tpu.memory_space<vmem>>[vector<16xi32>, vector<16xi32>], vector<16xf32>,
      %gather3A_529 = tpu.vector_load_idx %arg13[%get3A_232, %broadcast_in_dim3A_522] : memref<1000x32xf32, #tpu.memory_space<vmem>>[vector<16xi32>, vector<16xi32>], vector<16xf32>,
      %gather3A_530 = arith.constant 1 : i32
      %gather3A_531 = arith.constant 0 : i32
      %gather3A_532 = arith.constant 0 : i32
      %gather3A_533 = tpu.memref_slice %arg12[%gather3A_530, %gather3A_531, %gather3A_532] : memref<2x128x128xf32, #tpu.memory_space<vmem>> -> memref<1x128x128xf32, #tpu.memory_space<vmem>>
      %gather3A_534 = tpu.memref_squeeze %gather3A_533 : memref<1x128x128xf32, #tpu.memory_space<vmem>> -> memref<128x128xf32, #tpu.memory_space<vmem>>
      %gather3A_535 = tpu.vector_load_idx %gather3A_534[%add3A_226, %broadcast_in_dim3A_522] : memref<128x128xf32, #tpu.memory_space<vmem>>[vector<16xi32>, vector<16xi32>], vector<16xf32>,
      %mul3A_536 = arith.mulf %gather3A_528, %gather3A_529 : vector<16xf32>
      %mul3A_537 = arith.mulf %mul3A_536, %gather3A_535 : vector<16xf32>
      %add3A_538 = arith.addf %add3A_520, %mul3A_537 : vector<16xf32>
      %broadcast_in_dim3A_539 = arith.constant 17 : i32
      %broadcast_in_dim3A_540 = vector.broadcast %broadcast_in_dim3A_539 : i32 to vector<16xi32>
      %gather3A_541 = arith.constant 1 : i32
      %gather3A_542 = arith.constant 0 : i32
      %gather3A_543 = arith.constant 0 : i32
      %gather3A_544 = tpu.memref_slice %arg11[%gather3A_541, %gather3A_542, %gather3A_543] : memref<2x128x128xf32, #tpu.memory_space<vmem>> -> memref<1x128x128xf32, #tpu.memory_space<vmem>>
      %gather3A_545 = tpu.memref_squeeze %gather3A_544 : memref<1x128x128xf32, #tpu.memory_space<vmem>> -> memref<128x128xf32, #tpu.memory_space<vmem>>
      %gather3A_546 = tpu.vector_load_idx %gather3A_545[%add3A_226, %broadcast_in_dim3A_540] : memref<128x128xf32, #tpu.memory_space<vmem>>[vector<16xi32>, vector<16xi32>], vector<16xf32>,
      %gather3A_547 = tpu.vector_load_idx %arg13[%get3A_232, %broadcast_in_dim3A_540] : memref<1000x32xf32, #tpu.memory_space<vmem>>[vector<16xi32>, vector<16xi32>], vector<16xf32>,
      %gather3A_548 = arith.constant 1 : i32
      %gather3A_549 = arith.constant 0 : i32
      %gather3A_550 = arith.constant 0 : i32
      %gather3A_551 = tpu.memref_slice %arg12[%gather3A_548, %gather3A_549, %gather3A_550] : memref<2x128x128xf32, #tpu.memory_space<vmem>> -> memref<1x128x128xf32, #tpu.memory_space<vmem>>
      %gather3A_552 = tpu.memref_squeeze %gather3A_551 : memref<1x128x128xf32, #tpu.memory_space<vmem>> -> memref<128x128xf32, #tpu.memory_space<vmem>>
      %gather3A_553 = tpu.vector_load_idx %gather3A_552[%add3A_226, %broadcast_in_dim3A_540] : memref<128x128xf32, #tpu.memory_space<vmem>>[vector<16xi32>, vector<16xi32>], vector<16xf32>,
      %mul3A_554 = arith.mulf %gather3A_546, %gather3A_547 : vector<16xf32>
      %mul3A_555 = arith.mulf %mul3A_554, %gather3A_553 : vector<16xf32>
      %add3A_556 = arith.addf %add3A_538, %mul3A_555 : vector<16xf32>
      %broadcast_in_dim3A_557 = arith.constant 18 : i32
      %broadcast_in_dim3A_558 = vector.broadcast %broadcast_in_dim3A_557 : i32 to vector<16xi32>
      %gather3A_559 = arith.constant 1 : i32
      %gather3A_560 = arith.constant 0 : i32
      %gather3A_561 = arith.constant 0 : i32
      %gather3A_562 = tpu.memref_slice %arg11[%gather3A_559, %gather3A_560, %gather3A_561] : memref<2x128x128xf32, #tpu.memory_space<vmem>> -> memref<1x128x128xf32, #tpu.memory_space<vmem>>
      %gather3A_563 = tpu.memref_squeeze %gather3A_562 : memref<1x128x128xf32, #tpu.memory_space<vmem>> -> memref<128x128xf32, #tpu.memory_space<vmem>>
      %gather3A_564 = tpu.vector_load_idx %gather3A_563[%add3A_226, %broadcast_in_dim3A_558] : memref<128x128xf32, #tpu.memory_space<vmem>>[vector<16xi32>, vector<16xi32>], vector<16xf32>,
      %gather3A_565 = tpu.vector_load_idx %arg13[%get3A_232, %broadcast_in_dim3A_558] : memref<1000x32xf32, #tpu.memory_space<vmem>>[vector<16xi32>, vector<16xi32>], vector<16xf32>,
      %gather3A_566 = arith.constant 1 : i32
      %gather3A_567 = arith.constant 0 : i32
      %gather3A_568 = arith.constant 0 : i32
      %gather3A_569 = tpu.memref_slice %arg12[%gather3A_566, %gather3A_567, %gather3A_568] : memref<2x128x128xf32, #tpu.memory_space<vmem>> -> memref<1x128x128xf32, #tpu.memory_space<vmem>>
      %gather3A_570 = tpu.memref_squeeze %gather3A_569 : memref<1x128x128xf32, #tpu.memory_space<vmem>> -> memref<128x128xf32, #tpu.memory_space<vmem>>
      %gather3A_571 = tpu.vector_load_idx %gather3A_570[%add3A_226, %broadcast_in_dim3A_558] : memref<128x128xf32, #tpu.memory_space<vmem>>[vector<16xi32>, vector<16xi32>], vector<16xf32>,
      %mul3A_572 = arith.mulf %gather3A_564, %gather3A_565 : vector<16xf32>
      %mul3A_573 = arith.mulf %mul3A_572, %gather3A_571 : vector<16xf32>
      %add3A_574 = arith.addf %add3A_556, %mul3A_573 : vector<16xf32>
      %broadcast_in_dim3A_575 = arith.constant 19 : i32
      %broadcast_in_dim3A_576 = vector.broadcast %broadcast_in_dim3A_575 : i32 to vector<16xi32>
      %gather3A_577 = arith.constant 1 : i32
      %gather3A_578 = arith.constant 0 : i32
      %gather3A_579 = arith.constant 0 : i32
      %gather3A_580 = tpu.memref_slice %arg11[%gather3A_577, %gather3A_578, %gather3A_579] : memref<2x128x128xf32, #tpu.memory_space<vmem>> -> memref<1x128x128xf32, #tpu.memory_space<vmem>>
      %gather3A_581 = tpu.memref_squeeze %gather3A_580 : memref<1x128x128xf32, #tpu.memory_space<vmem>> -> memref<128x128xf32, #tpu.memory_space<vmem>>
      %gather3A_582 = tpu.vector_load_idx %gather3A_581[%add3A_226, %broadcast_in_dim3A_576] : memref<128x128xf32, #tpu.memory_space<vmem>>[vector<16xi32>, vector<16xi32>], vector<16xf32>,
      %gather3A_583 = tpu.vector_load_idx %arg13[%get3A_232, %broadcast_in_dim3A_576] : memref<1000x32xf32, #tpu.memory_space<vmem>>[vector<16xi32>, vector<16xi32>], vector<16xf32>,
      %gather3A_584 = arith.constant 1 : i32
      %gather3A_585 = arith.constant 0 : i32
      %gather3A_586 = arith.constant 0 : i32
      %gather3A_587 = tpu.memref_slice %arg12[%gather3A_584, %gather3A_585, %gather3A_586] : memref<2x128x128xf32, #tpu.memory_space<vmem>> -> memref<1x128x128xf32, #tpu.memory_space<vmem>>
      %gather3A_588 = tpu.memref_squeeze %gather3A_587 : memref<1x128x128xf32, #tpu.memory_space<vmem>> -> memref<128x128xf32, #tpu.memory_space<vmem>>
      %gather3A_589 = tpu.vector_load_idx %gather3A_588[%add3A_226, %broadcast_in_dim3A_576] : memref<128x128xf32, #tpu.memory_space<vmem>>[vector<16xi32>, vector<16xi32>], vector<16xf32>,
      %mul3A_590 = arith.mulf %gather3A_582, %gather3A_583 : vector<16xf32>
      %mul3A_591 = arith.mulf %mul3A_590, %gather3A_589 : vector<16xf32>
      %add3A_592 = arith.addf %add3A_574, %mul3A_591 : vector<16xf32>
      %broadcast_in_dim3A_593 = arith.constant 20 : i32
      %broadcast_in_dim3A_594 = vector.broadcast %broadcast_in_dim3A_593 : i32 to vector<16xi32>
      %gather3A_595 = arith.constant 1 : i32
      %gather3A_596 = arith.constant 0 : i32
      %gather3A_597 = arith.constant 0 : i32
      %gather3A_598 = tpu.memref_slice %arg11[%gather3A_595, %gather3A_596, %gather3A_597] : memref<2x128x128xf32, #tpu.memory_space<vmem>> -> memref<1x128x128xf32, #tpu.memory_space<vmem>>
      %gather3A_599 = tpu.memref_squeeze %gather3A_598 : memref<1x128x128xf32, #tpu.memory_space<vmem>> -> memref<128x128xf32, #tpu.memory_space<vmem>>
      %gather3A_600 = tpu.vector_load_idx %gather3A_599[%add3A_226, %broadcast_in_dim3A_594] : memref<128x128xf32, #tpu.memory_space<vmem>>[vector<16xi32>, vector<16xi32>], vector<16xf32>,
      %gather3A_601 = tpu.vector_load_idx %arg13[%get3A_232, %broadcast_in_dim3A_594] : memref<1000x32xf32, #tpu.memory_space<vmem>>[vector<16xi32>, vector<16xi32>], vector<16xf32>,
      %gather3A_602 = arith.constant 1 : i32
      %gather3A_603 = arith.constant 0 : i32
      %gather3A_604 = arith.constant 0 : i32
      %gather3A_605 = tpu.memref_slice %arg12[%gather3A_602, %gather3A_603, %gather3A_604] : memref<2x128x128xf32, #tpu.memory_space<vmem>> -> memref<1x128x128xf32, #tpu.memory_space<vmem>>
      %gather3A_606 = tpu.memref_squeeze %gather3A_605 : memref<1x128x128xf32, #tpu.memory_space<vmem>> -> memref<128x128xf32, #tpu.memory_space<vmem>>
      %gather3A_607 = tpu.vector_load_idx %gather3A_606[%add3A_226, %broadcast_in_dim3A_594] : memref<128x128xf32, #tpu.memory_space<vmem>>[vector<16xi32>, vector<16xi32>], vector<16xf32>,
      %mul3A_608 = arith.mulf %gather3A_600, %gather3A_601 : vector<16xf32>
      %mul3A_609 = arith.mulf %mul3A_608, %gather3A_607 : vector<16xf32>
      %add3A_610 = arith.addf %add3A_592, %mul3A_609 : vector<16xf32>
      %broadcast_in_dim3A_611 = arith.constant 21 : i32
      %broadcast_in_dim3A_612 = vector.broadcast %broadcast_in_dim3A_611 : i32 to vector<16xi32>
      %gather3A_613 = arith.constant 1 : i32
      %gather3A_614 = arith.constant 0 : i32
      %gather3A_615 = arith.constant 0 : i32
      %gather3A_616 = tpu.memref_slice %arg11[%gather3A_613, %gather3A_614, %gather3A_615] : memref<2x128x128xf32, #tpu.memory_space<vmem>> -> memref<1x128x128xf32, #tpu.memory_space<vmem>>
      %gather3A_617 = tpu.memref_squeeze %gather3A_616 : memref<1x128x128xf32, #tpu.memory_space<vmem>> -> memref<128x128xf32, #tpu.memory_space<vmem>>
      %gather3A_618 = tpu.vector_load_idx %gather3A_617[%add3A_226, %broadcast_in_dim3A_612] : memref<128x128xf32, #tpu.memory_space<vmem>>[vector<16xi32>, vector<16xi32>], vector<16xf32>,
      %gather3A_619 = tpu.vector_load_idx %arg13[%get3A_232, %broadcast_in_dim3A_612] : memref<1000x32xf32, #tpu.memory_space<vmem>>[vector<16xi32>, vector<16xi32>], vector<16xf32>,
      %gather3A_620 = arith.constant 1 : i32
      %gather3A_621 = arith.constant 0 : i32
      %gather3A_622 = arith.constant 0 : i32
      %gather3A_623 = tpu.memref_slice %arg12[%gather3A_620, %gather3A_621, %gather3A_622] : memref<2x128x128xf32, #tpu.memory_space<vmem>> -> memref<1x128x128xf32, #tpu.memory_space<vmem>>
      %gather3A_624 = tpu.memref_squeeze %gather3A_623 : memref<1x128x128xf32, #tpu.memory_space<vmem>> -> memref<128x128xf32, #tpu.memory_space<vmem>>
      %gather3A_625 = tpu.vector_load_idx %gather3A_624[%add3A_226, %broadcast_in_dim3A_612] : memref<128x128xf32, #tpu.memory_space<vmem>>[vector<16xi32>, vector<16xi32>], vector<16xf32>,
      %mul3A_626 = arith.mulf %gather3A_618, %gather3A_619 : vector<16xf32>
      %mul3A_627 = arith.mulf %mul3A_626, %gather3A_625 : vector<16xf32>
      %add3A_628 = arith.addf %add3A_610, %mul3A_627 : vector<16xf32>
      %broadcast_in_dim3A_629 = arith.constant 22 : i32
      %broadcast_in_dim3A_630 = vector.broadcast %broadcast_in_dim3A_629 : i32 to vector<16xi32>
      %gather3A_631 = arith.constant 1 : i32
      %gather3A_632 = arith.constant 0 : i32
      %gather3A_633 = arith.constant 0 : i32
      %gather3A_634 = tpu.memref_slice %arg11[%gather3A_631, %gather3A_632, %gather3A_633] : memref<2x128x128xf32, #tpu.memory_space<vmem>> -> memref<1x128x128xf32, #tpu.memory_space<vmem>>
      %gather3A_635 = tpu.memref_squeeze %gather3A_634 : memref<1x128x128xf32, #tpu.memory_space<vmem>> -> memref<128x128xf32, #tpu.memory_space<vmem>>
      %gather3A_636 = tpu.vector_load_idx %gather3A_635[%add3A_226, %broadcast_in_dim3A_630] : memref<128x128xf32, #tpu.memory_space<vmem>>[vector<16xi32>, vector<16xi32>], vector<16xf32>,
      %gather3A_637 = tpu.vector_load_idx %arg13[%get3A_232, %broadcast_in_dim3A_630] : memref<1000x32xf32, #tpu.memory_space<vmem>>[vector<16xi32>, vector<16xi32>], vector<16xf32>,
      %gather3A_638 = arith.constant 1 : i32
      %gather3A_639 = arith.constant 0 : i32
      %gather3A_640 = arith.constant 0 : i32
      %gather3A_641 = tpu.memref_slice %arg12[%gather3A_638, %gather3A_639, %gather3A_640] : memref<2x128x128xf32, #tpu.memory_space<vmem>> -> memref<1x128x128xf32, #tpu.memory_space<vmem>>
      %gather3A_642 = tpu.memref_squeeze %gather3A_641 : memref<1x128x128xf32, #tpu.memory_space<vmem>> -> memref<128x128xf32, #tpu.memory_space<vmem>>
      %gather3A_643 = tpu.vector_load_idx %gather3A_642[%add3A_226, %broadcast_in_dim3A_630] : memref<128x128xf32, #tpu.memory_space<vmem>>[vector<16xi32>, vector<16xi32>], vector<16xf32>,
      %mul3A_644 = arith.mulf %gather3A_636, %gather3A_637 : vector<16xf32>
      %mul3A_645 = arith.mulf %mul3A_644, %gather3A_643 : vector<16xf32>
      %add3A_646 = arith.addf %add3A_628, %mul3A_645 : vector<16xf32>
      %broadcast_in_dim3A_647 = arith.constant 23 : i32
      %broadcast_in_dim3A_648 = vector.broadcast %broadcast_in_dim3A_647 : i32 to vector<16xi32>
      %gather3A_649 = arith.constant 1 : i32
      %gather3A_650 = arith.constant 0 : i32
      %gather3A_651 = arith.constant 0 : i32
      %gather3A_652 = tpu.memref_slice %arg11[%gather3A_649, %gather3A_650, %gather3A_651] : memref<2x128x128xf32, #tpu.memory_space<vmem>> -> memref<1x128x128xf32, #tpu.memory_space<vmem>>
      %gather3A_653 = tpu.memref_squeeze %gather3A_652 : memref<1x128x128xf32, #tpu.memory_space<vmem>> -> memref<128x128xf32, #tpu.memory_space<vmem>>
      %gather3A_654 = tpu.vector_load_idx %gather3A_653[%add3A_226, %broadcast_in_dim3A_648] : memref<128x128xf32, #tpu.memory_space<vmem>>[vector<16xi32>, vector<16xi32>], vector<16xf32>,
      %gather3A_655 = tpu.vector_load_idx %arg13[%get3A_232, %broadcast_in_dim3A_648] : memref<1000x32xf32, #tpu.memory_space<vmem>>[vector<16xi32>, vector<16xi32>], vector<16xf32>,
      %gather3A_656 = arith.constant 1 : i32
      %gather3A_657 = arith.constant 0 : i32
      %gather3A_658 = arith.constant 0 : i32
      %gather3A_659 = tpu.memref_slice %arg12[%gather3A_656, %gather3A_657, %gather3A_658] : memref<2x128x128xf32, #tpu.memory_space<vmem>> -> memref<1x128x128xf32, #tpu.memory_space<vmem>>
      %gather3A_660 = tpu.memref_squeeze %gather3A_659 : memref<1x128x128xf32, #tpu.memory_space<vmem>> -> memref<128x128xf32, #tpu.memory_space<vmem>>
      %gather3A_661 = tpu.vector_load_idx %gather3A_660[%add3A_226, %broadcast_in_dim3A_648] : memref<128x128xf32, #tpu.memory_space<vmem>>[vector<16xi32>, vector<16xi32>], vector<16xf32>,
      %mul3A_662 = arith.mulf %gather3A_654, %gather3A_655 : vector<16xf32>
      %mul3A_663 = arith.mulf %mul3A_662, %gather3A_661 : vector<16xf32>
      %add3A_664 = arith.addf %add3A_646, %mul3A_663 : vector<16xf32>
      %broadcast_in_dim3A_665 = arith.constant 24 : i32
      %broadcast_in_dim3A_666 = vector.broadcast %broadcast_in_dim3A_665 : i32 to vector<16xi32>
      %gather3A_667 = arith.constant 1 : i32
      %gather3A_668 = arith.constant 0 : i32
      %gather3A_669 = arith.constant 0 : i32
      %gather3A_670 = tpu.memref_slice %arg11[%gather3A_667, %gather3A_668, %gather3A_669] : memref<2x128x128xf32, #tpu.memory_space<vmem>> -> memref<1x128x128xf32, #tpu.memory_space<vmem>>
      %gather3A_671 = tpu.memref_squeeze %gather3A_670 : memref<1x128x128xf32, #tpu.memory_space<vmem>> -> memref<128x128xf32, #tpu.memory_space<vmem>>
      %gather3A_672 = tpu.vector_load_idx %gather3A_671[%add3A_226, %broadcast_in_dim3A_666] : memref<128x128xf32, #tpu.memory_space<vmem>>[vector<16xi32>, vector<16xi32>], vector<16xf32>,
      %gather3A_673 = tpu.vector_load_idx %arg13[%get3A_232, %broadcast_in_dim3A_666] : memref<1000x32xf32, #tpu.memory_space<vmem>>[vector<16xi32>, vector<16xi32>], vector<16xf32>,
      %gather3A_674 = arith.constant 1 : i32
      %gather3A_675 = arith.constant 0 : i32
      %gather3A_676 = arith.constant 0 : i32
      %gather3A_677 = tpu.memref_slice %arg12[%gather3A_674, %gather3A_675, %gather3A_676] : memref<2x128x128xf32, #tpu.memory_space<vmem>> -> memref<1x128x128xf32, #tpu.memory_space<vmem>>
      %gather3A_678 = tpu.memref_squeeze %gather3A_677 : memref<1x128x128xf32, #tpu.memory_space<vmem>> -> memref<128x128xf32, #tpu.memory_space<vmem>>
      %gather3A_679 = tpu.vector_load_idx %gather3A_678[%add3A_226, %broadcast_in_dim3A_666] : memref<128x128xf32, #tpu.memory_space<vmem>>[vector<16xi32>, vector<16xi32>], vector<16xf32>,
      %mul3A_680 = arith.mulf %gather3A_672, %gather3A_673 : vector<16xf32>
      %mul3A_681 = arith.mulf %mul3A_680, %gather3A_679 : vector<16xf32>
      %add3A_682 = arith.addf %add3A_664, %mul3A_681 : vector<16xf32>
      %broadcast_in_dim3A_683 = arith.constant 25 : i32
      %broadcast_in_dim3A_684 = vector.broadcast %broadcast_in_dim3A_683 : i32 to vector<16xi32>
      %gather3A_685 = arith.constant 1 : i32
      %gather3A_686 = arith.constant 0 : i32
      %gather3A_687 = arith.constant 0 : i32
      %gather3A_688 = tpu.memref_slice %arg11[%gather3A_685, %gather3A_686, %gather3A_687] : memref<2x128x128xf32, #tpu.memory_space<vmem>> -> memref<1x128x128xf32, #tpu.memory_space<vmem>>
      %gather3A_689 = tpu.memref_squeeze %gather3A_688 : memref<1x128x128xf32, #tpu.memory_space<vmem>> -> memref<128x128xf32, #tpu.memory_space<vmem>>
      %gather3A_690 = tpu.vector_load_idx %gather3A_689[%add3A_226, %broadcast_in_dim3A_684] : memref<128x128xf32, #tpu.memory_space<vmem>>[vector<16xi32>, vector<16xi32>], vector<16xf32>,
      %gather3A_691 = tpu.vector_load_idx %arg13[%get3A_232, %broadcast_in_dim3A_684] : memref<1000x32xf32, #tpu.memory_space<vmem>>[vector<16xi32>, vector<16xi32>], vector<16xf32>,
      %gather3A_692 = arith.constant 1 : i32
      %gather3A_693 = arith.constant 0 : i32
      %gather3A_694 = arith.constant 0 : i32
      %gather3A_695 = tpu.memref_slice %arg12[%gather3A_692, %gather3A_693, %gather3A_694] : memref<2x128x128xf32, #tpu.memory_space<vmem>> -> memref<1x128x128xf32, #tpu.memory_space<vmem>>
      %gather3A_696 = tpu.memref_squeeze %gather3A_695 : memref<1x128x128xf32, #tpu.memory_space<vmem>> -> memref<128x128xf32, #tpu.memory_space<vmem>>
      %gather3A_697 = tpu.vector_load_idx %gather3A_696[%add3A_226, %broadcast_in_dim3A_684] : memref<128x128xf32, #tpu.memory_space<vmem>>[vector<16xi32>, vector<16xi32>], vector<16xf32>,
      %mul3A_698 = arith.mulf %gather3A_690, %gather3A_691 : vector<16xf32>
      %mul3A_699 = arith.mulf %mul3A_698, %gather3A_697 : vector<16xf32>
      %add3A_700 = arith.addf %add3A_682, %mul3A_699 : vector<16xf32>
      %broadcast_in_dim3A_701 = arith.constant 26 : i32
      %broadcast_in_dim3A_702 = vector.broadcast %broadcast_in_dim3A_701 : i32 to vector<16xi32>
      %gather3A_703 = arith.constant 1 : i32
      %gather3A_704 = arith.constant 0 : i32
      %gather3A_705 = arith.constant 0 : i32
      %gather3A_706 = tpu.memref_slice %arg11[%gather3A_703, %gather3A_704, %gather3A_705] : memref<2x128x128xf32, #tpu.memory_space<vmem>> -> memref<1x128x128xf32, #tpu.memory_space<vmem>>
      %gather3A_707 = tpu.memref_squeeze %gather3A_706 : memref<1x128x128xf32, #tpu.memory_space<vmem>> -> memref<128x128xf32, #tpu.memory_space<vmem>>
      %gather3A_708 = tpu.vector_load_idx %gather3A_707[%add3A_226, %broadcast_in_dim3A_702] : memref<128x128xf32, #tpu.memory_space<vmem>>[vector<16xi32>, vector<16xi32>], vector<16xf32>,
      %gather3A_709 = tpu.vector_load_idx %arg13[%get3A_232, %broadcast_in_dim3A_702] : memref<1000x32xf32, #tpu.memory_space<vmem>>[vector<16xi32>, vector<16xi32>], vector<16xf32>,
      %gather3A_710 = arith.constant 1 : i32
      %gather3A_711 = arith.constant 0 : i32
      %gather3A_712 = arith.constant 0 : i32
      %gather3A_713 = tpu.memref_slice %arg12[%gather3A_710, %gather3A_711, %gather3A_712] : memref<2x128x128xf32, #tpu.memory_space<vmem>> -> memref<1x128x128xf32, #tpu.memory_space<vmem>>
      %gather3A_714 = tpu.memref_squeeze %gather3A_713 : memref<1x128x128xf32, #tpu.memory_space<vmem>> -> memref<128x128xf32, #tpu.memory_space<vmem>>
      %gather3A_715 = tpu.vector_load_idx %gather3A_714[%add3A_226, %broadcast_in_dim3A_702] : memref<128x128xf32, #tpu.memory_space<vmem>>[vector<16xi32>, vector<16xi32>], vector<16xf32>,
      %mul3A_716 = arith.mulf %gather3A_708, %gather3A_709 : vector<16xf32>
      %mul3A_717 = arith.mulf %mul3A_716, %gather3A_715 : vector<16xf32>
      %add3A_718 = arith.addf %add3A_700, %mul3A_717 : vector<16xf32>
      %broadcast_in_dim3A_719 = arith.constant 27 : i32
      %broadcast_in_dim3A_720 = vector.broadcast %broadcast_in_dim3A_719 : i32 to vector<16xi32>
      %gather3A_721 = arith.constant 1 : i32
      %gather3A_722 = arith.constant 0 : i32
      %gather3A_723 = arith.constant 0 : i32
      %gather3A_724 = tpu.memref_slice %arg11[%gather3A_721, %gather3A_722, %gather3A_723] : memref<2x128x128xf32, #tpu.memory_space<vmem>> -> memref<1x128x128xf32, #tpu.memory_space<vmem>>
      %gather3A_725 = tpu.memref_squeeze %gather3A_724 : memref<1x128x128xf32, #tpu.memory_space<vmem>> -> memref<128x128xf32, #tpu.memory_space<vmem>>
      %gather3A_726 = tpu.vector_load_idx %gather3A_725[%add3A_226, %broadcast_in_dim3A_720] : memref<128x128xf32, #tpu.memory_space<vmem>>[vector<16xi32>, vector<16xi32>], vector<16xf32>,
      %gather3A_727 = tpu.vector_load_idx %arg13[%get3A_232, %broadcast_in_dim3A_720] : memref<1000x32xf32, #tpu.memory_space<vmem>>[vector<16xi32>, vector<16xi32>], vector<16xf32>,
      %gather3A_728 = arith.constant 1 : i32
      %gather3A_729 = arith.constant 0 : i32
      %gather3A_730 = arith.constant 0 : i32
      %gather3A_731 = tpu.memref_slice %arg12[%gather3A_728, %gather3A_729, %gather3A_730] : memref<2x128x128xf32, #tpu.memory_space<vmem>> -> memref<1x128x128xf32, #tpu.memory_space<vmem>>
      %gather3A_732 = tpu.memref_squeeze %gather3A_731 : memref<1x128x128xf32, #tpu.memory_space<vmem>> -> memref<128x128xf32, #tpu.memory_space<vmem>>
      %gather3A_733 = tpu.vector_load_idx %gather3A_732[%add3A_226, %broadcast_in_dim3A_720] : memref<128x128xf32, #tpu.memory_space<vmem>>[vector<16xi32>, vector<16xi32>], vector<16xf32>,
      %mul3A_734 = arith.mulf %gather3A_726, %gather3A_727 : vector<16xf32>
      %mul3A_735 = arith.mulf %mul3A_734, %gather3A_733 : vector<16xf32>
      %add3A_736 = arith.addf %add3A_718, %mul3A_735 : vector<16xf32>
      %broadcast_in_dim3A_737 = arith.constant 28 : i32
      %broadcast_in_dim3A_738 = vector.broadcast %broadcast_in_dim3A_737 : i32 to vector<16xi32>
      %gather3A_739 = arith.constant 1 : i32
      %gather3A_740 = arith.constant 0 : i32
      %gather3A_741 = arith.constant 0 : i32
      %gather3A_742 = tpu.memref_slice %arg11[%gather3A_739, %gather3A_740, %gather3A_741] : memref<2x128x128xf32, #tpu.memory_space<vmem>> -> memref<1x128x128xf32, #tpu.memory_space<vmem>>
      %gather3A_743 = tpu.memref_squeeze %gather3A_742 : memref<1x128x128xf32, #tpu.memory_space<vmem>> -> memref<128x128xf32, #tpu.memory_space<vmem>>
      %gather3A_744 = tpu.vector_load_idx %gather3A_743[%add3A_226, %broadcast_in_dim3A_738] : memref<128x128xf32, #tpu.memory_space<vmem>>[vector<16xi32>, vector<16xi32>], vector<16xf32>,
      %gather3A_745 = tpu.vector_load_idx %arg13[%get3A_232, %broadcast_in_dim3A_738] : memref<1000x32xf32, #tpu.memory_space<vmem>>[vector<16xi32>, vector<16xi32>], vector<16xf32>,
      %gather3A_746 = arith.constant 1 : i32
      %gather3A_747 = arith.constant 0 : i32
      %gather3A_748 = arith.constant 0 : i32
      %gather3A_749 = tpu.memref_slice %arg12[%gather3A_746, %gather3A_747, %gather3A_748] : memref<2x128x128xf32, #tpu.memory_space<vmem>> -> memref<1x128x128xf32, #tpu.memory_space<vmem>>
      %gather3A_750 = tpu.memref_squeeze %gather3A_749 : memref<1x128x128xf32, #tpu.memory_space<vmem>> -> memref<128x128xf32, #tpu.memory_space<vmem>>
      %gather3A_751 = tpu.vector_load_idx %gather3A_750[%add3A_226, %broadcast_in_dim3A_738] : memref<128x128xf32, #tpu.memory_space<vmem>>[vector<16xi32>, vector<16xi32>], vector<16xf32>,
      %mul3A_752 = arith.mulf %gather3A_744, %gather3A_745 : vector<16xf32>
      %mul3A_753 = arith.mulf %mul3A_752, %gather3A_751 : vector<16xf32>
      %add3A_754 = arith.addf %add3A_736, %mul3A_753 : vector<16xf32>
      %broadcast_in_dim3A_755 = arith.constant 29 : i32
      %broadcast_in_dim3A_756 = vector.broadcast %broadcast_in_dim3A_755 : i32 to vector<16xi32>
      %gather3A_757 = arith.constant 1 : i32
      %gather3A_758 = arith.constant 0 : i32
      %gather3A_759 = arith.constant 0 : i32
      %gather3A_760 = tpu.memref_slice %arg11[%gather3A_757, %gather3A_758, %gather3A_759] : memref<2x128x128xf32, #tpu.memory_space<vmem>> -> memref<1x128x128xf32, #tpu.memory_space<vmem>>
      %gather3A_761 = tpu.memref_squeeze %gather3A_760 : memref<1x128x128xf32, #tpu.memory_space<vmem>> -> memref<128x128xf32, #tpu.memory_space<vmem>>
      %gather3A_762 = tpu.vector_load_idx %gather3A_761[%add3A_226, %broadcast_in_dim3A_756] : memref<128x128xf32, #tpu.memory_space<vmem>>[vector<16xi32>, vector<16xi32>], vector<16xf32>,
      %gather3A_763 = tpu.vector_load_idx %arg13[%get3A_232, %broadcast_in_dim3A_756] : memref<1000x32xf32, #tpu.memory_space<vmem>>[vector<16xi32>, vector<16xi32>], vector<16xf32>,
      %gather3A_764 = arith.constant 1 : i32
      %gather3A_765 = arith.constant 0 : i32
      %gather3A_766 = arith.constant 0 : i32
      %gather3A_767 = tpu.memref_slice %arg12[%gather3A_764, %gather3A_765, %gather3A_766] : memref<2x128x128xf32, #tpu.memory_space<vmem>> -> memref<1x128x128xf32, #tpu.memory_space<vmem>>
      %gather3A_768 = tpu.memref_squeeze %gather3A_767 : memref<1x128x128xf32, #tpu.memory_space<vmem>> -> memref<128x128xf32, #tpu.memory_space<vmem>>
      %gather3A_769 = tpu.vector_load_idx %gather3A_768[%add3A_226, %broadcast_in_dim3A_756] : memref<128x128xf32, #tpu.memory_space<vmem>>[vector<16xi32>, vector<16xi32>], vector<16xf32>,
      %mul3A_770 = arith.mulf %gather3A_762, %gather3A_763 : vector<16xf32>
      %mul3A_771 = arith.mulf %mul3A_770, %gather3A_769 : vector<16xf32>
      %add3A_772 = arith.addf %add3A_754, %mul3A_771 : vector<16xf32>
      %broadcast_in_dim3A_773 = arith.constant 30 : i32
      %broadcast_in_dim3A_774 = vector.broadcast %broadcast_in_dim3A_773 : i32 to vector<16xi32>
      %gather3A_775 = arith.constant 1 : i32
      %gather3A_776 = arith.constant 0 : i32
      %gather3A_777 = arith.constant 0 : i32
      %gather3A_778 = tpu.memref_slice %arg11[%gather3A_775, %gather3A_776, %gather3A_777] : memref<2x128x128xf32, #tpu.memory_space<vmem>> -> memref<1x128x128xf32, #tpu.memory_space<vmem>>
      %gather3A_779 = tpu.memref_squeeze %gather3A_778 : memref<1x128x128xf32, #tpu.memory_space<vmem>> -> memref<128x128xf32, #tpu.memory_space<vmem>>
      %gather3A_780 = tpu.vector_load_idx %gather3A_779[%add3A_226, %broadcast_in_dim3A_774] : memref<128x128xf32, #tpu.memory_space<vmem>>[vector<16xi32>, vector<16xi32>], vector<16xf32>,
      %gather3A_781 = tpu.vector_load_idx %arg13[%get3A_232, %broadcast_in_dim3A_774] : memref<1000x32xf32, #tpu.memory_space<vmem>>[vector<16xi32>, vector<16xi32>], vector<16xf32>,
      %gather3A_782 = arith.constant 1 : i32
      %gather3A_783 = arith.constant 0 : i32
      %gather3A_784 = arith.constant 0 : i32
      %gather3A_785 = tpu.memref_slice %arg12[%gather3A_782, %gather3A_783, %gather3A_784] : memref<2x128x128xf32, #tpu.memory_space<vmem>> -> memref<1x128x128xf32, #tpu.memory_space<vmem>>
      %gather3A_786 = tpu.memref_squeeze %gather3A_785 : memref<1x128x128xf32, #tpu.memory_space<vmem>> -> memref<128x128xf32, #tpu.memory_space<vmem>>
      %gather3A_787 = tpu.vector_load_idx %gather3A_786[%add3A_226, %broadcast_in_dim3A_774] : memref<128x128xf32, #tpu.memory_space<vmem>>[vector<16xi32>, vector<16xi32>], vector<16xf32>,
      %mul3A_788 = arith.mulf %gather3A_780, %gather3A_781 : vector<16xf32>
      %mul3A_789 = arith.mulf %mul3A_788, %gather3A_787 : vector<16xf32>
      %add3A_790 = arith.addf %add3A_772, %mul3A_789 : vector<16xf32>
      %broadcast_in_dim3A_791 = arith.constant 31 : i32
      %broadcast_in_dim3A_792 = vector.broadcast %broadcast_in_dim3A_791 : i32 to vector<16xi32>
      %gather3A_793 = arith.constant 1 : i32
      %gather3A_794 = arith.constant 0 : i32
      %gather3A_795 = arith.constant 0 : i32
      %gather3A_796 = tpu.memref_slice %arg11[%gather3A_793, %gather3A_794, %gather3A_795] : memref<2x128x128xf32, #tpu.memory_space<vmem>> -> memref<1x128x128xf32, #tpu.memory_space<vmem>>
      %gather3A_797 = tpu.memref_squeeze %gather3A_796 : memref<1x128x128xf32, #tpu.memory_space<vmem>> -> memref<128x128xf32, #tpu.memory_space<vmem>>
      %gather3A_798 = tpu.vector_load_idx %gather3A_797[%add3A_226, %broadcast_in_dim3A_792] : memref<128x128xf32, #tpu.memory_space<vmem>>[vector<16xi32>, vector<16xi32>], vector<16xf32>,
      %gather3A_799 = tpu.vector_load_idx %arg13[%get3A_232, %broadcast_in_dim3A_792] : memref<1000x32xf32, #tpu.memory_space<vmem>>[vector<16xi32>, vector<16xi32>], vector<16xf32>,
      %gather3A_800 = arith.constant 1 : i32
      %gather3A_801 = arith.constant 0 : i32
      %gather3A_802 = arith.constant 0 : i32
      %gather3A_803 = tpu.memref_slice %arg12[%gather3A_800, %gather3A_801, %gather3A_802] : memref<2x128x128xf32, #tpu.memory_space<vmem>> -> memref<1x128x128xf32, #tpu.memory_space<vmem>>
      %gather3A_804 = tpu.memref_squeeze %gather3A_803 : memref<1x128x128xf32, #tpu.memory_space<vmem>> -> memref<128x128xf32, #tpu.memory_space<vmem>>
      %gather3A_805 = tpu.vector_load_idx %gather3A_804[%add3A_226, %broadcast_in_dim3A_792] : memref<128x128xf32, #tpu.memory_space<vmem>>[vector<16xi32>, vector<16xi32>], vector<16xf32>,
      %mul3A_806 = arith.mulf %gather3A_798, %gather3A_799 : vector<16xf32>
      %mul3A_807 = arith.mulf %mul3A_806, %gather3A_805 : vector<16xf32>
      %add3A_808 = arith.addf %add3A_790, %mul3A_807 : vector<16xf32>
      %neg3A = arith.constant 0.000000e+00 : f32
      %neg3A_809 = vector.broadcast %neg3A : f32 to vector<16xf32>
      %neg3A_810 = arith.subf %neg3A_809, %add3A_808 : vector<16xf32>
      %exp3A = math.exp %neg3A_810 : vector<16xf32>
      %add3A_811 = arith.constant 1.000000e+00 : f32
      %add3A_812 = vector.broadcast %add3A_811 : f32 to vector<16xf32>
      %add3A_813 = arith.addf %add3A_812, %exp3A : vector<16xf32>
      %div3A = arith.constant 1.000000e+00 : f32
      %div3A_814 = vector.broadcast %div3A : f32 to vector<16xf32>
      %div3A_815 = arith.divf %div3A_814, %add3A_813 : vector<16xf32>
      %mul3A_816 = arith.constant 16 : i32
      %mul3A_817 = arith.muli %scan3A_222, %mul3A_816 : i32
      %add3A_818 = arith.constant 384 : i32
      %add3A_819 = arith.addi %add3A_818, %mul3A_817 : i32
      %swap3A = arith.index_cast %add3A_819 : i32 to index
      %swap3A_820 = tpu.vector_load %arg14[%swap3A] {strides = array<i32>} : memref<512xf32, #tpu.memory_space<vmem>>, vector<16xf32>,
      tpu.vector_store %arg14[%swap3A], %div3A_815 {strides = array<i32>} : memref<512xf32, #tpu.memory_space<vmem>>, vector<16xf32>,
    }
    %scan3A_219 = arith.constant 8 : i32
    %mul3A_220 = arith.constant 512 : i32
    %mul3A_221 = arith.muli %add3A, %mul3A_220 : i32
    "tpu.region"() ({
      %run_scoped3A = tpu.sem_alloc : memref<!tpu.dma_semaphore, #tpu.memory_space<semaphore_mem>>
      %dma_start3A_222 = tpu.memref_slice %arg7[%mul3A_221] : memref<16384xf32, #tpu.memory_space<hbm>> -> memref<512xf32, #tpu.memory_space<hbm>>
      %dma_start3A_223 = tpu.memref_slice %arg7[%mul3A_221] : memref<16384xf32, #tpu.memory_space<hbm>> -> memref<512xf32, #tpu.memory_space<hbm>>
      tpu.enqueue_dma source(%arg14 : memref<512xf32, #tpu.memory_space<vmem>>) target(%dma_start3A_223 : memref<512xf32, #tpu.memory_space<hbm>>) target_semaphore(%run_scoped3A : memref<!tpu.dma_semaphore, #tpu.memory_space<semaphore_mem>>)
      %dma_wait3A_224 = tpu.memref_slice %arg7[%mul3A_221] : memref<16384xf32, #tpu.memory_space<hbm>> -> memref<512xf32, #tpu.memory_space<hbm>>
      %dma_wait3A_225 = tpu.memref_slice %arg7[%mul3A_221] : memref<16384xf32, #tpu.memory_space<hbm>> -> memref<512xf32, #tpu.memory_space<hbm>>
      tpu.wait_dma2 semaphore(%run_scoped3A : memref<!tpu.dma_semaphore, #tpu.memory_space<semaphore_mem>>) src(%arg14 : memref<512xf32, #tpu.memory_space<vmem>>) dst(%dma_wait3A_225 : memref<512xf32, #tpu.memory_space<hbm>>)
      tpu.yield
    }) : () -> ()
    return
  }
}

</mosaic_0001>

<sc_bundles>
// kernel: kernel.3.cloned.1.call-start
scs
__scs_entry_jumppad:
0x0: {  	(pc) =	sbr.rel $0x88, $3  }
0x1: {  	(tag) =	ssettag $0x0;
	lr =	simm.s32 $0x1  }
0x2: {  	[smem:$0x3F9C] =	sst lr;
	_ =	strace $0xD0000000  }
0x3: {  	_ = 	snop  }
0x4: {  	_ = 	snop  }
0x5: {  	_ = 	snop  }
0x6: {  	_ = 	snop  }
0x7: {  	_ = 	snop  }
__scs_overlays_trampoline_lowered:
0x8: {  	[smem:$0x3FAB] =	sst s0  }
0x9: {  	[smem:$0x3FAC] =	sst s1  }
0xa: {  	[smem:$0x3FAD] =	sst s2  }
0xb: {  	[smem:$0x3FAE] =	sst s3  }
0xc: {  	[smem:$0x3FAF] =	sst s4  }
0xd: {  	[smem:$0x3FB0] =	sst s5  }
0xe: {  	[smem:$0x3FB1] =	sst s6  }
0xf: {  	[smem:$0x3FB2] =	sst s7  }
0x10: {  	[smem:$0x3FB3] =	sst s8  }
0x11: {  	[smem:$0x3FB4] =	sst s9;
	s0 =	simm.s32 @!p0 $0x0  }
0x12: {  	s1 =	sld [smem:$0x3F9A];
	s0 =	simm.s32 @p0 $0x1  }
0x13: {  	[smem:$0x3FB5] =	sst s0;
	s0 =	simm.s32 @!p1 $0x0  }
0x14: {  	s2 =	sld [smem:$0x3F99];
	s0 =	simm.s32 @p1 $0x1  }
0x15: {  	[smem:$0x3FB6] =	sst s0;
	s0 =	simm.s32 @!p2 $0x0  }
0x16: {  	s3 =	sld [smem:$0x3FDB];
	s0 =	simm.s32 @p2 $0x1  }
0x17: {  	s4 =	simm.s32 $0x1BF5;
	[smem:$0x3FB8] =	sst s0  }
0x18: {  	s0 =	sld [smem:$0x3F9B];
	_ =	swait.ge [sflag:s4], $0x0  }
0x19: {  	s7 =	sld [smem:$0x3F9C]  }
0x1a: {  	s8 =	sadd.s32 $0xFFFFE003, lr  }
0x1b: {  	s9 =	sadd.s32 $0xFFFFFEF7, lr;
	s5 =	simm.s32 $0xFFFFFFFF;
	p2 =	slt.u32 s8, $0xFFFFF086  }
0x1c: {  	p1 =	slt.u32 s9, $0xF7A;
	s5 =	simm.s32 @!p2 $0x0  }
0x1d: {  	s5 =	simm.s32 @p1 $0x1;
	p0 =	seq.s32 s7, s2  }
0x1e: {  	s7 =	smul.u32 @!p0 $0xF7A, s2;
	p2 =	seq.s32 @!p0 s5, $0x0  }
0x1f: {  	s9 =	smul.u32 $0xF7A, s1;
	s8 =	simm.s32 @!p0 $0x1BF5;
	p2 =	por !p2, p0  }
0x20: {  	[sflag:s8] =	ssyncset.s32 @!p0 $0xFFFFF086;
	s6 =	sadd.s32 @!p0 s3, s7;
	s7 =	simm.s32 @!p0 $0x108  }
0x21: {  	s3 =	sadd.s32 s3, s9;
	s6 =	sadd.s32 @!p0 $0x88, s6;
	s7 =	simm.s32 @p2 $0x1082  }
0x22: {  	[simem:s7], [sflag:s8] =	dma.local @!p0 [hbm:s6], $0xF7A  }
0x23: {  	s9 =	sor.u32 $0xD0000000, s2;
	s6 =	simm.s32 $0x108;
	_ =	swait.ge @!p0 [sflag:s8], $0x0  }
0x24: {  	s3 =	sadd.s32 $0x88, s3;
	s6 =	simm.s32 @!p1 $0x1082;
	[sflag:s4] =	ssyncset.s32 $0xFFFFF086  }
0x25: {  	[simem:s6], [sflag:s4] =	dma.local [hbm:s3], $0xF7A  }
0x26: {  	[smem:$0x3F9C] =	sst s1;
	(tag) =	ssettag s2;
	_ =	strace s9  }
0x27: {  	s1 =	sld [smem:$0x3FAC]  }
0x28: {  	s2 =	sld [smem:$0x3FAD]  }
0x29: {  	s4 =	sld [smem:$0x3FAF]  }
0x2a: {  	p0 =	seq.s32 s5, $0x0;
	s5 =	sld [smem:$0x3FB0]  }
0x2b: {  	s6 =	sld [smem:$0x3FB1]  }
0x2c: {  	s7 =	sld [smem:$0x3FB2]  }
0x2d: {  	s3 =	simm.s32 $0x108;
	s8 =	sld [smem:$0x3FB3]  }
0x2e: {  	s3 =	simm.s32 @!p0 $0x1082;
	s9 =	sld [smem:$0x3FB4]  }
0x2f: {  	lr =	sadd.s32 s0, s3;
	s0 =	sld [smem:$0x3FAB]  }
0x30: {  	s3 =	sld [smem:$0x3FAE]  }
0x31: {  	[smem:$0x3FB7] =	sst s10  }
0x32: {  	s10 =	sld [smem:$0x3FB5];
	_ =	sdelay $0x3  }
0x33: {  	p0 =	seq.s32 s10, $0x1;
	s10 =	sld [smem:$0x3FB7];
	_ =	sdelay $0x3  }
0x34: {  	[smem:$0x3FB7] =	sst s10  }
0x35: {  	s10 =	sld [smem:$0x3FB6];
	_ =	sdelay $0x3  }
0x36: {  	p1 =	seq.s32 s10, $0x1;
	s10 =	sld [smem:$0x3FB7];
	_ =	sdelay $0x3  }
0x37: {  	[smem:$0x3FB7] =	sst s10  }
0x38: {  	s10 =	sld [smem:$0x3FB8]  }
0x39: {  	_ = 	snop;
	(pc) =	sbr.ind lr, $3  }
0x3a: {  	_ = 	snop  }
0x3b: {  	_ = 	snop  }
0x3c: {  	p2 =	seq.s32 s10, $0x1;
	s10 =	sld [smem:$0x3FB7]  }
0x3d: {  	_ =	shalt  }
0x3e: {  	_ =	shalt  }
0x3f: {  	_ =	shalt  }
0x40: {  	_ =	shalt  }
0x41: {  	_ =	shalt  }
0x42: {  	_ =	shalt  }
0x43: {  	_ =	shalt  }
0x44: {  	_ =	shalt  }
0x45: {  	_ =	shalt  }
0x46: {  	_ =	shalt  }
0x47: {  	_ =	shalt  }
0x48: {  	_ =	shalt  }
0x49: {  	_ =	shalt  }
0x4a: {  	_ =	shalt  }
0x4b: {  	_ =	shalt  }
0x4c: {  	_ =	shalt  }
0x4d: {  	_ =	shalt  }
0x4e: {  	_ =	shalt  }
0x4f: {  	_ =	shalt  }
0x50: {  	_ =	shalt  }
0x51: {  	_ =	shalt  }
0x52: {  	_ =	shalt  }
0x53: {  	_ =	shalt  }
0x54: {  	_ =	shalt  }
0x55: {  	_ =	shalt  }
0x56: {  	_ =	shalt  }
0x57: {  	_ =	shalt  }
0x58: {  	_ =	shalt  }
0x59: {  	_ =	shalt  }
0x5a: {  	_ =	shalt  }
0x5b: {  	_ =	shalt  }
0x5c: {  	_ =	shalt  }
0x5d: {  	_ =	shalt  }
0x5e: {  	_ =	shalt  }
0x5f: {  	_ =	shalt  }
0x60: {  	_ =	shalt  }
0x61: {  	_ =	shalt  }
0x62: {  	_ =	shalt  }
0x63: {  	_ =	shalt  }
0x64: {  	_ =	shalt  }
0x65: {  	_ =	shalt  }
0x66: {  	_ =	shalt  }
0x67: {  	_ =	shalt  }
0x68: {  	_ =	shalt  }
0x69: {  	_ =	shalt  }
0x6a: {  	_ =	shalt  }
0x6b: {  	_ =	shalt  }
0x6c: {  	_ =	shalt  }
0x6d: {  	_ =	shalt  }
0x6e: {  	_ =	shalt  }
0x6f: {  	_ =	shalt  }
0x70: {  	_ =	shalt  }
0x71: {  	_ =	shalt  }
0x72: {  	_ =	shalt  }
0x73: {  	_ =	shalt  }
0x74: {  	_ =	shalt  }
0x75: {  	_ =	shalt  }
0x76: {  	_ =	shalt  }
0x77: {  	_ =	shalt  }
0x78: {  	_ =	shalt  }
0x79: {  	_ =	shalt  }
0x7a: {  	_ =	shalt  }
0x7b: {  	_ =	shalt  }
0x7c: {  	_ =	shalt  }
0x7d: {  	_ =	shalt  }
0x7e: {  	_ =	shalt  }
0x7f: {  	_ =	shalt  }
0x80: {  	_ =	shalt  }
0x81: {  	_ =	shalt  }
0x82: {  	_ =	shalt  }
0x83: {  	_ =	shalt  }
0x84: {  	_ =	shalt  }
0x85: {  	_ =	shalt  }
0x86: {  	_ =	shalt  }
0x87: {  	_ =	shalt  }
.Lfunc_end0:
.L_simem_size_0:
called_computation_lowered:
.L_overlay_start_0:
0x88: {  	s2 =	sld [smem:$0x3FD9]  }
0x89: {  	s3 =	sld [smem:$0x3FFE];
	_ =	sdelay $0x1  }
0x8a: {  	s1 =	srdreg.scid  }
0x8b: {  	s0 =	sand.u32 $0x1, s1  }
0x8c: {  	s17 =	sshll.u32 s0, $0xA;
	s2 =	sadd.s32 s3, s2  }
0x8d: {  	s2 =	sadd.s32 s2, s17  }
0x8e: {  	[smem:$0x3FC3] =	sst s2  }
0x8f: {  	_ = 	snop  }
0x90: {  	s2 =	sld [smem:$0x3FC9]  }
0x91: {  	s18 =	sld [smem:$0x3FC8]  }
0x92: {  	s4 =	sld [smem:$0x3FC7]  }
0x93: {  	s5 =	sld [smem:$0x3FD0];
	(tm) =	ssettm $0x1  }
0x94: {  	s6 =	sld [smem:$0x3FFB];
	_ =	sdelay $0x3  }
0x95: {  	_ =	strace s6  }
0x96: {  	s6 =	sld [smem:$0x3FFC];
	_ =	sdelay $0x3  }
0x97: {  	_ =	strace s6  }
0x98: {  	s6 =	sld [smem:$0x3FFD];
	_ =	sdelay $0x3  }
0x99: {  	_ =	strace s6  }
0x9a: {  	_ =	strace $0x8FFFFFFF  }
0x9b: {  	s19 =	sld [smem:$0x3FDB];
	_ =	sdelay $0x1  }
0x9c: {  	s7 =	simm.s32 $_scs_section_size  }
0x9d: {  	s8 =	simm.s32 $_size__tile_overlayer_lowered;
	s9 =	simm.s32 $_tile_overlayer_lowered  }
0x9e: {  	s22 =	simm.s32 $0x1BFF;
	s21 =	sshll.u32 s9, $0x1;
	s6 =	sadd.s32 s7, s19  }
0x9f: {  	s10 =	simm.s32 $0x0;
	s20 =	sshll.u32 s8, $0x1;
	s8 =	sadd.s32 s21, s6  }
0xa0: {  	[timem:s10], [sflag:s22] =	dma.local [hbm:s8], s20  }
0xa1: {  	_ =	swait.ge [sflag:s22], s20  }
0xa2: {  	s7 =	ssub.s32 $0x0, s20;
	[sflag:s22] =	ssyncset.done $0x0  }
0xa3: {  	[sflag:s22] =	ssyncadd.s32 s7;
	_ =	sdelay $0x1  }
0xa4: {  	s23 =	simm.s32 $0x1B8B  }
0xa5: {  	_ =	swait.ge [sflag:s23], $0x1  }
0xa6: {  	[sflag:s23] =	ssyncset.done $0x0  }
0xa7: {  	s25 =	simm.s32 $0x1B8E;
	s24 =	sld [smem:$0x3FFE];
	[sflag:s23] =	ssyncadd.s32 $0xFFFFFFFF  }
0xa8: {  	s26 =	simm.s32 $execute0_lowered;
	[smem:$0x3FD2] =	sst s25  }
0xa9: {  	s8 =	sshll.u32 s26, $0x1;
	_ =	strace $0x80000046;
	[dreg:$0x1] =	wrdreg $0xFFFFFFFF  }
0xaa: {  	s28 =	simm.s32 $_size_execute0_lowered;
	s6 =	sadd.s32 s6, s8;
	[dreg:$0x0] =	wrdreg $0x0  }
0xab: {  	s8 =	sshll.u32 s28, $0x1;
	[dreg:$0x2] =	wrdreg s6  }
0xac: {  	[dreg:$0x3] =	wrdreg s8  }
0xad: {  	[dreg:$0x4] =	wrdreg $0xC0  }
0xae: {  	_ =	task [dreg:s10], $0x5FFFF  }
0xaf: {  	[dreg:$0x1] =	wrdreg $0xFFFFFFFF  }
0xb0: {  	[dreg:$0x0] =	wrdreg $0x60  }
0xb1: {  	[dreg:$0x2] =	wrdreg s24  }
0xb2: {  	[dreg:$0x3] =	wrdreg s2  }
0xb3: {  	[dreg:$0x4] =	wrdreg s18  }
0xb4: {  	[dreg:$0x5] =	wrdreg s4  }
0xb5: {  	[dreg:$0x6] =	wrdreg s5  }
0xb6: {  	[dreg:$0x7] =	wrdreg $0x9  }
0xb7: {  	_ =	task.clear_ibuf [dreg:s10], $0x8FFFF;
	_ =	strace $0x90000046  }
0xb8: {  	s29 =	simm.s32 $0x9;
	_ =	strace $0x80000048  }
0xb9: {  	_ =	swait.ge [sflag:s29], $0x1  }
0xba: {  	[sflag:s29] =	ssyncadd.s32 $0xFFFFFFFF  }
0xbb: {  	_ =	strace $0x90000048  }
0xbc: {  	_ =	sfence  }
0xbd: {  	s30 =	sld [smem:$0x0];
	_ =	sdelay $0x2  }
0xbe: {  	s31 =	sshll.u32 s1, $0xD;
	s1 =	sshrl.u32 s1, $0x2  }
0xbf: {  	s3 =	sand.u32 $0x4000, s31;
	s1 =	sadd.s32 s1, s30  }
0xc0: {  	s0 =	sor.u32 s3, s0;
	s1 =	sshll.u32 s1, $0x11  }
0xc1: {  	s0 =	sor.u32 s1, s0  }
0xc2: {  	s0 =	sadd.s32 $0x8F2B, s0  }
0xc3: {  	[sflag:s0] =	ssyncadd.remote.s32 $0x1  }
0xc4: {  	_ =	sfence.sel $0xFFFF  }
0xc5: {  	[dreg:$0x0] =	wrdreg $0xFFFFFFFF;
	(pc) =	sbr.abs _section_cstart, $3  }
0xc6: {  	[dreg:$0x1] =	wrdreg $0xFFFFFFFF  }
0xc7: {  	_ =	task.clear_ibuf [dreg:s10], $0x2FFFF;
	_ =	strace $0x9FFFFFFF  }
0xc8: {  	(tm) =	ssettm $0x7FFFFFFF  }
0xc9: {  	_ =	shalt  }
tec
execute0_lowered:
.L_overlay_start_1:
0x0: {  	(tag) =	ssettag $0x1  }
0x1: {  	s4 =	rddreg [dreg:$0x0]  }
0x2: {  	s5 =	rddreg [dreg:$0x1]  }
0x3: {  	s6 =	rddreg [dreg:$0x2]  }
0x4: {  	s7 =	rddreg [dreg:$0x3]  }
0x5: {  	s8 =	rddreg [dreg:$0x4]  }
0x6: {  	s0 =	rddreg [dreg:$0x5];
	s1 =	simm.s32 $0x0;
	s2 =	srdreg.scid  }
0x7: {  	s13 =	simm.s32 $0x80;
	s14 =	simm.s32 $0x600;
	s15 =	simm.s32 $0x8600  }
0x8: {  	s16 =	simm.s32 $0x1;
	s17 =	simm.s32 $0x4600;
	s18 =	simm.s32 $0x480  }
0x9: {  	s19 =	simm.s32 $0xC600;
	s20 =	simm.s32 $0x100;
	s21 =	simm.s32 $0x500  }
0xa: {  	s22 =	simm.s32 $0x180;
	s23 =	simm.s32 $0x580;
	s24 =	simm.s32 $0x18300  }
0xb: {  	s25 =	simm.s32 $0x0;
	[smem:$0x7FF] =	sst s1;
	s9 =	sand.u32 $0x1, s2  }
0xc: {  	s3 =	sadd.s32 $0xF43A00, s4;
	s2 =	stileid.u32;
	s4 =	sadd.s32 $0xF42A00, s4  }
0xd: {  	s10 =	ssub.s32 $0x2, s9;
	s12 =	sshll.u32 s2, $0x7;
	s9 =	sshll.u32 s9, $0x6  }
0xe: {  	v0 =	vlaneseq.u32;
	_ =	strace $0x80000047;
	s11 =	sshrl.u32 s10, $0x1;
	s9 =	sor.u32 s9, s12  }
0xf: {  	v0 =	vmul.u32 $0x80, v0;
	s12 =	simm.s32 $0x10600;
	s10 =	ssub.s32 s10, s11;
	s5 =	sadd.s32 s5, s9  }
0x10: {  	s6 =	sadd.s32 s6, s9;
	s7 =	sadd.s32 s7, s9;
	s8 =	sadd.s32 s8, s9  }
0x11: {  	[tilespmem:$0x1FFF0] =	vst v0;
	s11 =	simm.s32 $0x400;
	s9 =	smax.u32 s10, $0x1;
	s10 =	simm.s32 $0x2  }
.LBB2_1:
0x12: {  	[tilespmem:s1], [sflag:$0x2] =	stream.linear.gather [hbm4b:s5+s1], $0x200, $0x38;
	[tilespmem:$0x18500] =	vst v63  }
0x13: {  	_ =	swait.ge [sflag:s10], $0x200  }
0x14: {  	[sflag:s10] =	ssyncset.done $0x0  }
0x15: {  	s26 =	simm.s32 $0x200;
	[sflag:s10] =	ssyncadd.s32 $0xFFFFFE00  }
0x16: {  	[tilespmem:s26], [sflag:$0x2] =	stream.linear.gather [hbm4b:s6+s1], $0x200, $0x38;
	[tilespmem:$0x18500] =	vst v63  }
0x17: {  	_ =	swait.ge [sflag:s10], $0x200  }
0x18: {  	[sflag:s10] =	ssyncset.done $0x0  }
0x19: {  	[sflag:s10] =	ssyncadd.s32 $0xFFFFFE00  }
0x1a: {  	[tilespmem:s11], [sflag:$0x2] =	stream.linear.gather [hbm4b:s7+s1], $0x200, $0x38;
	[tilespmem:$0x18500] =	vst v63  }
0x1b: {  	_ =	swait.ge [sflag:s10], $0x200  }
0x1c: {  	[sflag:s10] =	ssyncset.done $0x0  }
0x1d: {  	[sflag:s10] =	ssyncadd.s32 $0xFFFFFE00  }
0x1e: {  	[tilespmem:s12], [sflag:$0x2] =	stream.linear.gather [hbm4b:s4+s1], $0x7D00, $0x38;
	[tilespmem:$0x18500] =	vst v63  }
0x1f: {  	_ =	swait.ge [sflag:s10], $0x7D00  }
0x20: {  	[sflag:s10] =	ssyncset.done $0x0  }
0x21: {  	[sflag:s10] =	ssyncadd.s32 $0xFFFF8300  }
0x22: {  	[tilespmem:s14], [sflag:$0x1] =	stream.indirect.gather [hbm4b:s3+s13], $0x80, s1, s13, $0xb8;
	[tilespmem:$0x18500] =	vst v63  }
0x23: {  	_ = 	snop  }
0x24: {  	[tilespmem:s15], [sflag:$0x1] =	stream.indirect.gather [hbm4b:s3+s13], $0x80, s11, s13, $0xb8;
	[tilespmem:$0x18500] =	vst v63  }
0x25: {  	_ =	swait.ge [sflag:s16], $0x4000  }
0x26: {  	v1 =	vmov s1;
	[sflag:s16] =	ssyncset.done $0x0  }
0x27: {  	v1 =	vshll.u32 v1, $0x7;
	[sflag:s16] =	ssyncadd.s32 $0xFFFFC000  }
0x28: {  	v5 =	vor.u32 v0, v1;
	_ =	swait.ge [sflag:s16], $0x4000  }
0x29: {  	v4 =	vor.u32 $0x1E, v5;
	[sflag:s16] =	ssyncset.done $0x0  }
0x2a: {  	v11 =	vor.u32 $0x1B, v5;
	[sflag:s16] =	ssyncadd.s32 $0xFFFFC000  }
0x2b: {  	v12 =	vor.u32 $0x1A, v5;
	[tilespmem:s17], [sflag:$0x1] =	stream.indirect.gather [hbm4b:s3+s13], $0x80, s13, s13, $0xb8;
	[tilespmem:$0x18500] =	vst v63  }
0x2c: {  	v14 =	vor.u32 $0x19, v5  }
0x2d: {  	v16 =	vor.u32 $0x18, v5;
	[tilespmem:s19], [sflag:$0x1] =	stream.indirect.gather [hbm4b:s3+s13], $0x80, s18, s13, $0xb8;
	[tilespmem:$0x18500] =	vst v63  }
0x2e: {  	v18 =	vor.u32 $0x17, v5;
	v1 =	vld.idx.msk [tilespmem:v4+s15+$0x0], $0xffff  }
0x2f: {  	v21 =	vor.u32 $0x16, v5;
	v7 =	vld.idx.msk [tilespmem:v11+s15+$0x0], $0xffff  }
0x30: {  	v23 =	vor.u32 $0x15, v5;
	v8 =	vld.idx.msk [tilespmem:v12+s15+$0x0], $0xffff  }
0x31: {  	v25 =	vor.u32 $0x14, v5;
	v10 =	vld.idx.msk [tilespmem:v14+s15+$0x0], $0xffff  }
0x32: {  	v27 =	vor.u32 $0x13, v5;
	v13 =	vld.idx.msk [tilespmem:v16+s15+$0x0], $0xffff  }
0x33: {  	v29 =	vor.u32 $0x12, v5;
	v15 =	vld.idx.msk [tilespmem:v18+s15+$0x0], $0xffff  }
0x34: {  	v31 =	vor.u32 $0x11, v5;
	v17 =	vld.idx.msk [tilespmem:v21+s15+$0x0], $0xffff  }
0x35: {  	v33 =	vor.u32 $0x10, v5;
	v19 =	vld.idx.msk [tilespmem:v23+s15+$0x0], $0xffff  }
0x36: {  	v34 =	vor.u32 $0xF, v5;
	v22 =	vld.idx.msk [tilespmem:v25+s15+$0x0], $0xffff  }
0x37: {  	v35 =	vor.u32 $0xE, v5;
	v24 =	vld.idx.msk [tilespmem:v27+s15+$0x0], $0xffff  }
0x38: {  	v36 =	vor.u32 $0xD, v5;
	v26 =	vld.idx.msk [tilespmem:v29+s15+$0x0], $0xffff  }
0x39: {  	v37 =	vor.u32 $0xC, v5;
	v28 =	vld.idx.msk [tilespmem:v31+s15+$0x0], $0xffff  }
0x3a: {  	v38 =	vor.u32 $0xB, v5;
	v30 =	vld.idx.msk [tilespmem:v33+s15+$0x0], $0xffff  }
0x3b: {  	v32 =	vld.idx.msk [tilespmem:v34+s15+$0x0], $0xffff  }
0x3c: {  	v39 =	vor.u32 $0xA, v5;
	v40 =	vld.idx.msk [tilespmem:v35+s15+$0x0], $0xffff  }
0x3d: {  	v41 =	vor.u32 $0x9, v5;
	v42 =	vld.idx.msk [tilespmem:v36+s15+$0x0], $0xffff  }
0x3e: {  	v44 =	vor.u32 $0x7, v5;
	v43 =	vld.idx.msk [tilespmem:v37+s15+$0x0], $0xffff  }
0x3f: {  	v46 =	vor.u32 $0x5, v5;
	v45 =	vld.idx.msk [tilespmem:v38+s15+$0x0], $0xffff  }
0x40: {  	v47 =	vor.u32 $0x3, v5;
	v20 =	vld [tilespmem:s26+$0x0]  }
0x41: {  	v49 =	vor.u32 $0x2, v5;
	v48 =	vld.idx.msk [tilespmem:v39+s15+$0x0], $0xffff  }
0x42: {  	v51 =	vor.u32 $0x1, v5;
	v50 =	vld.idx.msk [tilespmem:v41+s15+$0x0], $0xffff  }
0x43: {  	v52 =	vld.idx.msk [tilespmem:v44+s15+$0x0], $0xffff  }
0x44: {  	v6 =	vor.u32 $0x1D, v5;
	v53 =	vld.idx.msk [tilespmem:v46+s15+$0x0], $0xffff  }
0x45: {  	v54 =	vld.idx.msk [tilespmem:v47+s15+$0x0], $0xffff  }
0x46: {  	v55 =	vld.idx.msk [tilespmem:v49+s15+$0x0], $0xffff  }
0x47: {  	v57 =	vld.idx.msk [tilespmem:v51+s15+$0x0], $0xffff  }
0x48: {  	v58 =	vld.idx.msk [tilespmem:v5+s15+$0x0], $0xffff;
	v20 =	vshll.u32 v20, $0x5  }
0x49: {  	v9 =	vor.u32 $0x1C, v5;
	[tilespmem:$0x1FFB0] =	vst v1;
	v1 =	vld.idx.msk [tilespmem:v6+s15+$0x0], $0xffff  }
0x4a: {  	v59 =	vld.idx.msk [tilespmem:v5+s14+$0x0], $0xffff  }
0x4b: {  	v51 =	vld.idx.msk [tilespmem:v51+s14+$0x0], $0xffff;
	v56 =	vor.u32 $0x1, v20  }
0x4c: {  	v49 =	vld.idx.msk [tilespmem:v49+s14+$0x0], $0xffff;
	v60 =	vor.u32 $0x2, v20  }
0x4d: {  	v63 =	vor.u32 $0x4, v5;
	v61 =	vld.idx.msk [tilespmem:v20+s12+$0x0], $0xffff  }
0x4e: {  	v62 =	vor.u32 $0x3, v20;
	[tilespmem:$0x1FFA0] =	vst v1;
	v1 =	vld.idx.msk [tilespmem:v9+s15+$0x0], $0xffff  }
0x4f: {  	v47 =	vld.idx.msk [tilespmem:v47+s14+$0x0], $0xffff  }
0x50: {  	v2 =	vor.u32 $0x4, v20;
	v56 =	vld.idx.msk [tilespmem:v56+s12+$0x0], $0xffff  }
0x51: {  	v60 =	vld.idx.msk [tilespmem:v60+s12+$0x0], $0xffff  }
0x52: {  	v3 =	vld.idx.msk [tilespmem:v63+s15+$0x0], $0xffff;
	v59 =	vmul.f32 v61, v59;
	v61 =	vor.u32 $0x5, v20  }
0x53: {  	v62 =	vld.idx.msk [tilespmem:v62+s12+$0x0], $0xffff;
	[tilespmem:$0x1FF90] =	vst v1;
	v1 =	vor.u32 $0x6, v5  }
0x54: {  	v46 =	vld.idx.msk [tilespmem:v46+s14+$0x0], $0xffff  }
0x55: {  	v2 =	vld.idx.msk [tilespmem:v2+s12+$0x0], $0xffff;
	v51 =	vmul.f32 v56, v51;
	v58 =	vmul.f32 v58, v59;
	v59 =	vor.u32 $0x6, v20  }
0x56: {  	v56 =	vld.idx.msk [tilespmem:v63+s14+$0x0], $0xffff;
	v49 =	vmul.f32 v60, v49  }
0x57: {  	v51 =	vmul.f32 v57, v51;
	v57 =	vadd.f32 $0.0e+00, v58;
	v58 =	vor.u32 $0x7, v20;
	v60 =	vld.idx.msk [tilespmem:v61+s12+$0x0], $0xffff  }
0x58: {  	v47 =	vmul.f32 v62, v47;
	v63 =	vor.u32 $0x8, v20;
	v61 =	vld.idx.msk [tilespmem:v1+s15+$0x0], $0xffff  }
0x59: {  	v49 =	vmul.f32 v55, v49;
	v1 =	vld.idx.msk [tilespmem:v1+s14+$0x0], $0xffff;
	v51 =	vadd.f32 v51, v57;
	v57 =	vor.u32 $0x8, v5  }
0x5a: {  	v59 =	vld.idx.msk [tilespmem:v59+s12+$0x0], $0xffff  }
0x5b: {  	v44 =	vld.idx.msk [tilespmem:v44+s14+$0x0], $0xffff;
	v47 =	vmul.f32 v54, v47;
	v2 =	vmul.f32 v2, v56;
	v49 =	vadd.f32 v49, v51  }
0x5c: {  	v51 =	vor.u32 $0x9, v20;
	v58 =	vld.idx.msk [tilespmem:v58+s12+$0x0], $0xffff  }
0x5d: {  	v55 =	vld.idx.msk [tilespmem:v63+s12+$0x0], $0xffff;
	v2 =	vmul.f32 v3, v2;
	v47 =	vadd.f32 v47, v49;
	v46 =	vmul.f32 v60, v46  }
0x5e: {  	v60 =	vor.u32 $0xA, v20;
	v3 =	vld.idx.msk [tilespmem:v57+s14+$0x0], $0xffff  }
0x5f: {  	v41 =	vld.idx.msk [tilespmem:v41+s14+$0x0], $0xffff;
	v2 =	vadd.f32 v2, v47;
	v46 =	vmul.f32 v53, v46;
	v1 =	vmul.f32 v59, v1  }
0x60: {  	v63 =	vor.u32 $0xB, v20;
	v62 =	vld.idx.msk [tilespmem:v57+s15+$0x0], $0xffff  }
0x61: {  	v56 =	vld.idx.msk [tilespmem:v51+s12+$0x0], $0xffff;
	v2 =	vadd.f32 v46, v2;
	v1 =	vmul.f32 v61, v1;
	v44 =	vmul.f32 v58, v44  }
0x62: {  	v39 =	vld.idx.msk [tilespmem:v39+s14+$0x0], $0xffff;
	v57 =	vor.u32 $0xC, v20;
	v59 =	vor.u32 $0xD, v20  }
0x63: {  	v58 =	vld.idx.msk [tilespmem:v60+s12+$0x0], $0xffff;
	v1 =	vadd.f32 v1, v2;
	v2 =	vmul.f32 v52, v44;
	v3 =	vmul.f32 v55, v3  }
0x64: {  	v38 =	vld.idx.msk [tilespmem:v38+s14+$0x0], $0xffff  }
0x65: {  	v1 =	vadd.f32 v2, v1;
	v2 =	vmul.f32 v62, v3;
	v3 =	vld.idx.msk [tilespmem:v63+s12+$0x0], $0xffff  }
0x66: {  	v37 =	vld.idx.msk [tilespmem:v37+s14+$0x0], $0xffff;
	v60 =	vor.u32 $0xE, v20;
	v41 =	vmul.f32 v56, v41  }
0x67: {  	v61 =	vld.idx.msk [tilespmem:v57+s12+$0x0], $0xffff;
	v62 =	vor.u32 $0xF, v20  }
0x68: {  	v63 =	vld.idx.msk [tilespmem:v59+s12+$0x0], $0xffff;
	v1 =	vadd.f32 v2, v1;
	v41 =	vmul.f32 v50, v41;
	v39 =	vmul.f32 v58, v39  }
0x69: {  	v52 =	vor.u32 $0x10, v20;
	v2 =	vld.idx.msk [tilespmem:v36+s14+$0x0], $0xffff  }
0x6a: {  	v35 =	vld.idx.msk [tilespmem:v35+s14+$0x0], $0xffff;
	v1 =	vadd.f32 v41, v1;
	v39 =	vmul.f32 v48, v39;
	v3 =	vmul.f32 v3, v38  }
0x6b: {  	v54 =	vor.u32 $0x11, v20;
	v53 =	vld.idx.msk [tilespmem:v60+s12+$0x0], $0xffff  }
0x6c: {  	v34 =	vld.idx.msk [tilespmem:v34+s14+$0x0], $0xffff;
	v37 =	vmul.f32 v61, v37;
	v1 =	vadd.f32 v39, v1;
	v3 =	vmul.f32 v45, v3  }
0x6d: {  	v55 =	vor.u32 $0x12, v20;
	v36 =	vld.idx.msk [tilespmem:v62+s12+$0x0], $0xffff  }
0x6e: {  	v33 =	vld.idx.msk [tilespmem:v33+s14+$0x0], $0xffff;
	v2 =	vmul.f32 v63, v2;
	v1 =	vadd.f32 v3, v1;
	v3 =	vmul.f32 v43, v37  }
0x6f: {  	v57 =	vor.u32 $0x13, v20;
	v56 =	vld.idx.msk [tilespmem:v52+s12+$0x0], $0xffff  }
0x70: {  	v31 =	vld.idx.msk [tilespmem:v31+s14+$0x0], $0xffff;
	v2 =	vmul.f32 v42, v2;
	v1 =	vadd.f32 v3, v1;
	v3 =	vmul.f32 v53, v35  }
0x71: {  	v59 =	vor.u32 $0x14, v20;
	v58 =	vld.idx.msk [tilespmem:v54+s12+$0x0], $0xffff  }
0x72: {  	v29 =	vld.idx.msk [tilespmem:v29+s14+$0x0], $0xffff;
	v1 =	vadd.f32 v2, v1;
	v2 =	vmul.f32 v40, v3;
	v3 =	vmul.f32 v36, v34  }
0x73: {  	v60 =	vld.idx.msk [tilespmem:v55+s12+$0x0], $0xffff;
	v61 =	vor.u32 $0x15, v20  }
0x74: {  	v27 =	vld.idx.msk [tilespmem:v27+s14+$0x0], $0xffff;
	v1 =	vadd.f32 v2, v1;
	v2 =	vmul.f32 v32, v3;
	v3 =	vmul.f32 v56, v33  }
0x75: {  	v62 =	vld.idx.msk [tilespmem:v57+s12+$0x0], $0xffff;
	v63 =	vor.u32 $0x16, v20  }
0x76: {  	v25 =	vld.idx.msk [tilespmem:v25+s14+$0x0], $0xffff;
	v1 =	vadd.f32 v2, v1;
	v2 =	vmul.f32 v30, v3;
	v3 =	vmul.f32 v58, v31  }
0x77: {  	v30 =	vld.idx.msk [tilespmem:v59+s12+$0x0], $0xffff;
	v31 =	vor.u32 $0x17, v20  }
0x78: {  	v23 =	vld.idx.msk [tilespmem:v23+s14+$0x0], $0xffff;
	v1 =	vadd.f32 v2, v1;
	v2 =	vmul.f32 v28, v3;
	v3 =	vmul.f32 v60, v29  }
0x79: {  	v28 =	vld.idx.msk [tilespmem:v61+s12+$0x0], $0xffff;
	v29 =	vor.u32 $0x18, v20  }
0x7a: {  	v21 =	vld.idx.msk [tilespmem:v21+s14+$0x0], $0xffff;
	v1 =	vadd.f32 v2, v1;
	v2 =	vmul.f32 v26, v3;
	v3 =	vmul.f32 v62, v27  }
0x7b: {  	v26 =	vld.idx.msk [tilespmem:v63+s12+$0x0], $0xffff;
	v27 =	vor.u32 $0x19, v20  }
0x7c: {  	v18 =	vld.idx.msk [tilespmem:v18+s14+$0x0], $0xffff;
	v1 =	vadd.f32 v2, v1;
	v2 =	vmul.f32 v24, v3;
	v3 =	vmul.f32 v30, v25  }
0x7d: {  	v24 =	vld.idx.msk [tilespmem:v31+s12+$0x0], $0xffff;
	v25 =	vor.u32 $0x1A, v20  }
0x7e: {  	v16 =	vld.idx.msk [tilespmem:v16+s14+$0x0], $0xffff;
	v1 =	vadd.f32 v2, v1;
	v2 =	vmul.f32 v22, v3;
	v3 =	vmul.f32 v28, v23  }
0x7f: {  	v22 =	vld.idx.msk [tilespmem:v29+s12+$0x0], $0xffff;
	v23 =	vor.u32 $0x1B, v20  }
0x80: {  	v14 =	vld.idx.msk [tilespmem:v14+s14+$0x0], $0xffff;
	v1 =	vadd.f32 v2, v1;
	v2 =	vmul.f32 v19, v3;
	v3 =	vmul.f32 v26, v21  }
0x81: {  	v19 =	vld.idx.msk [tilespmem:v27+s12+$0x0], $0xffff  }
0x82: {  	v12 =	vld.idx.msk [tilespmem:v12+s14+$0x0], $0xffff;
	v1 =	vadd.f32 v2, v1;
	v2 =	vmul.f32 v17, v3;
	v3 =	vmul.f32 v24, v18  }
0x83: {  	v17 =	vld.idx.msk [tilespmem:v25+s12+$0x0], $0xffff  }
0x84: {  	v11 =	vld.idx.msk [tilespmem:v11+s14+$0x0], $0xffff;
	v1 =	vadd.f32 v2, v1;
	v2 =	vmul.f32 v15, v3;
	v3 =	vmul.f32 v22, v16  }
0x85: {  	v15 =	vld.idx.msk [tilespmem:v23+s12+$0x0], $0xffff  }
0x86: {  	v1 =	vadd.f32 v2, v1;
	v2 =	vmul.f32 v13, v3;
	v3 =	vmul.f32 v19, v14  }
0x87: {  	v21 =	vor.u32 $0x1C, v20  }
0x88: {  	v1 =	vadd.f32 v2, v1;
	v2 =	vmul.f32 v10, v3;
	v3 =	vmul.f32 v17, v12;
	_ =	sdelay $0x1  }
0x89: {  	v1 =	vadd.f32 v2, v1;
	v2 =	vmul.f32 v8, v3;
	v3 =	vmul.f32 v15, v11  }
0x8a: {  	v9 =	vld.idx.msk [tilespmem:v9+s14+$0x0], $0xffff  }
0x8b: {  	v13 =	vld.idx.msk [tilespmem:v21+s12+$0x0], $0xffff;
	v1 =	vadd.f32 v2, v1;
	v2 =	vmul.f32 v7, v3;
	_ =	sdelay $0x1  }
0x8c: {  	v18 =	vor.u32 $0x1D, v20;
	v1 =	vadd.f32 v2, v1;
	v2 =	vld [tilespmem:$0x1FF90];
	_ =	sdelay $0x2  }
0x8d: {  	v3 =	vmul.f32 v13, v9  }
0x8e: {  	v6 =	vld.idx.msk [tilespmem:v6+s14+$0x0], $0xffff  }
0x8f: {  	v10 =	vld.idx.msk [tilespmem:v18+s12+$0x0], $0xffff;
	v2 =	vmul.f32 v2, v3  }
0x90: {  	v16 =	vor.u32 $0x1E, v20  }
0x91: {  	v5 =	vor.u32 $0x1F, v5;
	v1 =	vadd.f32 v2, v1;
	v2 =	vld [tilespmem:$0x1FFA0]  }
0x92: {  	v14 =	vor.u32 $0x1F, v20;
	_ =	sdelay $0x1  }
0x93: {  	v4 =	vld.idx.msk [tilespmem:v4+s14+$0x0], $0xffff;
	v3 =	vmul.f32 v10, v6  }
0x94: {  	v8 =	vld.idx.msk [tilespmem:v16+s12+$0x0], $0xffff  }
0x95: {  	v11 =	vld.idx.msk [tilespmem:v5+s14+$0x0], $0xffff;
	v2 =	vmul.f32 v2, v3  }
0x96: {  	v7 =	vld.idx.msk [tilespmem:v14+s12+$0x0], $0xffff  }
0x97: {  	v1 =	vadd.f32 v2, v1;
	v2 =	vld [tilespmem:$0x1FFB0];
	_ =	sdelay $0x1  }
0x98: {  	v5 =	vld.idx.msk [tilespmem:v5+s15+$0x0], $0xffff  }
0x99: {  	v3 =	vmul.f32 v8, v4;
	_ =	sdelay $0x1  }
0x9a: {  	v2 =	vmul.f32 v2, v3;
	v3 =	vmul.f32 v7, v11;
	_ =	sdelay $0x1  }
0x9b: {  	v1 =	vadd.f32 v2, v1;
	v2 =	vmul.f32 v5, v3;
	_ =	sdelay $0x1  }
0x9c: {  	v1 =	vadd.f32 v2, v1;
	_ =	sdelay $0x1  }
0x9d: {  	v1 =	vsub.f32 $0.0e+00, v1;
	_ =	sdelay $0x1  }
0x9e: {  	v1 =	vmul.f32 $1.442695020e+00, v1;
	_ =	sdelay $0x1  }
0x9f: {  	(erf) = vpow2.f32 v1;
	_ =	sdelay $0x8  }
0xa0: {  	v1 =	vpop (erf)  }
0xa1: {  	v1 =	vadd.f32 $1.000000000e+00, v1;
	_ =	sdelay $0x1  }
0xa2: {  	(erf) = vrcp.f32 v1;
	_ =	sdelay $0x1  }
0xa3: {  	s31 =	simm.s32 $0x10  }
0xa4: {  	v1 =	vmov s31  }
0xa5: {  	v1 =	vshll.u32 v1, $0x7  }
0xa6: {  	v6 =	vor.u32 v0, v1  }
0xa7: {  	v3 =	vor.u32 $0x1E, v6  }
0xa8: {  	v5 =	vor.u32 $0x1D, v6  }
0xa9: {  	v8 =	vor.u32 $0x1C, v6  }
0xaa: {  	v10 =	vor.u32 $0x1B, v6;
	v1 =	vpop (erf)  }
0xab: {  	v16 =	vor.u32 $0x18, v6;
	[tilespmem:s24+$0x0] =	vst v1  }
0xac: {  	v18 =	vor.u32 $0x17, v6;
	v61 =	vld.idx.msk [tilespmem:v3+s15+$0x0], $0xffff  }
0xad: {  	v20 =	vor.u32 $0x16, v6;
	v62 =	vld.idx.msk [tilespmem:v5+s15+$0x0], $0xffff  }
0xae: {  	v22 =	vor.u32 $0x15, v6;
	v63 =	vld.idx.msk [tilespmem:v8+s15+$0x0], $0xffff  }
0xaf: {  	v24 =	vor.u32 $0x14, v6;
	v0 =	vld.idx.msk [tilespmem:v10+s15+$0x0], $0xffff  }
0xb0: {  	v26 =	vor.u32 $0x13, v6;
	v13 =	vld.idx.msk [tilespmem:v16+s15+$0x0], $0xffff  }
0xb1: {  	v28 =	vor.u32 $0x12, v6;
	v15 =	vld.idx.msk [tilespmem:v18+s15+$0x0], $0xffff  }
0xb2: {  	v30 =	vor.u32 $0x11, v6;
	v17 =	vld.idx.msk [tilespmem:v20+s15+$0x0], $0xffff  }
0xb3: {  	v32 =	vor.u32 $0x10, v6;
	v19 =	vld.idx.msk [tilespmem:v22+s15+$0x0], $0xffff  }
0xb4: {  	v12 =	vor.u32 $0x1A, v6;
	v21 =	vld.idx.msk [tilespmem:v24+s15+$0x0], $0xffff  }
0xb5: {  	v34 =	vor.u32 $0xF, v6;
	v23 =	vld.idx.msk [tilespmem:v26+s15+$0x0], $0xffff  }
0xb6: {  	v36 =	vor.u32 $0xE, v6;
	v25 =	vld.idx.msk [tilespmem:v28+s15+$0x0], $0xffff  }
0xb7: {  	v38 =	vor.u32 $0xD, v6;
	v27 =	vld.idx.msk [tilespmem:v30+s15+$0x0], $0xffff  }
0xb8: {  	v41 =	vor.u32 $0xC, v6;
	v29 =	vld.idx.msk [tilespmem:v32+s15+$0x0], $0xffff  }
0xb9: {  	v14 =	vor.u32 $0x19, v6;
	[tilespmem:$0x1FFC0] =	vst v0;
	v0 =	vld.idx.msk [tilespmem:v12+s15+$0x0], $0xffff  }
0xba: {  	v44 =	vor.u32 $0xB, v6;
	v31 =	vld.idx.msk [tilespmem:v34+s15+$0x0], $0xffff  }
0xbb: {  	v46 =	vor.u32 $0xA, v6;
	v33 =	vld.idx.msk [tilespmem:v36+s15+$0x0], $0xffff  }
0xbc: {  	v47 =	vor.u32 $0x9, v6;
	v35 =	vld.idx.msk [tilespmem:v38+s15+$0x0], $0xffff  }
0xbd: {  	v48 =	vor.u32 $0x8, v6;
	v37 =	vld.idx.msk [tilespmem:v41+s15+$0x0], $0xffff  }
0xbe: {  	[tilespmem:$0x1FFD0] =	vst v0;
	v0 =	vld.idx.msk [tilespmem:v14+s15+$0x0], $0xffff  }
0xbf: {  	v39 =	vld.idx.msk [tilespmem:v44+s15+$0x0], $0xffff  }
0xc0: {  	v40 =	vld.idx.msk [tilespmem:v46+s15+$0x0], $0xffff  }
0xc1: {  	v43 =	vld.idx.msk [tilespmem:v47+s15+$0x0], $0xffff  }
0xc2: {  	s28 =	simm.s32 $0x210;
	v49 =	vor.u32 $0x7, v6;
	v50 =	vor.u32 $0x6, v6;
	v45 =	vld.idx.msk [tilespmem:v48+s15+$0x0], $0xffff  }
0xc3: {  	s29 =	simm.s32 $0x20;
	s26 =	simm.s32 $0x18300;
	v51 =	vor.u32 $0x5, v6;
	v52 =	vor.u32 $0x4, v6;
	v53 =	vor.u32 $0x3, v6;
	v42 =	vld [tilespmem:s28+$0x0];
	[tilespmem:$0x1FFE0] =	vst v0  }
.LBB2_2:
0xc4: {  	_ =	sdelay $0x2  }
0xc5: {  	v55 =	vld.idx.msk [tilespmem:v49+s15+$0x0], $0xffff  }
0xc6: {  	v57 =	vld.idx.msk [tilespmem:v50+s15+$0x0], $0xffff  }
0xc7: {  	v54 =	vor.u32 $0x2, v6;
	v58 =	vld.idx.msk [tilespmem:v51+s15+$0x0], $0xffff  }
0xc8: {  	v56 =	vor.u32 $0x1, v6;
	v59 =	vld.idx.msk [tilespmem:v52+s15+$0x0], $0xffff  }
0xc9: {  	v60 =	vld.idx.msk [tilespmem:v53+s15+$0x0], $0xffff  }
0xca: {  	v0 =	vld.idx.msk [tilespmem:v6+s15+$0x0], $0xffff;
	v42 =	vshll.u32 v42, $0x5  }
0xcb: {  	v1 =	vld.idx.msk [tilespmem:v6+s14+$0x0], $0xffff;
	[tilespmem:$0x1FF70] =	vst v62  }
0xcc: {  	[tilespmem:$0x1FF80] =	vst v61;
	v61 =	vld.idx.msk [tilespmem:v54+s15+$0x0], $0xffff;
	v62 =	vor.u32 $0x1, v42  }
0xcd: {  	[tilespmem:$0x1FF60] =	vst v63;
	v63 =	vld.idx.msk [tilespmem:v56+s15+$0x0], $0xffff;
	v2 =	vor.u32 $0x2, v42  }
0xce: {  	v56 =	vld.idx.msk [tilespmem:v56+s14+$0x0], $0xffff  }
0xcf: {  	v4 =	vld.idx.msk [tilespmem:v42+s12+$0x0], $0xffff  }
0xd0: {  	v7 =	vor.u32 $0x3, v42;
	v54 =	vld.idx.msk [tilespmem:v54+s14+$0x0], $0xffff  }
0xd1: {  	v62 =	vld.idx.msk [tilespmem:v62+s12+$0x0], $0xffff  }
0xd2: {  	v9 =	vor.u32 $0x4, v42;
	v2 =	vld.idx.msk [tilespmem:v2+s12+$0x0], $0xffff  }
0xd3: {  	v53 =	vld.idx.msk [tilespmem:v53+s14+$0x0], $0xffff  }
0xd4: {  	v51 =	vld.idx.msk [tilespmem:v51+s14+$0x0], $0xffff;
	v11 =	vor.u32 $0x5, v42;
	v1 =	vmul.f32 v4, v1  }
0xd5: {  	v4 =	vld.idx.msk [tilespmem:v7+s12+$0x0], $0xffff  }
0xd6: {  	v7 =	vld.idx.msk [tilespmem:v52+s14+$0x0], $0xffff;
	v52 =	vor.u32 $0x6, v42;
	v0 =	vmul.f32 v0, v1;
	v1 =	vmul.f32 v62, v56  }
0xd7: {  	v9 =	vld.idx.msk [tilespmem:v9+s12+$0x0], $0xffff;
	v2 =	vmul.f32 v2, v54  }
0xd8: {  	v50 =	vld.idx.msk [tilespmem:v50+s14+$0x0], $0xffff;
	v62 =	vor.u32 $0x7, v42;
	v0 =	vadd.f32 $0.0e+00, v0;
	v1 =	vmul.f32 v63, v1  }
0xd9: {  	v11 =	vld.idx.msk [tilespmem:v11+s12+$0x0], $0xffff;
	v63 =	vor.u32 $0x8, v42  }
0xda: {  	v49 =	vld.idx.msk [tilespmem:v49+s14+$0x0], $0xffff;
	v0 =	vadd.f32 v1, v0;
	v1 =	vmul.f32 v61, v2;
	v2 =	vmul.f32 v4, v53  }
0xdb: {  	v4 =	vld.idx.msk [tilespmem:v52+s12+$0x0], $0xffff;
	v61 =	vor.u32 $0x9, v42  }
0xdc: {  	v47 =	vld.idx.msk [tilespmem:v47+s14+$0x0], $0xffff;
	v0 =	vadd.f32 v1, v0;
	v1 =	vmul.f32 v60, v2;
	v2 =	vmul.f32 v9, v7  }
0xdd: {  	v7 =	vld.idx.msk [tilespmem:v62+s12+$0x0], $0xffff;
	v62 =	vor.u32 $0xA, v42  }
0xde: {  	v9 =	vld.idx.msk [tilespmem:v48+s14+$0x0], $0xffff;
	v0 =	vadd.f32 v1, v0;
	v1 =	vmul.f32 v59, v2;
	v2 =	vmul.f32 v11, v51  }
0xdf: {  	v11 =	vld.idx.msk [tilespmem:v63+s12+$0x0], $0xffff;
	v63 =	vor.u32 $0xB, v42  }
0xe0: {  	v46 =	vld.idx.msk [tilespmem:v46+s14+$0x0], $0xffff;
	v0 =	vadd.f32 v1, v0;
	v1 =	vmul.f32 v58, v2;
	v2 =	vmul.f32 v4, v50  }
0xe1: {  	v53 =	vor.u32 $0xC, v42;
	v4 =	vld.idx.msk [tilespmem:v61+s12+$0x0], $0xffff  }
0xe2: {  	v44 =	vld.idx.msk [tilespmem:v44+s14+$0x0], $0xffff;
	v0 =	vadd.f32 v1, v0;
	v1 =	vmul.f32 v57, v2;
	v2 =	vmul.f32 v7, v49  }
0xe3: {  	v54 =	vor.u32 $0xD, v42;
	v7 =	vld.idx.msk [tilespmem:v62+s12+$0x0], $0xffff  }
0xe4: {  	v38 =	vld.idx.msk [tilespmem:v38+s14+$0x0], $0xffff;
	v0 =	vadd.f32 v1, v0;
	v1 =	vmul.f32 v55, v2;
	v2 =	vmul.f32 v11, v9  }
0xe5: {  	v56 =	vor.u32 $0xE, v42;
	v9 =	vld.idx.msk [tilespmem:v63+s12+$0x0], $0xffff  }
0xe6: {  	v11 =	vld.idx.msk [tilespmem:v41+s14+$0x0], $0xffff;
	v0 =	vadd.f32 v1, v0;
	v1 =	vmul.f32 v45, v2;
	v2 =	vmul.f32 v4, v47  }
0xe7: {  	v57 =	vor.u32 $0xF, v42;
	v4 =	vld.idx.msk [tilespmem:v53+s12+$0x0], $0xffff  }
0xe8: {  	v36 =	vld.idx.msk [tilespmem:v36+s14+$0x0], $0xffff;
	v0 =	vadd.f32 v1, v0;
	v1 =	vmul.f32 v43, v2;
	v2 =	vmul.f32 v7, v46  }
0xe9: {  	v58 =	vor.u32 $0x10, v42;
	v7 =	vld.idx.msk [tilespmem:v54+s12+$0x0], $0xffff  }
0xea: {  	v34 =	vld.idx.msk [tilespmem:v34+s14+$0x0], $0xffff;
	v0 =	vadd.f32 v1, v0;
	v1 =	vmul.f32 v40, v2;
	v2 =	vmul.f32 v9, v44  }
0xeb: {  	v59 =	vor.u32 $0x11, v42;
	v9 =	vld.idx.msk [tilespmem:v56+s12+$0x0], $0xffff  }
0xec: {  	v30 =	vld.idx.msk [tilespmem:v30+s14+$0x0], $0xffff;
	v0 =	vadd.f32 v1, v0;
	v1 =	vmul.f32 v39, v2;
	v2 =	vmul.f32 v4, v11  }
0xed: {  	v60 =	vor.u32 $0x12, v42;
	v4 =	vld.idx.msk [tilespmem:v57+s12+$0x0], $0xffff  }
0xee: {  	v11 =	vld.idx.msk [tilespmem:v32+s14+$0x0], $0xffff;
	v0 =	vadd.f32 v1, v0;
	v1 =	vmul.f32 v37, v2;
	v2 =	vmul.f32 v7, v38  }
0xef: {  	v61 =	vor.u32 $0x13, v42;
	v7 =	vld.idx.msk [tilespmem:v58+s12+$0x0], $0xffff  }
0xf0: {  	v28 =	vld.idx.msk [tilespmem:v28+s14+$0x0], $0xffff;
	v0 =	vadd.f32 v1, v0;
	v1 =	vmul.f32 v35, v2;
	v2 =	vmul.f32 v9, v36  }
0xf1: {  	v62 =	vor.u32 $0x14, v42;
	v9 =	vld.idx.msk [tilespmem:v59+s12+$0x0], $0xffff  }
0xf2: {  	v26 =	vld.idx.msk [tilespmem:v26+s14+$0x0], $0xffff;
	v0 =	vadd.f32 v1, v0;
	v1 =	vmul.f32 v33, v2;
	v2 =	vmul.f32 v4, v34  }
0xf3: {  	v63 =	vor.u32 $0x15, v42;
	v4 =	vld.idx.msk [tilespmem:v60+s12+$0x0], $0xffff  }
0xf4: {  	v0 =	vadd.f32 v1, v0;
	v1 =	vmul.f32 v31, v2;
	v2 =	vmul.f32 v7, v11;
	v7 =	vld.idx.msk [tilespmem:v61+s12+$0x0], $0xffff  }
0xf5: {  	v11 =	vld.idx.msk [tilespmem:v24+s14+$0x0], $0xffff;
	v24 =	vor.u32 $0x16, v42  }
0xf6: {  	v0 =	vadd.f32 v1, v0;
	v1 =	vmul.f32 v29, v2;
	v2 =	vmul.f32 v9, v30  }
0xf7: {  	v9 =	vld.idx.msk [tilespmem:v62+s12+$0x0], $0xffff;
	v29 =	vor.u32 $0x17, v42  }
0xf8: {  	v22 =	vld.idx.msk [tilespmem:v22+s14+$0x0], $0xffff;
	v0 =	vadd.f32 v1, v0;
	v1 =	vmul.f32 v27, v2;
	v2 =	vmul.f32 v4, v28  }
0xf9: {  	v4 =	vld.idx.msk [tilespmem:v63+s12+$0x0], $0xffff;
	v27 =	vor.u32 $0x18, v42  }
0xfa: {  	v20 =	vld.idx.msk [tilespmem:v20+s14+$0x0], $0xffff;
	v0 =	vadd.f32 v1, v0;
	v1 =	vmul.f32 v25, v2;
	v2 =	vmul.f32 v7, v26  }
0xfb: {  	v7 =	vld.idx.msk [tilespmem:v24+s12+$0x0], $0xffff  }
0xfc: {  	v18 =	vld.idx.msk [tilespmem:v18+s14+$0x0], $0xffff;
	v0 =	vadd.f32 v1, v0;
	v1 =	vmul.f32 v23, v2;
	v2 =	vmul.f32 v9, v11  }
0xfd: {  	v9 =	vld.idx.msk [tilespmem:v29+s12+$0x0], $0xffff  }
0xfe: {  	v11 =	vld.idx.msk [tilespmem:v16+s14+$0x0], $0xffff;
	v0 =	vadd.f32 v1, v0;
	v1 =	vmul.f32 v21, v2;
	v2 =	vmul.f32 v4, v22  }
0xff: {  	v4 =	vld.idx.msk [tilespmem:v27+s12+$0x0], $0xffff  }
0x100: {  	v0 =	vadd.f32 v1, v0;
	v1 =	vmul.f32 v19, v2;
	v2 =	vmul.f32 v7, v20  }
0x101: {  	v24 =	vor.u32 $0x19, v42  }
0x102: {  	v0 =	vadd.f32 v1, v0;
	v1 =	vmul.f32 v17, v2;
	v2 =	vmul.f32 v9, v18;
	_ =	sdelay $0x1  }
0x103: {  	v0 =	vadd.f32 v1, v0;
	v1 =	vmul.f32 v15, v2;
	v2 =	vmul.f32 v4, v11  }
0x104: {  	v14 =	vld.idx.msk [tilespmem:v14+s14+$0x0], $0xffff  }
0x105: {  	v7 =	vld.idx.msk [tilespmem:v24+s12+$0x0], $0xffff;
	v0 =	vadd.f32 v1, v0;
	v1 =	vmul.f32 v13, v2;
	_ =	sdelay $0x1  }
0x106: {  	v16 =	vor.u32 $0x1A, v42;
	v0 =	vadd.f32 v1, v0;
	v1 =	vld [tilespmem:$0x1FFE0];
	_ =	sdelay $0x2  }
0x107: {  	v2 =	vmul.f32 v7, v14  }
0x108: {  	v12 =	vld.idx.msk [tilespmem:v12+s14+$0x0], $0xffff  }
0x109: {  	v9 =	vld.idx.msk [tilespmem:v16+s12+$0x0], $0xffff;
	v1 =	vmul.f32 v1, v2;
	_ =	sdelay $0x1  }
0x10a: {  	v21 =	vor.u32 $0x1B, v42;
	v0 =	vadd.f32 v1, v0;
	v1 =	vld [tilespmem:$0x1FFD0];
	_ =	sdelay $0x2  }
0x10b: {  	v2 =	vmul.f32 v9, v12  }
0x10c: {  	v10 =	vld.idx.msk [tilespmem:v10+s14+$0x0], $0xffff  }
0x10d: {  	v4 =	vld.idx.msk [tilespmem:v21+s12+$0x0], $0xffff;
	v1 =	vmul.f32 v1, v2;
	_ =	sdelay $0x1  }
0x10e: {  	v19 =	vor.u32 $0x1C, v42;
	v0 =	vadd.f32 v1, v0;
	v1 =	vld [tilespmem:$0x1FFC0];
	_ =	sdelay $0x2  }
0x10f: {  	v2 =	vmul.f32 v4, v10  }
0x110: {  	v8 =	vld.idx.msk [tilespmem:v8+s14+$0x0], $0xffff  }
0x111: {  	v7 =	vld.idx.msk [tilespmem:v19+s12+$0x0], $0xffff;
	v1 =	vmul.f32 v1, v2;
	_ =	sdelay $0x1  }
0x112: {  	v16 =	vor.u32 $0x1D, v42;
	v0 =	vadd.f32 v1, v0;
	v1 =	vld [tilespmem:$0x1FF60];
	_ =	sdelay $0x2  }
0x113: {  	v2 =	vmul.f32 v7, v8  }
0x114: {  	v5 =	vld.idx.msk [tilespmem:v5+s14+$0x0], $0xffff  }
0x115: {  	v9 =	vld.idx.msk [tilespmem:v16+s12+$0x0], $0xffff;
	v1 =	vmul.f32 v1, v2  }
0x116: {  	v11 =	vor.u32 $0x1E, v42  }
0x117: {  	v6 =	vor.u32 $0x1F, v6;
	v0 =	vadd.f32 v1, v0;
	v1 =	vld [tilespmem:$0x1FF70]  }
0x118: {  	v13 =	vor.u32 $0x1F, v42;
	_ =	sdelay $0x1  }
0x119: {  	v3 =	vld.idx.msk [tilespmem:v3+s14+$0x0], $0xffff;
	v2 =	vmul.f32 v9, v5  }
0x11a: {  	v4 =	vld.idx.msk [tilespmem:v11+s12+$0x0], $0xffff  }
0x11b: {  	v10 =	vld.idx.msk [tilespmem:v6+s14+$0x0], $0xffff;
	v1 =	vmul.f32 v1, v2  }
0x11c: {  	v7 =	vld.idx.msk [tilespmem:v13+s12+$0x0], $0xffff  }
0x11d: {  	v0 =	vadd.f32 v1, v0;
	v1 =	vld [tilespmem:$0x1FF80];
	_ =	sdelay $0x1  }
0x11e: {  	v5 =	vld.idx.msk [tilespmem:v6+s15+$0x0], $0xffff  }
0x11f: {  	v2 =	vmul.f32 v4, v3;
	_ =	sdelay $0x1  }
0x120: {  	v1 =	vmul.f32 v1, v2;
	v2 =	vmul.f32 v7, v10;
	_ =	sdelay $0x1  }
0x121: {  	v0 =	vadd.f32 v1, v0;
	v1 =	vmul.f32 v5, v2;
	_ =	sdelay $0x1  }
0x122: {  	v0 =	vadd.f32 v1, v0;
	_ =	sdelay $0x1  }
0x123: {  	v0 =	vsub.f32 $0.0e+00, v0;
	_ =	sdelay $0x1  }
0x124: {  	v0 =	vmul.f32 $1.442695020e+00, v0;
	_ =	sdelay $0x1  }
0x125: {  	(erf) = vpow2.f32 v0;
	_ =	sdelay $0x8  }
0x126: {  	v0 =	vpop (erf)  }
0x127: {  	v0 =	vadd.f32 $1.000000000e+00, v0;
	_ =	sdelay $0x1  }
0x128: {  	v1 =	vld [tilespmem:$0x1FFF0];
	(erf) = vrcp.f32 v0;
	_ =	sdelay $0x2  }
0x129: {  	v0 =	vmov s29  }
0x12a: {  	v0 =	vshll.u32 v0, $0x7  }
0x12b: {  	v6 =	vor.u32 v1, v0  }
0x12c: {  	v3 =	vor.u32 $0x1E, v6  }
0x12d: {  	v5 =	vor.u32 $0x1D, v6  }
0x12e: {  	v8 =	vor.u32 $0x1C, v6  }
0x12f: {  	s26 =	sadd.s32 $0x10, s26;
	v10 =	vor.u32 $0x1B, v6;
	v0 =	vpop (erf)  }
0x130: {  	v16 =	vor.u32 $0x18, v6;
	[tilespmem:s26+$0x0] =	vst v0  }
0x131: {  	v18 =	vor.u32 $0x17, v6;
	v61 =	vld.idx.msk [tilespmem:v3+s15+$0x0], $0xffff  }
0x132: {  	v20 =	vor.u32 $0x16, v6;
	v62 =	vld.idx.msk [tilespmem:v5+s15+$0x0], $0xffff  }
0x133: {  	v22 =	vor.u32 $0x15, v6;
	v63 =	vld.idx.msk [tilespmem:v8+s15+$0x0], $0xffff  }
0x134: {  	v24 =	vor.u32 $0x14, v6;
	v0 =	vld.idx.msk [tilespmem:v10+s15+$0x0], $0xffff  }
0x135: {  	v26 =	vor.u32 $0x13, v6;
	v13 =	vld.idx.msk [tilespmem:v16+s15+$0x0], $0xffff  }
0x136: {  	v28 =	vor.u32 $0x12, v6;
	v15 =	vld.idx.msk [tilespmem:v18+s15+$0x0], $0xffff  }
0x137: {  	v30 =	vor.u32 $0x11, v6;
	v17 =	vld.idx.msk [tilespmem:v20+s15+$0x0], $0xffff  }
0x138: {  	v32 =	vor.u32 $0x10, v6;
	v19 =	vld.idx.msk [tilespmem:v22+s15+$0x0], $0xffff  }
0x139: {  	v12 =	vor.u32 $0x1A, v6;
	v21 =	vld.idx.msk [tilespmem:v24+s15+$0x0], $0xffff  }
0x13a: {  	v34 =	vor.u32 $0xF, v6;
	v23 =	vld.idx.msk [tilespmem:v26+s15+$0x0], $0xffff  }
0x13b: {  	v36 =	vor.u32 $0xE, v6;
	v25 =	vld.idx.msk [tilespmem:v28+s15+$0x0], $0xffff  }
0x13c: {  	v38 =	vor.u32 $0xD, v6;
	v27 =	vld.idx.msk [tilespmem:v30+s15+$0x0], $0xffff  }
0x13d: {  	v41 =	vor.u32 $0xC, v6;
	v29 =	vld.idx.msk [tilespmem:v32+s15+$0x0], $0xffff  }
0x13e: {  	v14 =	vor.u32 $0x19, v6;
	[tilespmem:$0x1FFC0] =	vst v0;
	v0 =	vld.idx.msk [tilespmem:v12+s15+$0x0], $0xffff  }
0x13f: {  	v44 =	vor.u32 $0xB, v6;
	v31 =	vld.idx.msk [tilespmem:v34+s15+$0x0], $0xffff  }
0x140: {  	v46 =	vor.u32 $0xA, v6;
	v33 =	vld.idx.msk [tilespmem:v36+s15+$0x0], $0xffff  }
0x141: {  	v47 =	vor.u32 $0x9, v6;
	v35 =	vld.idx.msk [tilespmem:v38+s15+$0x0], $0xffff  }
0x142: {  	v48 =	vor.u32 $0x8, v6;
	v37 =	vld.idx.msk [tilespmem:v41+s15+$0x0], $0xffff  }
0x143: {  	p0 =	sne.s32 s29, $0x70;
	[tilespmem:$0x1FFD0] =	vst v0;
	v0 =	vld.idx.msk [tilespmem:v14+s15+$0x0], $0xffff  }
.Ltmp0:
0x144: {  	v39 =	vld.idx.msk [tilespmem:v44+s15+$0x0], $0xffff;
	(pc) =	sbr.rel @p0 .LBB2_2-.Ltmp0, $4  }
0x145: {  	v40 =	vld.idx.msk [tilespmem:v46+s15+$0x0], $0xffff  }
0x146: {  	v43 =	vld.idx.msk [tilespmem:v47+s15+$0x0], $0xffff  }
0x147: {  	s28 =	sadd.s32 $0x10, s28;
	v49 =	vor.u32 $0x7, v6;
	v50 =	vor.u32 $0x6, v6;
	v45 =	vld.idx.msk [tilespmem:v48+s15+$0x0], $0xffff  }
0x148: {  	s29 =	sadd.s32 $0x10, s29;
	v51 =	vor.u32 $0x5, v6;
	v52 =	vor.u32 $0x4, v6;
	v53 =	vor.u32 $0x3, v6;
	v42 =	vld [tilespmem:s28+$0x0];
	[tilespmem:$0x1FFE0] =	vst v0  }
0x149: {  	_ =	sdelay $0x3  }
0x14a: {  	v0 =	vor.u32 $0x2, v6;
	v2 =	vld.idx.msk [tilespmem:v53+s15+$0x0], $0xffff  }
0x14b: {  	v1 =	vor.u32 $0x1, v6;
	v11 =	vld.idx.msk [tilespmem:v6+s14+$0x0], $0xffff  }
0x14c: {  	v53 =	vld.idx.msk [tilespmem:v53+s14+$0x0], $0xffff  }
0x14d: {  	v58 =	vld.idx.msk [tilespmem:v6+s15+$0x0], $0xffff;
	v42 =	vshll.u32 v42, $0x5  }
0x14e: {  	v59 =	vld.idx.msk [tilespmem:v52+s15+$0x0], $0xffff  }
0x14f: {  	v4 =	vld.idx.msk [tilespmem:v0+s15+$0x0], $0xffff;
	v7 =	vor.u32 $0x1, v42  }
0x150: {  	v9 =	vld.idx.msk [tilespmem:v1+s15+$0x0], $0xffff;
	v54 =	vor.u32 $0x2, v42  }
0x151: {  	v1 =	vld.idx.msk [tilespmem:v1+s14+$0x0], $0xffff  }
0x152: {  	v56 =	vor.u32 $0x3, v42;
	v55 =	vld.idx.msk [tilespmem:v42+s12+$0x0], $0xffff  }
0x153: {  	v0 =	vld.idx.msk [tilespmem:v0+s14+$0x0], $0xffff;
	v57 =	vor.u32 $0x4, v42  }
0x154: {  	v7 =	vld.idx.msk [tilespmem:v7+s12+$0x0], $0xffff  }
0x155: {  	v54 =	vld.idx.msk [tilespmem:v54+s12+$0x0], $0xffff  }
0x156: {  	v52 =	vld.idx.msk [tilespmem:v52+s14+$0x0], $0xffff  }
0x157: {  	v56 =	vld.idx.msk [tilespmem:v56+s12+$0x0], $0xffff;
	v11 =	vmul.f32 v55, v11  }
0x158: {  	v60 =	vor.u32 $0x5, v42;
	v55 =	vld.idx.msk [tilespmem:v57+s12+$0x0], $0xffff  }
0x159: {  	v1 =	vmul.f32 v7, v1;
	v7 =	vld.idx.msk [tilespmem:v51+s15+$0x0], $0xffff;
	v11 =	vmul.f32 v58, v11  }
0x15a: {  	v57 =	vor.u32 $0x6, v42;
	v51 =	vld.idx.msk [tilespmem:v51+s14+$0x0], $0xffff;
	v0 =	vmul.f32 v54, v0  }
0x15b: {  	v54 =	vld.idx.msk [tilespmem:v49+s15+$0x0], $0xffff;
	v1 =	vmul.f32 v9, v1;
	v9 =	vadd.f32 $0.0e+00, v11  }
0x15c: {  	v58 =	vor.u32 $0x7, v42;
	v0 =	vmul.f32 v4, v0;
	v4 =	vld.idx.msk [tilespmem:v50+s15+$0x0], $0xffff  }
0x15d: {  	v11 =	vld.idx.msk [tilespmem:v60+s12+$0x0], $0xffff;
	v1 =	vadd.f32 v1, v9  }
0x15e: {  	v50 =	vld.idx.msk [tilespmem:v50+s14+$0x0], $0xffff;
	v60 =	vor.u32 $0x8, v42;
	v9 =	vmul.f32 v56, v53  }
0x15f: {  	v0 =	vadd.f32 v0, v1;
	v1 =	vld.idx.msk [tilespmem:v57+s12+$0x0], $0xffff  }
0x160: {  	v49 =	vld.idx.msk [tilespmem:v49+s14+$0x0], $0xffff;
	v52 =	vmul.f32 v55, v52;
	v2 =	vmul.f32 v2, v9;
	v9 =	vor.u32 $0x9, v42  }
0x161: {  	v56 =	vor.u32 $0xA, v42;
	v55 =	vld.idx.msk [tilespmem:v58+s12+$0x0], $0xffff  }
0x162: {  	v48 =	vld.idx.msk [tilespmem:v48+s14+$0x0], $0xffff;
	v11 =	vmul.f32 v11, v51;
	v0 =	vadd.f32 v2, v0;
	v2 =	vmul.f32 v59, v52  }
0x163: {  	v59 =	vld.idx.msk [tilespmem:v60+s12+$0x0], $0xffff;
	v60 =	vor.u32 $0xB, v42  }
0x164: {  	v47 =	vld.idx.msk [tilespmem:v47+s14+$0x0], $0xffff;
	v0 =	vadd.f32 v2, v0;
	v2 =	vmul.f32 v7, v11;
	v1 =	vmul.f32 v1, v50  }
0x165: {  	v7 =	vld.idx.msk [tilespmem:v9+s12+$0x0], $0xffff;
	v9 =	vor.u32 $0xC, v42  }
0x166: {  	v11 =	vld.idx.msk [tilespmem:v46+s14+$0x0], $0xffff;
	v0 =	vadd.f32 v2, v0;
	v2 =	vmul.f32 v55, v49;
	v1 =	vmul.f32 v4, v1  }
0x167: {  	v53 =	vor.u32 $0xD, v42;
	v4 =	vld.idx.msk [tilespmem:v56+s12+$0x0], $0xffff  }
0x168: {  	v44 =	vld.idx.msk [tilespmem:v44+s14+$0x0], $0xffff;
	v0 =	vadd.f32 v1, v0;
	v1 =	vmul.f32 v54, v2;
	v2 =	vmul.f32 v59, v48  }
0x169: {  	v55 =	vld.idx.msk [tilespmem:v60+s12+$0x0], $0xffff;
	v56 =	vor.u32 $0xE, v42  }
0x16a: {  	v41 =	vld.idx.msk [tilespmem:v41+s14+$0x0], $0xffff;
	v0 =	vadd.f32 v1, v0;
	v1 =	vmul.f32 v45, v2;
	v2 =	vmul.f32 v7, v47  }
0x16b: {  	v7 =	vld.idx.msk [tilespmem:v9+s12+$0x0], $0xffff;
	v9 =	vor.u32 $0xF, v42  }
0x16c: {  	v38 =	vld.idx.msk [tilespmem:v38+s14+$0x0], $0xffff;
	v0 =	vadd.f32 v1, v0;
	v1 =	vmul.f32 v43, v2;
	v2 =	vmul.f32 v4, v11  }
0x16d: {  	v4 =	vld.idx.msk [tilespmem:v53+s12+$0x0], $0xffff;
	v11 =	vor.u32 $0x10, v42  }
0x16e: {  	v36 =	vld.idx.msk [tilespmem:v36+s14+$0x0], $0xffff;
	v0 =	vadd.f32 v1, v0;
	v1 =	vmul.f32 v40, v2;
	v2 =	vmul.f32 v55, v44  }
0x16f: {  	v58 =	vor.u32 $0x11, v42;
	v57 =	vld.idx.msk [tilespmem:v56+s12+$0x0], $0xffff  }
0x170: {  	v34 =	vld.idx.msk [tilespmem:v34+s14+$0x0], $0xffff;
	v0 =	vadd.f32 v1, v0;
	v1 =	vmul.f32 v39, v2;
	v2 =	vmul.f32 v7, v41  }
0x171: {  	v7 =	vld.idx.msk [tilespmem:v9+s12+$0x0], $0xffff;
	v9 =	vor.u32 $0x12, v42  }
0x172: {  	v32 =	vld.idx.msk [tilespmem:v32+s14+$0x0], $0xffff;
	v0 =	vadd.f32 v1, v0;
	v1 =	vmul.f32 v37, v2;
	v2 =	vmul.f32 v4, v38  }
0x173: {  	v4 =	vld.idx.msk [tilespmem:v11+s12+$0x0], $0xffff;
	v11 =	vor.u32 $0x13, v42  }
0x174: {  	v30 =	vld.idx.msk [tilespmem:v30+s14+$0x0], $0xffff;
	v0 =	vadd.f32 v1, v0;
	v1 =	vmul.f32 v35, v2;
	v2 =	vmul.f32 v57, v36  }
0x175: {  	v60 =	vor.u32 $0x14, v42;
	v59 =	vld.idx.msk [tilespmem:v58+s12+$0x0], $0xffff  }
0x176: {  	v28 =	vld.idx.msk [tilespmem:v28+s14+$0x0], $0xffff;
	v0 =	vadd.f32 v1, v0;
	v1 =	vmul.f32 v33, v2;
	v2 =	vmul.f32 v7, v34  }
0x177: {  	v7 =	vld.idx.msk [tilespmem:v9+s12+$0x0], $0xffff;
	v9 =	vor.u32 $0x15, v42  }
0x178: {  	v26 =	vld.idx.msk [tilespmem:v26+s14+$0x0], $0xffff;
	v0 =	vadd.f32 v1, v0;
	v1 =	vmul.f32 v31, v2;
	v2 =	vmul.f32 v4, v32  }
0x179: {  	v4 =	vld.idx.msk [tilespmem:v11+s12+$0x0], $0xffff;
	v11 =	vor.u32 $0x16, v42  }
0x17a: {  	v24 =	vld.idx.msk [tilespmem:v24+s14+$0x0], $0xffff;
	v0 =	vadd.f32 v1, v0;
	v1 =	vmul.f32 v29, v2;
	v2 =	vmul.f32 v59, v30  }
0x17b: {  	v29 =	vld.idx.msk [tilespmem:v60+s12+$0x0], $0xffff;
	v30 =	vor.u32 $0x17, v42  }
0x17c: {  	v22 =	vld.idx.msk [tilespmem:v22+s14+$0x0], $0xffff;
	v0 =	vadd.f32 v1, v0;
	v1 =	vmul.f32 v27, v2;
	v2 =	vmul.f32 v7, v28  }
0x17d: {  	v7 =	vld.idx.msk [tilespmem:v9+s12+$0x0], $0xffff;
	v9 =	vor.u32 $0x18, v42  }
0x17e: {  	v20 =	vld.idx.msk [tilespmem:v20+s14+$0x0], $0xffff;
	v0 =	vadd.f32 v1, v0;
	v1 =	vmul.f32 v25, v2;
	v2 =	vmul.f32 v4, v26  }
0x17f: {  	v4 =	vld.idx.msk [tilespmem:v11+s12+$0x0], $0xffff  }
0x180: {  	v18 =	vld.idx.msk [tilespmem:v18+s14+$0x0], $0xffff;
	v0 =	vadd.f32 v1, v0;
	v1 =	vmul.f32 v23, v2;
	v2 =	vmul.f32 v29, v24  }
0x181: {  	v23 =	vld.idx.msk [tilespmem:v30+s12+$0x0], $0xffff  }
0x182: {  	v16 =	vld.idx.msk [tilespmem:v16+s14+$0x0], $0xffff;
	v0 =	vadd.f32 v1, v0;
	v1 =	vmul.f32 v21, v2;
	v2 =	vmul.f32 v7, v22  }
0x183: {  	v7 =	vld.idx.msk [tilespmem:v9+s12+$0x0], $0xffff  }
0x184: {  	v0 =	vadd.f32 v1, v0;
	v1 =	vmul.f32 v19, v2;
	v2 =	vmul.f32 v4, v20  }
0x185: {  	v11 =	vor.u32 $0x19, v42  }
0x186: {  	v0 =	vadd.f32 v1, v0;
	v1 =	vmul.f32 v17, v2;
	v2 =	vmul.f32 v23, v18;
	_ =	sdelay $0x1  }
0x187: {  	v0 =	vadd.f32 v1, v0;
	v1 =	vmul.f32 v15, v2;
	v2 =	vmul.f32 v7, v16  }
0x188: {  	v14 =	vld.idx.msk [tilespmem:v14+s14+$0x0], $0xffff  }
0x189: {  	v4 =	vld.idx.msk [tilespmem:v11+s12+$0x0], $0xffff;
	v0 =	vadd.f32 v1, v0;
	v1 =	vmul.f32 v13, v2;
	_ =	sdelay $0x1  }
0x18a: {  	v24 =	vor.u32 $0x1A, v42;
	v0 =	vadd.f32 v1, v0;
	v1 =	vld [tilespmem:$0x1FFE0];
	_ =	sdelay $0x2  }
0x18b: {  	v2 =	vmul.f32 v4, v14  }
0x18c: {  	v12 =	vld.idx.msk [tilespmem:v12+s14+$0x0], $0xffff  }
0x18d: {  	v17 =	vld.idx.msk [tilespmem:v24+s12+$0x0], $0xffff;
	v1 =	vmul.f32 v1, v2;
	_ =	sdelay $0x1  }
0x18e: {  	v9 =	vor.u32 $0x1B, v42;
	v0 =	vadd.f32 v1, v0;
	v1 =	vld [tilespmem:$0x1FFD0]  }
0x18f: {  	v11 =	vor.u32 $0x1C, v42;
	_ =	sdelay $0x1  }
0x190: {  	v10 =	vld.idx.msk [tilespmem:v10+s14+$0x0], $0xffff;
	v2 =	vmul.f32 v17, v12  }
0x191: {  	v8 =	vld.idx.msk [tilespmem:v8+s14+$0x0], $0xffff;
	v18 =	vor.u32 $0x1D, v42  }
0x192: {  	v7 =	vld.idx.msk [tilespmem:v9+s12+$0x0], $0xffff;
	v1 =	vmul.f32 v1, v2  }
0x193: {  	v9 =	vor.u32 $0x1E, v42;
	v4 =	vor.u32 $0x1F, v6;
	v6 =	vld.idx.msk [tilespmem:v11+s12+$0x0], $0xffff  }
0x194: {  	v0 =	vadd.f32 v1, v0;
	v1 =	vld [tilespmem:$0x1FFC0]  }
0x195: {  	v5 =	vld.idx.msk [tilespmem:v5+s14+$0x0], $0xffff;
	v11 =	vor.u32 $0x1F, v42  }
0x196: {  	v12 =	vld.idx.msk [tilespmem:v18+s12+$0x0], $0xffff  }
0x197: {  	v3 =	vld.idx.msk [tilespmem:v3+s14+$0x0], $0xffff;
	v2 =	vmul.f32 v7, v10  }
0x198: {  	v7 =	vld.idx.msk [tilespmem:v9+s12+$0x0], $0xffff  }
0x199: {  	v9 =	vld.idx.msk [tilespmem:v4+s14+$0x0], $0xffff;
	v1 =	vmul.f32 v1, v2;
	v2 =	vmul.f32 v6, v8  }
0x19a: {  	v6 =	vld.idx.msk [tilespmem:v11+s12+$0x0], $0xffff  }
0x19b: {  	v0 =	vadd.f32 v1, v0;
	v1 =	vmul.f32 v63, v2;
	v2 =	vmul.f32 v12, v5  }
0x19c: {  	v4 =	vld.idx.msk [tilespmem:v4+s15+$0x0], $0xffff  }
0x19d: {  	v0 =	vadd.f32 v1, v0;
	v1 =	vmul.f32 v62, v2;
	v2 =	vmul.f32 v7, v3;
	_ =	sdelay $0x1  }
0x19e: {  	v0 =	vadd.f32 v1, v0;
	v1 =	vmul.f32 v61, v2;
	v2 =	vmul.f32 v6, v9;
	_ =	sdelay $0x1  }
0x19f: {  	v0 =	vadd.f32 v1, v0;
	v1 =	vmul.f32 v4, v2;
	_ =	sdelay $0x1  }
0x1a0: {  	v0 =	vadd.f32 v1, v0;
	_ =	sdelay $0x1  }
0x1a1: {  	v0 =	vsub.f32 $0.0e+00, v0;
	_ =	sdelay $0x1  }
0x1a2: {  	v0 =	vmul.f32 $1.442695020e+00, v0;
	_ =	sdelay $0x1  }
0x1a3: {  	(erf) = vpow2.f32 v0;
	_ =	sdelay $0x8  }
0x1a4: {  	v0 =	vpop (erf)  }
0x1a5: {  	v0 =	vadd.f32 $1.000000000e+00, v0;
	_ =	sdelay $0x1  }
0x1a6: {  	(erf) = vrcp.f32 v0;
	_ =	sdelay $0x8  }
0x1a7: {  	s26 =	sadd.s32 $0x10, s26;
	v0 =	vpop (erf)  }
0x1a8: {  	[tilespmem:s26+$0x0] =	vst v0  }
0x1a9: {  	_ =	swait.ge [sflag:s16], $0x4000  }
0x1aa: {  	[sflag:s16] =	ssyncset.done $0x0  }
0x1ab: {  	[sflag:s16] =	ssyncadd.s32 $0xFFFFC000  }
0x1ac: {  	_ =	swait.ge [sflag:s16], $0x4000  }
0x1ad: {  	v1 =	vld [tilespmem:$0x1FFF0];
	_ =	sdelay $0x1  }
0x1ae: {  	s31 =	simm.s32 $0x0  }
0x1af: {  	v0 =	vmov s31  }
0x1b0: {  	v0 =	vshll.u32 v0, $0x7;
	[sflag:s16] =	ssyncset.done $0x0  }
0x1b1: {  	[sflag:s16] =	ssyncadd.s32 $0xFFFFC000;
	v5 =	vor.u32 v1, v0  }
0x1b2: {  	[tilespmem:s14], [sflag:$0x1] =	stream.indirect.gather [hbm4b:s3+s13], $0x80, s20, s13, $0xb8;
	[tilespmem:$0x18500] =	vst v63  }
0x1b3: {  	s30 =	simm.s32 $0x280;
	v3 =	vor.u32 $0x1E, v5  }
0x1b4: {  	[tilespmem:s15], [sflag:$0x1] =	stream.indirect.gather [hbm4b:s3+s13], $0x80, s21, s13, $0xb8;
	v9 =	vor.u32 $0x1C, v5;
	[tilespmem:$0x18500] =	vst v63  }
0x1b5: {  	v21 =	vld [tilespmem:s30+$0x0];
	v11 =	vor.u32 $0x1B, v5  }
0x1b6: {  	v12 =	vor.u32 $0x1A, v5;
	v57 =	vld.idx.msk [tilespmem:v5+s19+$0x0], $0xffff  }
0x1b7: {  	v14 =	vor.u32 $0x19, v5;
	v58 =	vld.idx.msk [tilespmem:v5+s17+$0x0], $0xffff  }
0x1b8: {  	v16 =	vor.u32 $0x18, v5;
	v0 =	vld.idx.msk [tilespmem:v3+s19+$0x0], $0xffff  }
0x1b9: {  	v18 =	vor.u32 $0x17, v5;
	v4 =	vld.idx.msk [tilespmem:v9+s19+$0x0], $0xffff  }
0x1ba: {  	v20 =	vor.u32 $0x16, v5;
	v7 =	vld.idx.msk [tilespmem:v11+s19+$0x0], $0xffff  }
0x1bb: {  	v23 =	vor.u32 $0x15, v5;
	v8 =	vld.idx.msk [tilespmem:v12+s19+$0x0], $0xffff  }
0x1bc: {  	v25 =	vor.u32 $0x14, v5;
	v10 =	vld.idx.msk [tilespmem:v14+s19+$0x0], $0xffff  }
0x1bd: {  	v27 =	vor.u32 $0x13, v5;
	v13 =	vld.idx.msk [tilespmem:v16+s19+$0x0], $0xffff  }
0x1be: {  	v29 =	vor.u32 $0x12, v5;
	v15 =	vld.idx.msk [tilespmem:v18+s19+$0x0], $0xffff  }
0x1bf: {  	v31 =	vor.u32 $0x11, v5;
	v17 =	vld.idx.msk [tilespmem:v20+s19+$0x0], $0xffff  }
0x1c0: {  	v2 =	vor.u32 $0x10, v5;
	v19 =	vld.idx.msk [tilespmem:v23+s19+$0x0], $0xffff  }
0x1c1: {  	v33 =	vor.u32 $0xF, v5;
	v22 =	vld.idx.msk [tilespmem:v25+s19+$0x0], $0xffff  }
0x1c2: {  	v34 =	vor.u32 $0xE, v5;
	v24 =	vld.idx.msk [tilespmem:v27+s19+$0x0], $0xffff  }
0x1c3: {  	v35 =	vor.u32 $0xD, v5;
	v26 =	vld.idx.msk [tilespmem:v29+s19+$0x0], $0xffff  }
0x1c4: {  	v36 =	vor.u32 $0xC, v5;
	v28 =	vld.idx.msk [tilespmem:v31+s19+$0x0], $0xffff  }
0x1c5: {  	v37 =	vor.u32 $0xB, v5;
	v30 =	vld.idx.msk [tilespmem:v2+s19+$0x0], $0xffff  }
0x1c6: {  	v38 =	vor.u32 $0xA, v5;
	v32 =	vld.idx.msk [tilespmem:v33+s19+$0x0], $0xffff  }
0x1c7: {  	v40 =	vor.u32 $0x9, v5;
	v39 =	vld.idx.msk [tilespmem:v34+s19+$0x0], $0xffff  }
0x1c8: {  	v43 =	vor.u32 $0x7, v5;
	v41 =	vld.idx.msk [tilespmem:v35+s19+$0x0], $0xffff  }
0x1c9: {  	v45 =	vor.u32 $0x5, v5;
	v42 =	vld.idx.msk [tilespmem:v36+s19+$0x0], $0xffff  }
0x1ca: {  	v46 =	vor.u32 $0x3, v5;
	v44 =	vld.idx.msk [tilespmem:v37+s19+$0x0], $0xffff  }
0x1cb: {  	v48 =	vor.u32 $0x2, v5;
	v47 =	vld.idx.msk [tilespmem:v38+s19+$0x0], $0xffff  }
0x1cc: {  	v50 =	vor.u32 $0x1, v5;
	v49 =	vld.idx.msk [tilespmem:v40+s19+$0x0], $0xffff  }
0x1cd: {  	v51 =	vld.idx.msk [tilespmem:v43+s19+$0x0], $0xffff  }
0x1ce: {  	v52 =	vld.idx.msk [tilespmem:v45+s19+$0x0], $0xffff  }
0x1cf: {  	v21 =	vshll.u32 v21, $0x5;
	v53 =	vld.idx.msk [tilespmem:v46+s19+$0x0], $0xffff  }
0x1d0: {  	v6 =	vor.u32 $0x1D, v5;
	v54 =	vld.idx.msk [tilespmem:v48+s19+$0x0], $0xffff  }
0x1d1: {  	v56 =	vld.idx.msk [tilespmem:v50+s19+$0x0], $0xffff  }
0x1d2: {  	v55 =	vor.u32 $0x1, v21;
	v50 =	vld.idx.msk [tilespmem:v50+s17+$0x0], $0xffff  }
0x1d3: {  	v59 =	vor.u32 $0x2, v21;
	v48 =	vld.idx.msk [tilespmem:v48+s17+$0x0], $0xffff  }
0x1d4: {  	v62 =	vor.u32 $0x4, v5;
	v60 =	vld.idx.msk [tilespmem:v21+s12+$0x0], $0xffff  }
0x1d5: {  	[tilespmem:$0x1FF20] =	vst v0;
	v0 =	vld.idx.msk [tilespmem:v6+s19+$0x0], $0xffff  }
0x1d6: {  	v61 =	vor.u32 $0x3, v21;
	v46 =	vld.idx.msk [tilespmem:v46+s17+$0x0], $0xffff  }
0x1d7: {  	v55 =	vld.idx.msk [tilespmem:v55+s12+$0x0], $0xffff  }
0x1d8: {  	v63 =	vor.u32 $0x4, v21;
	v59 =	vld.idx.msk [tilespmem:v59+s12+$0x0], $0xffff  }
0x1d9: {  	v1 =	vld.idx.msk [tilespmem:v62+s19+$0x0], $0xffff;
	v58 =	vmul.f32 v60, v58;
	v60 =	vor.u32 $0x5, v21  }
0x1da: {  	v45 =	vld.idx.msk [tilespmem:v45+s17+$0x0], $0xffff;
	[tilespmem:$0x1FF10] =	vst v0;
	v0 =	vor.u32 $0x6, v5  }
0x1db: {  	v61 =	vld.idx.msk [tilespmem:v61+s12+$0x0], $0xffff  }
0x1dc: {  	v50 =	vmul.f32 v55, v50;
	v55 =	vld.idx.msk [tilespmem:v62+s17+$0x0], $0xffff;
	v62 =	vor.u32 $0x6, v21;
	v57 =	vmul.f32 v57, v58  }
0x1dd: {  	v48 =	vmul.f32 v59, v48;
	v58 =	vld.idx.msk [tilespmem:v63+s12+$0x0], $0xffff  }
0x1de: {  	v50 =	vmul.f32 v56, v50;
	v63 =	vadd.f32 $0.0e+00, v57;
	v57 =	vor.u32 $0x7, v21;
	v59 =	vld.idx.msk [tilespmem:v60+s12+$0x0], $0xffff  }
0x1df: {  	v48 =	vmul.f32 v54, v48;
	v54 =	vor.u32 $0x8, v21;
	v60 =	vld.idx.msk [tilespmem:v0+s19+$0x0], $0xffff  }
0x1e0: {  	v46 =	vmul.f32 v61, v46;
	v56 =	vor.u32 $0x8, v5;
	v50 =	vadd.f32 v50, v63;
	v0 =	vld.idx.msk [tilespmem:v0+s17+$0x0], $0xffff  }
0x1e1: {  	v61 =	vld.idx.msk [tilespmem:v62+s12+$0x0], $0xffff  }
0x1e2: {  	v43 =	vld.idx.msk [tilespmem:v43+s17+$0x0], $0xffff;
	v46 =	vmul.f32 v53, v46;
	v62 =	vmul.f32 v58, v55;
	v48 =	vadd.f32 v48, v50  }
0x1e3: {  	v63 =	vor.u32 $0x9, v21;
	v58 =	vor.u32 $0xA, v21;
	v57 =	vld.idx.msk [tilespmem:v57+s12+$0x0], $0xffff  }
0x1e4: {  	v54 =	vld.idx.msk [tilespmem:v54+s12+$0x0], $0xffff;
	v1 =	vmul.f32 v1, v62;
	v46 =	vadd.f32 v46, v48;
	v45 =	vmul.f32 v59, v45  }
0x1e5: {  	v48 =	vld.idx.msk [tilespmem:v56+s17+$0x0], $0xffff  }
0x1e6: {  	v40 =	vld.idx.msk [tilespmem:v40+s17+$0x0], $0xffff;
	v0 =	vmul.f32 v61, v0;
	v1 =	vadd.f32 v1, v46;
	v45 =	vmul.f32 v52, v45  }
0x1e7: {  	v62 =	vor.u32 $0xB, v21;
	v59 =	vld.idx.msk [tilespmem:v56+s19+$0x0], $0xffff  }
0x1e8: {  	v63 =	vld.idx.msk [tilespmem:v63+s12+$0x0], $0xffff;
	v0 =	vmul.f32 v60, v0;
	v1 =	vadd.f32 v45, v1;
	v43 =	vmul.f32 v57, v43  }
0x1e9: {  	v56 =	vor.u32 $0xC, v21;
	v57 =	vld.idx.msk [tilespmem:v58+s12+$0x0], $0xffff;
	v58 =	vor.u32 $0xD, v21  }
0x1ea: {  	v38 =	vld.idx.msk [tilespmem:v38+s17+$0x0], $0xffff;
	v48 =	vmul.f32 v54, v48;
	v0 =	vadd.f32 v0, v1;
	v1 =	vmul.f32 v51, v43  }
0x1eb: {  	v37 =	vld.idx.msk [tilespmem:v37+s17+$0x0], $0xffff  }
0x1ec: {  	v0 =	vadd.f32 v1, v0;
	v1 =	vmul.f32 v59, v48;
	v59 =	vld.idx.msk [tilespmem:v62+s12+$0x0], $0xffff  }
0x1ed: {  	v36 =	vld.idx.msk [tilespmem:v36+s17+$0x0], $0xffff;
	v60 =	vor.u32 $0xE, v21;
	v40 =	vmul.f32 v63, v40  }
0x1ee: {  	v61 =	vld.idx.msk [tilespmem:v56+s12+$0x0], $0xffff;
	v62 =	vor.u32 $0xF, v21  }
0x1ef: {  	v40 =	vmul.f32 v49, v40;
	v38 =	vmul.f32 v57, v38;
	v63 =	vld.idx.msk [tilespmem:v58+s12+$0x0], $0xffff;
	v0 =	vadd.f32 v1, v0  }
0x1f0: {  	v52 =	vor.u32 $0x10, v21;
	v1 =	vld.idx.msk [tilespmem:v35+s17+$0x0], $0xffff  }
0x1f1: {  	v34 =	vld.idx.msk [tilespmem:v34+s17+$0x0], $0xffff;
	v38 =	vmul.f32 v47, v38;
	v0 =	vadd.f32 v40, v0;
	v37 =	vmul.f32 v59, v37  }
0x1f2: {  	v54 =	vor.u32 $0x11, v21;
	v53 =	vld.idx.msk [tilespmem:v60+s12+$0x0], $0xffff  }
0x1f3: {  	v33 =	vld.idx.msk [tilespmem:v33+s17+$0x0], $0xffff;
	v36 =	vmul.f32 v61, v36;
	v0 =	vadd.f32 v38, v0;
	v37 =	vmul.f32 v44, v37  }
0x1f4: {  	v55 =	vor.u32 $0x12, v21;
	v35 =	vld.idx.msk [tilespmem:v62+s12+$0x0], $0xffff  }
0x1f5: {  	v2 =	vld.idx.msk [tilespmem:v2+s17+$0x0], $0xffff;
	v36 =	vmul.f32 v42, v36;
	v1 =	vmul.f32 v63, v1;
	v0 =	vadd.f32 v37, v0  }
0x1f6: {  	v56 =	vld.idx.msk [tilespmem:v52+s12+$0x0], $0xffff;
	v57 =	vor.u32 $0x13, v21  }
0x1f7: {  	v31 =	vld.idx.msk [tilespmem:v31+s17+$0x0], $0xffff;
	v34 =	vmul.f32 v53, v34;
	v1 =	vmul.f32 v41, v1;
	v0 =	vadd.f32 v36, v0  }
0x1f8: {  	v58 =	vld.idx.msk [tilespmem:v54+s12+$0x0], $0xffff;
	v59 =	vor.u32 $0x14, v21  }
0x1f9: {  	v29 =	vld.idx.msk [tilespmem:v29+s17+$0x0], $0xffff;
	v33 =	vmul.f32 v35, v33;
	v0 =	vadd.f32 v1, v0;
	v1 =	vmul.f32 v39, v34  }
0x1fa: {  	v60 =	vld.idx.msk [tilespmem:v55+s12+$0x0], $0xffff;
	v61 =	vor.u32 $0x15, v21  }
0x1fb: {  	v27 =	vld.idx.msk [tilespmem:v27+s17+$0x0], $0xffff;
	v2 =	vmul.f32 v56, v2;
	v0 =	vadd.f32 v1, v0;
	v1 =	vmul.f32 v32, v33  }
0x1fc: {  	v62 =	vld.idx.msk [tilespmem:v57+s12+$0x0], $0xffff;
	v63 =	vor.u32 $0x16, v21  }
0x1fd: {  	v25 =	vld.idx.msk [tilespmem:v25+s17+$0x0], $0xffff;
	v0 =	vadd.f32 v1, v0;
	v1 =	vmul.f32 v30, v2;
	v2 =	vmul.f32 v58, v31  }
0x1fe: {  	v30 =	vld.idx.msk [tilespmem:v59+s12+$0x0], $0xffff;
	v31 =	vor.u32 $0x17, v21  }
0x1ff: {  	v23 =	vld.idx.msk [tilespmem:v23+s17+$0x0], $0xffff;
	v0 =	vadd.f32 v1, v0;
	v1 =	vmul.f32 v28, v2;
	v2 =	vmul.f32 v60, v29  }
0x200: {  	v28 =	vld.idx.msk [tilespmem:v61+s12+$0x0], $0xffff;
	v29 =	vor.u32 $0x18, v21  }
0x201: {  	v20 =	vld.idx.msk [tilespmem:v20+s17+$0x0], $0xffff;
	v0 =	vadd.f32 v1, v0;
	v1 =	vmul.f32 v26, v2;
	v2 =	vmul.f32 v62, v27  }
0x202: {  	v26 =	vld.idx.msk [tilespmem:v63+s12+$0x0], $0xffff;
	v27 =	vor.u32 $0x19, v21  }
0x203: {  	v18 =	vld.idx.msk [tilespmem:v18+s17+$0x0], $0xffff;
	v0 =	vadd.f32 v1, v0;
	v1 =	vmul.f32 v24, v2;
	v2 =	vmul.f32 v30, v25  }
0x204: {  	v24 =	vld.idx.msk [tilespmem:v31+s12+$0x0], $0xffff;
	v25 =	vor.u32 $0x1A, v21  }
0x205: {  	v16 =	vld.idx.msk [tilespmem:v16+s17+$0x0], $0xffff;
	v0 =	vadd.f32 v1, v0;
	v1 =	vmul.f32 v22, v2;
	v2 =	vmul.f32 v28, v23  }
0x206: {  	v22 =	vld.idx.msk [tilespmem:v29+s12+$0x0], $0xffff;
	v23 =	vor.u32 $0x1B, v21  }
0x207: {  	v14 =	vld.idx.msk [tilespmem:v14+s17+$0x0], $0xffff;
	v0 =	vadd.f32 v1, v0;
	v1 =	vmul.f32 v19, v2;
	v2 =	vmul.f32 v26, v20  }
0x208: {  	v19 =	vld.idx.msk [tilespmem:v27+s12+$0x0], $0xffff;
	v20 =	vor.u32 $0x1C, v21  }
0x209: {  	v12 =	vld.idx.msk [tilespmem:v12+s17+$0x0], $0xffff;
	v0 =	vadd.f32 v1, v0;
	v1 =	vmul.f32 v17, v2;
	v2 =	vmul.f32 v24, v18  }
0x20a: {  	v17 =	vld.idx.msk [tilespmem:v25+s12+$0x0], $0xffff  }
0x20b: {  	v11 =	vld.idx.msk [tilespmem:v11+s17+$0x0], $0xffff;
	v0 =	vadd.f32 v1, v0;
	v1 =	vmul.f32 v15, v2;
	v2 =	vmul.f32 v22, v16  }
0x20c: {  	v15 =	vld.idx.msk [tilespmem:v23+s12+$0x0], $0xffff  }
0x20d: {  	v9 =	vld.idx.msk [tilespmem:v9+s17+$0x0], $0xffff;
	v0 =	vadd.f32 v1, v0;
	v1 =	vmul.f32 v13, v2;
	v2 =	vmul.f32 v19, v14  }
0x20e: {  	v13 =	vld.idx.msk [tilespmem:v20+s12+$0x0], $0xffff  }
0x20f: {  	v0 =	vadd.f32 v1, v0;
	v1 =	vmul.f32 v10, v2;
	v2 =	vmul.f32 v17, v12  }
0x210: {  	v18 =	vor.u32 $0x1D, v21  }
0x211: {  	v0 =	vadd.f32 v1, v0;
	v1 =	vmul.f32 v8, v2;
	v2 =	vmul.f32 v15, v11;
	_ =	sdelay $0x1  }
0x212: {  	v0 =	vadd.f32 v1, v0;
	v1 =	vmul.f32 v7, v2;
	v2 =	vmul.f32 v13, v9  }
0x213: {  	v6 =	vld.idx.msk [tilespmem:v6+s17+$0x0], $0xffff  }
0x214: {  	v10 =	vld.idx.msk [tilespmem:v18+s12+$0x0], $0xffff;
	v0 =	vadd.f32 v1, v0;
	v1 =	vmul.f32 v4, v2  }
0x215: {  	v16 =	vor.u32 $0x1E, v21  }
0x216: {  	v5 =	vor.u32 $0x1F, v5;
	v0 =	vadd.f32 v1, v0;
	v1 =	vld [tilespmem:$0x1FF10]  }
0x217: {  	v14 =	vor.u32 $0x1F, v21;
	_ =	sdelay $0x1  }
0x218: {  	v3 =	vld.idx.msk [tilespmem:v3+s17+$0x0], $0xffff;
	v2 =	vmul.f32 v10, v6  }
0x219: {  	v8 =	vld.idx.msk [tilespmem:v16+s12+$0x0], $0xffff  }
0x21a: {  	v11 =	vld.idx.msk [tilespmem:v5+s17+$0x0], $0xffff;
	v1 =	vmul.f32 v1, v2  }
0x21b: {  	v7 =	vld.idx.msk [tilespmem:v14+s12+$0x0], $0xffff  }
0x21c: {  	v0 =	vadd.f32 v1, v0;
	v1 =	vld [tilespmem:$0x1FF20];
	_ =	sdelay $0x1  }
0x21d: {  	v4 =	vld.idx.msk [tilespmem:v5+s19+$0x0], $0xffff  }
0x21e: {  	v2 =	vmul.f32 v8, v3;
	_ =	sdelay $0x1  }
0x21f: {  	v1 =	vmul.f32 v1, v2;
	v2 =	vmul.f32 v7, v11;
	_ =	sdelay $0x1  }
0x220: {  	v0 =	vadd.f32 v1, v0;
	v1 =	vmul.f32 v4, v2;
	_ =	sdelay $0x1  }
0x221: {  	v0 =	vadd.f32 v1, v0;
	_ =	sdelay $0x1  }
0x222: {  	v0 =	vsub.f32 $0.0e+00, v0;
	_ =	sdelay $0x1  }
0x223: {  	v0 =	vmul.f32 $1.442695020e+00, v0;
	_ =	sdelay $0x1  }
0x224: {  	(erf) = vpow2.f32 v0;
	_ =	sdelay $0x8  }
0x225: {  	v0 =	vpop (erf)  }
0x226: {  	v0 =	vadd.f32 $1.000000000e+00, v0;
	_ =	sdelay $0x1  }
0x227: {  	v1 =	vld [tilespmem:$0x1FFF0];
	(erf) = vrcp.f32 v0;
	_ =	sdelay $0x1  }
0x228: {  	s31 =	simm.s32 $0x10  }
0x229: {  	v0 =	vmov s31  }
0x22a: {  	v0 =	vshll.u32 v0, $0x7  }
0x22b: {  	v6 =	vor.u32 v1, v0  }
0x22c: {  	v3 =	vor.u32 $0x1E, v6  }
0x22d: {  	v5 =	vor.u32 $0x1D, v6  }
0x22e: {  	v8 =	vor.u32 $0x1C, v6  }
0x22f: {  	s26 =	simm.s32 $0x18380;
	v10 =	vor.u32 $0x1B, v6;
	v0 =	vpop (erf)  }
0x230: {  	v16 =	vor.u32 $0x18, v6;
	[tilespmem:s26+$0x0] =	vst v0  }
0x231: {  	v18 =	vor.u32 $0x17, v6;
	v61 =	vld.idx.msk [tilespmem:v3+s19+$0x0], $0xffff  }
0x232: {  	v20 =	vor.u32 $0x16, v6;
	v62 =	vld.idx.msk [tilespmem:v5+s19+$0x0], $0xffff  }
0x233: {  	v22 =	vor.u32 $0x15, v6;
	v63 =	vld.idx.msk [tilespmem:v8+s19+$0x0], $0xffff  }
0x234: {  	v24 =	vor.u32 $0x14, v6;
	v0 =	vld.idx.msk [tilespmem:v10+s19+$0x0], $0xffff  }
0x235: {  	v26 =	vor.u32 $0x13, v6;
	v13 =	vld.idx.msk [tilespmem:v16+s19+$0x0], $0xffff  }
0x236: {  	v28 =	vor.u32 $0x12, v6;
	v15 =	vld.idx.msk [tilespmem:v18+s19+$0x0], $0xffff  }
0x237: {  	v30 =	vor.u32 $0x11, v6;
	v17 =	vld.idx.msk [tilespmem:v20+s19+$0x0], $0xffff  }
0x238: {  	v32 =	vor.u32 $0x10, v6;
	v19 =	vld.idx.msk [tilespmem:v22+s19+$0x0], $0xffff  }
0x239: {  	v12 =	vor.u32 $0x1A, v6;
	v21 =	vld.idx.msk [tilespmem:v24+s19+$0x0], $0xffff  }
0x23a: {  	v34 =	vor.u32 $0xF, v6;
	v23 =	vld.idx.msk [tilespmem:v26+s19+$0x0], $0xffff  }
0x23b: {  	v36 =	vor.u32 $0xE, v6;
	v25 =	vld.idx.msk [tilespmem:v28+s19+$0x0], $0xffff  }
0x23c: {  	v38 =	vor.u32 $0xD, v6;
	v27 =	vld.idx.msk [tilespmem:v30+s19+$0x0], $0xffff  }
0x23d: {  	v41 =	vor.u32 $0xC, v6;
	v29 =	vld.idx.msk [tilespmem:v32+s19+$0x0], $0xffff  }
0x23e: {  	v14 =	vor.u32 $0x19, v6;
	[tilespmem:$0x1FF30] =	vst v0;
	v0 =	vld.idx.msk [tilespmem:v12+s19+$0x0], $0xffff  }
0x23f: {  	v44 =	vor.u32 $0xB, v6;
	v31 =	vld.idx.msk [tilespmem:v34+s19+$0x0], $0xffff  }
0x240: {  	v46 =	vor.u32 $0xA, v6;
	v33 =	vld.idx.msk [tilespmem:v36+s19+$0x0], $0xffff  }
0x241: {  	v47 =	vor.u32 $0x9, v6;
	v35 =	vld.idx.msk [tilespmem:v38+s19+$0x0], $0xffff  }
0x242: {  	v48 =	vor.u32 $0x8, v6;
	v37 =	vld.idx.msk [tilespmem:v41+s19+$0x0], $0xffff  }
0x243: {  	[tilespmem:$0x1FF40] =	vst v0;
	v0 =	vld.idx.msk [tilespmem:v14+s19+$0x0], $0xffff  }
0x244: {  	v39 =	vld.idx.msk [tilespmem:v44+s19+$0x0], $0xffff  }
0x245: {  	v40 =	vld.idx.msk [tilespmem:v46+s19+$0x0], $0xffff  }
0x246: {  	v43 =	vld.idx.msk [tilespmem:v47+s19+$0x0], $0xffff  }
0x247: {  	s28 =	simm.s32 $0x290;
	v49 =	vor.u32 $0x7, v6;
	v50 =	vor.u32 $0x6, v6;
	v45 =	vld.idx.msk [tilespmem:v48+s19+$0x0], $0xffff  }
0x248: {  	s29 =	simm.s32 $0x20;
	v51 =	vor.u32 $0x5, v6;
	v52 =	vor.u32 $0x4, v6;
	v53 =	vor.u32 $0x3, v6;
	v42 =	vld [tilespmem:s28+$0x0];
	[tilespmem:$0x1FF50] =	vst v0  }
.LBB2_4:
0x249: {  	_ =	sdelay $0x2  }
0x24a: {  	v54 =	vld.idx.msk [tilespmem:v49+s19+$0x0], $0xffff  }
0x24b: {  	v56 =	vld.idx.msk [tilespmem:v50+s19+$0x0], $0xffff  }
0x24c: {  	v57 =	vld.idx.msk [tilespmem:v51+s19+$0x0], $0xffff  }
0x24d: {  	v0 =	vor.u32 $0x2, v6;
	v58 =	vld.idx.msk [tilespmem:v52+s19+$0x0], $0xffff  }
0x24e: {  	v55 =	vor.u32 $0x1, v6;
	v59 =	vld.idx.msk [tilespmem:v53+s19+$0x0], $0xffff  }
0x24f: {  	v1 =	vld.idx.msk [tilespmem:v6+s17+$0x0], $0xffff;
	v42 =	vshll.u32 v42, $0x5  }
0x250: {  	v53 =	vld.idx.msk [tilespmem:v53+s17+$0x0], $0xffff;
	[tilespmem:$0x1FEE0] =	vst v63  }
0x251: {  	[tilespmem:$0x1FF00] =	vst v61;
	v63 =	vld.idx.msk [tilespmem:v6+s19+$0x0], $0xffff;
	v61 =	vor.u32 $0x1, v42  }
0x252: {  	v60 =	vld.idx.msk [tilespmem:v0+s19+$0x0], $0xffff  }
0x253: {  	[tilespmem:$0x1FEF0] =	vst v62;
	v62 =	vld.idx.msk [tilespmem:v55+s19+$0x0], $0xffff;
	v2 =	vor.u32 $0x2, v42  }
0x254: {  	v4 =	vld.idx.msk [tilespmem:v42+s12+$0x0], $0xffff  }
0x255: {  	v55 =	vld.idx.msk [tilespmem:v55+s17+$0x0], $0xffff;
	v7 =	vor.u32 $0x3, v42  }
0x256: {  	v61 =	vld.idx.msk [tilespmem:v61+s12+$0x0], $0xffff  }
0x257: {  	v0 =	vld.idx.msk [tilespmem:v0+s17+$0x0], $0xffff;
	v9 =	vor.u32 $0x4, v42  }
0x258: {  	v11 =	vor.u32 $0x5, v42;
	v2 =	vld.idx.msk [tilespmem:v2+s12+$0x0], $0xffff  }
0x259: {  	v51 =	vld.idx.msk [tilespmem:v51+s17+$0x0], $0xffff;
	v1 =	vmul.f32 v4, v1  }
0x25a: {  	v4 =	vld.idx.msk [tilespmem:v7+s12+$0x0], $0xffff  }
0x25b: {  	v7 =	vld.idx.msk [tilespmem:v52+s17+$0x0], $0xffff;
	v52 =	vor.u32 $0x6, v42;
	v55 =	vmul.f32 v61, v55;
	v1 =	vmul.f32 v63, v1  }
0x25c: {  	v9 =	vld.idx.msk [tilespmem:v9+s12+$0x0], $0xffff;
	v61 =	vor.u32 $0x7, v42  }
0x25d: {  	v0 =	vmul.f32 v2, v0;
	v2 =	vld.idx.msk [tilespmem:v11+s12+$0x0], $0xffff;
	v55 =	vmul.f32 v62, v55;
	v1 =	vadd.f32 $0.0e+00, v1  }
0x25e: {  	v49 =	vld.idx.msk [tilespmem:v49+s17+$0x0], $0xffff;
	v63 =	vor.u32 $0x8, v42  }
0x25f: {  	v11 =	vld.idx.msk [tilespmem:v50+s17+$0x0], $0xffff;
	v0 =	vmul.f32 v60, v0;
	v4 =	vmul.f32 v4, v53;
	v1 =	vadd.f32 v55, v1  }
0x260: {  	v60 =	vor.u32 $0x9, v42;
	v52 =	vld.idx.msk [tilespmem:v52+s12+$0x0], $0xffff  }
0x261: {  	v47 =	vld.idx.msk [tilespmem:v47+s17+$0x0], $0xffff;
	v0 =	vadd.f32 v0, v1;
	v1 =	vmul.f32 v59, v4;
	v4 =	vmul.f32 v9, v7  }
0x262: {  	v2 =	vmul.f32 v2, v51;
	v7 =	vld.idx.msk [tilespmem:v61+s12+$0x0], $0xffff  }
0x263: {  	v9 =	vld.idx.msk [tilespmem:v48+s17+$0x0], $0xffff;
	v61 =	vor.u32 $0xA, v42;
	v0 =	vadd.f32 v1, v0;
	v1 =	vmul.f32 v58, v4  }
0x264: {  	v62 =	vor.u32 $0xB, v42;
	v4 =	vld.idx.msk [tilespmem:v63+s12+$0x0], $0xffff  }
0x265: {  	v46 =	vld.idx.msk [tilespmem:v46+s17+$0x0], $0xffff;
	v0 =	vadd.f32 v1, v0;
	v1 =	vmul.f32 v57, v2;
	v2 =	vmul.f32 v52, v11  }
0x266: {  	v63 =	vor.u32 $0xC, v42;
	v11 =	vld.idx.msk [tilespmem:v60+s12+$0x0], $0xffff  }
0x267: {  	v44 =	vld.idx.msk [tilespmem:v44+s17+$0x0], $0xffff;
	v0 =	vadd.f32 v1, v0;
	v1 =	vmul.f32 v56, v2;
	v2 =	vmul.f32 v7, v49  }
0x268: {  	v55 =	vor.u32 $0xD, v42;
	v7 =	vld.idx.msk [tilespmem:v61+s12+$0x0], $0xffff  }
0x269: {  	v38 =	vld.idx.msk [tilespmem:v38+s17+$0x0], $0xffff;
	v0 =	vadd.f32 v1, v0;
	v1 =	vmul.f32 v54, v2;
	v2 =	vmul.f32 v4, v9  }
0x26a: {  	v56 =	vor.u32 $0xE, v42;
	v4 =	vld.idx.msk [tilespmem:v62+s12+$0x0], $0xffff  }
0x26b: {  	v9 =	vld.idx.msk [tilespmem:v41+s17+$0x0], $0xffff;
	v0 =	vadd.f32 v1, v0;
	v1 =	vmul.f32 v45, v2;
	v2 =	vmul.f32 v11, v47  }
0x26c: {  	v57 =	vor.u32 $0xF, v42;
	v11 =	vld.idx.msk [tilespmem:v63+s12+$0x0], $0xffff  }
0x26d: {  	v36 =	vld.idx.msk [tilespmem:v36+s17+$0x0], $0xffff;
	v0 =	vadd.f32 v1, v0;
	v1 =	vmul.f32 v43, v2;
	v2 =	vmul.f32 v7, v46  }
0x26e: {  	v58 =	vor.u32 $0x10, v42;
	v7 =	vld.idx.msk [tilespmem:v55+s12+$0x0], $0xffff  }
0x26f: {  	v34 =	vld.idx.msk [tilespmem:v34+s17+$0x0], $0xffff;
	v0 =	vadd.f32 v1, v0;
	v1 =	vmul.f32 v40, v2;
	v2 =	vmul.f32 v4, v44  }
0x270: {  	v59 =	vor.u32 $0x11, v42;
	v4 =	vld.idx.msk [tilespmem:v56+s12+$0x0], $0xffff  }
0x271: {  	v30 =	vld.idx.msk [tilespmem:v30+s17+$0x0], $0xffff;
	v0 =	vadd.f32 v1, v0;
	v1 =	vmul.f32 v39, v2;
	v2 =	vmul.f32 v11, v9  }
0x272: {  	v60 =	vor.u32 $0x12, v42;
	v9 =	vld.idx.msk [tilespmem:v57+s12+$0x0], $0xffff  }
0x273: {  	v11 =	vld.idx.msk [tilespmem:v32+s17+$0x0], $0xffff;
	v0 =	vadd.f32 v1, v0;
	v1 =	vmul.f32 v37, v2;
	v2 =	vmul.f32 v7, v38  }
0x274: {  	v61 =	vor.u32 $0x13, v42;
	v7 =	vld.idx.msk [tilespmem:v58+s12+$0x0], $0xffff  }
0x275: {  	v28 =	vld.idx.msk [tilespmem:v28+s17+$0x0], $0xffff;
	v0 =	vadd.f32 v1, v0;
	v1 =	vmul.f32 v35, v2;
	v2 =	vmul.f32 v4, v36  }
0x276: {  	v62 =	vor.u32 $0x14, v42;
	v4 =	vld.idx.msk [tilespmem:v59+s12+$0x0], $0xffff  }
0x277: {  	v26 =	vld.idx.msk [tilespmem:v26+s17+$0x0], $0xffff;
	v0 =	vadd.f32 v1, v0;
	v1 =	vmul.f32 v33, v2;
	v2 =	vmul.f32 v9, v34  }
0x278: {  	v63 =	vor.u32 $0x15, v42;
	v9 =	vld.idx.msk [tilespmem:v60+s12+$0x0], $0xffff  }
0x279: {  	v0 =	vadd.f32 v1, v0;
	v1 =	vmul.f32 v31, v2;
	v2 =	vmul.f32 v7, v11;
	v7 =	vld.idx.msk [tilespmem:v61+s12+$0x0], $0xffff  }
0x27a: {  	v11 =	vld.idx.msk [tilespmem:v24+s17+$0x0], $0xffff;
	v24 =	vor.u32 $0x16, v42  }
0x27b: {  	v0 =	vadd.f32 v1, v0;
	v1 =	vmul.f32 v29, v2;
	v2 =	vmul.f32 v4, v30  }
0x27c: {  	v4 =	vld.idx.msk [tilespmem:v62+s12+$0x0], $0xffff;
	v29 =	vor.u32 $0x17, v42  }
0x27d: {  	v22 =	vld.idx.msk [tilespmem:v22+s17+$0x0], $0xffff;
	v0 =	vadd.f32 v1, v0;
	v1 =	vmul.f32 v27, v2;
	v2 =	vmul.f32 v9, v28  }
0x27e: {  	v9 =	vld.idx.msk [tilespmem:v63+s12+$0x0], $0xffff;
	v27 =	vor.u32 $0x18, v42  }
0x27f: {  	v20 =	vld.idx.msk [tilespmem:v20+s17+$0x0], $0xffff;
	v0 =	vadd.f32 v1, v0;
	v1 =	vmul.f32 v25, v2;
	v2 =	vmul.f32 v7, v26  }
0x280: {  	v7 =	vld.idx.msk [tilespmem:v24+s12+$0x0], $0xffff  }
0x281: {  	v18 =	vld.idx.msk [tilespmem:v18+s17+$0x0], $0xffff;
	v0 =	vadd.f32 v1, v0;
	v1 =	vmul.f32 v23, v2;
	v2 =	vmul.f32 v4, v11  }
0x282: {  	v4 =	vld.idx.msk [tilespmem:v29+s12+$0x0], $0xffff  }
0x283: {  	v11 =	vld.idx.msk [tilespmem:v16+s17+$0x0], $0xffff;
	v0 =	vadd.f32 v1, v0;
	v1 =	vmul.f32 v21, v2;
	v2 =	vmul.f32 v9, v22  }
0x284: {  	v9 =	vld.idx.msk [tilespmem:v27+s12+$0x0], $0xffff  }
0x285: {  	v0 =	vadd.f32 v1, v0;
	v1 =	vmul.f32 v19, v2;
	v2 =	vmul.f32 v7, v20  }
0x286: {  	v24 =	vor.u32 $0x19, v42  }
0x287: {  	v0 =	vadd.f32 v1, v0;
	v1 =	vmul.f32 v17, v2;
	v2 =	vmul.f32 v4, v18;
	_ =	sdelay $0x1  }
0x288: {  	v0 =	vadd.f32 v1, v0;
	v1 =	vmul.f32 v15, v2;
	v2 =	vmul.f32 v9, v11  }
0x289: {  	v14 =	vld.idx.msk [tilespmem:v14+s17+$0x0], $0xffff  }
0x28a: {  	v7 =	vld.idx.msk [tilespmem:v24+s12+$0x0], $0xffff;
	v0 =	vadd.f32 v1, v0;
	v1 =	vmul.f32 v13, v2;
	_ =	sdelay $0x1  }
0x28b: {  	v16 =	vor.u32 $0x1A, v42;
	v0 =	vadd.f32 v1, v0;
	v1 =	vld [tilespmem:$0x1FF50];
	_ =	sdelay $0x2  }
0x28c: {  	v2 =	vmul.f32 v7, v14  }
0x28d: {  	v12 =	vld.idx.msk [tilespmem:v12+s17+$0x0], $0xffff  }
0x28e: {  	v4 =	vld.idx.msk [tilespmem:v16+s12+$0x0], $0xffff;
	v1 =	vmul.f32 v1, v2;
	_ =	sdelay $0x1  }
0x28f: {  	v21 =	vor.u32 $0x1B, v42;
	v0 =	vadd.f32 v1, v0;
	v1 =	vld [tilespmem:$0x1FF40];
	_ =	sdelay $0x2  }
0x290: {  	v2 =	vmul.f32 v4, v12  }
0x291: {  	v10 =	vld.idx.msk [tilespmem:v10+s17+$0x0], $0xffff  }
0x292: {  	v9 =	vld.idx.msk [tilespmem:v21+s12+$0x0], $0xffff;
	v1 =	vmul.f32 v1, v2;
	_ =	sdelay $0x1  }
0x293: {  	v19 =	vor.u32 $0x1C, v42;
	v0 =	vadd.f32 v1, v0;
	v1 =	vld [tilespmem:$0x1FF30];
	_ =	sdelay $0x2  }
0x294: {  	v2 =	vmul.f32 v9, v10  }
0x295: {  	v8 =	vld.idx.msk [tilespmem:v8+s17+$0x0], $0xffff  }
0x296: {  	v7 =	vld.idx.msk [tilespmem:v19+s12+$0x0], $0xffff;
	v1 =	vmul.f32 v1, v2;
	_ =	sdelay $0x1  }
0x297: {  	v16 =	vor.u32 $0x1D, v42;
	v0 =	vadd.f32 v1, v0;
	v1 =	vld [tilespmem:$0x1FEE0];
	_ =	sdelay $0x2  }
0x298: {  	v2 =	vmul.f32 v7, v8  }
0x299: {  	v5 =	vld.idx.msk [tilespmem:v5+s17+$0x0], $0xffff  }
0x29a: {  	v4 =	vld.idx.msk [tilespmem:v16+s12+$0x0], $0xffff;
	v1 =	vmul.f32 v1, v2  }
0x29b: {  	v11 =	vor.u32 $0x1E, v42  }
0x29c: {  	v6 =	vor.u32 $0x1F, v6;
	v0 =	vadd.f32 v1, v0;
	v1 =	vld [tilespmem:$0x1FEF0]  }
0x29d: {  	v13 =	vor.u32 $0x1F, v42;
	_ =	sdelay $0x1  }
0x29e: {  	v3 =	vld.idx.msk [tilespmem:v3+s17+$0x0], $0xffff;
	v2 =	vmul.f32 v4, v5  }
0x29f: {  	v9 =	vld.idx.msk [tilespmem:v11+s12+$0x0], $0xffff  }
0x2a0: {  	v10 =	vld.idx.msk [tilespmem:v6+s17+$0x0], $0xffff;
	v1 =	vmul.f32 v1, v2  }
0x2a1: {  	v7 =	vld.idx.msk [tilespmem:v13+s12+$0x0], $0xffff  }
0x2a2: {  	v0 =	vadd.f32 v1, v0;
	v1 =	vld [tilespmem:$0x1FF00];
	_ =	sdelay $0x1  }
0x2a3: {  	v4 =	vld.idx.msk [tilespmem:v6+s19+$0x0], $0xffff  }
0x2a4: {  	v2 =	vmul.f32 v9, v3;
	_ =	sdelay $0x1  }
0x2a5: {  	v1 =	vmul.f32 v1, v2;
	v2 =	vmul.f32 v7, v10;
	_ =	sdelay $0x1  }
0x2a6: {  	v0 =	vadd.f32 v1, v0;
	v1 =	vmul.f32 v4, v2;
	_ =	sdelay $0x1  }
0x2a7: {  	v0 =	vadd.f32 v1, v0;
	_ =	sdelay $0x1  }
0x2a8: {  	v0 =	vsub.f32 $0.0e+00, v0;
	_ =	sdelay $0x1  }
0x2a9: {  	v0 =	vmul.f32 $1.442695020e+00, v0;
	_ =	sdelay $0x1  }
0x2aa: {  	(erf) = vpow2.f32 v0;
	_ =	sdelay $0x8  }
0x2ab: {  	v0 =	vpop (erf)  }
0x2ac: {  	v0 =	vadd.f32 $1.000000000e+00, v0;
	_ =	sdelay $0x1  }
0x2ad: {  	v1 =	vld [tilespmem:$0x1FFF0];
	(erf) = vrcp.f32 v0;
	_ =	sdelay $0x2  }
0x2ae: {  	v0 =	vmov s29  }
0x2af: {  	v0 =	vshll.u32 v0, $0x7  }
0x2b0: {  	v6 =	vor.u32 v1, v0  }
0x2b1: {  	v3 =	vor.u32 $0x1E, v6  }
0x2b2: {  	v5 =	vor.u32 $0x1D, v6  }
0x2b3: {  	v8 =	vor.u32 $0x1C, v6  }
0x2b4: {  	s26 =	sadd.s32 $0x10, s26;
	v10 =	vor.u32 $0x1B, v6;
	v0 =	vpop (erf)  }
0x2b5: {  	v16 =	vor.u32 $0x18, v6;
	[tilespmem:s26+$0x0] =	vst v0  }
0x2b6: {  	v18 =	vor.u32 $0x17, v6;
	v61 =	vld.idx.msk [tilespmem:v3+s19+$0x0], $0xffff  }
0x2b7: {  	v20 =	vor.u32 $0x16, v6;
	v62 =	vld.idx.msk [tilespmem:v5+s19+$0x0], $0xffff  }
0x2b8: {  	v22 =	vor.u32 $0x15, v6;
	v63 =	vld.idx.msk [tilespmem:v8+s19+$0x0], $0xffff  }
0x2b9: {  	v24 =	vor.u32 $0x14, v6;
	v0 =	vld.idx.msk [tilespmem:v10+s19+$0x0], $0xffff  }
0x2ba: {  	v26 =	vor.u32 $0x13, v6;
	v13 =	vld.idx.msk [tilespmem:v16+s19+$0x0], $0xffff  }
0x2bb: {  	v28 =	vor.u32 $0x12, v6;
	v15 =	vld.idx.msk [tilespmem:v18+s19+$0x0], $0xffff  }
0x2bc: {  	v30 =	vor.u32 $0x11, v6;
	v17 =	vld.idx.msk [tilespmem:v20+s19+$0x0], $0xffff  }
0x2bd: {  	v32 =	vor.u32 $0x10, v6;
	v19 =	vld.idx.msk [tilespmem:v22+s19+$0x0], $0xffff  }
0x2be: {  	v12 =	vor.u32 $0x1A, v6;
	v21 =	vld.idx.msk [tilespmem:v24+s19+$0x0], $0xffff  }
0x2bf: {  	v34 =	vor.u32 $0xF, v6;
	v23 =	vld.idx.msk [tilespmem:v26+s19+$0x0], $0xffff  }
0x2c0: {  	v36 =	vor.u32 $0xE, v6;
	v25 =	vld.idx.msk [tilespmem:v28+s19+$0x0], $0xffff  }
0x2c1: {  	v38 =	vor.u32 $0xD, v6;
	v27 =	vld.idx.msk [tilespmem:v30+s19+$0x0], $0xffff  }
0x2c2: {  	v41 =	vor.u32 $0xC, v6;
	v29 =	vld.idx.msk [tilespmem:v32+s19+$0x0], $0xffff  }
0x2c3: {  	v14 =	vor.u32 $0x19, v6;
	[tilespmem:$0x1FF30] =	vst v0;
	v0 =	vld.idx.msk [tilespmem:v12+s19+$0x0], $0xffff  }
0x2c4: {  	v44 =	vor.u32 $0xB, v6;
	v31 =	vld.idx.msk [tilespmem:v34+s19+$0x0], $0xffff  }
0x2c5: {  	v46 =	vor.u32 $0xA, v6;
	v33 =	vld.idx.msk [tilespmem:v36+s19+$0x0], $0xffff  }
0x2c6: {  	v47 =	vor.u32 $0x9, v6;
	v35 =	vld.idx.msk [tilespmem:v38+s19+$0x0], $0xffff  }
0x2c7: {  	v48 =	vor.u32 $0x8, v6;
	v37 =	vld.idx.msk [tilespmem:v41+s19+$0x0], $0xffff  }
0x2c8: {  	p0 =	sne.s32 s29, $0x70;
	[tilespmem:$0x1FF40] =	vst v0;
	v0 =	vld.idx.msk [tilespmem:v14+s19+$0x0], $0xffff  }
.Ltmp1:
0x2c9: {  	v39 =	vld.idx.msk [tilespmem:v44+s19+$0x0], $0xffff;
	(pc) =	sbr.rel @p0 .LBB2_4-.Ltmp1, $4  }
0x2ca: {  	v40 =	vld.idx.msk [tilespmem:v46+s19+$0x0], $0xffff  }
0x2cb: {  	v43 =	vld.idx.msk [tilespmem:v47+s19+$0x0], $0xffff  }
0x2cc: {  	s28 =	sadd.s32 $0x10, s28;
	v49 =	vor.u32 $0x7, v6;
	v50 =	vor.u32 $0x6, v6;
	v45 =	vld.idx.msk [tilespmem:v48+s19+$0x0], $0xffff  }
0x2cd: {  	s29 =	sadd.s32 $0x10, s29;
	v51 =	vor.u32 $0x5, v6;
	v52 =	vor.u32 $0x4, v6;
	v53 =	vor.u32 $0x3, v6;
	v42 =	vld [tilespmem:s28+$0x0];
	[tilespmem:$0x1FF50] =	vst v0  }
0x2ce: {  	_ =	sdelay $0x3  }
0x2cf: {  	v0 =	vor.u32 $0x2, v6;
	v2 =	vld.idx.msk [tilespmem:v53+s19+$0x0], $0xffff  }
0x2d0: {  	v1 =	vor.u32 $0x1, v6;
	v11 =	vld.idx.msk [tilespmem:v6+s17+$0x0], $0xffff  }
0x2d1: {  	v53 =	vld.idx.msk [tilespmem:v53+s17+$0x0], $0xffff  }
0x2d2: {  	v58 =	vld.idx.msk [tilespmem:v6+s19+$0x0], $0xffff;
	v42 =	vshll.u32 v42, $0x5  }
0x2d3: {  	v59 =	vld.idx.msk [tilespmem:v52+s19+$0x0], $0xffff  }
0x2d4: {  	v4 =	vld.idx.msk [tilespmem:v0+s19+$0x0], $0xffff;
	v7 =	vor.u32 $0x1, v42  }
0x2d5: {  	v9 =	vld.idx.msk [tilespmem:v1+s19+$0x0], $0xffff;
	v54 =	vor.u32 $0x2, v42  }
0x2d6: {  	v1 =	vld.idx.msk [tilespmem:v1+s17+$0x0], $0xffff  }
0x2d7: {  	v56 =	vor.u32 $0x3, v42;
	v55 =	vld.idx.msk [tilespmem:v42+s12+$0x0], $0xffff  }
0x2d8: {  	v0 =	vld.idx.msk [tilespmem:v0+s17+$0x0], $0xffff;
	v57 =	vor.u32 $0x4, v42  }
0x2d9: {  	v7 =	vld.idx.msk [tilespmem:v7+s12+$0x0], $0xffff  }
0x2da: {  	v54 =	vld.idx.msk [tilespmem:v54+s12+$0x0], $0xffff  }
0x2db: {  	v52 =	vld.idx.msk [tilespmem:v52+s17+$0x0], $0xffff  }
0x2dc: {  	v56 =	vld.idx.msk [tilespmem:v56+s12+$0x0], $0xffff;
	v11 =	vmul.f32 v55, v11  }
0x2dd: {  	v60 =	vor.u32 $0x5, v42;
	v55 =	vld.idx.msk [tilespmem:v57+s12+$0x0], $0xffff  }
0x2de: {  	v1 =	vmul.f32 v7, v1;
	v7 =	vld.idx.msk [tilespmem:v51+s19+$0x0], $0xffff;
	v11 =	vmul.f32 v58, v11  }
0x2df: {  	v57 =	vor.u32 $0x6, v42;
	v51 =	vld.idx.msk [tilespmem:v51+s17+$0x0], $0xffff;
	v0 =	vmul.f32 v54, v0  }
0x2e0: {  	v54 =	vld.idx.msk [tilespmem:v49+s19+$0x0], $0xffff;
	v1 =	vmul.f32 v9, v1;
	v9 =	vadd.f32 $0.0e+00, v11  }
0x2e1: {  	v58 =	vor.u32 $0x7, v42;
	v0 =	vmul.f32 v4, v0;
	v4 =	vld.idx.msk [tilespmem:v50+s19+$0x0], $0xffff  }
0x2e2: {  	v11 =	vld.idx.msk [tilespmem:v60+s12+$0x0], $0xffff;
	v1 =	vadd.f32 v1, v9  }
0x2e3: {  	v50 =	vld.idx.msk [tilespmem:v50+s17+$0x0], $0xffff;
	v60 =	vor.u32 $0x8, v42;
	v9 =	vmul.f32 v56, v53  }
0x2e4: {  	v0 =	vadd.f32 v0, v1;
	v1 =	vld.idx.msk [tilespmem:v57+s12+$0x0], $0xffff  }
0x2e5: {  	v49 =	vld.idx.msk [tilespmem:v49+s17+$0x0], $0xffff;
	v52 =	vmul.f32 v55, v52;
	v2 =	vmul.f32 v2, v9;
	v9 =	vor.u32 $0x9, v42  }
0x2e6: {  	v56 =	vor.u32 $0xA, v42;
	v55 =	vld.idx.msk [tilespmem:v58+s12+$0x0], $0xffff  }
0x2e7: {  	v48 =	vld.idx.msk [tilespmem:v48+s17+$0x0], $0xffff;
	v11 =	vmul.f32 v11, v51;
	v0 =	vadd.f32 v2, v0;
	v2 =	vmul.f32 v59, v52  }
0x2e8: {  	v59 =	vld.idx.msk [tilespmem:v60+s12+$0x0], $0xffff;
	v60 =	vor.u32 $0xB, v42  }
0x2e9: {  	v47 =	vld.idx.msk [tilespmem:v47+s17+$0x0], $0xffff;
	v0 =	vadd.f32 v2, v0;
	v2 =	vmul.f32 v7, v11;
	v1 =	vmul.f32 v1, v50  }
0x2ea: {  	v7 =	vld.idx.msk [tilespmem:v9+s12+$0x0], $0xffff;
	v9 =	vor.u32 $0xC, v42  }
0x2eb: {  	v11 =	vld.idx.msk [tilespmem:v46+s17+$0x0], $0xffff;
	v0 =	vadd.f32 v2, v0;
	v2 =	vmul.f32 v55, v49;
	v1 =	vmul.f32 v4, v1  }
0x2ec: {  	v53 =	vor.u32 $0xD, v42;
	v4 =	vld.idx.msk [tilespmem:v56+s12+$0x0], $0xffff  }
0x2ed: {  	v44 =	vld.idx.msk [tilespmem:v44+s17+$0x0], $0xffff;
	v0 =	vadd.f32 v1, v0;
	v1 =	vmul.f32 v54, v2;
	v2 =	vmul.f32 v59, v48  }
0x2ee: {  	v55 =	vld.idx.msk [tilespmem:v60+s12+$0x0], $0xffff;
	v56 =	vor.u32 $0xE, v42  }
0x2ef: {  	v41 =	vld.idx.msk [tilespmem:v41+s17+$0x0], $0xffff;
	v0 =	vadd.f32 v1, v0;
	v1 =	vmul.f32 v45, v2;
	v2 =	vmul.f32 v7, v47  }
0x2f0: {  	v7 =	vld.idx.msk [tilespmem:v9+s12+$0x0], $0xffff;
	v9 =	vor.u32 $0xF, v42  }
0x2f1: {  	v38 =	vld.idx.msk [tilespmem:v38+s17+$0x0], $0xffff;
	v0 =	vadd.f32 v1, v0;
	v1 =	vmul.f32 v43, v2;
	v2 =	vmul.f32 v4, v11  }
0x2f2: {  	v4 =	vld.idx.msk [tilespmem:v53+s12+$0x0], $0xffff;
	v11 =	vor.u32 $0x10, v42  }
0x2f3: {  	v36 =	vld.idx.msk [tilespmem:v36+s17+$0x0], $0xffff;
	v0 =	vadd.f32 v1, v0;
	v1 =	vmul.f32 v40, v2;
	v2 =	vmul.f32 v55, v44  }
0x2f4: {  	v58 =	vor.u32 $0x11, v42;
	v57 =	vld.idx.msk [tilespmem:v56+s12+$0x0], $0xffff  }
0x2f5: {  	v34 =	vld.idx.msk [tilespmem:v34+s17+$0x0], $0xffff;
	v0 =	vadd.f32 v1, v0;
	v1 =	vmul.f32 v39, v2;
	v2 =	vmul.f32 v7, v41  }
0x2f6: {  	v7 =	vld.idx.msk [tilespmem:v9+s12+$0x0], $0xffff;
	v9 =	vor.u32 $0x12, v42  }
0x2f7: {  	v32 =	vld.idx.msk [tilespmem:v32+s17+$0x0], $0xffff;
	v0 =	vadd.f32 v1, v0;
	v1 =	vmul.f32 v37, v2;
	v2 =	vmul.f32 v4, v38  }
0x2f8: {  	v4 =	vld.idx.msk [tilespmem:v11+s12+$0x0], $0xffff;
	v11 =	vor.u32 $0x13, v42  }
0x2f9: {  	v30 =	vld.idx.msk [tilespmem:v30+s17+$0x0], $0xffff;
	v0 =	vadd.f32 v1, v0;
	v1 =	vmul.f32 v35, v2;
	v2 =	vmul.f32 v57, v36  }
0x2fa: {  	v60 =	vor.u32 $0x14, v42;
	v59 =	vld.idx.msk [tilespmem:v58+s12+$0x0], $0xffff  }
0x2fb: {  	v28 =	vld.idx.msk [tilespmem:v28+s17+$0x0], $0xffff;
	v0 =	vadd.f32 v1, v0;
	v1 =	vmul.f32 v33, v2;
	v2 =	vmul.f32 v7, v34  }
0x2fc: {  	v7 =	vld.idx.msk [tilespmem:v9+s12+$0x0], $0xffff;
	v9 =	vor.u32 $0x15, v42  }
0x2fd: {  	v26 =	vld.idx.msk [tilespmem:v26+s17+$0x0], $0xffff;
	v0 =	vadd.f32 v1, v0;
	v1 =	vmul.f32 v31, v2;
	v2 =	vmul.f32 v4, v32  }
0x2fe: {  	v4 =	vld.idx.msk [tilespmem:v11+s12+$0x0], $0xffff;
	v11 =	vor.u32 $0x16, v42  }
0x2ff: {  	v24 =	vld.idx.msk [tilespmem:v24+s17+$0x0], $0xffff;
	v0 =	vadd.f32 v1, v0;
	v1 =	vmul.f32 v29, v2;
	v2 =	vmul.f32 v59, v30  }
0x300: {  	v29 =	vld.idx.msk [tilespmem:v60+s12+$0x0], $0xffff;
	v30 =	vor.u32 $0x17, v42  }
0x301: {  	v22 =	vld.idx.msk [tilespmem:v22+s17+$0x0], $0xffff;
	v0 =	vadd.f32 v1, v0;
	v1 =	vmul.f32 v27, v2;
	v2 =	vmul.f32 v7, v28  }
0x302: {  	v7 =	vld.idx.msk [tilespmem:v9+s12+$0x0], $0xffff;
	v9 =	vor.u32 $0x18, v42  }
0x303: {  	v20 =	vld.idx.msk [tilespmem:v20+s17+$0x0], $0xffff;
	v0 =	vadd.f32 v1, v0;
	v1 =	vmul.f32 v25, v2;
	v2 =	vmul.f32 v4, v26  }
0x304: {  	v4 =	vld.idx.msk [tilespmem:v11+s12+$0x0], $0xffff  }
0x305: {  	v18 =	vld.idx.msk [tilespmem:v18+s17+$0x0], $0xffff;
	v0 =	vadd.f32 v1, v0;
	v1 =	vmul.f32 v23, v2;
	v2 =	vmul.f32 v29, v24  }
0x306: {  	v23 =	vld.idx.msk [tilespmem:v30+s12+$0x0], $0xffff  }
0x307: {  	v16 =	vld.idx.msk [tilespmem:v16+s17+$0x0], $0xffff;
	v0 =	vadd.f32 v1, v0;
	v1 =	vmul.f32 v21, v2;
	v2 =	vmul.f32 v7, v22  }
0x308: {  	v7 =	vld.idx.msk [tilespmem:v9+s12+$0x0], $0xffff  }
0x309: {  	v0 =	vadd.f32 v1, v0;
	v1 =	vmul.f32 v19, v2;
	v2 =	vmul.f32 v4, v20  }
0x30a: {  	v11 =	vor.u32 $0x19, v42  }
0x30b: {  	v0 =	vadd.f32 v1, v0;
	v1 =	vmul.f32 v17, v2;
	v2 =	vmul.f32 v23, v18;
	_ =	sdelay $0x1  }
0x30c: {  	v0 =	vadd.f32 v1, v0;
	v1 =	vmul.f32 v15, v2;
	v2 =	vmul.f32 v7, v16  }
0x30d: {  	v14 =	vld.idx.msk [tilespmem:v14+s17+$0x0], $0xffff  }
0x30e: {  	v4 =	vld.idx.msk [tilespmem:v11+s12+$0x0], $0xffff;
	v0 =	vadd.f32 v1, v0;
	v1 =	vmul.f32 v13, v2;
	_ =	sdelay $0x1  }
0x30f: {  	v24 =	vor.u32 $0x1A, v42;
	v0 =	vadd.f32 v1, v0;
	v1 =	vld [tilespmem:$0x1FF50];
	_ =	sdelay $0x2  }
0x310: {  	v2 =	vmul.f32 v4, v14  }
0x311: {  	v12 =	vld.idx.msk [tilespmem:v12+s17+$0x0], $0xffff  }
0x312: {  	v17 =	vld.idx.msk [tilespmem:v24+s12+$0x0], $0xffff;
	v1 =	vmul.f32 v1, v2;
	_ =	sdelay $0x1  }
0x313: {  	v9 =	vor.u32 $0x1B, v42;
	v0 =	vadd.f32 v1, v0;
	v1 =	vld [tilespmem:$0x1FF40]  }
0x314: {  	v11 =	vor.u32 $0x1C, v42;
	_ =	sdelay $0x1  }
0x315: {  	v10 =	vld.idx.msk [tilespmem:v10+s17+$0x0], $0xffff;
	v2 =	vmul.f32 v17, v12  }
0x316: {  	v8 =	vld.idx.msk [tilespmem:v8+s17+$0x0], $0xffff;
	v18 =	vor.u32 $0x1D, v42  }
0x317: {  	v7 =	vld.idx.msk [tilespmem:v9+s12+$0x0], $0xffff;
	v1 =	vmul.f32 v1, v2  }
0x318: {  	v9 =	vor.u32 $0x1E, v42;
	v4 =	vor.u32 $0x1F, v6;
	v6 =	vld.idx.msk [tilespmem:v11+s12+$0x0], $0xffff  }
0x319: {  	v0 =	vadd.f32 v1, v0;
	v1 =	vld [tilespmem:$0x1FF30]  }
0x31a: {  	v5 =	vld.idx.msk [tilespmem:v5+s17+$0x0], $0xffff;
	v11 =	vor.u32 $0x1F, v42  }
0x31b: {  	v12 =	vld.idx.msk [tilespmem:v18+s12+$0x0], $0xffff  }
0x31c: {  	v3 =	vld.idx.msk [tilespmem:v3+s17+$0x0], $0xffff;
	v2 =	vmul.f32 v7, v10  }
0x31d: {  	v7 =	vld.idx.msk [tilespmem:v9+s12+$0x0], $0xffff  }
0x31e: {  	v9 =	vld.idx.msk [tilespmem:v4+s17+$0x0], $0xffff;
	v1 =	vmul.f32 v1, v2;
	v2 =	vmul.f32 v6, v8  }
0x31f: {  	v6 =	vld.idx.msk [tilespmem:v11+s12+$0x0], $0xffff  }
0x320: {  	v0 =	vadd.f32 v1, v0;
	v1 =	vmul.f32 v63, v2;
	v2 =	vmul.f32 v12, v5  }
0x321: {  	v4 =	vld.idx.msk [tilespmem:v4+s19+$0x0], $0xffff  }
0x322: {  	v0 =	vadd.f32 v1, v0;
	v1 =	vmul.f32 v62, v2;
	v2 =	vmul.f32 v7, v3;
	_ =	sdelay $0x1  }
0x323: {  	v0 =	vadd.f32 v1, v0;
	v1 =	vmul.f32 v61, v2;
	v2 =	vmul.f32 v6, v9;
	_ =	sdelay $0x1  }
0x324: {  	v0 =	vadd.f32 v1, v0;
	v1 =	vmul.f32 v4, v2;
	_ =	sdelay $0x1  }
0x325: {  	v0 =	vadd.f32 v1, v0;
	_ =	sdelay $0x1  }
0x326: {  	v0 =	vsub.f32 $0.0e+00, v0;
	_ =	sdelay $0x1  }
0x327: {  	v0 =	vmul.f32 $1.442695020e+00, v0;
	_ =	sdelay $0x1  }
0x328: {  	(erf) = vpow2.f32 v0;
	_ =	sdelay $0x8  }
0x329: {  	v0 =	vpop (erf)  }
0x32a: {  	v0 =	vadd.f32 $1.000000000e+00, v0;
	_ =	sdelay $0x1  }
0x32b: {  	(erf) = vrcp.f32 v0;
	_ =	sdelay $0x8  }
0x32c: {  	s26 =	sadd.s32 $0x10, s26;
	v0 =	vpop (erf)  }
0x32d: {  	[tilespmem:s26+$0x0] =	vst v0  }
0x32e: {  	_ =	swait.ge [sflag:s16], $0x4000  }
0x32f: {  	[sflag:s16] =	ssyncset.done $0x0  }
0x330: {  	[sflag:s16] =	ssyncadd.s32 $0xFFFFC000  }
0x331: {  	_ =	swait.ge [sflag:s16], $0x4000  }
0x332: {  	v1 =	vld [tilespmem:$0x1FFF0];
	_ =	sdelay $0x1  }
0x333: {  	s31 =	simm.s32 $0x0  }
0x334: {  	v0 =	vmov s31  }
0x335: {  	v0 =	vshll.u32 v0, $0x7;
	[sflag:s16] =	ssyncset.done $0x0  }
0x336: {  	[sflag:s16] =	ssyncadd.s32 $0xFFFFC000;
	v5 =	vor.u32 v1, v0  }
0x337: {  	[tilespmem:s17], [sflag:$0x1] =	stream.indirect.gather [hbm4b:s3+s13], $0x80, s22, s13, $0xb8;
	[tilespmem:$0x18500] =	vst v63  }
0x338: {  	s30 =	simm.s32 $0x300;
	v3 =	vor.u32 $0x1E, v5  }
0x339: {  	[tilespmem:s19], [sflag:$0x1] =	stream.indirect.gather [hbm4b:s3+s13], $0x80, s23, s13, $0xb8;
	v9 =	vor.u32 $0x1C, v5;
	[tilespmem:$0x18500] =	vst v63  }
0x33a: {  	v21 =	vld [tilespmem:s30+$0x0];
	v11 =	vor.u32 $0x1B, v5  }
0x33b: {  	v12 =	vor.u32 $0x1A, v5;
	v57 =	vld.idx.msk [tilespmem:v5+s15+$0x0], $0xffff  }
0x33c: {  	v14 =	vor.u32 $0x19, v5;
	v58 =	vld.idx.msk [tilespmem:v5+s14+$0x0], $0xffff  }
0x33d: {  	v16 =	vor.u32 $0x18, v5;
	v0 =	vld.idx.msk [tilespmem:v3+s15+$0x0], $0xffff  }
0x33e: {  	v18 =	vor.u32 $0x17, v5;
	v4 =	vld.idx.msk [tilespmem:v9+s15+$0x0], $0xffff  }
0x33f: {  	v20 =	vor.u32 $0x16, v5;
	v7 =	vld.idx.msk [tilespmem:v11+s15+$0x0], $0xffff  }
0x340: {  	v23 =	vor.u32 $0x15, v5;
	v8 =	vld.idx.msk [tilespmem:v12+s15+$0x0], $0xffff  }
0x341: {  	v25 =	vor.u32 $0x14, v5;
	v10 =	vld.idx.msk [tilespmem:v14+s15+$0x0], $0xffff  }
0x342: {  	v27 =	vor.u32 $0x13, v5;
	v13 =	vld.idx.msk [tilespmem:v16+s15+$0x0], $0xffff  }
0x343: {  	v29 =	vor.u32 $0x12, v5;
	v15 =	vld.idx.msk [tilespmem:v18+s15+$0x0], $0xffff  }
0x344: {  	v31 =	vor.u32 $0x11, v5;
	v17 =	vld.idx.msk [tilespmem:v20+s15+$0x0], $0xffff  }
0x345: {  	v2 =	vor.u32 $0x10, v5;
	v19 =	vld.idx.msk [tilespmem:v23+s15+$0x0], $0xffff  }
0x346: {  	v33 =	vor.u32 $0xF, v5;
	v22 =	vld.idx.msk [tilespmem:v25+s15+$0x0], $0xffff  }
0x347: {  	v34 =	vor.u32 $0xE, v5;
	v24 =	vld.idx.msk [tilespmem:v27+s15+$0x0], $0xffff  }
0x348: {  	v35 =	vor.u32 $0xD, v5;
	v26 =	vld.idx.msk [tilespmem:v29+s15+$0x0], $0xffff  }
0x349: {  	v36 =	vor.u32 $0xC, v5;
	v28 =	vld.idx.msk [tilespmem:v31+s15+$0x0], $0xffff  }
0x34a: {  	v37 =	vor.u32 $0xB, v5;
	v30 =	vld.idx.msk [tilespmem:v2+s15+$0x0], $0xffff  }
0x34b: {  	v38 =	vor.u32 $0xA, v5;
	v32 =	vld.idx.msk [tilespmem:v33+s15+$0x0], $0xffff  }
0x34c: {  	v40 =	vor.u32 $0x9, v5;
	v39 =	vld.idx.msk [tilespmem:v34+s15+$0x0], $0xffff  }
0x34d: {  	v43 =	vor.u32 $0x7, v5;
	v41 =	vld.idx.msk [tilespmem:v35+s15+$0x0], $0xffff  }
0x34e: {  	v45 =	vor.u32 $0x5, v5;
	v42 =	vld.idx.msk [tilespmem:v36+s15+$0x0], $0xffff  }
0x34f: {  	v46 =	vor.u32 $0x3, v5;
	v44 =	vld.idx.msk [tilespmem:v37+s15+$0x0], $0xffff  }
0x350: {  	v48 =	vor.u32 $0x2, v5;
	v47 =	vld.idx.msk [tilespmem:v38+s15+$0x0], $0xffff  }
0x351: {  	v50 =	vor.u32 $0x1, v5;
	v49 =	vld.idx.msk [tilespmem:v40+s15+$0x0], $0xffff  }
0x352: {  	v51 =	vld.idx.msk [tilespmem:v43+s15+$0x0], $0xffff  }
0x353: {  	v52 =	vld.idx.msk [tilespmem:v45+s15+$0x0], $0xffff  }
0x354: {  	v21 =	vshll.u32 v21, $0x5;
	v53 =	vld.idx.msk [tilespmem:v46+s15+$0x0], $0xffff  }
0x355: {  	v6 =	vor.u32 $0x1D, v5;
	v54 =	vld.idx.msk [tilespmem:v48+s15+$0x0], $0xffff  }
0x356: {  	v56 =	vld.idx.msk [tilespmem:v50+s15+$0x0], $0xffff  }
0x357: {  	v55 =	vor.u32 $0x1, v21;
	v50 =	vld.idx.msk [tilespmem:v50+s14+$0x0], $0xffff  }
0x358: {  	v59 =	vor.u32 $0x2, v21;
	v48 =	vld.idx.msk [tilespmem:v48+s14+$0x0], $0xffff  }
0x359: {  	v62 =	vor.u32 $0x4, v5;
	v60 =	vld.idx.msk [tilespmem:v21+s12+$0x0], $0xffff  }
0x35a: {  	[tilespmem:$0x1FEA0] =	vst v0;
	v0 =	vld.idx.msk [tilespmem:v6+s15+$0x0], $0xffff  }
0x35b: {  	v61 =	vor.u32 $0x3, v21;
	v46 =	vld.idx.msk [tilespmem:v46+s14+$0x0], $0xffff  }
0x35c: {  	v55 =	vld.idx.msk [tilespmem:v55+s12+$0x0], $0xffff  }
0x35d: {  	v63 =	vor.u32 $0x4, v21;
	v59 =	vld.idx.msk [tilespmem:v59+s12+$0x0], $0xffff  }
0x35e: {  	v1 =	vld.idx.msk [tilespmem:v62+s15+$0x0], $0xffff;
	v58 =	vmul.f32 v60, v58;
	v60 =	vor.u32 $0x5, v21  }
0x35f: {  	v45 =	vld.idx.msk [tilespmem:v45+s14+$0x0], $0xffff;
	[tilespmem:$0x1FE90] =	vst v0;
	v0 =	vor.u32 $0x6, v5  }
0x360: {  	v61 =	vld.idx.msk [tilespmem:v61+s12+$0x0], $0xffff  }
0x361: {  	v50 =	vmul.f32 v55, v50;
	v55 =	vld.idx.msk [tilespmem:v62+s14+$0x0], $0xffff;
	v62 =	vor.u32 $0x6, v21;
	v57 =	vmul.f32 v57, v58  }
0x362: {  	v48 =	vmul.f32 v59, v48;
	v58 =	vld.idx.msk [tilespmem:v63+s12+$0x0], $0xffff  }
0x363: {  	v50 =	vmul.f32 v56, v50;
	v63 =	vadd.f32 $0.0e+00, v57;
	v57 =	vor.u32 $0x7, v21;
	v59 =	vld.idx.msk [tilespmem:v60+s12+$0x0], $0xffff  }
0x364: {  	v48 =	vmul.f32 v54, v48;
	v54 =	vor.u32 $0x8, v21;
	v60 =	vld.idx.msk [tilespmem:v0+s15+$0x0], $0xffff  }
0x365: {  	v46 =	vmul.f32 v61, v46;
	v56 =	vor.u32 $0x8, v5;
	v50 =	vadd.f32 v50, v63;
	v0 =	vld.idx.msk [tilespmem:v0+s14+$0x0], $0xffff  }
0x366: {  	v61 =	vld.idx.msk [tilespmem:v62+s12+$0x0], $0xffff  }
0x367: {  	v43 =	vld.idx.msk [tilespmem:v43+s14+$0x0], $0xffff;
	v46 =	vmul.f32 v53, v46;
	v62 =	vmul.f32 v58, v55;
	v48 =	vadd.f32 v48, v50  }
0x368: {  	v63 =	vor.u32 $0x9, v21;
	v58 =	vor.u32 $0xA, v21;
	v57 =	vld.idx.msk [tilespmem:v57+s12+$0x0], $0xffff  }
0x369: {  	v54 =	vld.idx.msk [tilespmem:v54+s12+$0x0], $0xffff;
	v1 =	vmul.f32 v1, v62;
	v46 =	vadd.f32 v46, v48;
	v45 =	vmul.f32 v59, v45  }
0x36a: {  	v48 =	vld.idx.msk [tilespmem:v56+s14+$0x0], $0xffff  }
0x36b: {  	v40 =	vld.idx.msk [tilespmem:v40+s14+$0x0], $0xffff;
	v0 =	vmul.f32 v61, v0;
	v1 =	vadd.f32 v1, v46;
	v45 =	vmul.f32 v52, v45  }
0x36c: {  	v62 =	vor.u32 $0xB, v21;
	v59 =	vld.idx.msk [tilespmem:v56+s15+$0x0], $0xffff  }
0x36d: {  	v63 =	vld.idx.msk [tilespmem:v63+s12+$0x0], $0xffff;
	v0 =	vmul.f32 v60, v0;
	v1 =	vadd.f32 v45, v1;
	v43 =	vmul.f32 v57, v43  }
0x36e: {  	v56 =	vor.u32 $0xC, v21;
	v57 =	vld.idx.msk [tilespmem:v58+s12+$0x0], $0xffff;
	v58 =	vor.u32 $0xD, v21  }
0x36f: {  	v38 =	vld.idx.msk [tilespmem:v38+s14+$0x0], $0xffff;
	v48 =	vmul.f32 v54, v48;
	v0 =	vadd.f32 v0, v1;
	v1 =	vmul.f32 v51, v43  }
0x370: {  	v37 =	vld.idx.msk [tilespmem:v37+s14+$0x0], $0xffff  }
0x371: {  	v0 =	vadd.f32 v1, v0;
	v1 =	vmul.f32 v59, v48;
	v59 =	vld.idx.msk [tilespmem:v62+s12+$0x0], $0xffff  }
0x372: {  	v36 =	vld.idx.msk [tilespmem:v36+s14+$0x0], $0xffff;
	v60 =	vor.u32 $0xE, v21;
	v40 =	vmul.f32 v63, v40  }
0x373: {  	v61 =	vld.idx.msk [tilespmem:v56+s12+$0x0], $0xffff;
	v62 =	vor.u32 $0xF, v21  }
0x374: {  	v40 =	vmul.f32 v49, v40;
	v38 =	vmul.f32 v57, v38;
	v63 =	vld.idx.msk [tilespmem:v58+s12+$0x0], $0xffff;
	v0 =	vadd.f32 v1, v0  }
0x375: {  	v52 =	vor.u32 $0x10, v21;
	v1 =	vld.idx.msk [tilespmem:v35+s14+$0x0], $0xffff  }
0x376: {  	v34 =	vld.idx.msk [tilespmem:v34+s14+$0x0], $0xffff;
	v38 =	vmul.f32 v47, v38;
	v0 =	vadd.f32 v40, v0;
	v37 =	vmul.f32 v59, v37  }
0x377: {  	v54 =	vor.u32 $0x11, v21;
	v53 =	vld.idx.msk [tilespmem:v60+s12+$0x0], $0xffff  }
0x378: {  	v33 =	vld.idx.msk [tilespmem:v33+s14+$0x0], $0xffff;
	v36 =	vmul.f32 v61, v36;
	v0 =	vadd.f32 v38, v0;
	v37 =	vmul.f32 v44, v37  }
0x379: {  	v55 =	vor.u32 $0x12, v21;
	v35 =	vld.idx.msk [tilespmem:v62+s12+$0x0], $0xffff  }
0x37a: {  	v2 =	vld.idx.msk [tilespmem:v2+s14+$0x0], $0xffff;
	v36 =	vmul.f32 v42, v36;
	v1 =	vmul.f32 v63, v1;
	v0 =	vadd.f32 v37, v0  }
0x37b: {  	v56 =	vld.idx.msk [tilespmem:v52+s12+$0x0], $0xffff;
	v57 =	vor.u32 $0x13, v21  }
0x37c: {  	v31 =	vld.idx.msk [tilespmem:v31+s14+$0x0], $0xffff;
	v34 =	vmul.f32 v53, v34;
	v1 =	vmul.f32 v41, v1;
	v0 =	vadd.f32 v36, v0  }
0x37d: {  	v58 =	vld.idx.msk [tilespmem:v54+s12+$0x0], $0xffff;
	v59 =	vor.u32 $0x14, v21  }
0x37e: {  	v29 =	vld.idx.msk [tilespmem:v29+s14+$0x0], $0xffff;
	v33 =	vmul.f32 v35, v33;
	v0 =	vadd.f32 v1, v0;
	v1 =	vmul.f32 v39, v34  }
0x37f: {  	v60 =	vld.idx.msk [tilespmem:v55+s12+$0x0], $0xffff;
	v61 =	vor.u32 $0x15, v21  }
0x380: {  	v27 =	vld.idx.msk [tilespmem:v27+s14+$0x0], $0xffff;
	v2 =	vmul.f32 v56, v2;
	v0 =	vadd.f32 v1, v0;
	v1 =	vmul.f32 v32, v33  }
0x381: {  	v62 =	vld.idx.msk [tilespmem:v57+s12+$0x0], $0xffff;
	v63 =	vor.u32 $0x16, v21  }
0x382: {  	v25 =	vld.idx.msk [tilespmem:v25+s14+$0x0], $0xffff;
	v0 =	vadd.f32 v1, v0;
	v1 =	vmul.f32 v30, v2;
	v2 =	vmul.f32 v58, v31  }
0x383: {  	v30 =	vld.idx.msk [tilespmem:v59+s12+$0x0], $0xffff;
	v31 =	vor.u32 $0x17, v21  }
0x384: {  	v23 =	vld.idx.msk [tilespmem:v23+s14+$0x0], $0xffff;
	v0 =	vadd.f32 v1, v0;
	v1 =	vmul.f32 v28, v2;
	v2 =	vmul.f32 v60, v29  }
0x385: {  	v28 =	vld.idx.msk [tilespmem:v61+s12+$0x0], $0xffff;
	v29 =	vor.u32 $0x18, v21  }
0x386: {  	v20 =	vld.idx.msk [tilespmem:v20+s14+$0x0], $0xffff;
	v0 =	vadd.f32 v1, v0;
	v1 =	vmul.f32 v26, v2;
	v2 =	vmul.f32 v62, v27  }
0x387: {  	v26 =	vld.idx.msk [tilespmem:v63+s12+$0x0], $0xffff;
	v27 =	vor.u32 $0x19, v21  }
0x388: {  	v18 =	vld.idx.msk [tilespmem:v18+s14+$0x0], $0xffff;
	v0 =	vadd.f32 v1, v0;
	v1 =	vmul.f32 v24, v2;
	v2 =	vmul.f32 v30, v25  }
0x389: {  	v24 =	vld.idx.msk [tilespmem:v31+s12+$0x0], $0xffff;
	v25 =	vor.u32 $0x1A, v21  }
0x38a: {  	v16 =	vld.idx.msk [tilespmem:v16+s14+$0x0], $0xffff;
	v0 =	vadd.f32 v1, v0;
	v1 =	vmul.f32 v22, v2;
	v2 =	vmul.f32 v28, v23  }
0x38b: {  	v22 =	vld.idx.msk [tilespmem:v29+s12+$0x0], $0xffff;
	v23 =	vor.u32 $0x1B, v21  }
0x38c: {  	v14 =	vld.idx.msk [tilespmem:v14+s14+$0x0], $0xffff;
	v0 =	vadd.f32 v1, v0;
	v1 =	vmul.f32 v19, v2;
	v2 =	vmul.f32 v26, v20  }
0x38d: {  	v19 =	vld.idx.msk [tilespmem:v27+s12+$0x0], $0xffff;
	v20 =	vor.u32 $0x1C, v21  }
0x38e: {  	v12 =	vld.idx.msk [tilespmem:v12+s14+$0x0], $0xffff;
	v0 =	vadd.f32 v1, v0;
	v1 =	vmul.f32 v17, v2;
	v2 =	vmul.f32 v24, v18  }
0x38f: {  	v17 =	vld.idx.msk [tilespmem:v25+s12+$0x0], $0xffff  }
0x390: {  	v11 =	vld.idx.msk [tilespmem:v11+s14+$0x0], $0xffff;
	v0 =	vadd.f32 v1, v0;
	v1 =	vmul.f32 v15, v2;
	v2 =	vmul.f32 v22, v16  }
0x391: {  	v15 =	vld.idx.msk [tilespmem:v23+s12+$0x0], $0xffff  }
0x392: {  	v9 =	vld.idx.msk [tilespmem:v9+s14+$0x0], $0xffff;
	v0 =	vadd.f32 v1, v0;
	v1 =	vmul.f32 v13, v2;
	v2 =	vmul.f32 v19, v14  }
0x393: {  	v13 =	vld.idx.msk [tilespmem:v20+s12+$0x0], $0xffff  }
0x394: {  	v0 =	vadd.f32 v1, v0;
	v1 =	vmul.f32 v10, v2;
	v2 =	vmul.f32 v17, v12  }
0x395: {  	v18 =	vor.u32 $0x1D, v21  }
0x396: {  	v0 =	vadd.f32 v1, v0;
	v1 =	vmul.f32 v8, v2;
	v2 =	vmul.f32 v15, v11;
	_ =	sdelay $0x1  }
0x397: {  	v0 =	vadd.f32 v1, v0;
	v1 =	vmul.f32 v7, v2;
	v2 =	vmul.f32 v13, v9  }
0x398: {  	v6 =	vld.idx.msk [tilespmem:v6+s14+$0x0], $0xffff  }
0x399: {  	v10 =	vld.idx.msk [tilespmem:v18+s12+$0x0], $0xffff;
	v0 =	vadd.f32 v1, v0;
	v1 =	vmul.f32 v4, v2  }
0x39a: {  	v16 =	vor.u32 $0x1E, v21  }
0x39b: {  	v5 =	vor.u32 $0x1F, v5;
	v0 =	vadd.f32 v1, v0;
	v1 =	vld [tilespmem:$0x1FE90]  }
0x39c: {  	v14 =	vor.u32 $0x1F, v21;
	_ =	sdelay $0x1  }
0x39d: {  	v3 =	vld.idx.msk [tilespmem:v3+s14+$0x0], $0xffff;
	v2 =	vmul.f32 v10, v6  }
0x39e: {  	v8 =	vld.idx.msk [tilespmem:v16+s12+$0x0], $0xffff  }
0x39f: {  	v11 =	vld.idx.msk [tilespmem:v5+s14+$0x0], $0xffff;
	v1 =	vmul.f32 v1, v2  }
0x3a0: {  	v7 =	vld.idx.msk [tilespmem:v14+s12+$0x0], $0xffff  }
0x3a1: {  	v0 =	vadd.f32 v1, v0;
	v1 =	vld [tilespmem:$0x1FEA0];
	_ =	sdelay $0x1  }
0x3a2: {  	v4 =	vld.idx.msk [tilespmem:v5+s15+$0x0], $0xffff  }
0x3a3: {  	v2 =	vmul.f32 v8, v3;
	_ =	sdelay $0x1  }
0x3a4: {  	v1 =	vmul.f32 v1, v2;
	v2 =	vmul.f32 v7, v11;
	_ =	sdelay $0x1  }
0x3a5: {  	v0 =	vadd.f32 v1, v0;
	v1 =	vmul.f32 v4, v2;
	_ =	sdelay $0x1  }
0x3a6: {  	v0 =	vadd.f32 v1, v0;
	_ =	sdelay $0x1  }
0x3a7: {  	v0 =	vsub.f32 $0.0e+00, v0;
	_ =	sdelay $0x1  }
0x3a8: {  	v0 =	vmul.f32 $1.442695020e+00, v0;
	_ =	sdelay $0x1  }
0x3a9: {  	(erf) = vpow2.f32 v0;
	_ =	sdelay $0x8  }
0x3aa: {  	v0 =	vpop (erf)  }
0x3ab: {  	v0 =	vadd.f32 $1.000000000e+00, v0;
	_ =	sdelay $0x1  }
0x3ac: {  	v1 =	vld [tilespmem:$0x1FFF0];
	(erf) = vrcp.f32 v0;
	_ =	sdelay $0x1  }
0x3ad: {  	s31 =	simm.s32 $0x10  }
0x3ae: {  	v0 =	vmov s31  }
0x3af: {  	v0 =	vshll.u32 v0, $0x7  }
0x3b0: {  	v6 =	vor.u32 v1, v0  }
0x3b1: {  	v3 =	vor.u32 $0x1E, v6  }
0x3b2: {  	v5 =	vor.u32 $0x1D, v6  }
0x3b3: {  	v8 =	vor.u32 $0x1C, v6  }
0x3b4: {  	s26 =	simm.s32 $0x18400;
	v10 =	vor.u32 $0x1B, v6;
	v0 =	vpop (erf)  }
0x3b5: {  	v16 =	vor.u32 $0x18, v6;
	[tilespmem:s26+$0x0] =	vst v0  }
0x3b6: {  	v18 =	vor.u32 $0x17, v6;
	v61 =	vld.idx.msk [tilespmem:v3+s15+$0x0], $0xffff  }
0x3b7: {  	v20 =	vor.u32 $0x16, v6;
	v62 =	vld.idx.msk [tilespmem:v5+s15+$0x0], $0xffff  }
0x3b8: {  	v22 =	vor.u32 $0x15, v6;
	v63 =	vld.idx.msk [tilespmem:v8+s15+$0x0], $0xffff  }
0x3b9: {  	v24 =	vor.u32 $0x14, v6;
	v0 =	vld.idx.msk [tilespmem:v10+s15+$0x0], $0xffff  }
0x3ba: {  	v26 =	vor.u32 $0x13, v6;
	v13 =	vld.idx.msk [tilespmem:v16+s15+$0x0], $0xffff  }
0x3bb: {  	v28 =	vor.u32 $0x12, v6;
	v15 =	vld.idx.msk [tilespmem:v18+s15+$0x0], $0xffff  }
0x3bc: {  	v30 =	vor.u32 $0x11, v6;
	v17 =	vld.idx.msk [tilespmem:v20+s15+$0x0], $0xffff  }
0x3bd: {  	v32 =	vor.u32 $0x10, v6;
	v19 =	vld.idx.msk [tilespmem:v22+s15+$0x0], $0xffff  }
0x3be: {  	v12 =	vor.u32 $0x1A, v6;
	v21 =	vld.idx.msk [tilespmem:v24+s15+$0x0], $0xffff  }
0x3bf: {  	v34 =	vor.u32 $0xF, v6;
	v23 =	vld.idx.msk [tilespmem:v26+s15+$0x0], $0xffff  }
0x3c0: {  	v36 =	vor.u32 $0xE, v6;
	v25 =	vld.idx.msk [tilespmem:v28+s15+$0x0], $0xffff  }
0x3c1: {  	v38 =	vor.u32 $0xD, v6;
	v27 =	vld.idx.msk [tilespmem:v30+s15+$0x0], $0xffff  }
0x3c2: {  	v41 =	vor.u32 $0xC, v6;
	v29 =	vld.idx.msk [tilespmem:v32+s15+$0x0], $0xffff  }
0x3c3: {  	v14 =	vor.u32 $0x19, v6;
	[tilespmem:$0x1FEB0] =	vst v0;
	v0 =	vld.idx.msk [tilespmem:v12+s15+$0x0], $0xffff  }
0x3c4: {  	v44 =	vor.u32 $0xB, v6;
	v31 =	vld.idx.msk [tilespmem:v34+s15+$0x0], $0xffff  }
0x3c5: {  	v46 =	vor.u32 $0xA, v6;
	v33 =	vld.idx.msk [tilespmem:v36+s15+$0x0], $0xffff  }
0x3c6: {  	v47 =	vor.u32 $0x9, v6;
	v35 =	vld.idx.msk [tilespmem:v38+s15+$0x0], $0xffff  }
0x3c7: {  	v48 =	vor.u32 $0x8, v6;
	v37 =	vld.idx.msk [tilespmem:v41+s15+$0x0], $0xffff  }
0x3c8: {  	[tilespmem:$0x1FEC0] =	vst v0;
	v0 =	vld.idx.msk [tilespmem:v14+s15+$0x0], $0xffff  }
0x3c9: {  	v39 =	vld.idx.msk [tilespmem:v44+s15+$0x0], $0xffff  }
0x3ca: {  	v40 =	vld.idx.msk [tilespmem:v46+s15+$0x0], $0xffff  }
0x3cb: {  	v43 =	vld.idx.msk [tilespmem:v47+s15+$0x0], $0xffff  }
0x3cc: {  	s28 =	simm.s32 $0x310;
	v49 =	vor.u32 $0x7, v6;
	v50 =	vor.u32 $0x6, v6;
	v45 =	vld.idx.msk [tilespmem:v48+s15+$0x0], $0xffff  }
0x3cd: {  	s29 =	simm.s32 $0x20;
	v51 =	vor.u32 $0x5, v6;
	v52 =	vor.u32 $0x4, v6;
	v53 =	vor.u32 $0x3, v6;
	v42 =	vld [tilespmem:s28+$0x0];
	[tilespmem:$0x1FED0] =	vst v0  }
.LBB2_6:
0x3ce: {  	_ =	sdelay $0x2  }
0x3cf: {  	v54 =	vld.idx.msk [tilespmem:v49+s15+$0x0], $0xffff  }
0x3d0: {  	v56 =	vld.idx.msk [tilespmem:v50+s15+$0x0], $0xffff  }
0x3d1: {  	v57 =	vld.idx.msk [tilespmem:v51+s15+$0x0], $0xffff  }
0x3d2: {  	v0 =	vor.u32 $0x2, v6;
	v58 =	vld.idx.msk [tilespmem:v52+s15+$0x0], $0xffff  }
0x3d3: {  	v55 =	vor.u32 $0x1, v6;
	v59 =	vld.idx.msk [tilespmem:v53+s15+$0x0], $0xffff  }
0x3d4: {  	v1 =	vld.idx.msk [tilespmem:v6+s14+$0x0], $0xffff;
	v42 =	vshll.u32 v42, $0x5  }
0x3d5: {  	v53 =	vld.idx.msk [tilespmem:v53+s14+$0x0], $0xffff;
	[tilespmem:$0x1FE60] =	vst v63  }
0x3d6: {  	[tilespmem:$0x1FE80] =	vst v61;
	v63 =	vld.idx.msk [tilespmem:v6+s15+$0x0], $0xffff;
	v61 =	vor.u32 $0x1, v42  }
0x3d7: {  	v60 =	vld.idx.msk [tilespmem:v0+s15+$0x0], $0xffff  }
0x3d8: {  	[tilespmem:$0x1FE70] =	vst v62;
	v62 =	vld.idx.msk [tilespmem:v55+s15+$0x0], $0xffff;
	v2 =	vor.u32 $0x2, v42  }
0x3d9: {  	v4 =	vld.idx.msk [tilespmem:v42+s12+$0x0], $0xffff  }
0x3da: {  	v55 =	vld.idx.msk [tilespmem:v55+s14+$0x0], $0xffff;
	v7 =	vor.u32 $0x3, v42  }
0x3db: {  	v61 =	vld.idx.msk [tilespmem:v61+s12+$0x0], $0xffff  }
0x3dc: {  	v0 =	vld.idx.msk [tilespmem:v0+s14+$0x0], $0xffff;
	v9 =	vor.u32 $0x4, v42  }
0x3dd: {  	v11 =	vor.u32 $0x5, v42;
	v2 =	vld.idx.msk [tilespmem:v2+s12+$0x0], $0xffff  }
0x3de: {  	v51 =	vld.idx.msk [tilespmem:v51+s14+$0x0], $0xffff;
	v1 =	vmul.f32 v4, v1  }
0x3df: {  	v4 =	vld.idx.msk [tilespmem:v7+s12+$0x0], $0xffff  }
0x3e0: {  	v7 =	vld.idx.msk [tilespmem:v52+s14+$0x0], $0xffff;
	v52 =	vor.u32 $0x6, v42;
	v55 =	vmul.f32 v61, v55;
	v1 =	vmul.f32 v63, v1  }
0x3e1: {  	v9 =	vld.idx.msk [tilespmem:v9+s12+$0x0], $0xffff;
	v61 =	vor.u32 $0x7, v42  }
0x3e2: {  	v0 =	vmul.f32 v2, v0;
	v2 =	vld.idx.msk [tilespmem:v11+s12+$0x0], $0xffff;
	v55 =	vmul.f32 v62, v55;
	v1 =	vadd.f32 $0.0e+00, v1  }
0x3e3: {  	v49 =	vld.idx.msk [tilespmem:v49+s14+$0x0], $0xffff;
	v63 =	vor.u32 $0x8, v42  }
0x3e4: {  	v11 =	vld.idx.msk [tilespmem:v50+s14+$0x0], $0xffff;
	v0 =	vmul.f32 v60, v0;
	v4 =	vmul.f32 v4, v53;
	v1 =	vadd.f32 v55, v1  }
0x3e5: {  	v60 =	vor.u32 $0x9, v42;
	v52 =	vld.idx.msk [tilespmem:v52+s12+$0x0], $0xffff  }
0x3e6: {  	v47 =	vld.idx.msk [tilespmem:v47+s14+$0x0], $0xffff;
	v0 =	vadd.f32 v0, v1;
	v1 =	vmul.f32 v59, v4;
	v4 =	vmul.f32 v9, v7  }
0x3e7: {  	v2 =	vmul.f32 v2, v51;
	v7 =	vld.idx.msk [tilespmem:v61+s12+$0x0], $0xffff  }
0x3e8: {  	v9 =	vld.idx.msk [tilespmem:v48+s14+$0x0], $0xffff;
	v61 =	vor.u32 $0xA, v42;
	v0 =	vadd.f32 v1, v0;
	v1 =	vmul.f32 v58, v4  }
0x3e9: {  	v62 =	vor.u32 $0xB, v42;
	v4 =	vld.idx.msk [tilespmem:v63+s12+$0x0], $0xffff  }
0x3ea: {  	v46 =	vld.idx.msk [tilespmem:v46+s14+$0x0], $0xffff;
	v0 =	vadd.f32 v1, v0;
	v1 =	vmul.f32 v57, v2;
	v2 =	vmul.f32 v52, v11  }
0x3eb: {  	v63 =	vor.u32 $0xC, v42;
	v11 =	vld.idx.msk [tilespmem:v60+s12+$0x0], $0xffff  }
0x3ec: {  	v44 =	vld.idx.msk [tilespmem:v44+s14+$0x0], $0xffff;
	v0 =	vadd.f32 v1, v0;
	v1 =	vmul.f32 v56, v2;
	v2 =	vmul.f32 v7, v49  }
0x3ed: {  	v55 =	vor.u32 $0xD, v42;
	v7 =	vld.idx.msk [tilespmem:v61+s12+$0x0], $0xffff  }
0x3ee: {  	v38 =	vld.idx.msk [tilespmem:v38+s14+$0x0], $0xffff;
	v0 =	vadd.f32 v1, v0;
	v1 =	vmul.f32 v54, v2;
	v2 =	vmul.f32 v4, v9  }
0x3ef: {  	v56 =	vor.u32 $0xE, v42;
	v4 =	vld.idx.msk [tilespmem:v62+s12+$0x0], $0xffff  }
0x3f0: {  	v9 =	vld.idx.msk [tilespmem:v41+s14+$0x0], $0xffff;
	v0 =	vadd.f32 v1, v0;
	v1 =	vmul.f32 v45, v2;
	v2 =	vmul.f32 v11, v47  }
0x3f1: {  	v57 =	vor.u32 $0xF, v42;
	v11 =	vld.idx.msk [tilespmem:v63+s12+$0x0], $0xffff  }
0x3f2: {  	v36 =	vld.idx.msk [tilespmem:v36+s14+$0x0], $0xffff;
	v0 =	vadd.f32 v1, v0;
	v1 =	vmul.f32 v43, v2;
	v2 =	vmul.f32 v7, v46  }
0x3f3: {  	v58 =	vor.u32 $0x10, v42;
	v7 =	vld.idx.msk [tilespmem:v55+s12+$0x0], $0xffff  }
0x3f4: {  	v34 =	vld.idx.msk [tilespmem:v34+s14+$0x0], $0xffff;
	v0 =	vadd.f32 v1, v0;
	v1 =	vmul.f32 v40, v2;
	v2 =	vmul.f32 v4, v44  }
0x3f5: {  	v59 =	vor.u32 $0x11, v42;
	v4 =	vld.idx.msk [tilespmem:v56+s12+$0x0], $0xffff  }
0x3f6: {  	v30 =	vld.idx.msk [tilespmem:v30+s14+$0x0], $0xffff;
	v0 =	vadd.f32 v1, v0;
	v1 =	vmul.f32 v39, v2;
	v2 =	vmul.f32 v11, v9  }
0x3f7: {  	v60 =	vor.u32 $0x12, v42;
	v9 =	vld.idx.msk [tilespmem:v57+s12+$0x0], $0xffff  }
0x3f8: {  	v11 =	vld.idx.msk [tilespmem:v32+s14+$0x0], $0xffff;
	v0 =	vadd.f32 v1, v0;
	v1 =	vmul.f32 v37, v2;
	v2 =	vmul.f32 v7, v38  }
0x3f9: {  	v61 =	vor.u32 $0x13, v42;
	v7 =	vld.idx.msk [tilespmem:v58+s12+$0x0], $0xffff  }
0x3fa: {  	v28 =	vld.idx.msk [tilespmem:v28+s14+$0x0], $0xffff;
	v0 =	vadd.f32 v1, v0;
	v1 =	vmul.f32 v35, v2;
	v2 =	vmul.f32 v4, v36  }
0x3fb: {  	v62 =	vor.u32 $0x14, v42;
	v4 =	vld.idx.msk [tilespmem:v59+s12+$0x0], $0xffff  }
0x3fc: {  	v26 =	vld.idx.msk [tilespmem:v26+s14+$0x0], $0xffff;
	v0 =	vadd.f32 v1, v0;
	v1 =	vmul.f32 v33, v2;
	v2 =	vmul.f32 v9, v34  }
0x3fd: {  	v63 =	vor.u32 $0x15, v42;
	v9 =	vld.idx.msk [tilespmem:v60+s12+$0x0], $0xffff  }
0x3fe: {  	v0 =	vadd.f32 v1, v0;
	v1 =	vmul.f32 v31, v2;
	v2 =	vmul.f32 v7, v11;
	v7 =	vld.idx.msk [tilespmem:v61+s12+$0x0], $0xffff  }
0x3ff: {  	v11 =	vld.idx.msk [tilespmem:v24+s14+$0x0], $0xffff;
	v24 =	vor.u32 $0x16, v42  }
0x400: {  	v0 =	vadd.f32 v1, v0;
	v1 =	vmul.f32 v29, v2;
	v2 =	vmul.f32 v4, v30  }
0x401: {  	v4 =	vld.idx.msk [tilespmem:v62+s12+$0x0], $0xffff;
	v29 =	vor.u32 $0x17, v42  }
0x402: {  	v22 =	vld.idx.msk [tilespmem:v22+s14+$0x0], $0xffff;
	v0 =	vadd.f32 v1, v0;
	v1 =	vmul.f32 v27, v2;
	v2 =	vmul.f32 v9, v28  }
0x403: {  	v9 =	vld.idx.msk [tilespmem:v63+s12+$0x0], $0xffff;
	v27 =	vor.u32 $0x18, v42  }
0x404: {  	v20 =	vld.idx.msk [tilespmem:v20+s14+$0x0], $0xffff;
	v0 =	vadd.f32 v1, v0;
	v1 =	vmul.f32 v25, v2;
	v2 =	vmul.f32 v7, v26  }
0x405: {  	v7 =	vld.idx.msk [tilespmem:v24+s12+$0x0], $0xffff  }
0x406: {  	v18 =	vld.idx.msk [tilespmem:v18+s14+$0x0], $0xffff;
	v0 =	vadd.f32 v1, v0;
	v1 =	vmul.f32 v23, v2;
	v2 =	vmul.f32 v4, v11  }
0x407: {  	v4 =	vld.idx.msk [tilespmem:v29+s12+$0x0], $0xffff  }
0x408: {  	v11 =	vld.idx.msk [tilespmem:v16+s14+$0x0], $0xffff;
	v0 =	vadd.f32 v1, v0;
	v1 =	vmul.f32 v21, v2;
	v2 =	vmul.f32 v9, v22  }
0x409: {  	v9 =	vld.idx.msk [tilespmem:v27+s12+$0x0], $0xffff  }
0x40a: {  	v0 =	vadd.f32 v1, v0;
	v1 =	vmul.f32 v19, v2;
	v2 =	vmul.f32 v7, v20  }
0x40b: {  	v24 =	vor.u32 $0x19, v42  }
0x40c: {  	v0 =	vadd.f32 v1, v0;
	v1 =	vmul.f32 v17, v2;
	v2 =	vmul.f32 v4, v18;
	_ =	sdelay $0x1  }
0x40d: {  	v0 =	vadd.f32 v1, v0;
	v1 =	vmul.f32 v15, v2;
	v2 =	vmul.f32 v9, v11  }
0x40e: {  	v14 =	vld.idx.msk [tilespmem:v14+s14+$0x0], $0xffff  }
0x40f: {  	v7 =	vld.idx.msk [tilespmem:v24+s12+$0x0], $0xffff;
	v0 =	vadd.f32 v1, v0;
	v1 =	vmul.f32 v13, v2;
	_ =	sdelay $0x1  }
0x410: {  	v16 =	vor.u32 $0x1A, v42;
	v0 =	vadd.f32 v1, v0;
	v1 =	vld [tilespmem:$0x1FED0];
	_ =	sdelay $0x2  }
0x411: {  	v2 =	vmul.f32 v7, v14  }
0x412: {  	v12 =	vld.idx.msk [tilespmem:v12+s14+$0x0], $0xffff  }
0x413: {  	v4 =	vld.idx.msk [tilespmem:v16+s12+$0x0], $0xffff;
	v1 =	vmul.f32 v1, v2;
	_ =	sdelay $0x1  }
0x414: {  	v21 =	vor.u32 $0x1B, v42;
	v0 =	vadd.f32 v1, v0;
	v1 =	vld [tilespmem:$0x1FEC0];
	_ =	sdelay $0x2  }
0x415: {  	v2 =	vmul.f32 v4, v12  }
0x416: {  	v10 =	vld.idx.msk [tilespmem:v10+s14+$0x0], $0xffff  }
0x417: {  	v9 =	vld.idx.msk [tilespmem:v21+s12+$0x0], $0xffff;
	v1 =	vmul.f32 v1, v2;
	_ =	sdelay $0x1  }
0x418: {  	v19 =	vor.u32 $0x1C, v42;
	v0 =	vadd.f32 v1, v0;
	v1 =	vld [tilespmem:$0x1FEB0];
	_ =	sdelay $0x2  }
0x419: {  	v2 =	vmul.f32 v9, v10  }
0x41a: {  	v8 =	vld.idx.msk [tilespmem:v8+s14+$0x0], $0xffff  }
0x41b: {  	v7 =	vld.idx.msk [tilespmem:v19+s12+$0x0], $0xffff;
	v1 =	vmul.f32 v1, v2;
	_ =	sdelay $0x1  }
0x41c: {  	v16 =	vor.u32 $0x1D, v42;
	v0 =	vadd.f32 v1, v0;
	v1 =	vld [tilespmem:$0x1FE60];
	_ =	sdelay $0x2  }
0x41d: {  	v2 =	vmul.f32 v7, v8  }
0x41e: {  	v5 =	vld.idx.msk [tilespmem:v5+s14+$0x0], $0xffff  }
0x41f: {  	v4 =	vld.idx.msk [tilespmem:v16+s12+$0x0], $0xffff;
	v1 =	vmul.f32 v1, v2  }
0x420: {  	v11 =	vor.u32 $0x1E, v42  }
0x421: {  	v6 =	vor.u32 $0x1F, v6;
	v0 =	vadd.f32 v1, v0;
	v1 =	vld [tilespmem:$0x1FE70]  }
0x422: {  	v13 =	vor.u32 $0x1F, v42;
	_ =	sdelay $0x1  }
0x423: {  	v3 =	vld.idx.msk [tilespmem:v3+s14+$0x0], $0xffff;
	v2 =	vmul.f32 v4, v5  }
0x424: {  	v9 =	vld.idx.msk [tilespmem:v11+s12+$0x0], $0xffff  }
0x425: {  	v10 =	vld.idx.msk [tilespmem:v6+s14+$0x0], $0xffff;
	v1 =	vmul.f32 v1, v2  }
0x426: {  	v7 =	vld.idx.msk [tilespmem:v13+s12+$0x0], $0xffff  }
0x427: {  	v0 =	vadd.f32 v1, v0;
	v1 =	vld [tilespmem:$0x1FE80];
	_ =	sdelay $0x1  }
0x428: {  	v4 =	vld.idx.msk [tilespmem:v6+s15+$0x0], $0xffff  }
0x429: {  	v2 =	vmul.f32 v9, v3;
	_ =	sdelay $0x1  }
0x42a: {  	v1 =	vmul.f32 v1, v2;
	v2 =	vmul.f32 v7, v10;
	_ =	sdelay $0x1  }
0x42b: {  	v0 =	vadd.f32 v1, v0;
	v1 =	vmul.f32 v4, v2;
	_ =	sdelay $0x1  }
0x42c: {  	v0 =	vadd.f32 v1, v0;
	_ =	sdelay $0x1  }
0x42d: {  	v0 =	vsub.f32 $0.0e+00, v0;
	_ =	sdelay $0x1  }
0x42e: {  	v0 =	vmul.f32 $1.442695020e+00, v0;
	_ =	sdelay $0x1  }
0x42f: {  	(erf) = vpow2.f32 v0;
	_ =	sdelay $0x8  }
0x430: {  	v0 =	vpop (erf)  }
0x431: {  	v0 =	vadd.f32 $1.000000000e+00, v0;
	_ =	sdelay $0x1  }
0x432: {  	v1 =	vld [tilespmem:$0x1FFF0];
	(erf) = vrcp.f32 v0;
	_ =	sdelay $0x2  }
0x433: {  	v0 =	vmov s29  }
0x434: {  	v0 =	vshll.u32 v0, $0x7  }
0x435: {  	v6 =	vor.u32 v1, v0  }
0x436: {  	v3 =	vor.u32 $0x1E, v6  }
0x437: {  	v5 =	vor.u32 $0x1D, v6  }
0x438: {  	v8 =	vor.u32 $0x1C, v6  }
0x439: {  	s26 =	sadd.s32 $0x10, s26;
	v10 =	vor.u32 $0x1B, v6;
	v0 =	vpop (erf)  }
0x43a: {  	v16 =	vor.u32 $0x18, v6;
	[tilespmem:s26+$0x0] =	vst v0  }
0x43b: {  	v18 =	vor.u32 $0x17, v6;
	v61 =	vld.idx.msk [tilespmem:v3+s15+$0x0], $0xffff  }
0x43c: {  	v20 =	vor.u32 $0x16, v6;
	v62 =	vld.idx.msk [tilespmem:v5+s15+$0x0], $0xffff  }
0x43d: {  	v22 =	vor.u32 $0x15, v6;
	v63 =	vld.idx.msk [tilespmem:v8+s15+$0x0], $0xffff  }
0x43e: {  	v24 =	vor.u32 $0x14, v6;
	v0 =	vld.idx.msk [tilespmem:v10+s15+$0x0], $0xffff  }
0x43f: {  	v26 =	vor.u32 $0x13, v6;
	v13 =	vld.idx.msk [tilespmem:v16+s15+$0x0], $0xffff  }
0x440: {  	v28 =	vor.u32 $0x12, v6;
	v15 =	vld.idx.msk [tilespmem:v18+s15+$0x0], $0xffff  }
0x441: {  	v30 =	vor.u32 $0x11, v6;
	v17 =	vld.idx.msk [tilespmem:v20+s15+$0x0], $0xffff  }
0x442: {  	v32 =	vor.u32 $0x10, v6;
	v19 =	vld.idx.msk [tilespmem:v22+s15+$0x0], $0xffff  }
0x443: {  	v12 =	vor.u32 $0x1A, v6;
	v21 =	vld.idx.msk [tilespmem:v24+s15+$0x0], $0xffff  }
0x444: {  	v34 =	vor.u32 $0xF, v6;
	v23 =	vld.idx.msk [tilespmem:v26+s15+$0x0], $0xffff  }
0x445: {  	v36 =	vor.u32 $0xE, v6;
	v25 =	vld.idx.msk [tilespmem:v28+s15+$0x0], $0xffff  }
0x446: {  	v38 =	vor.u32 $0xD, v6;
	v27 =	vld.idx.msk [tilespmem:v30+s15+$0x0], $0xffff  }
0x447: {  	v41 =	vor.u32 $0xC, v6;
	v29 =	vld.idx.msk [tilespmem:v32+s15+$0x0], $0xffff  }
0x448: {  	v14 =	vor.u32 $0x19, v6;
	[tilespmem:$0x1FEB0] =	vst v0;
	v0 =	vld.idx.msk [tilespmem:v12+s15+$0x0], $0xffff  }
0x449: {  	v44 =	vor.u32 $0xB, v6;
	v31 =	vld.idx.msk [tilespmem:v34+s15+$0x0], $0xffff  }
0x44a: {  	v46 =	vor.u32 $0xA, v6;
	v33 =	vld.idx.msk [tilespmem:v36+s15+$0x0], $0xffff  }
0x44b: {  	v47 =	vor.u32 $0x9, v6;
	v35 =	vld.idx.msk [tilespmem:v38+s15+$0x0], $0xffff  }
0x44c: {  	v48 =	vor.u32 $0x8, v6;
	v37 =	vld.idx.msk [tilespmem:v41+s15+$0x0], $0xffff  }
0x44d: {  	p0 =	sne.s32 s29, $0x70;
	[tilespmem:$0x1FEC0] =	vst v0;
	v0 =	vld.idx.msk [tilespmem:v14+s15+$0x0], $0xffff  }
.Ltmp2:
0x44e: {  	v39 =	vld.idx.msk [tilespmem:v44+s15+$0x0], $0xffff;
	(pc) =	sbr.rel @p0 .LBB2_6-.Ltmp2, $4  }
0x44f: {  	v40 =	vld.idx.msk [tilespmem:v46+s15+$0x0], $0xffff  }
0x450: {  	v43 =	vld.idx.msk [tilespmem:v47+s15+$0x0], $0xffff  }
0x451: {  	s28 =	sadd.s32 $0x10, s28;
	v49 =	vor.u32 $0x7, v6;
	v50 =	vor.u32 $0x6, v6;
	v45 =	vld.idx.msk [tilespmem:v48+s15+$0x0], $0xffff  }
0x452: {  	s29 =	sadd.s32 $0x10, s29;
	v51 =	vor.u32 $0x5, v6;
	v52 =	vor.u32 $0x4, v6;
	v53 =	vor.u32 $0x3, v6;
	v42 =	vld [tilespmem:s28+$0x0];
	[tilespmem:$0x1FED0] =	vst v0  }
0x453: {  	_ =	sdelay $0x3  }
0x454: {  	v0 =	vor.u32 $0x2, v6;
	v2 =	vld.idx.msk [tilespmem:v53+s15+$0x0], $0xffff  }
0x455: {  	v1 =	vor.u32 $0x1, v6;
	v11 =	vld.idx.msk [tilespmem:v6+s14+$0x0], $0xffff  }
0x456: {  	v53 =	vld.idx.msk [tilespmem:v53+s14+$0x0], $0xffff  }
0x457: {  	v58 =	vld.idx.msk [tilespmem:v6+s15+$0x0], $0xffff;
	v42 =	vshll.u32 v42, $0x5  }
0x458: {  	v59 =	vld.idx.msk [tilespmem:v52+s15+$0x0], $0xffff  }
0x459: {  	v4 =	vld.idx.msk [tilespmem:v0+s15+$0x0], $0xffff;
	v7 =	vor.u32 $0x1, v42  }
0x45a: {  	v9 =	vld.idx.msk [tilespmem:v1+s15+$0x0], $0xffff;
	v54 =	vor.u32 $0x2, v42  }
0x45b: {  	v1 =	vld.idx.msk [tilespmem:v1+s14+$0x0], $0xffff  }
0x45c: {  	v56 =	vor.u32 $0x3, v42;
	v55 =	vld.idx.msk [tilespmem:v42+s12+$0x0], $0xffff  }
0x45d: {  	v0 =	vld.idx.msk [tilespmem:v0+s14+$0x0], $0xffff;
	v57 =	vor.u32 $0x4, v42  }
0x45e: {  	v7 =	vld.idx.msk [tilespmem:v7+s12+$0x0], $0xffff  }
0x45f: {  	v54 =	vld.idx.msk [tilespmem:v54+s12+$0x0], $0xffff  }
0x460: {  	v52 =	vld.idx.msk [tilespmem:v52+s14+$0x0], $0xffff  }
0x461: {  	v56 =	vld.idx.msk [tilespmem:v56+s12+$0x0], $0xffff;
	v11 =	vmul.f32 v55, v11  }
0x462: {  	v60 =	vor.u32 $0x5, v42;
	v55 =	vld.idx.msk [tilespmem:v57+s12+$0x0], $0xffff  }
0x463: {  	v1 =	vmul.f32 v7, v1;
	v7 =	vld.idx.msk [tilespmem:v51+s15+$0x0], $0xffff;
	v11 =	vmul.f32 v58, v11  }
0x464: {  	v57 =	vor.u32 $0x6, v42;
	v51 =	vld.idx.msk [tilespmem:v51+s14+$0x0], $0xffff;
	v0 =	vmul.f32 v54, v0  }
0x465: {  	v54 =	vld.idx.msk [tilespmem:v49+s15+$0x0], $0xffff;
	v1 =	vmul.f32 v9, v1;
	v9 =	vadd.f32 $0.0e+00, v11  }
0x466: {  	v58 =	vor.u32 $0x7, v42;
	v0 =	vmul.f32 v4, v0;
	v4 =	vld.idx.msk [tilespmem:v50+s15+$0x0], $0xffff  }
0x467: {  	v11 =	vld.idx.msk [tilespmem:v60+s12+$0x0], $0xffff;
	v1 =	vadd.f32 v1, v9  }
0x468: {  	v50 =	vld.idx.msk [tilespmem:v50+s14+$0x0], $0xffff;
	v60 =	vor.u32 $0x8, v42;
	v9 =	vmul.f32 v56, v53  }
0x469: {  	v0 =	vadd.f32 v0, v1;
	v1 =	vld.idx.msk [tilespmem:v57+s12+$0x0], $0xffff  }
0x46a: {  	v49 =	vld.idx.msk [tilespmem:v49+s14+$0x0], $0xffff;
	v52 =	vmul.f32 v55, v52;
	v2 =	vmul.f32 v2, v9;
	v9 =	vor.u32 $0x9, v42  }
0x46b: {  	v56 =	vor.u32 $0xA, v42;
	v55 =	vld.idx.msk [tilespmem:v58+s12+$0x0], $0xffff  }
0x46c: {  	v48 =	vld.idx.msk [tilespmem:v48+s14+$0x0], $0xffff;
	v11 =	vmul.f32 v11, v51;
	v0 =	vadd.f32 v2, v0;
	v2 =	vmul.f32 v59, v52  }
0x46d: {  	v59 =	vld.idx.msk [tilespmem:v60+s12+$0x0], $0xffff;
	v60 =	vor.u32 $0xB, v42  }
0x46e: {  	v47 =	vld.idx.msk [tilespmem:v47+s14+$0x0], $0xffff;
	v0 =	vadd.f32 v2, v0;
	v2 =	vmul.f32 v7, v11;
	v1 =	vmul.f32 v1, v50  }
0x46f: {  	v7 =	vld.idx.msk [tilespmem:v9+s12+$0x0], $0xffff;
	v9 =	vor.u32 $0xC, v42  }
0x470: {  	v11 =	vld.idx.msk [tilespmem:v46+s14+$0x0], $0xffff;
	v0 =	vadd.f32 v2, v0;
	v2 =	vmul.f32 v55, v49;
	v1 =	vmul.f32 v4, v1  }
0x471: {  	v53 =	vor.u32 $0xD, v42;
	v4 =	vld.idx.msk [tilespmem:v56+s12+$0x0], $0xffff  }
0x472: {  	v44 =	vld.idx.msk [tilespmem:v44+s14+$0x0], $0xffff;
	v0 =	vadd.f32 v1, v0;
	v1 =	vmul.f32 v54, v2;
	v2 =	vmul.f32 v59, v48  }
0x473: {  	v55 =	vld.idx.msk [tilespmem:v60+s12+$0x0], $0xffff;
	v56 =	vor.u32 $0xE, v42  }
0x474: {  	v41 =	vld.idx.msk [tilespmem:v41+s14+$0x0], $0xffff;
	v0 =	vadd.f32 v1, v0;
	v1 =	vmul.f32 v45, v2;
	v2 =	vmul.f32 v7, v47  }
0x475: {  	v7 =	vld.idx.msk [tilespmem:v9+s12+$0x0], $0xffff;
	v9 =	vor.u32 $0xF, v42  }
0x476: {  	v38 =	vld.idx.msk [tilespmem:v38+s14+$0x0], $0xffff;
	v0 =	vadd.f32 v1, v0;
	v1 =	vmul.f32 v43, v2;
	v2 =	vmul.f32 v4, v11  }
0x477: {  	v4 =	vld.idx.msk [tilespmem:v53+s12+$0x0], $0xffff;
	v11 =	vor.u32 $0x10, v42  }
0x478: {  	v36 =	vld.idx.msk [tilespmem:v36+s14+$0x0], $0xffff;
	v0 =	vadd.f32 v1, v0;
	v1 =	vmul.f32 v40, v2;
	v2 =	vmul.f32 v55, v44  }
0x479: {  	v58 =	vor.u32 $0x11, v42;
	v57 =	vld.idx.msk [tilespmem:v56+s12+$0x0], $0xffff  }
0x47a: {  	v34 =	vld.idx.msk [tilespmem:v34+s14+$0x0], $0xffff;
	v0 =	vadd.f32 v1, v0;
	v1 =	vmul.f32 v39, v2;
	v2 =	vmul.f32 v7, v41  }
0x47b: {  	v7 =	vld.idx.msk [tilespmem:v9+s12+$0x0], $0xffff;
	v9 =	vor.u32 $0x12, v42  }
0x47c: {  	v32 =	vld.idx.msk [tilespmem:v32+s14+$0x0], $0xffff;
	v0 =	vadd.f32 v1, v0;
	v1 =	vmul.f32 v37, v2;
	v2 =	vmul.f32 v4, v38  }
0x47d: {  	v4 =	vld.idx.msk [tilespmem:v11+s12+$0x0], $0xffff;
	v11 =	vor.u32 $0x13, v42  }
0x47e: {  	v30 =	vld.idx.msk [tilespmem:v30+s14+$0x0], $0xffff;
	v0 =	vadd.f32 v1, v0;
	v1 =	vmul.f32 v35, v2;
	v2 =	vmul.f32 v57, v36  }
0x47f: {  	v60 =	vor.u32 $0x14, v42;
	v59 =	vld.idx.msk [tilespmem:v58+s12+$0x0], $0xffff  }
0x480: {  	v28 =	vld.idx.msk [tilespmem:v28+s14+$0x0], $0xffff;
	v0 =	vadd.f32 v1, v0;
	v1 =	vmul.f32 v33, v2;
	v2 =	vmul.f32 v7, v34  }
0x481: {  	v7 =	vld.idx.msk [tilespmem:v9+s12+$0x0], $0xffff;
	v9 =	vor.u32 $0x15, v42  }
0x482: {  	v26 =	vld.idx.msk [tilespmem:v26+s14+$0x0], $0xffff;
	v0 =	vadd.f32 v1, v0;
	v1 =	vmul.f32 v31, v2;
	v2 =	vmul.f32 v4, v32  }
0x483: {  	v4 =	vld.idx.msk [tilespmem:v11+s12+$0x0], $0xffff;
	v11 =	vor.u32 $0x16, v42  }
0x484: {  	v24 =	vld.idx.msk [tilespmem:v24+s14+$0x0], $0xffff;
	v0 =	vadd.f32 v1, v0;
	v1 =	vmul.f32 v29, v2;
	v2 =	vmul.f32 v59, v30  }
0x485: {  	v29 =	vld.idx.msk [tilespmem:v60+s12+$0x0], $0xffff;
	v30 =	vor.u32 $0x17, v42  }
0x486: {  	v22 =	vld.idx.msk [tilespmem:v22+s14+$0x0], $0xffff;
	v0 =	vadd.f32 v1, v0;
	v1 =	vmul.f32 v27, v2;
	v2 =	vmul.f32 v7, v28  }
0x487: {  	v7 =	vld.idx.msk [tilespmem:v9+s12+$0x0], $0xffff;
	v9 =	vor.u32 $0x18, v42  }
0x488: {  	v20 =	vld.idx.msk [tilespmem:v20+s14+$0x0], $0xffff;
	v0 =	vadd.f32 v1, v0;
	v1 =	vmul.f32 v25, v2;
	v2 =	vmul.f32 v4, v26  }
0x489: {  	v4 =	vld.idx.msk [tilespmem:v11+s12+$0x0], $0xffff  }
0x48a: {  	v18 =	vld.idx.msk [tilespmem:v18+s14+$0x0], $0xffff;
	v0 =	vadd.f32 v1, v0;
	v1 =	vmul.f32 v23, v2;
	v2 =	vmul.f32 v29, v24  }
0x48b: {  	v23 =	vld.idx.msk [tilespmem:v30+s12+$0x0], $0xffff  }
0x48c: {  	v16 =	vld.idx.msk [tilespmem:v16+s14+$0x0], $0xffff;
	v0 =	vadd.f32 v1, v0;
	v1 =	vmul.f32 v21, v2;
	v2 =	vmul.f32 v7, v22  }
0x48d: {  	v7 =	vld.idx.msk [tilespmem:v9+s12+$0x0], $0xffff  }
0x48e: {  	v0 =	vadd.f32 v1, v0;
	v1 =	vmul.f32 v19, v2;
	v2 =	vmul.f32 v4, v20  }
0x48f: {  	v11 =	vor.u32 $0x19, v42  }
0x490: {  	v0 =	vadd.f32 v1, v0;
	v1 =	vmul.f32 v17, v2;
	v2 =	vmul.f32 v23, v18;
	_ =	sdelay $0x1  }
0x491: {  	v0 =	vadd.f32 v1, v0;
	v1 =	vmul.f32 v15, v2;
	v2 =	vmul.f32 v7, v16  }
0x492: {  	v14 =	vld.idx.msk [tilespmem:v14+s14+$0x0], $0xffff  }
0x493: {  	v4 =	vld.idx.msk [tilespmem:v11+s12+$0x0], $0xffff;
	v0 =	vadd.f32 v1, v0;
	v1 =	vmul.f32 v13, v2;
	_ =	sdelay $0x1  }
0x494: {  	v24 =	vor.u32 $0x1A, v42;
	v0 =	vadd.f32 v1, v0;
	v1 =	vld [tilespmem:$0x1FED0];
	_ =	sdelay $0x2  }
0x495: {  	v2 =	vmul.f32 v4, v14  }
0x496: {  	v12 =	vld.idx.msk [tilespmem:v12+s14+$0x0], $0xffff  }
0x497: {  	v17 =	vld.idx.msk [tilespmem:v24+s12+$0x0], $0xffff;
	v1 =	vmul.f32 v1, v2;
	_ =	sdelay $0x1  }
0x498: {  	v9 =	vor.u32 $0x1B, v42;
	v0 =	vadd.f32 v1, v0;
	v1 =	vld [tilespmem:$0x1FEC0]  }
0x499: {  	v11 =	vor.u32 $0x1C, v42;
	_ =	sdelay $0x1  }
0x49a: {  	v10 =	vld.idx.msk [tilespmem:v10+s14+$0x0], $0xffff;
	v2 =	vmul.f32 v17, v12  }
0x49b: {  	v8 =	vld.idx.msk [tilespmem:v8+s14+$0x0], $0xffff;
	v18 =	vor.u32 $0x1D, v42  }
0x49c: {  	v7 =	vld.idx.msk [tilespmem:v9+s12+$0x0], $0xffff;
	v1 =	vmul.f32 v1, v2  }
0x49d: {  	v9 =	vor.u32 $0x1E, v42;
	v4 =	vor.u32 $0x1F, v6;
	v6 =	vld.idx.msk [tilespmem:v11+s12+$0x0], $0xffff  }
0x49e: {  	v0 =	vadd.f32 v1, v0;
	v1 =	vld [tilespmem:$0x1FEB0]  }
0x49f: {  	v5 =	vld.idx.msk [tilespmem:v5+s14+$0x0], $0xffff;
	v11 =	vor.u32 $0x1F, v42  }
0x4a0: {  	v12 =	vld.idx.msk [tilespmem:v18+s12+$0x0], $0xffff  }
0x4a1: {  	v3 =	vld.idx.msk [tilespmem:v3+s14+$0x0], $0xffff;
	v2 =	vmul.f32 v7, v10  }
0x4a2: {  	v7 =	vld.idx.msk [tilespmem:v9+s12+$0x0], $0xffff  }
0x4a3: {  	v9 =	vld.idx.msk [tilespmem:v4+s14+$0x0], $0xffff;
	v1 =	vmul.f32 v1, v2;
	v2 =	vmul.f32 v6, v8  }
0x4a4: {  	v6 =	vld.idx.msk [tilespmem:v11+s12+$0x0], $0xffff  }
0x4a5: {  	v0 =	vadd.f32 v1, v0;
	v1 =	vmul.f32 v63, v2;
	v2 =	vmul.f32 v12, v5  }
0x4a6: {  	v4 =	vld.idx.msk [tilespmem:v4+s15+$0x0], $0xffff  }
0x4a7: {  	v0 =	vadd.f32 v1, v0;
	v1 =	vmul.f32 v62, v2;
	v2 =	vmul.f32 v7, v3;
	_ =	sdelay $0x1  }
0x4a8: {  	v0 =	vadd.f32 v1, v0;
	v1 =	vmul.f32 v61, v2;
	v2 =	vmul.f32 v6, v9;
	_ =	sdelay $0x1  }
0x4a9: {  	v0 =	vadd.f32 v1, v0;
	v1 =	vmul.f32 v4, v2;
	_ =	sdelay $0x1  }
0x4aa: {  	v0 =	vadd.f32 v1, v0;
	_ =	sdelay $0x1  }
0x4ab: {  	v0 =	vsub.f32 $0.0e+00, v0;
	_ =	sdelay $0x1  }
0x4ac: {  	v0 =	vmul.f32 $1.442695020e+00, v0;
	_ =	sdelay $0x1  }
0x4ad: {  	(erf) = vpow2.f32 v0;
	_ =	sdelay $0x8  }
0x4ae: {  	v0 =	vpop (erf)  }
0x4af: {  	v0 =	vadd.f32 $1.000000000e+00, v0;
	_ =	sdelay $0x1  }
0x4b0: {  	(erf) = vrcp.f32 v0;
	_ =	sdelay $0x8  }
0x4b1: {  	s26 =	sadd.s32 $0x10, s26;
	v0 =	vpop (erf)  }
0x4b2: {  	s28 =	simm.s32 $0x0;
	[tilespmem:s26+$0x0] =	vst v0  }
0x4b3: {  	v1 =	vmov s28;
	_ =	swait.ge [sflag:s16], $0x4000  }
0x4b4: {  	v0 =	vshll.u32 v1, $0x7;
	v1 =	vld [tilespmem:$0x1FFF0];
	_ =	sdelay $0x3  }
0x4b5: {  	[sflag:s16] =	ssyncset.done $0x0  }
0x4b6: {  	[sflag:s16] =	ssyncadd.s32 $0xFFFFC000;
	v5 =	vor.u32 v1, v0  }
0x4b7: {  	_ =	swait.ge [sflag:s16], $0x4000  }
0x4b8: {  	[sflag:s16] =	ssyncset.done $0x0;
	v3 =	vor.u32 $0x1E, v5  }
0x4b9: {  	s30 =	simm.s32 $0x380;
	[sflag:s16] =	ssyncadd.s32 $0xFFFFC000;
	v8 =	vor.u32 $0x1C, v5  }
0x4ba: {  	v21 =	vld [tilespmem:s30+$0x0];
	v11 =	vor.u32 $0x1B, v5  }
0x4bb: {  	v12 =	vor.u32 $0x1A, v5;
	v57 =	vld.idx.msk [tilespmem:v5+s19+$0x0], $0xffff  }
0x4bc: {  	v14 =	vor.u32 $0x19, v5;
	v58 =	vld.idx.msk [tilespmem:v5+s17+$0x0], $0xffff  }
0x4bd: {  	v16 =	vor.u32 $0x18, v5;
	v0 =	vld.idx.msk [tilespmem:v3+s19+$0x0], $0xffff  }
0x4be: {  	v18 =	vor.u32 $0x17, v5;
	v4 =	vld.idx.msk [tilespmem:v8+s19+$0x0], $0xffff  }
0x4bf: {  	v20 =	vor.u32 $0x16, v5;
	v7 =	vld.idx.msk [tilespmem:v11+s19+$0x0], $0xffff  }
0x4c0: {  	v23 =	vor.u32 $0x15, v5;
	v9 =	vld.idx.msk [tilespmem:v12+s19+$0x0], $0xffff  }
0x4c1: {  	v25 =	vor.u32 $0x14, v5;
	v10 =	vld.idx.msk [tilespmem:v14+s19+$0x0], $0xffff  }
0x4c2: {  	v27 =	vor.u32 $0x13, v5;
	v13 =	vld.idx.msk [tilespmem:v16+s19+$0x0], $0xffff  }
0x4c3: {  	v29 =	vor.u32 $0x12, v5;
	v15 =	vld.idx.msk [tilespmem:v18+s19+$0x0], $0xffff  }
0x4c4: {  	v31 =	vor.u32 $0x11, v5;
	v17 =	vld.idx.msk [tilespmem:v20+s19+$0x0], $0xffff  }
0x4c5: {  	v2 =	vor.u32 $0x10, v5;
	v19 =	vld.idx.msk [tilespmem:v23+s19+$0x0], $0xffff  }
0x4c6: {  	v33 =	vor.u32 $0xF, v5;
	v22 =	vld.idx.msk [tilespmem:v25+s19+$0x0], $0xffff  }
0x4c7: {  	v34 =	vor.u32 $0xE, v5;
	v24 =	vld.idx.msk [tilespmem:v27+s19+$0x0], $0xffff  }
0x4c8: {  	v35 =	vor.u32 $0xD, v5;
	v26 =	vld.idx.msk [tilespmem:v29+s19+$0x0], $0xffff  }
0x4c9: {  	v36 =	vor.u32 $0xC, v5;
	v28 =	vld.idx.msk [tilespmem:v31+s19+$0x0], $0xffff  }
0x4ca: {  	v37 =	vor.u32 $0xB, v5;
	v30 =	vld.idx.msk [tilespmem:v2+s19+$0x0], $0xffff  }
0x4cb: {  	v38 =	vor.u32 $0xA, v5;
	v32 =	vld.idx.msk [tilespmem:v33+s19+$0x0], $0xffff  }
0x4cc: {  	v40 =	vor.u32 $0x9, v5;
	v39 =	vld.idx.msk [tilespmem:v34+s19+$0x0], $0xffff  }
0x4cd: {  	v43 =	vor.u32 $0x7, v5;
	v41 =	vld.idx.msk [tilespmem:v35+s19+$0x0], $0xffff  }
0x4ce: {  	v45 =	vor.u32 $0x5, v5;
	v42 =	vld.idx.msk [tilespmem:v36+s19+$0x0], $0xffff  }
0x4cf: {  	v46 =	vor.u32 $0x3, v5;
	v44 =	vld.idx.msk [tilespmem:v37+s19+$0x0], $0xffff  }
0x4d0: {  	v48 =	vor.u32 $0x2, v5;
	v47 =	vld.idx.msk [tilespmem:v38+s19+$0x0], $0xffff  }
0x4d1: {  	v50 =	vor.u32 $0x1, v5;
	v49 =	vld.idx.msk [tilespmem:v40+s19+$0x0], $0xffff  }
0x4d2: {  	v51 =	vld.idx.msk [tilespmem:v43+s19+$0x0], $0xffff  }
0x4d3: {  	v52 =	vld.idx.msk [tilespmem:v45+s19+$0x0], $0xffff  }
0x4d4: {  	v21 =	vshll.u32 v21, $0x5;
	v53 =	vld.idx.msk [tilespmem:v46+s19+$0x0], $0xffff  }
0x4d5: {  	v6 =	vor.u32 $0x1D, v5;
	v54 =	vld.idx.msk [tilespmem:v48+s19+$0x0], $0xffff  }
0x4d6: {  	v56 =	vld.idx.msk [tilespmem:v50+s19+$0x0], $0xffff  }
0x4d7: {  	v55 =	vor.u32 $0x1, v21;
	v50 =	vld.idx.msk [tilespmem:v50+s17+$0x0], $0xffff  }
0x4d8: {  	v59 =	vor.u32 $0x2, v21;
	v48 =	vld.idx.msk [tilespmem:v48+s17+$0x0], $0xffff  }
0x4d9: {  	v62 =	vor.u32 $0x4, v5;
	v60 =	vld.idx.msk [tilespmem:v21+s12+$0x0], $0xffff  }
0x4da: {  	[tilespmem:$0x1FE20] =	vst v0;
	v0 =	vld.idx.msk [tilespmem:v6+s19+$0x0], $0xffff  }
0x4db: {  	v61 =	vor.u32 $0x3, v21;
	v46 =	vld.idx.msk [tilespmem:v46+s17+$0x0], $0xffff  }
0x4dc: {  	v55 =	vld.idx.msk [tilespmem:v55+s12+$0x0], $0xffff  }
0x4dd: {  	v63 =	vor.u32 $0x4, v21;
	v59 =	vld.idx.msk [tilespmem:v59+s12+$0x0], $0xffff  }
0x4de: {  	v1 =	vld.idx.msk [tilespmem:v62+s19+$0x0], $0xffff;
	v58 =	vmul.f32 v60, v58;
	v60 =	vor.u32 $0x5, v21  }
0x4df: {  	v45 =	vld.idx.msk [tilespmem:v45+s17+$0x0], $0xffff;
	[tilespmem:$0x1FE10] =	vst v0;
	v0 =	vor.u32 $0x6, v5  }
0x4e0: {  	v61 =	vld.idx.msk [tilespmem:v61+s12+$0x0], $0xffff  }
0x4e1: {  	v50 =	vmul.f32 v55, v50;
	v55 =	vld.idx.msk [tilespmem:v62+s17+$0x0], $0xffff;
	v62 =	vor.u32 $0x6, v21;
	v57 =	vmul.f32 v57, v58  }
0x4e2: {  	v48 =	vmul.f32 v59, v48;
	v58 =	vld.idx.msk [tilespmem:v63+s12+$0x0], $0xffff  }
0x4e3: {  	v50 =	vmul.f32 v56, v50;
	v63 =	vadd.f32 $0.0e+00, v57;
	v57 =	vor.u32 $0x7, v21;
	v59 =	vld.idx.msk [tilespmem:v60+s12+$0x0], $0xffff  }
0x4e4: {  	v48 =	vmul.f32 v54, v48;
	v54 =	vor.u32 $0x8, v21;
	v60 =	vld.idx.msk [tilespmem:v0+s19+$0x0], $0xffff  }
0x4e5: {  	v46 =	vmul.f32 v61, v46;
	v56 =	vor.u32 $0x8, v5;
	v50 =	vadd.f32 v50, v63;
	v0 =	vld.idx.msk [tilespmem:v0+s17+$0x0], $0xffff  }
0x4e6: {  	v61 =	vld.idx.msk [tilespmem:v62+s12+$0x0], $0xffff  }
0x4e7: {  	v43 =	vld.idx.msk [tilespmem:v43+s17+$0x0], $0xffff;
	v46 =	vmul.f32 v53, v46;
	v62 =	vmul.f32 v58, v55;
	v48 =	vadd.f32 v48, v50  }
0x4e8: {  	v63 =	vor.u32 $0x9, v21;
	v58 =	vor.u32 $0xA, v21;
	v57 =	vld.idx.msk [tilespmem:v57+s12+$0x0], $0xffff  }
0x4e9: {  	v54 =	vld.idx.msk [tilespmem:v54+s12+$0x0], $0xffff;
	v1 =	vmul.f32 v1, v62;
	v46 =	vadd.f32 v46, v48;
	v45 =	vmul.f32 v59, v45  }
0x4ea: {  	v48 =	vld.idx.msk [tilespmem:v56+s17+$0x0], $0xffff  }
0x4eb: {  	v40 =	vld.idx.msk [tilespmem:v40+s17+$0x0], $0xffff;
	v0 =	vmul.f32 v61, v0;
	v1 =	vadd.f32 v1, v46;
	v45 =	vmul.f32 v52, v45  }
0x4ec: {  	v62 =	vor.u32 $0xB, v21;
	v59 =	vld.idx.msk [tilespmem:v56+s19+$0x0], $0xffff  }
0x4ed: {  	v63 =	vld.idx.msk [tilespmem:v63+s12+$0x0], $0xffff;
	v0 =	vmul.f32 v60, v0;
	v1 =	vadd.f32 v45, v1;
	v43 =	vmul.f32 v57, v43  }
0x4ee: {  	v56 =	vor.u32 $0xC, v21;
	v57 =	vld.idx.msk [tilespmem:v58+s12+$0x0], $0xffff;
	v58 =	vor.u32 $0xD, v21  }
0x4ef: {  	v38 =	vld.idx.msk [tilespmem:v38+s17+$0x0], $0xffff;
	v48 =	vmul.f32 v54, v48;
	v0 =	vadd.f32 v0, v1;
	v1 =	vmul.f32 v51, v43  }
0x4f0: {  	v37 =	vld.idx.msk [tilespmem:v37+s17+$0x0], $0xffff  }
0x4f1: {  	v0 =	vadd.f32 v1, v0;
	v1 =	vmul.f32 v59, v48;
	v59 =	vld.idx.msk [tilespmem:v62+s12+$0x0], $0xffff  }
0x4f2: {  	v36 =	vld.idx.msk [tilespmem:v36+s17+$0x0], $0xffff;
	v60 =	vor.u32 $0xE, v21;
	v40 =	vmul.f32 v63, v40  }
0x4f3: {  	v61 =	vld.idx.msk [tilespmem:v56+s12+$0x0], $0xffff;
	v62 =	vor.u32 $0xF, v21  }
0x4f4: {  	v40 =	vmul.f32 v49, v40;
	v38 =	vmul.f32 v57, v38;
	v63 =	vld.idx.msk [tilespmem:v58+s12+$0x0], $0xffff;
	v0 =	vadd.f32 v1, v0  }
0x4f5: {  	v52 =	vor.u32 $0x10, v21;
	v1 =	vld.idx.msk [tilespmem:v35+s17+$0x0], $0xffff  }
0x4f6: {  	v34 =	vld.idx.msk [tilespmem:v34+s17+$0x0], $0xffff;
	v38 =	vmul.f32 v47, v38;
	v0 =	vadd.f32 v40, v0;
	v37 =	vmul.f32 v59, v37  }
0x4f7: {  	v54 =	vor.u32 $0x11, v21;
	v53 =	vld.idx.msk [tilespmem:v60+s12+$0x0], $0xffff  }
0x4f8: {  	v33 =	vld.idx.msk [tilespmem:v33+s17+$0x0], $0xffff;
	v36 =	vmul.f32 v61, v36;
	v0 =	vadd.f32 v38, v0;
	v37 =	vmul.f32 v44, v37  }
0x4f9: {  	v55 =	vor.u32 $0x12, v21;
	v35 =	vld.idx.msk [tilespmem:v62+s12+$0x0], $0xffff  }
0x4fa: {  	v2 =	vld.idx.msk [tilespmem:v2+s17+$0x0], $0xffff;
	v36 =	vmul.f32 v42, v36;
	v1 =	vmul.f32 v63, v1;
	v0 =	vadd.f32 v37, v0  }
0x4fb: {  	v56 =	vld.idx.msk [tilespmem:v52+s12+$0x0], $0xffff;
	v57 =	vor.u32 $0x13, v21  }
0x4fc: {  	v31 =	vld.idx.msk [tilespmem:v31+s17+$0x0], $0xffff;
	v34 =	vmul.f32 v53, v34;
	v1 =	vmul.f32 v41, v1;
	v0 =	vadd.f32 v36, v0  }
0x4fd: {  	v58 =	vld.idx.msk [tilespmem:v54+s12+$0x0], $0xffff;
	v59 =	vor.u32 $0x14, v21  }
0x4fe: {  	v29 =	vld.idx.msk [tilespmem:v29+s17+$0x0], $0xffff;
	v33 =	vmul.f32 v35, v33;
	v0 =	vadd.f32 v1, v0;
	v1 =	vmul.f32 v39, v34  }
0x4ff: {  	v60 =	vld.idx.msk [tilespmem:v55+s12+$0x0], $0xffff;
	v61 =	vor.u32 $0x15, v21  }
0x500: {  	v27 =	vld.idx.msk [tilespmem:v27+s17+$0x0], $0xffff;
	v2 =	vmul.f32 v56, v2;
	v0 =	vadd.f32 v1, v0;
	v1 =	vmul.f32 v32, v33  }
0x501: {  	v62 =	vld.idx.msk [tilespmem:v57+s12+$0x0], $0xffff;
	v63 =	vor.u32 $0x16, v21  }
0x502: {  	v25 =	vld.idx.msk [tilespmem:v25+s17+$0x0], $0xffff;
	v0 =	vadd.f32 v1, v0;
	v1 =	vmul.f32 v30, v2;
	v2 =	vmul.f32 v58, v31  }
0x503: {  	v30 =	vld.idx.msk [tilespmem:v59+s12+$0x0], $0xffff;
	v31 =	vor.u32 $0x17, v21  }
0x504: {  	v23 =	vld.idx.msk [tilespmem:v23+s17+$0x0], $0xffff;
	v0 =	vadd.f32 v1, v0;
	v1 =	vmul.f32 v28, v2;
	v2 =	vmul.f32 v60, v29  }
0x505: {  	v28 =	vld.idx.msk [tilespmem:v61+s12+$0x0], $0xffff;
	v29 =	vor.u32 $0x18, v21  }
0x506: {  	v20 =	vld.idx.msk [tilespmem:v20+s17+$0x0], $0xffff;
	v0 =	vadd.f32 v1, v0;
	v1 =	vmul.f32 v26, v2;
	v2 =	vmul.f32 v62, v27  }
0x507: {  	v26 =	vld.idx.msk [tilespmem:v63+s12+$0x0], $0xffff;
	v27 =	vor.u32 $0x19, v21  }
0x508: {  	v18 =	vld.idx.msk [tilespmem:v18+s17+$0x0], $0xffff;
	v0 =	vadd.f32 v1, v0;
	v1 =	vmul.f32 v24, v2;
	v2 =	vmul.f32 v30, v25  }
0x509: {  	v24 =	vld.idx.msk [tilespmem:v31+s12+$0x0], $0xffff;
	v25 =	vor.u32 $0x1A, v21  }
0x50a: {  	v16 =	vld.idx.msk [tilespmem:v16+s17+$0x0], $0xffff;
	v0 =	vadd.f32 v1, v0;
	v1 =	vmul.f32 v22, v2;
	v2 =	vmul.f32 v28, v23  }
0x50b: {  	v22 =	vld.idx.msk [tilespmem:v29+s12+$0x0], $0xffff;
	v23 =	vor.u32 $0x1B, v21  }
0x50c: {  	v14 =	vld.idx.msk [tilespmem:v14+s17+$0x0], $0xffff;
	v0 =	vadd.f32 v1, v0;
	v1 =	vmul.f32 v19, v2;
	v2 =	vmul.f32 v26, v20  }
0x50d: {  	v19 =	vld.idx.msk [tilespmem:v27+s12+$0x0], $0xffff;
	v20 =	vor.u32 $0x1C, v21  }
0x50e: {  	v12 =	vld.idx.msk [tilespmem:v12+s17+$0x0], $0xffff;
	v0 =	vadd.f32 v1, v0;
	v1 =	vmul.f32 v17, v2;
	v2 =	vmul.f32 v24, v18  }
0x50f: {  	v17 =	vld.idx.msk [tilespmem:v25+s12+$0x0], $0xffff  }
0x510: {  	v11 =	vld.idx.msk [tilespmem:v11+s17+$0x0], $0xffff;
	v0 =	vadd.f32 v1, v0;
	v1 =	vmul.f32 v15, v2;
	v2 =	vmul.f32 v22, v16  }
0x511: {  	v15 =	vld.idx.msk [tilespmem:v23+s12+$0x0], $0xffff  }
0x512: {  	v8 =	vld.idx.msk [tilespmem:v8+s17+$0x0], $0xffff;
	v0 =	vadd.f32 v1, v0;
	v1 =	vmul.f32 v13, v2;
	v2 =	vmul.f32 v19, v14  }
0x513: {  	v13 =	vld.idx.msk [tilespmem:v20+s12+$0x0], $0xffff  }
0x514: {  	v0 =	vadd.f32 v1, v0;
	v1 =	vmul.f32 v10, v2;
	v2 =	vmul.f32 v17, v12  }
0x515: {  	v18 =	vor.u32 $0x1D, v21  }
0x516: {  	v0 =	vadd.f32 v1, v0;
	v1 =	vmul.f32 v9, v2;
	v2 =	vmul.f32 v15, v11;
	_ =	sdelay $0x1  }
0x517: {  	v0 =	vadd.f32 v1, v0;
	v1 =	vmul.f32 v7, v2;
	v2 =	vmul.f32 v13, v8  }
0x518: {  	v6 =	vld.idx.msk [tilespmem:v6+s17+$0x0], $0xffff  }
0x519: {  	v10 =	vld.idx.msk [tilespmem:v18+s12+$0x0], $0xffff;
	v0 =	vadd.f32 v1, v0;
	v1 =	vmul.f32 v4, v2  }
0x51a: {  	v16 =	vor.u32 $0x1E, v21  }
0x51b: {  	v5 =	vor.u32 $0x1F, v5;
	v0 =	vadd.f32 v1, v0;
	v1 =	vld [tilespmem:$0x1FE10]  }
0x51c: {  	v14 =	vor.u32 $0x1F, v21;
	_ =	sdelay $0x1  }
0x51d: {  	v3 =	vld.idx.msk [tilespmem:v3+s17+$0x0], $0xffff;
	v2 =	vmul.f32 v10, v6  }
0x51e: {  	v9 =	vld.idx.msk [tilespmem:v16+s12+$0x0], $0xffff  }
0x51f: {  	v11 =	vld.idx.msk [tilespmem:v5+s17+$0x0], $0xffff;
	v1 =	vmul.f32 v1, v2  }
0x520: {  	v7 =	vld.idx.msk [tilespmem:v14+s12+$0x0], $0xffff  }
0x521: {  	v0 =	vadd.f32 v1, v0;
	v1 =	vld [tilespmem:$0x1FE20];
	_ =	sdelay $0x1  }
0x522: {  	v4 =	vld.idx.msk [tilespmem:v5+s19+$0x0], $0xffff  }
0x523: {  	v2 =	vmul.f32 v9, v3;
	_ =	sdelay $0x1  }
0x524: {  	v1 =	vmul.f32 v1, v2;
	v2 =	vmul.f32 v7, v11;
	_ =	sdelay $0x1  }
0x525: {  	v0 =	vadd.f32 v1, v0;
	v1 =	vmul.f32 v4, v2;
	_ =	sdelay $0x1  }
0x526: {  	v0 =	vadd.f32 v1, v0;
	_ =	sdelay $0x1  }
0x527: {  	v0 =	vsub.f32 $0.0e+00, v0;
	_ =	sdelay $0x1  }
0x528: {  	v0 =	vmul.f32 $1.442695020e+00, v0;
	_ =	sdelay $0x1  }
0x529: {  	(erf) = vpow2.f32 v0;
	_ =	sdelay $0x8  }
0x52a: {  	v0 =	vpop (erf)  }
0x52b: {  	v0 =	vadd.f32 $1.000000000e+00, v0;
	_ =	sdelay $0x1  }
0x52c: {  	v1 =	vld [tilespmem:$0x1FFF0];
	(erf) = vrcp.f32 v0;
	_ =	sdelay $0x1  }
0x52d: {  	s31 =	simm.s32 $0x10  }
0x52e: {  	v0 =	vmov s31  }
0x52f: {  	v0 =	vshll.u32 v0, $0x7  }
0x530: {  	v6 =	vor.u32 v1, v0  }
0x531: {  	v3 =	vor.u32 $0x1E, v6  }
0x532: {  	v5 =	vor.u32 $0x1D, v6  }
0x533: {  	v8 =	vor.u32 $0x1C, v6  }
0x534: {  	s26 =	simm.s32 $0x18480;
	v10 =	vor.u32 $0x1B, v6;
	v0 =	vpop (erf)  }
0x535: {  	v16 =	vor.u32 $0x18, v6;
	[tilespmem:s26+$0x0] =	vst v0  }
0x536: {  	v18 =	vor.u32 $0x17, v6;
	v61 =	vld.idx.msk [tilespmem:v3+s19+$0x0], $0xffff  }
0x537: {  	v20 =	vor.u32 $0x16, v6;
	v62 =	vld.idx.msk [tilespmem:v5+s19+$0x0], $0xffff  }
0x538: {  	v22 =	vor.u32 $0x15, v6;
	v63 =	vld.idx.msk [tilespmem:v8+s19+$0x0], $0xffff  }
0x539: {  	v24 =	vor.u32 $0x14, v6;
	v0 =	vld.idx.msk [tilespmem:v10+s19+$0x0], $0xffff  }
0x53a: {  	v26 =	vor.u32 $0x13, v6;
	v13 =	vld.idx.msk [tilespmem:v16+s19+$0x0], $0xffff  }
0x53b: {  	v28 =	vor.u32 $0x12, v6;
	v15 =	vld.idx.msk [tilespmem:v18+s19+$0x0], $0xffff  }
0x53c: {  	v30 =	vor.u32 $0x11, v6;
	v17 =	vld.idx.msk [tilespmem:v20+s19+$0x0], $0xffff  }
0x53d: {  	v32 =	vor.u32 $0x10, v6;
	v19 =	vld.idx.msk [tilespmem:v22+s19+$0x0], $0xffff  }
0x53e: {  	v12 =	vor.u32 $0x1A, v6;
	v21 =	vld.idx.msk [tilespmem:v24+s19+$0x0], $0xffff  }
0x53f: {  	v34 =	vor.u32 $0xF, v6;
	v23 =	vld.idx.msk [tilespmem:v26+s19+$0x0], $0xffff  }
0x540: {  	v36 =	vor.u32 $0xE, v6;
	v25 =	vld.idx.msk [tilespmem:v28+s19+$0x0], $0xffff  }
0x541: {  	v38 =	vor.u32 $0xD, v6;
	v27 =	vld.idx.msk [tilespmem:v30+s19+$0x0], $0xffff  }
0x542: {  	v40 =	vor.u32 $0xC, v6;
	v29 =	vld.idx.msk [tilespmem:v32+s19+$0x0], $0xffff  }
0x543: {  	v14 =	vor.u32 $0x19, v6;
	[tilespmem:$0x1FE30] =	vst v0;
	v0 =	vld.idx.msk [tilespmem:v12+s19+$0x0], $0xffff  }
0x544: {  	v43 =	vor.u32 $0xB, v6;
	v31 =	vld.idx.msk [tilespmem:v34+s19+$0x0], $0xffff  }
0x545: {  	v45 =	vor.u32 $0xA, v6;
	v33 =	vld.idx.msk [tilespmem:v36+s19+$0x0], $0xffff  }
0x546: {  	v47 =	vor.u32 $0x9, v6;
	v35 =	vld.idx.msk [tilespmem:v38+s19+$0x0], $0xffff  }
0x547: {  	v48 =	vor.u32 $0x8, v6;
	v37 =	vld.idx.msk [tilespmem:v40+s19+$0x0], $0xffff  }
0x548: {  	[tilespmem:$0x1FE40] =	vst v0;
	v0 =	vld.idx.msk [tilespmem:v14+s19+$0x0], $0xffff  }
0x549: {  	v39 =	vld.idx.msk [tilespmem:v43+s19+$0x0], $0xffff  }
0x54a: {  	v41 =	vld.idx.msk [tilespmem:v45+s19+$0x0], $0xffff  }
0x54b: {  	v44 =	vld.idx.msk [tilespmem:v47+s19+$0x0], $0xffff  }
0x54c: {  	s28 =	simm.s32 $0x390;
	v49 =	vor.u32 $0x7, v6;
	v50 =	vor.u32 $0x6, v6;
	v46 =	vld.idx.msk [tilespmem:v48+s19+$0x0], $0xffff  }
0x54d: {  	s29 =	simm.s32 $0x20;
	v51 =	vor.u32 $0x5, v6;
	v52 =	vor.u32 $0x4, v6;
	v53 =	vor.u32 $0x3, v6;
	v42 =	vld [tilespmem:s28+$0x0];
	[tilespmem:$0x1FE50] =	vst v0  }
.LBB2_8:
0x54e: {  	_ =	sdelay $0x2  }
0x54f: {  	v54 =	vld.idx.msk [tilespmem:v49+s19+$0x0], $0xffff  }
0x550: {  	v56 =	vld.idx.msk [tilespmem:v50+s19+$0x0], $0xffff  }
0x551: {  	v57 =	vld.idx.msk [tilespmem:v51+s19+$0x0], $0xffff  }
0x552: {  	v0 =	vor.u32 $0x2, v6;
	v58 =	vld.idx.msk [tilespmem:v52+s19+$0x0], $0xffff  }
0x553: {  	v55 =	vor.u32 $0x1, v6;
	v59 =	vld.idx.msk [tilespmem:v53+s19+$0x0], $0xffff  }
0x554: {  	v1 =	vld.idx.msk [tilespmem:v6+s17+$0x0], $0xffff;
	v42 =	vshll.u32 v42, $0x5  }
0x555: {  	v53 =	vld.idx.msk [tilespmem:v53+s17+$0x0], $0xffff;
	[tilespmem:$0x1FDE0] =	vst v63  }
0x556: {  	[tilespmem:$0x1FE00] =	vst v61;
	v63 =	vld.idx.msk [tilespmem:v6+s19+$0x0], $0xffff;
	v61 =	vor.u32 $0x1, v42  }
0x557: {  	v60 =	vld.idx.msk [tilespmem:v0+s19+$0x0], $0xffff  }
0x558: {  	[tilespmem:$0x1FDF0] =	vst v62;
	v62 =	vld.idx.msk [tilespmem:v55+s19+$0x0], $0xffff;
	v2 =	vor.u32 $0x2, v42  }
0x559: {  	v4 =	vld.idx.msk [tilespmem:v42+s12+$0x0], $0xffff  }
0x55a: {  	v55 =	vld.idx.msk [tilespmem:v55+s17+$0x0], $0xffff;
	v7 =	vor.u32 $0x3, v42  }
0x55b: {  	v61 =	vld.idx.msk [tilespmem:v61+s12+$0x0], $0xffff  }
0x55c: {  	v0 =	vld.idx.msk [tilespmem:v0+s17+$0x0], $0xffff;
	v9 =	vor.u32 $0x4, v42  }
0x55d: {  	v11 =	vor.u32 $0x5, v42;
	v2 =	vld.idx.msk [tilespmem:v2+s12+$0x0], $0xffff  }
0x55e: {  	v51 =	vld.idx.msk [tilespmem:v51+s17+$0x0], $0xffff;
	v1 =	vmul.f32 v4, v1  }
0x55f: {  	v4 =	vld.idx.msk [tilespmem:v7+s12+$0x0], $0xffff  }
0x560: {  	v7 =	vld.idx.msk [tilespmem:v52+s17+$0x0], $0xffff;
	v52 =	vor.u32 $0x6, v42;
	v55 =	vmul.f32 v61, v55;
	v1 =	vmul.f32 v63, v1  }
0x561: {  	v9 =	vld.idx.msk [tilespmem:v9+s12+$0x0], $0xffff;
	v61 =	vor.u32 $0x7, v42  }
0x562: {  	v0 =	vmul.f32 v2, v0;
	v2 =	vld.idx.msk [tilespmem:v11+s12+$0x0], $0xffff;
	v55 =	vmul.f32 v62, v55;
	v1 =	vadd.f32 $0.0e+00, v1  }
0x563: {  	v49 =	vld.idx.msk [tilespmem:v49+s17+$0x0], $0xffff;
	v63 =	vor.u32 $0x8, v42  }
0x564: {  	v11 =	vld.idx.msk [tilespmem:v50+s17+$0x0], $0xffff;
	v0 =	vmul.f32 v60, v0;
	v4 =	vmul.f32 v4, v53;
	v1 =	vadd.f32 v55, v1  }
0x565: {  	v60 =	vor.u32 $0x9, v42;
	v52 =	vld.idx.msk [tilespmem:v52+s12+$0x0], $0xffff  }
0x566: {  	v47 =	vld.idx.msk [tilespmem:v47+s17+$0x0], $0xffff;
	v0 =	vadd.f32 v0, v1;
	v1 =	vmul.f32 v59, v4;
	v4 =	vmul.f32 v9, v7  }
0x567: {  	v2 =	vmul.f32 v2, v51;
	v7 =	vld.idx.msk [tilespmem:v61+s12+$0x0], $0xffff  }
0x568: {  	v9 =	vld.idx.msk [tilespmem:v48+s17+$0x0], $0xffff;
	v61 =	vor.u32 $0xA, v42;
	v0 =	vadd.f32 v1, v0;
	v1 =	vmul.f32 v58, v4  }
0x569: {  	v62 =	vor.u32 $0xB, v42;
	v4 =	vld.idx.msk [tilespmem:v63+s12+$0x0], $0xffff  }
0x56a: {  	v45 =	vld.idx.msk [tilespmem:v45+s17+$0x0], $0xffff;
	v0 =	vadd.f32 v1, v0;
	v1 =	vmul.f32 v57, v2;
	v2 =	vmul.f32 v52, v11  }
0x56b: {  	v63 =	vor.u32 $0xC, v42;
	v11 =	vld.idx.msk [tilespmem:v60+s12+$0x0], $0xffff  }
0x56c: {  	v43 =	vld.idx.msk [tilespmem:v43+s17+$0x0], $0xffff;
	v0 =	vadd.f32 v1, v0;
	v1 =	vmul.f32 v56, v2;
	v2 =	vmul.f32 v7, v49  }
0x56d: {  	v55 =	vor.u32 $0xD, v42;
	v7 =	vld.idx.msk [tilespmem:v61+s12+$0x0], $0xffff  }
0x56e: {  	v38 =	vld.idx.msk [tilespmem:v38+s17+$0x0], $0xffff;
	v0 =	vadd.f32 v1, v0;
	v1 =	vmul.f32 v54, v2;
	v2 =	vmul.f32 v4, v9  }
0x56f: {  	v56 =	vor.u32 $0xE, v42;
	v4 =	vld.idx.msk [tilespmem:v62+s12+$0x0], $0xffff  }
0x570: {  	v9 =	vld.idx.msk [tilespmem:v40+s17+$0x0], $0xffff;
	v0 =	vadd.f32 v1, v0;
	v1 =	vmul.f32 v46, v2;
	v2 =	vmul.f32 v11, v47  }
0x571: {  	v57 =	vor.u32 $0xF, v42;
	v11 =	vld.idx.msk [tilespmem:v63+s12+$0x0], $0xffff  }
0x572: {  	v36 =	vld.idx.msk [tilespmem:v36+s17+$0x0], $0xffff;
	v0 =	vadd.f32 v1, v0;
	v1 =	vmul.f32 v44, v2;
	v2 =	vmul.f32 v7, v45  }
0x573: {  	v58 =	vor.u32 $0x10, v42;
	v7 =	vld.idx.msk [tilespmem:v55+s12+$0x0], $0xffff  }
0x574: {  	v34 =	vld.idx.msk [tilespmem:v34+s17+$0x0], $0xffff;
	v0 =	vadd.f32 v1, v0;
	v1 =	vmul.f32 v41, v2;
	v2 =	vmul.f32 v4, v43  }
0x575: {  	v59 =	vor.u32 $0x11, v42;
	v4 =	vld.idx.msk [tilespmem:v56+s12+$0x0], $0xffff  }
0x576: {  	v30 =	vld.idx.msk [tilespmem:v30+s17+$0x0], $0xffff;
	v0 =	vadd.f32 v1, v0;
	v1 =	vmul.f32 v39, v2;
	v2 =	vmul.f32 v11, v9  }
0x577: {  	v60 =	vor.u32 $0x12, v42;
	v9 =	vld.idx.msk [tilespmem:v57+s12+$0x0], $0xffff  }
0x578: {  	v11 =	vld.idx.msk [tilespmem:v32+s17+$0x0], $0xffff;
	v0 =	vadd.f32 v1, v0;
	v1 =	vmul.f32 v37, v2;
	v2 =	vmul.f32 v7, v38  }
0x579: {  	v61 =	vor.u32 $0x13, v42;
	v7 =	vld.idx.msk [tilespmem:v58+s12+$0x0], $0xffff  }
0x57a: {  	v28 =	vld.idx.msk [tilespmem:v28+s17+$0x0], $0xffff;
	v0 =	vadd.f32 v1, v0;
	v1 =	vmul.f32 v35, v2;
	v2 =	vmul.f32 v4, v36  }
0x57b: {  	v62 =	vor.u32 $0x14, v42;
	v4 =	vld.idx.msk [tilespmem:v59+s12+$0x0], $0xffff  }
0x57c: {  	v26 =	vld.idx.msk [tilespmem:v26+s17+$0x0], $0xffff;
	v0 =	vadd.f32 v1, v0;
	v1 =	vmul.f32 v33, v2;
	v2 =	vmul.f32 v9, v34  }
0x57d: {  	v63 =	vor.u32 $0x15, v42;
	v9 =	vld.idx.msk [tilespmem:v60+s12+$0x0], $0xffff  }
0x57e: {  	v0 =	vadd.f32 v1, v0;
	v1 =	vmul.f32 v31, v2;
	v2 =	vmul.f32 v7, v11;
	v7 =	vld.idx.msk [tilespmem:v61+s12+$0x0], $0xffff  }
0x57f: {  	v11 =	vld.idx.msk [tilespmem:v24+s17+$0x0], $0xffff;
	v24 =	vor.u32 $0x16, v42  }
0x580: {  	v0 =	vadd.f32 v1, v0;
	v1 =	vmul.f32 v29, v2;
	v2 =	vmul.f32 v4, v30  }
0x581: {  	v4 =	vld.idx.msk [tilespmem:v62+s12+$0x0], $0xffff;
	v29 =	vor.u32 $0x17, v42  }
0x582: {  	v22 =	vld.idx.msk [tilespmem:v22+s17+$0x0], $0xffff;
	v0 =	vadd.f32 v1, v0;
	v1 =	vmul.f32 v27, v2;
	v2 =	vmul.f32 v9, v28  }
0x583: {  	v9 =	vld.idx.msk [tilespmem:v63+s12+$0x0], $0xffff;
	v27 =	vor.u32 $0x18, v42  }
0x584: {  	v20 =	vld.idx.msk [tilespmem:v20+s17+$0x0], $0xffff;
	v0 =	vadd.f32 v1, v0;
	v1 =	vmul.f32 v25, v2;
	v2 =	vmul.f32 v7, v26  }
0x585: {  	v7 =	vld.idx.msk [tilespmem:v24+s12+$0x0], $0xffff  }
0x586: {  	v18 =	vld.idx.msk [tilespmem:v18+s17+$0x0], $0xffff;
	v0 =	vadd.f32 v1, v0;
	v1 =	vmul.f32 v23, v2;
	v2 =	vmul.f32 v4, v11  }
0x587: {  	v4 =	vld.idx.msk [tilespmem:v29+s12+$0x0], $0xffff  }
0x588: {  	v11 =	vld.idx.msk [tilespmem:v16+s17+$0x0], $0xffff;
	v0 =	vadd.f32 v1, v0;
	v1 =	vmul.f32 v21, v2;
	v2 =	vmul.f32 v9, v22  }
0x589: {  	v9 =	vld.idx.msk [tilespmem:v27+s12+$0x0], $0xffff  }
0x58a: {  	v0 =	vadd.f32 v1, v0;
	v1 =	vmul.f32 v19, v2;
	v2 =	vmul.f32 v7, v20  }
0x58b: {  	v24 =	vor.u32 $0x19, v42  }
0x58c: {  	v0 =	vadd.f32 v1, v0;
	v1 =	vmul.f32 v17, v2;
	v2 =	vmul.f32 v4, v18;
	_ =	sdelay $0x1  }
0x58d: {  	v0 =	vadd.f32 v1, v0;
	v1 =	vmul.f32 v15, v2;
	v2 =	vmul.f32 v9, v11  }
0x58e: {  	v14 =	vld.idx.msk [tilespmem:v14+s17+$0x0], $0xffff  }
0x58f: {  	v7 =	vld.idx.msk [tilespmem:v24+s12+$0x0], $0xffff;
	v0 =	vadd.f32 v1, v0;
	v1 =	vmul.f32 v13, v2;
	_ =	sdelay $0x1  }
0x590: {  	v16 =	vor.u32 $0x1A, v42;
	v0 =	vadd.f32 v1, v0;
	v1 =	vld [tilespmem:$0x1FE50];
	_ =	sdelay $0x2  }
0x591: {  	v2 =	vmul.f32 v7, v14  }
0x592: {  	v12 =	vld.idx.msk [tilespmem:v12+s17+$0x0], $0xffff  }
0x593: {  	v4 =	vld.idx.msk [tilespmem:v16+s12+$0x0], $0xffff;
	v1 =	vmul.f32 v1, v2;
	_ =	sdelay $0x1  }
0x594: {  	v21 =	vor.u32 $0x1B, v42;
	v0 =	vadd.f32 v1, v0;
	v1 =	vld [tilespmem:$0x1FE40];
	_ =	sdelay $0x2  }
0x595: {  	v2 =	vmul.f32 v4, v12  }
0x596: {  	v10 =	vld.idx.msk [tilespmem:v10+s17+$0x0], $0xffff  }
0x597: {  	v9 =	vld.idx.msk [tilespmem:v21+s12+$0x0], $0xffff;
	v1 =	vmul.f32 v1, v2;
	_ =	sdelay $0x1  }
0x598: {  	v19 =	vor.u32 $0x1C, v42;
	v0 =	vadd.f32 v1, v0;
	v1 =	vld [tilespmem:$0x1FE30];
	_ =	sdelay $0x2  }
0x599: {  	v2 =	vmul.f32 v9, v10  }
0x59a: {  	v8 =	vld.idx.msk [tilespmem:v8+s17+$0x0], $0xffff  }
0x59b: {  	v7 =	vld.idx.msk [tilespmem:v19+s12+$0x0], $0xffff;
	v1 =	vmul.f32 v1, v2;
	_ =	sdelay $0x1  }
0x59c: {  	v16 =	vor.u32 $0x1D, v42;
	v0 =	vadd.f32 v1, v0;
	v1 =	vld [tilespmem:$0x1FDE0];
	_ =	sdelay $0x2  }
0x59d: {  	v2 =	vmul.f32 v7, v8  }
0x59e: {  	v5 =	vld.idx.msk [tilespmem:v5+s17+$0x0], $0xffff  }
0x59f: {  	v4 =	vld.idx.msk [tilespmem:v16+s12+$0x0], $0xffff;
	v1 =	vmul.f32 v1, v2  }
0x5a0: {  	v11 =	vor.u32 $0x1E, v42  }
0x5a1: {  	v6 =	vor.u32 $0x1F, v6;
	v0 =	vadd.f32 v1, v0;
	v1 =	vld [tilespmem:$0x1FDF0]  }
0x5a2: {  	v13 =	vor.u32 $0x1F, v42;
	_ =	sdelay $0x1  }
0x5a3: {  	v3 =	vld.idx.msk [tilespmem:v3+s17+$0x0], $0xffff;
	v2 =	vmul.f32 v4, v5  }
0x5a4: {  	v9 =	vld.idx.msk [tilespmem:v11+s12+$0x0], $0xffff  }
0x5a5: {  	v10 =	vld.idx.msk [tilespmem:v6+s17+$0x0], $0xffff;
	v1 =	vmul.f32 v1, v2  }
0x5a6: {  	v7 =	vld.idx.msk [tilespmem:v13+s12+$0x0], $0xffff  }
0x5a7: {  	v0 =	vadd.f32 v1, v0;
	v1 =	vld [tilespmem:$0x1FE00];
	_ =	sdelay $0x1  }
0x5a8: {  	v4 =	vld.idx.msk [tilespmem:v6+s19+$0x0], $0xffff  }
0x5a9: {  	v2 =	vmul.f32 v9, v3;
	_ =	sdelay $0x1  }
0x5aa: {  	v1 =	vmul.f32 v1, v2;
	v2 =	vmul.f32 v7, v10;
	_ =	sdelay $0x1  }
0x5ab: {  	v0 =	vadd.f32 v1, v0;
	v1 =	vmul.f32 v4, v2;
	_ =	sdelay $0x1  }
0x5ac: {  	v0 =	vadd.f32 v1, v0;
	_ =	sdelay $0x1  }
0x5ad: {  	v0 =	vsub.f32 $0.0e+00, v0;
	_ =	sdelay $0x1  }
0x5ae: {  	v0 =	vmul.f32 $1.442695020e+00, v0;
	_ =	sdelay $0x1  }
0x5af: {  	(erf) = vpow2.f32 v0;
	_ =	sdelay $0x8  }
0x5b0: {  	v0 =	vpop (erf)  }
0x5b1: {  	v0 =	vadd.f32 $1.000000000e+00, v0;
	_ =	sdelay $0x1  }
0x5b2: {  	v1 =	vld [tilespmem:$0x1FFF0];
	(erf) = vrcp.f32 v0;
	_ =	sdelay $0x2  }
0x5b3: {  	v0 =	vmov s29  }
0x5b4: {  	v0 =	vshll.u32 v0, $0x7  }
0x5b5: {  	v6 =	vor.u32 v1, v0  }
0x5b6: {  	v3 =	vor.u32 $0x1E, v6  }
0x5b7: {  	v5 =	vor.u32 $0x1D, v6  }
0x5b8: {  	v8 =	vor.u32 $0x1C, v6  }
0x5b9: {  	s26 =	sadd.s32 $0x10, s26;
	v10 =	vor.u32 $0x1B, v6;
	v0 =	vpop (erf)  }
0x5ba: {  	v16 =	vor.u32 $0x18, v6;
	[tilespmem:s26+$0x0] =	vst v0  }
0x5bb: {  	v18 =	vor.u32 $0x17, v6;
	v61 =	vld.idx.msk [tilespmem:v3+s19+$0x0], $0xffff  }
0x5bc: {  	v20 =	vor.u32 $0x16, v6;
	v62 =	vld.idx.msk [tilespmem:v5+s19+$0x0], $0xffff  }
0x5bd: {  	v22 =	vor.u32 $0x15, v6;
	v63 =	vld.idx.msk [tilespmem:v8+s19+$0x0], $0xffff  }
0x5be: {  	v24 =	vor.u32 $0x14, v6;
	v0 =	vld.idx.msk [tilespmem:v10+s19+$0x0], $0xffff  }
0x5bf: {  	v26 =	vor.u32 $0x13, v6;
	v13 =	vld.idx.msk [tilespmem:v16+s19+$0x0], $0xffff  }
0x5c0: {  	v28 =	vor.u32 $0x12, v6;
	v15 =	vld.idx.msk [tilespmem:v18+s19+$0x0], $0xffff  }
0x5c1: {  	v30 =	vor.u32 $0x11, v6;
	v17 =	vld.idx.msk [tilespmem:v20+s19+$0x0], $0xffff  }
0x5c2: {  	v32 =	vor.u32 $0x10, v6;
	v19 =	vld.idx.msk [tilespmem:v22+s19+$0x0], $0xffff  }
0x5c3: {  	v12 =	vor.u32 $0x1A, v6;
	v21 =	vld.idx.msk [tilespmem:v24+s19+$0x0], $0xffff  }
0x5c4: {  	v34 =	vor.u32 $0xF, v6;
	v23 =	vld.idx.msk [tilespmem:v26+s19+$0x0], $0xffff  }
0x5c5: {  	v36 =	vor.u32 $0xE, v6;
	v25 =	vld.idx.msk [tilespmem:v28+s19+$0x0], $0xffff  }
0x5c6: {  	v38 =	vor.u32 $0xD, v6;
	v27 =	vld.idx.msk [tilespmem:v30+s19+$0x0], $0xffff  }
0x5c7: {  	v40 =	vor.u32 $0xC, v6;
	v29 =	vld.idx.msk [tilespmem:v32+s19+$0x0], $0xffff  }
0x5c8: {  	v14 =	vor.u32 $0x19, v6;
	[tilespmem:$0x1FE30] =	vst v0;
	v0 =	vld.idx.msk [tilespmem:v12+s19+$0x0], $0xffff  }
0x5c9: {  	v43 =	vor.u32 $0xB, v6;
	v31 =	vld.idx.msk [tilespmem:v34+s19+$0x0], $0xffff  }
0x5ca: {  	v45 =	vor.u32 $0xA, v6;
	v33 =	vld.idx.msk [tilespmem:v36+s19+$0x0], $0xffff  }
0x5cb: {  	v47 =	vor.u32 $0x9, v6;
	v35 =	vld.idx.msk [tilespmem:v38+s19+$0x0], $0xffff  }
0x5cc: {  	v48 =	vor.u32 $0x8, v6;
	v37 =	vld.idx.msk [tilespmem:v40+s19+$0x0], $0xffff  }
0x5cd: {  	p0 =	sne.s32 s29, $0x70;
	[tilespmem:$0x1FE40] =	vst v0;
	v0 =	vld.idx.msk [tilespmem:v14+s19+$0x0], $0xffff  }
.Ltmp3:
0x5ce: {  	v39 =	vld.idx.msk [tilespmem:v43+s19+$0x0], $0xffff;
	(pc) =	sbr.rel @p0 .LBB2_8-.Ltmp3, $4  }
0x5cf: {  	v41 =	vld.idx.msk [tilespmem:v45+s19+$0x0], $0xffff  }
0x5d0: {  	v44 =	vld.idx.msk [tilespmem:v47+s19+$0x0], $0xffff  }
0x5d1: {  	s28 =	sadd.s32 $0x10, s28;
	v49 =	vor.u32 $0x7, v6;
	v50 =	vor.u32 $0x6, v6;
	v46 =	vld.idx.msk [tilespmem:v48+s19+$0x0], $0xffff  }
0x5d2: {  	s29 =	sadd.s32 $0x10, s29;
	v51 =	vor.u32 $0x5, v6;
	v52 =	vor.u32 $0x4, v6;
	v53 =	vor.u32 $0x3, v6;
	v42 =	vld [tilespmem:s28+$0x0];
	[tilespmem:$0x1FE50] =	vst v0  }
0x5d3: {  	_ =	sdelay $0x3  }
0x5d4: {  	v2 =	vld.idx.msk [tilespmem:v53+s19+$0x0], $0xffff  }
0x5d5: {  	v0 =	vor.u32 $0x2, v6;
	v11 =	vld.idx.msk [tilespmem:v6+s17+$0x0], $0xffff  }
0x5d6: {  	v1 =	vor.u32 $0x1, v6;
	v53 =	vld.idx.msk [tilespmem:v53+s17+$0x0], $0xffff  }
0x5d7: {  	v58 =	vld.idx.msk [tilespmem:v6+s19+$0x0], $0xffff;
	v42 =	vshll.u32 v42, $0x5  }
0x5d8: {  	v59 =	vld.idx.msk [tilespmem:v52+s19+$0x0], $0xffff  }
0x5d9: {  	v52 =	vld.idx.msk [tilespmem:v52+s17+$0x0], $0xffff;
	v7 =	vor.u32 $0x1, v42  }
0x5da: {  	v4 =	vld.idx.msk [tilespmem:v0+s19+$0x0], $0xffff  }
0x5db: {  	v9 =	vld.idx.msk [tilespmem:v1+s19+$0x0], $0xffff;
	v54 =	vor.u32 $0x2, v42  }
0x5dc: {  	v56 =	vor.u32 $0x3, v42;
	v55 =	vld.idx.msk [tilespmem:v42+s12+$0x0], $0xffff  }
0x5dd: {  	v1 =	vld.idx.msk [tilespmem:v1+s17+$0x0], $0xffff;
	v57 =	vor.u32 $0x4, v42  }
0x5de: {  	v7 =	vld.idx.msk [tilespmem:v7+s12+$0x0], $0xffff  }
0x5df: {  	v0 =	vld.idx.msk [tilespmem:v0+s17+$0x0], $0xffff  }
0x5e0: {  	v54 =	vld.idx.msk [tilespmem:v54+s12+$0x0], $0xffff  }
0x5e1: {  	v56 =	vld.idx.msk [tilespmem:v56+s12+$0x0], $0xffff;
	v11 =	vmul.f32 v55, v11  }
0x5e2: {  	v55 =	vld.idx.msk [tilespmem:v57+s12+$0x0], $0xffff;
	v57 =	vor.u32 $0x5, v42  }
0x5e3: {  	v48 =	vld.idx.msk [tilespmem:v48+s17+$0x0], $0xffff;
	v1 =	vmul.f32 v7, v1;
	v11 =	vmul.f32 v58, v11  }
0x5e4: {  	v7 =	vld.idx.msk [tilespmem:v51+s19+$0x0], $0xffff;
	v58 =	vor.u32 $0x6, v42  }
0x5e5: {  	v51 =	vld.idx.msk [tilespmem:v51+s17+$0x0], $0xffff;
	v0 =	vmul.f32 v54, v0;
	v1 =	vmul.f32 v9, v1;
	v9 =	vadd.f32 $0.0e+00, v11  }
0x5e6: {  	v60 =	vor.u32 $0x7, v42;
	v54 =	vld.idx.msk [tilespmem:v50+s19+$0x0], $0xffff  }
0x5e7: {  	v56 =	vmul.f32 v56, v53;
	v0 =	vmul.f32 v4, v0;
	v1 =	vadd.f32 v1, v9;
	v9 =	vld.idx.msk [tilespmem:v57+s12+$0x0], $0xffff  }
0x5e8: {  	v50 =	vld.idx.msk [tilespmem:v50+s17+$0x0], $0xffff;
	v53 =	vor.u32 $0x8, v42  }
0x5e9: {  	v0 =	vadd.f32 v0, v1;
	v1 =	vmul.f32 v2, v56;
	v2 =	vld.idx.msk [tilespmem:v58+s12+$0x0], $0xffff  }
0x5ea: {  	v57 =	vmul.f32 v55, v52;
	v56 =	vld.idx.msk [tilespmem:v49+s17+$0x0], $0xffff;
	v58 =	vor.u32 $0x9, v42  }
0x5eb: {  	v0 =	vadd.f32 v1, v0;
	v1 =	vld.idx.msk [tilespmem:v60+s12+$0x0], $0xffff  }
0x5ec: {  	v11 =	vld.idx.msk [tilespmem:v49+s19+$0x0], $0xffff;
	v49 =	vmul.f32 v59, v57;
	v59 =	vor.u32 $0xA, v42;
	v9 =	vmul.f32 v9, v51  }
0x5ed: {  	v53 =	vld.idx.msk [tilespmem:v53+s12+$0x0], $0xffff  }
0x5ee: {  	v0 =	vadd.f32 v49, v0;
	v7 =	vmul.f32 v7, v9;
	v9 =	vld.idx.msk [tilespmem:v47+s17+$0x0], $0xffff;
	v2 =	vmul.f32 v2, v50  }
0x5ef: {  	v60 =	vor.u32 $0xB, v42;
	v52 =	vld.idx.msk [tilespmem:v58+s12+$0x0], $0xffff  }
0x5f0: {  	v55 =	vld.idx.msk [tilespmem:v45+s17+$0x0], $0xffff;
	v0 =	vadd.f32 v7, v0;
	v2 =	vmul.f32 v54, v2;
	v1 =	vmul.f32 v1, v56  }
0x5f1: {  	v57 =	vld.idx.msk [tilespmem:v59+s12+$0x0], $0xffff;
	v56 =	vor.u32 $0xC, v42  }
0x5f2: {  	v0 =	vadd.f32 v2, v0;
	v1 =	vmul.f32 v11, v1;
	v2 =	vmul.f32 v53, v48  }
0x5f3: {  	v58 =	vld.idx.msk [tilespmem:v43+s17+$0x0], $0xffff;
	v59 =	vor.u32 $0xD, v42  }
0x5f4: {  	v9 =	vmul.f32 v52, v9;
	v0 =	vadd.f32 v1, v0;
	v1 =	vmul.f32 v46, v2;
	v2 =	vld.idx.msk [tilespmem:v60+s12+$0x0], $0xffff  }
0x5f5: {  	v40 =	vld.idx.msk [tilespmem:v40+s17+$0x0], $0xffff;
	v60 =	vor.u32 $0xE, v42  }
0x5f6: {  	v7 =	vmul.f32 v57, v55;
	v4 =	vld.idx.msk [tilespmem:v56+s12+$0x0], $0xffff;
	v0 =	vadd.f32 v1, v0;
	v1 =	vmul.f32 v44, v9  }
0x5f7: {  	v49 =	vor.u32 $0xF, v42;
	v48 =	vld.idx.msk [tilespmem:v38+s17+$0x0], $0xffff  }
0x5f8: {  	v50 =	vld.idx.msk [tilespmem:v59+s12+$0x0], $0xffff;
	v0 =	vadd.f32 v1, v0;
	v1 =	vmul.f32 v41, v7  }
0x5f9: {  	v36 =	vld.idx.msk [tilespmem:v36+s17+$0x0], $0xffff;
	v51 =	vor.u32 $0x10, v42;
	v2 =	vmul.f32 v2, v58  }
0x5fa: {  	v0 =	vadd.f32 v1, v0;
	v1 =	vld.idx.msk [tilespmem:v60+s12+$0x0], $0xffff  }
0x5fb: {  	v34 =	vld.idx.msk [tilespmem:v34+s17+$0x0], $0xffff;
	v52 =	vor.u32 $0x11, v42;
	v4 =	vmul.f32 v4, v40;
	v2 =	vmul.f32 v39, v2  }
0x5fc: {  	v38 =	vld.idx.msk [tilespmem:v49+s12+$0x0], $0xffff  }
0x5fd: {  	v53 =	vld.idx.msk [tilespmem:v32+s17+$0x0], $0xffff;
	v7 =	vmul.f32 v50, v48;
	v0 =	vadd.f32 v2, v0;
	v2 =	vmul.f32 v37, v4  }
0x5fe: {  	v54 =	vor.u32 $0x12, v42;
	v11 =	vld.idx.msk [tilespmem:v51+s12+$0x0], $0xffff  }
0x5ff: {  	v55 =	vld.idx.msk [tilespmem:v30+s17+$0x0], $0xffff;
	v0 =	vadd.f32 v2, v0;
	v2 =	vmul.f32 v35, v7;
	v1 =	vmul.f32 v1, v36  }
0x600: {  	v56 =	vor.u32 $0x13, v42;
	v57 =	vld.idx.msk [tilespmem:v52+s12+$0x0], $0xffff  }
0x601: {  	v0 =	vadd.f32 v2, v0;
	v1 =	vmul.f32 v33, v1;
	v2 =	vmul.f32 v38, v34  }
0x602: {  	v28 =	vld.idx.msk [tilespmem:v28+s17+$0x0], $0xffff;
	v58 =	vor.u32 $0x14, v42  }
0x603: {  	v4 =	vmul.f32 v11, v53;
	v0 =	vadd.f32 v1, v0;
	v1 =	vmul.f32 v31, v2;
	v2 =	vld.idx.msk [tilespmem:v54+s12+$0x0], $0xffff  }
0x604: {  	v59 =	vld.idx.msk [tilespmem:v26+s17+$0x0], $0xffff;
	v60 =	vor.u32 $0x15, v42  }
0x605: {  	v7 =	vmul.f32 v57, v55;
	v31 =	vld.idx.msk [tilespmem:v56+s12+$0x0], $0xffff;
	v0 =	vadd.f32 v1, v0;
	v1 =	vmul.f32 v29, v4  }
0x606: {  	v24 =	vld.idx.msk [tilespmem:v24+s17+$0x0], $0xffff;
	v32 =	vor.u32 $0x16, v42  }
0x607: {  	v34 =	vld.idx.msk [tilespmem:v58+s12+$0x0], $0xffff;
	v0 =	vadd.f32 v1, v0;
	v1 =	vmul.f32 v27, v7  }
0x608: {  	v22 =	vld.idx.msk [tilespmem:v22+s17+$0x0], $0xffff;
	v2 =	vmul.f32 v2, v28  }
0x609: {  	v35 =	vor.u32 $0x17, v42;
	v0 =	vadd.f32 v1, v0;
	v1 =	vld.idx.msk [tilespmem:v60+s12+$0x0], $0xffff  }
0x60a: {  	v36 =	vld.idx.msk [tilespmem:v20+s17+$0x0], $0xffff;
	v4 =	vmul.f32 v31, v59;
	v2 =	vmul.f32 v25, v2  }
0x60b: {  	v37 =	vor.u32 $0x18, v42;
	v38 =	vld.idx.msk [tilespmem:v32+s12+$0x0], $0xffff  }
0x60c: {  	v7 =	vmul.f32 v34, v24;
	v0 =	vadd.f32 v2, v0;
	v2 =	vmul.f32 v23, v4  }
0x60d: {  	v40 =	vor.u32 $0x19, v42;
	v39 =	vld.idx.msk [tilespmem:v18+s17+$0x0], $0xffff  }
0x60e: {  	v41 =	vld.idx.msk [tilespmem:v35+s12+$0x0], $0xffff;
	v0 =	vadd.f32 v2, v0;
	v2 =	vmul.f32 v21, v7;
	v1 =	vmul.f32 v1, v22  }
0x60f: {  	v43 =	vld.idx.msk [tilespmem:v16+s17+$0x0], $0xffff  }
0x610: {  	v9 =	vld.idx.msk [tilespmem:v37+s12+$0x0], $0xffff;
	v0 =	vadd.f32 v2, v0;
	v1 =	vmul.f32 v19, v1;
	v2 =	vmul.f32 v38, v36  }
0x611: {  	v45 =	vld.idx.msk [tilespmem:v14+s17+$0x0], $0xffff  }
0x612: {  	v0 =	vadd.f32 v1, v0;
	v1 =	vmul.f32 v17, v2;
	v2 =	vld.idx.msk [tilespmem:v40+s12+$0x0], $0xffff  }
0x613: {  	v4 =	vmul.f32 v41, v39  }
0x614: {  	v44 =	vor.u32 $0x1A, v42;
	v54 =	vld [tilespmem:$0x1FE50]  }
0x615: {  	v7 =	vmul.f32 v9, v43;
	v0 =	vadd.f32 v1, v0;
	v1 =	vmul.f32 v15, v4;
	_ =	sdelay $0x1  }
0x616: {  	v0 =	vadd.f32 v1, v0;
	v1 =	vmul.f32 v13, v7;
	v2 =	vmul.f32 v2, v45  }
0x617: {  	v12 =	vld.idx.msk [tilespmem:v12+s17+$0x0], $0xffff  }
0x618: {  	v48 =	vld.idx.msk [tilespmem:v44+s12+$0x0], $0xffff;
	v0 =	vadd.f32 v1, v0;
	v2 =	vmul.f32 v54, v2;
	_ =	sdelay $0x1  }
0x619: {  	v46 =	vor.u32 $0x1B, v42;
	v0 =	vadd.f32 v2, v0;
	v2 =	vld [tilespmem:$0x1FE40]  }
0x61a: {  	v47 =	vor.u32 $0x1C, v42;
	_ =	sdelay $0x1  }
0x61b: {  	v8 =	vld.idx.msk [tilespmem:v8+s17+$0x0], $0xffff;
	v4 =	vmul.f32 v48, v12  }
0x61c: {  	v49 =	vld.idx.msk [tilespmem:v10+s17+$0x0], $0xffff;
	v50 =	vor.u32 $0x1D, v42  }
0x61d: {  	v51 =	vld.idx.msk [tilespmem:v46+s12+$0x0], $0xffff;
	v2 =	vmul.f32 v2, v4  }
0x61e: {  	v52 =	vor.u32 $0x1E, v42;
	v53 =	vld.idx.msk [tilespmem:v47+s12+$0x0], $0xffff  }
0x61f: {  	v55 =	vor.u32 $0x1F, v42;
	v0 =	vadd.f32 v2, v0;
	v2 =	vld [tilespmem:$0x1FE30]  }
0x620: {  	v5 =	vld.idx.msk [tilespmem:v5+s17+$0x0], $0xffff;
	v1 =	vor.u32 $0x1F, v6  }
0x621: {  	v10 =	vld.idx.msk [tilespmem:v50+s12+$0x0], $0xffff  }
0x622: {  	v3 =	vld.idx.msk [tilespmem:v3+s17+$0x0], $0xffff;
	v56 =	vmul.f32 v51, v49  }
0x623: {  	v57 =	vld.idx.msk [tilespmem:v52+s12+$0x0], $0xffff  }
0x624: {  	v58 =	vmul.f32 v53, v8;
	v60 =	vld.idx.msk [tilespmem:v55+s12+$0x0], $0xffff;
	v2 =	vmul.f32 v2, v56  }
0x625: {  	v59 =	vld.idx.msk [tilespmem:v1+s17+$0x0], $0xffff  }
0x626: {  	v0 =	vadd.f32 v2, v0;
	v2 =	vmul.f32 v63, v58;
	v63 =	vmul.f32 v10, v5  }
0x627: {  	v1 =	vld.idx.msk [tilespmem:v1+s19+$0x0], $0xffff  }
0x628: {  	v3 =	vmul.f32 v57, v3;
	v0 =	vadd.f32 v2, v0;
	v2 =	vmul.f32 v62, v63;
	_ =	sdelay $0x1  }
0x629: {  	v0 =	vadd.f32 v2, v0;
	v2 =	vmul.f32 v61, v3;
	v3 =	vmul.f32 v60, v59;
	_ =	sdelay $0x1  }
0x62a: {  	v0 =	vadd.f32 v2, v0;
	v1 =	vmul.f32 v1, v3;
	_ =	sdelay $0x1  }
0x62b: {  	v0 =	vadd.f32 v1, v0;
	_ =	sdelay $0x1  }
0x62c: {  	v0 =	vsub.f32 $0.0e+00, v0;
	_ =	sdelay $0x1  }
0x62d: {  	v0 =	vmul.f32 $1.442695020e+00, v0;
	_ =	sdelay $0x1  }
0x62e: {  	(erf) = vpow2.f32 v0;
	_ =	sdelay $0x8  }
0x62f: {  	v0 =	vpop (erf)  }
0x630: {  	v0 =	vadd.f32 $1.000000000e+00, v0;
	_ =	sdelay $0x1  }
0x631: {  	(erf) = vrcp.f32 v0;
	_ =	sdelay $0x7  }
0x632: {  	s25 =	sadd.s32 $0x1, s25  }
0x633: {  	s26 =	sadd.s32 $0x10, s26;
	p0 =	sne.s32 s25, s9;
	v0 =	vpop (erf)  }
.Ltmp4:
0x634: {  	[tilespmem:s26+$0x0] =	vst v0;
	(pc) =	sbr.rel @p0 .LBB2_1-.Ltmp4, $4  }
0x635: {  	[hbm4b:s8+s1] =	stream.linear.scatter [tilespmem:s24], [sflag:$0x2], $0x200, $0x38;
	[tilespmem:$0x18500] =	vst v63  }
0x636: {  	_ =	swait.ge [sflag:s10], $0x200  }
0x637: {  	[sflag:s10] =	ssyncset.done $0x0  }
0x638: {  	v0 =	vld [tilespmem:$0x1FFF0];
	[sflag:s10] =	ssyncadd.s32 $0xFFFFFE00  }
0x639: {  	_ =	sfence.sel $0x180000  }
0x63a: {  	[bflag:$0x0] =	sbarrier.arrive $0xFFFF  }
0x63b: {  	p0 =	sne.s32 s2, $0x0;
	_ =	strace $0x90000047  }
0x63c: {  	s0 =	sadd.s32 @!p0 $0x100000, s0;
	[bflag:$0x2] =	sbarrier.arrive $0xFFFF  }
0x63d: {  	[sflag:s0] =	ssyncadd.tile.s32 @!p0 $0x1;
	_ =	shalt  }
.Lfunc_end2:
_tile_overlayer_lowered:
.L_overlay_start_2:
0x63e: {  	(tag) =	ssettag $0x2  }
0x63f: {  	s0 =	rddreg [dreg:$0x0];
	s2 =	stileid.u32  }
0x640: {  	s1 =	rddreg [dreg:$0x1];
	p0 =	sne.s32 s2, $0x0  }
0x641: {  	s3 =	rddreg [dreg:$0x2];
	[bflag:$0x3] =	sbarrier.arrive $0xFFFF;
	s2 =	simm.s32 @!p0 $0x1C02  }
0x642: {  	[timem:s3], [sflag:s2] =	dma.local @!p0 [hbm:s0], s1  }
0x643: {  	s0 =	simm.s32 @!p0 $0x2  }
0x644: {  	_ =	swait.ge @!p0 [sflag:s0], s1  }
0x645: {  	s1 =	ssub.s32 @!p0 $0x0, s1;
	[sflag:s0] =	ssyncset.done @!p0 $0x0  }
0x646: {  	[sflag:s0] =	ssyncadd.s32 @!p0 s1  }
0x647: {  	[bflag:$0x3] =	sbarrier.arrive $0xFFFF  }
0x648: {  	_ =	shalt  }

</sc_bundles>
